<compile_context>
chip_gen: v7x
topology: tpu7x:2x2x1
jax: 0.10.2.dev20260603
libtpu: 0.0.44.dev20260713+nightly
codegen_flags: <defaults>
</compile_context>

<pallas_src>
import functools

import jax
import jax.numpy as jnp
from jax import lax
from jax.experimental import pallas as pl
from jax.experimental.pallas import tpu as pltpu
from jax.experimental.pallas import tpu_sc as plsc

N_VOX = 100000
N_PTS = 400000
N_COARSE = 25000
C = 128
H = C // 2
KEYSPACE = 1 << 21
KR = KEYSPACE // 32

BR = 2000
GRID = N_VOX // BR

NS = 16

VCH = 49
VPT = 6250
KCH = 25
KPT = 3125
PCH = 196
PPT = 25000
PACC = PCH * 128
DUMP3 = N_COARSE

f32 = jnp.float32
i32 = jnp.int32


def _leaky(x):
    return jnp.where(x >= 0, x, 0.1 * x)



def _p0_body(feat_ref, Wpp1_ref, Win_ref, bin_ref, W1a_ref,
             F1_ref, A_ref):
    F1_ref[...] = jnp.dot(feat_ref[...], Wpp1_ref[...],
                          preferred_element_type=f32)
    idn = _leaky(jnp.dot(feat_ref[...], Win_ref[...],
                         preferred_element_type=f32) + bin_ref[...])
    A_ref[...] = jnp.dot(idn, W1a_ref[...], preferred_element_type=f32)


def _p1_body(dsx_ref, bpp1_ref, h1_ref, stats_ref):
    i = pl.program_id(0)
    x = dsx_ref[...]
    rc = jnp.maximum(x[:, H:H + 1], 1.0)
    h1 = _leaky(x[:, :H] / rc + bpp1_ref[...])
    h1_ref[...] = h1
    blk = jnp.concatenate([jnp.sum(h1, axis=0, keepdims=True),
                           jnp.sum(h1 * h1, axis=0, keepdims=True)], axis=0)

    @pl.when(i == 0)
    def _():
        stats_ref[...] = jnp.zeros_like(stats_ref)

    stats_ref[...] += blk


def _p2_body(h1_ref, W2_ref, b2_ref, h2_ref, stats_ref):
    i = pl.program_id(0)
    h2 = _leaky(jnp.dot(h1_ref[...], W2_ref[...],
                        preferred_element_type=f32) + b2_ref[...])
    h2_ref[...] = h2
    blk = jnp.concatenate([jnp.sum(h2, axis=0, keepdims=True),
                           jnp.sum(h2 * h2, axis=0, keepdims=True)], axis=0)

    @pl.when(i == 0)
    def _():
        stats_ref[...] = jnp.zeros_like(stats_ref)

    stats_ref[...] += blk


def _p3_body(h2_ref, W3_ref, b3_ref, W1b_ref, B_ref):
    h3 = _leaky(jnp.dot(h2_ref[...], W3_ref[...],
                        preferred_element_type=f32) + b3_ref[...])
    B_ref[...] = jnp.dot(h3, W1b_ref[...], preferred_element_type=f32)


def _p4_body(A_ref, D_ref, bo1_ref, Wo2_ref, bo2_ref, y_ref):
    pre = _leaky(A_ref[...] + D_ref[...] + bo1_ref[...])
    y_ref[...] = jnp.dot(pre, Wo2_ref[...],
                         preferred_element_type=f32) + bo2_ref[...]


def _rows(j=C):
    return pl.BlockSpec((BR, j), lambda i: (i, 0))


def _full(shape):
    return pl.BlockSpec(shape, lambda i: tuple(0 for _ in shape))


_SEQ = pltpu.CompilerParams(dimension_semantics=("arbitrary",))



_MESH = plsc.VectorSubcoreMesh(core_axis_name="c", subcore_axis_name="s")
_SC_PARAMS = pltpu.CompilerParams(use_tc_tiling_on_sc=False,
                                  needs_layout_passes=False)


def _fill2d(ref, nrows, ncols, val):
    nv = ncols // 16

    def body(i, carry):
        r = i // nv
        k = i % nv
        ref[r, pl.ds(k * 16, 16)] = jnp.full((16,), val, f32)
        return carry

    lax.fori_loop(0, nrows * nv, body, 0)


@functools.partial(
    pl.kernel,
    out_type=[jax.ShapeDtypeStruct((32, NS, VCH, 128), i32),
              jax.ShapeDtypeStruct((32, 16), i32)],
    mesh=_MESH,
    compiler_params=_SC_PARAMS,
    scratch_types=[
        pltpu.VMEM((KR,), i32),
        pltpu.VMEM((VCH, 128), i32),
        pltpu.VMEM((VCH, 128), i32),
        pltpu.VMEM((16,), i32),
        pltpu.SemaphoreType.DMA,
    ],
)
def _k0(key3, part_out, tot_out, table_v, keyb_v, outb_v, tot_v, sem):
    c = lax.axis_index("c")
    s = lax.axis_index("s")
    w = c * NS + s
    lo = w * KR

    def zb(idx, carry):
        table_v[pl.ds(idx * 16, 16)] = jnp.zeros((16,), i32)
        return carry

    lax.fori_loop(0, KR // 16, zb, 0)

    ones16 = jnp.ones((16,), i32)

    def tpass(t, carry):
        pltpu.sync_copy(key3.at[t], keyb_v)

        def jloop(idx, carry2):
            j = idx // 8
            k = idx % 8
            vec = keyb_v[j, pl.ds(k * 16, 16)]
            rel = vec - lo
            m = (rel >= 0) & (rel < KR)
            plsc.store_scatter(table_v, [rel], ones16, mask=m)
            return carry2

        lax.fori_loop(0, VCH * 8, jloop, 0)
        return carry

    lax.fori_loop(0, NS, tpass, 0)

    def scan(idx, carry):
        v = table_v[pl.ds(idx * 16, 16)]
        inc = plsc.cumsum(v)
        table_v[pl.ds(idx * 16, 16)] = inc - v + carry
        return carry + jnp.sum(v)

    tot = lax.fori_loop(0, KR // 16, scan, i32(0))

    def qpass(t, carry):
        pltpu.sync_copy(key3.at[t], keyb_v)

        def jloop(idx, carry2):
            j = idx // 8
            k = idx % 8
            vec = keyb_v[j, pl.ds(k * 16, 16)]
            rel = vec - lo
            m = (rel >= 0) & (rel < KR)
            g = plsc.load_gather(table_v, [rel], mask=m)
            outb_v[j, pl.ds(k * 16, 16)] = jnp.where(m, g + 1, 0)
            return carry2

        lax.fori_loop(0, VCH * 8, jloop, 0)
        pltpu.sync_copy(outb_v, part_out.at[w, t])
        return carry

    lax.fori_loop(0, NS, qpass, 0)
    tot_v[pl.ds(0, 16)] = jnp.zeros((16,), i32) + tot
    pltpu.sync_copy(tot_v, tot_out.at[w])


@functools.partial(
    pl.kernel,
    out_type=jax.ShapeDtypeStruct((N_VOX, C), f32),
    mesh=_MESH,
    compiler_params=_SC_PARAMS,
    scratch_types=[
        pltpu.VMEM((KCH, 128), i32),
        pltpu.VMEM((128, 128), f32),
        pltpu.VMEM((128, 128), f32),
        pltpu.SemaphoreType.DMA,
        pltpu.SemaphoreType.DMA,
    ],
)
def _k2(B, invK, D_out, idx_v, rows_v, rows2_v, sem, sem2):
    c = lax.axis_index("c")
    s = lax.axis_index("s")
    w = c * NS + s
    base = w * KPT
    pltpu.sync_copy(invK.at[c, s], idx_v)

    nfull = KCH - 1
    pltpu.async_copy(B.at[idx_v.at[0]], rows_v, sem)

    def spair(jj, carry):
        j = 2 * jj
        pltpu.async_copy(B.at[idx_v.at[j + 1]], rows2_v, sem2)
        pltpu.make_async_copy(B.at[idx_v.at[j]], rows_v, sem).wait()
        pltpu.sync_copy(rows_v, D_out.at[pl.ds(base + j * 128, 128)])

        @pl.when(j + 2 < nfull)
        def _():
            pltpu.async_copy(B.at[idx_v.at[j + 2]], rows_v, sem)

        pltpu.make_async_copy(B.at[idx_v.at[j + 1]], rows2_v, sem2).wait()
        pltpu.sync_copy(rows2_v, D_out.at[pl.ds(base + (j + 1) * 128, 128)])
        return carry

    lax.fori_loop(0, nfull // 2, spair, 0)
    pltpu.async_copy(B.at[idx_v.at[KCH - 1]], rows_v, sem).wait()
    pltpu.sync_copy(rows_v.at[pl.ds(0, 53)],
                    D_out.at[pl.ds(base + (KCH - 1) * 128, 53)])


@functools.partial(
    pl.kernel,
    out_type=jax.ShapeDtypeStruct((6, PACC, 32), f32),
    mesh=_MESH,
    compiler_params=_SC_PARAMS,
    scratch_types=[
        pltpu.VMEM((PCH, 128), i32),
        pltpu.VMEM((PCH, 128), i32),
        pltpu.VMEM((128, 32), f32),
        pltpu.VMEM((128, 32), f32),
        pltpu.VMEM((128, 32), f32),
        pltpu.VMEM((56, 32), f32),
        pltpu.VMEM_SHARED((PACC, 32), f32),
        pltpu.SemaphoreType.DMA,
        pltpu.SemaphoreType.DMA,
    ],
)
def _k3(y4, gidx4, sidx, num_out,
        gidx_v, sidx_v, rows_v, rows2_v, ones_v, z32_v, acc_sh, sem, sem2):
    c = lax.axis_index("c")
    s = lax.axis_index("s")
    spt = PACC // NS

    _fill2d(z32_v, 56, 32, 0.0)
    _fill2d(ones_v, 128, 32, 1.0)
    pltpu.sync_copy(sidx.at[s], sidx_v)

    for q in range(2):
        pltpu.sync_copy(gidx4.at[c, q, s], gidx_v)

        def zchunk(j, carry):
            pltpu.sync_copy(z32_v, acc_sh.at[pl.ds(s * spt + j * 56, 56)])
            return carry

        lax.fori_loop(0, spt // 56, zchunk, 0)
        plsc.subcore_barrier()

        pltpu.async_copy(y4.at[gidx_v.at[0]], rows_v, sem)

        def spair(jj, carry):
            j = 2 * jj
            pltpu.async_copy(y4.at[gidx_v.at[j + 1]], rows2_v, sem2)
            pltpu.make_async_copy(y4.at[gidx_v.at[j]], rows_v, sem).wait()
            pltpu.sync_copy(rows_v, acc_sh.at[sidx_v.at[j]], add=True)

            @pl.when(j + 2 < PCH)
            def _():
                pltpu.async_copy(y4.at[gidx_v.at[j + 2]], rows_v, sem)

            pltpu.make_async_copy(y4.at[gidx_v.at[j + 1]], rows2_v,
                                  sem2).wait()
            pltpu.sync_copy(rows2_v, acc_sh.at[sidx_v.at[j + 1]], add=True)
            return carry

        lax.fori_loop(0, PCH // 2, spair, 0)
        plsc.subcore_barrier()

        pltpu.sync_copy(acc_sh.at[pl.ds(s * spt, spt)],
                        num_out.at[2 * c + q, pl.ds(s * spt, spt)])

    def czchunk(j, carry):
        pltpu.sync_copy(z32_v, acc_sh.at[pl.ds(s * spt + j * 56, 56)])
        return carry

    lax.fori_loop(0, spt // 56, czchunk, 0)
    plsc.subcore_barrier()

    half = PCH // 2

    def cchunk(j, carry):
        pltpu.sync_copy(ones_v, acc_sh.at[sidx_v.at[c * half + j]], add=True)
        return carry

    lax.fori_loop(0, half, cchunk, 0)
    plsc.subcore_barrier()
    pltpu.sync_copy(acc_sh.at[pl.ds(s * spt, spt)],
                    num_out.at[4 + c, pl.ds(s * spt, spt)])



def kernel(features, coors, coors_inv, scale_coors_inv, W_in, b_in, W_pp1,
           b_pp1, g1, be1, W_pp2, b_pp2, g2, be2, W_pp3, b_pp3, W_out1,
           b_out1, W_out2, b_out2):
    key = (coors[:, 0] << 15) | ((coors[:, 1] >> 1) << 10) \
        | ((coors[:, 2] >> 1) << 5) | (coors[:, 3] >> 1)
    key3 = jnp.pad(key.reshape(NS, VPT), ((0, 0), (0, VCH * 128 - VPT)),
                   mode="edge").reshape(NS, VCH, 128)
    part, totals = _k0(key3)
    tot = totals[:, 0]
    offs = jnp.concatenate([jnp.zeros((1,), i32), jnp.cumsum(tot)])[:32]
    psum = jnp.sum(part, axis=0).reshape(NS, VCH * 128)[:, :VPT].reshape(-1)
    inv = psum - 1 + offs[key >> 16]
    n_valid = jnp.sum(tot).astype(f32)

    invK = jnp.pad(inv.reshape(32, KPT), ((0, 0), (0, KCH * 128 - KPT)),
                   constant_values=0).reshape(2, NS, KCH, 128)
    base4 = 4 * jnp.pad(coors_inv.reshape(NS, PPT),
                        ((0, 0), (0, PACC - PPT)),
                        constant_values=0).reshape(NS, PCH, 128)
    gidx4 = jnp.stack([jnp.stack([base4, base4 + 1]),
                       jnp.stack([base4 + 2, base4 + 3])])
    sidx = jnp.pad(scale_coors_inv.reshape(NS, PPT),
                   ((0, 0), (0, PACC - PPT)),
                   constant_values=DUMP3).reshape(NS, PCH, 128)

    W1a = W_out1[:C]
    W1b = W_out1[C:]

    F1, A = pl.pallas_call(
        _p0_body,
        grid=(GRID,),
        in_specs=[_rows(), _full((C, H)), _full((C, C)), _full((1, C)),
                  _full((C, C))],
        out_specs=[_rows(H), _rows()],
        out_shape=[jax.ShapeDtypeStruct((N_VOX, H), f32),
                   jax.ShapeDtypeStruct((N_VOX, C), f32)],
        compiler_params=_SEQ,
    )(features, W_pp1, W_in, b_in.reshape(1, C), W1a)

    fea_ext = jnp.concatenate([F1, jnp.ones((N_VOX, 8), f32)], axis=1)
    dsx = jnp.zeros((N_VOX, H + 8), f32).at[inv].add(fea_ext, mode="drop")

    h1, st1 = pl.pallas_call(
        _p1_body,
        grid=(GRID,),
        in_specs=[_rows(H + 8), _full((1, H))],
        out_specs=[_rows(H), _full((2, H))],
        out_shape=[jax.ShapeDtypeStruct((N_VOX, H), f32),
                   jax.ShapeDtypeStruct((2, H), f32)],
        compiler_params=_SEQ,
    )(dsx, b_pp1.reshape(1, H))

    n_empty = jnp.float32(N_VOX) - n_valid
    e1 = _leaky(b_pp1)
    m1 = (st1[0] - n_empty * e1) / n_valid
    q1 = (st1[1] - n_empty * e1 * e1) / n_valid
    a1 = g1 / jnp.sqrt(jnp.maximum(q1 - m1 * m1, 0.0) + 1e-5)
    c1 = be1 - m1 * a1
    W2f = a1[:, None] * W_pp2
    b2f = (c1 @ W_pp2 + b_pp2).reshape(1, H)

    h2, st2 = pl.pallas_call(
        _p2_body,
        grid=(GRID,),
        in_specs=[_rows(H), _full((H, H)), _full((1, H))],
        out_specs=[_rows(H), _full((2, H))],
        out_shape=[jax.ShapeDtypeStruct((N_VOX, H), f32),
                   jax.ShapeDtypeStruct((2, H), f32)],
        compiler_params=_SEQ,
    )(h1, W2f, b2f)

    e2 = _leaky(b2f[0])
    m2 = (st2[0] - n_empty * e2) / n_valid
    q2 = (st2[1] - n_empty * e2 * e2) / n_valid
    a2 = g2 / jnp.sqrt(jnp.maximum(q2 - m2 * m2, 0.0) + 1e-5)
    c2 = be2 - m2 * a2
    W3f = a2[:, None] * W_pp3
    b3f = (c2 @ W_pp3 + b_pp3).reshape(1, C)

    B = pl.pallas_call(
        _p3_body,
        grid=(GRID,),
        in_specs=[_rows(H), _full((H, C)), _full((1, C)), _full((C, C))],
        out_specs=_rows(),
        out_shape=jax.ShapeDtypeStruct((N_VOX, C), f32),
        compiler_params=_SEQ,
    )(h2, W3f, b3f, W1b)

    D = _k2(B, invK)

    y = pl.pallas_call(
        _p4_body,
        grid=(GRID,),
        in_specs=[_rows(), _rows(), _full((1, C)), _full((C, C)),
                  _full((1, C))],
        out_specs=_rows(),
        out_shape=jax.ShapeDtypeStruct((N_VOX, C), f32),
        compiler_params=_SEQ,
    )(A, D, b_out1.reshape(1, C), W_out2, b_out2.reshape(1, C))

    num = _k3(y.reshape(4 * N_VOX, 32), gidx4, sidx)
    cnt2 = num[4, :N_COARSE, 0] + num[5, :N_COARSE, 0]
    scale = 1.0 / jnp.maximum(cnt2, 1.0)
    v_feat = jnp.concatenate(
        [num[0, :N_COARSE], num[1, :N_COARSE],
         num[2, :N_COARSE], num[3, :N_COARSE]], axis=1) * scale[:, None]
    return v_feat

# --- scband reference (transcript-rebuilt; emitter-appended) ---
"""Pipeline reference for scband-rsu-45758581571838 (READ-ONLY COPY).

The authoritative reference and input builder live on the scoring server;
editing this copy changes nothing except your own understanding.
"""

import jax, jax.numpy as jnp
import numpy as np

N_VOX = 100000
N_PTS = 400000
N_COARSE = 25000
C = 128


def _leaky(x):
    return jnp.where(x >= 0, x, 0.1 * x)


def _bn(x, g, b):
    mu = jnp.mean(x, axis=0)
    var = jnp.var(x, axis=0)
    return g * (x - mu) / jnp.sqrt(var + 1e-5) + b


def _bn_masked(x, g, b, mask, n):
    mu = jnp.sum(x * mask[:, None], axis=0) / n
    var = jnp.sum(((x - mu) ** 2) * mask[:, None], axis=0) / n
    return g * (x - mu) / jnp.sqrt(var + 1e-5) + b


def _scatter_mean(vals, idx, num_segments):
    s = jax.ops.segment_sum(vals, idx, num_segments=num_segments)
    cnt = jax.ops.segment_sum(jnp.ones((vals.shape[0],), vals.dtype), idx, num_segments=num_segments)
    return s / jnp.maximum(cnt, 1.0)[:, None]


def setup_inputs(seed: int = 0) -> dict:
    key = jax.random.key(seed)
    ks = jax.random.split(key, 24)

    def w(k, shape, fan_in):
        return jax.random.normal(k, shape, jnp.float32) * (1.0 / np.sqrt(fan_in))

    inp = {}
    inp['features'] = jax.random.normal(ks[0], (N_VOX, C), jnp.float32)
    inp['coors'] = jax.random.randint(ks[1], (N_VOX, 4), 0, 64, jnp.int32)
    inp['coors_inv'] = jax.random.randint(ks[2], (N_PTS,), 0, N_VOX, jnp.int32)
    inp['scale_coors_inv'] = jax.random.randint(ks[3], (N_PTS,), 0, N_COARSE, jnp.int32)
    # layer_in: Linear(C, C)
    inp['W_in'] = w(ks[4], (C, C), C)
    inp['b_in'] = jnp.zeros((C,), jnp.float32)
    # PPmodel: Linear(C, C//2) -> BN -> Linear(C//2, C//2) -> BN -> Linear(C//2, C)
    inp['W_pp1'] = w(ks[5], (C, C // 2), C)
    inp['b_pp1'] = jnp.zeros((C // 2,), jnp.float32)
    inp['g1'] = jnp.ones((C // 2,), jnp.float32)
    inp['be1'] = jnp.zeros((C // 2,), jnp.float32)
    inp['W_pp2'] = w(ks[6], (C // 2, C // 2), C // 2)
    inp['b_pp2'] = jnp.zeros((C // 2,), jnp.float32)
    inp['g2'] = jnp.ones((C // 2,), jnp.float32)
    inp['be2'] = jnp.zeros((C // 2,), jnp.float32)
    inp['W_pp3'] = w(ks[7], (C // 2, C), C // 2)
    inp['b_pp3'] = jnp.zeros((C,), jnp.float32)
    # layer_out: Linear(2C, C) -> LeakyReLU -> Linear(C, C)
    inp['W_out1'] = w(ks[8], (2 * C, C), 2 * C)
    inp['b_out1'] = jnp.zeros((C,), jnp.float32)
    inp['W_out2'] = w(ks[9], (C, C), C)
    inp['b_out2'] = jnp.zeros((C,), jnp.float32)
    return inp


def reference(features, coors, coors_inv, scale_coors_inv, W_in, b_in, W_pp1, b_pp1, g1, be1, W_pp2, b_pp2, g2, be2, W_pp3, b_pp3, W_out1, b_out1, W_out2, b_out2):
    # ---- downsample: unique(batch, coors//scale) + scatter_mean ----
    batch = coors[:, 0:1]
    c = coors[:, 1:] // 2
    key_rows = jnp.concatenate([batch, c], axis=1)
    uniq, inv = jnp.unique(key_rows, axis=0, return_inverse=True, size=key_rows.shape[0], fill_value=0)
    inv = inv.reshape(-1)
    n_uni = int(uniq.shape[0])
    down = _scatter_mean(features, inv, n_uni)
    seg_cnt = jax.ops.segment_sum(jnp.ones((inv.shape[0],), jnp.float32), inv, num_segments=n_uni)
    mask = (seg_cnt > 0).astype(jnp.float32)
    n_valid = jnp.sum(mask)
    # ---- layer_in ----
    identity = _leaky(features @ W_in + b_in)
    # ---- PPmodel on downsampled features ----
    h = _leaky(down @ W_pp1 + b_pp1)
    h = _bn_masked(h, g1, be1, mask, n_valid)
    h = _leaky(h @ W_pp2 + b_pp2)
    h = _bn_masked(h, g2, be2, mask, n_valid)
    h = _leaky(h @ W_pp3 + b_pp3)
    # ---- broadcast back + concat ----
    out = jnp.concatenate([identity, h[inv]], axis=1)
    # ---- gather to points, layer_out, scatter_mean to next-scale voxels ----
    gathered = out[coors_inv]
    z = _leaky(gathered @ W_out1 + b_out1) @ W_out2 + b_out2
    v_feat = _scatter_mean(z, scale_coors_inv, N_COARSE)
    return v_feat

if __name__ == "__main__":
    import jax
    _d = setup_inputs()
    print(jax.jit(kernel)(*tuple(_d.values())))

</pallas_src>

<mosaic_0001>
#map = affine_map<(d0, d1) -> (0, 0, 0)>
#map1 = affine_map<(d0, d1) -> (0, 0, 0, 0)>
#map2 = affine_map<(d0, d1) -> (0, 0)>
module attributes {stable_mosaic.version = 14 : i64} {
  func.func @_k0(%arg0: i32, %arg1: i32, %arg2: memref<16x49x128xi32, #tpu.memory_space<hbm>>, %arg3: memref<32x16x49x128xi32, #tpu.memory_space<hbm>>, %arg4: memref<32x16xi32, #tpu.memory_space<hbm>>, %arg5: memref<65536xi32, #tpu.memory_space<vmem>>, %arg6: memref<49x128xi32, #tpu.memory_space<vmem>>, %arg7: memref<49x128xi32, #tpu.memory_space<vmem>>, %arg8: memref<16xi32, #tpu.memory_space<vmem>>, %arg9: memref<!tpu.dma_semaphore, #tpu.memory_space<semaphore_mem>>) attributes {dimension_semantics = [#tpu.dimension_semantics<core_parallel>, #tpu.dimension_semantics<subcore_parallel>], iteration_bounds = array<i64: 2, 16>, scalar_prefetch = 0 : i64, scratch_operands = 5 : i64, tpu.core_type = #tpu.core_type<sc_vector_subcore>, window_params = [{transform_indices = #map}, {transform_indices = #map1}, {transform_indices = #map2}]} {
    %mul3A = arith.constant 16 : i32
    %mul3A_0 = arith.muli %arg0, %mul3A : i32
    %add3A = arith.addi %mul3A_0, %arg1 : i32
    %mul3A_1 = arith.constant 65536 : i32
    %mul3A_2 = arith.muli %add3A, %mul3A_1 : i32
    %scan3A = arith.constant 0 : i32
    %scan3A_3 = arith.constant 0 : i32
    %scan3A_4 = arith.constant 4096 : i32
    %scan3A_5 = arith.addi %scan3A_3, %scan3A_4 : i32
    %scan3A_6 = arith.constant 1 : i32
    scf.for %scan3A_33 = %scan3A_3 to %scan3A_5 step %scan3A_6  : i32 {
      %broadcast_in_dim3A_34 = arith.constant 0 : i32
      %broadcast_in_dim3A_35 = vector.broadcast %broadcast_in_dim3A_34 : i32 to vector<16xi32>
      %mul3A_36 = arith.constant 16 : i32
      %mul3A_37 = arith.muli %scan3A_33, %mul3A_36 : i32
      %swap3A_38 = arith.index_cast %mul3A_37 : i32 to index
      %swap3A_39 = tpu.vector_load %arg5[%swap3A_38] {strides = array<i32>} : memref<65536xi32, #tpu.memory_space<vmem>>, vector<16xi32>,
      tpu.vector_store %arg5[%swap3A_38], %broadcast_in_dim3A_35 {strides = array<i32>} : memref<65536xi32, #tpu.memory_space<vmem>>, vector<16xi32>,
    }
    %scan3A_7 = arith.constant 4096 : i32
    %broadcast_in_dim3A = arith.constant 1 : i32
    %broadcast_in_dim3A_8 = vector.broadcast %broadcast_in_dim3A : i32 to vector<16xi32>
    %scan3A_9 = arith.constant 0 : i32
    %scan3A_10 = arith.constant 0 : i32
    %scan3A_11 = arith.constant 16 : i32
    %scan3A_12 = arith.addi %scan3A_10, %scan3A_11 : i32
    %scan3A_13 = arith.constant 1 : i32
    scf.for %scan3A_33 = %scan3A_10 to %scan3A_12 step %scan3A_13  : i32 {
      "tpu.region"() ({
        %run_scoped3A = tpu.sem_alloc : memref<!tpu.dma_semaphore, #tpu.memory_space<semaphore_mem>>
        %dma_start3A = arith.constant 0 : i32
        %dma_start3A_40 = arith.constant 0 : i32
        %dma_start3A_41 = tpu.memref_slice %arg2[%scan3A_33, %dma_start3A, %dma_start3A_40] : memref<16x49x128xi32, #tpu.memory_space<hbm>> -> memref<1x49x128xi32, #tpu.memory_space<hbm>>
        %dma_start3A_42 = tpu.memref_squeeze %dma_start3A_41 : memref<1x49x128xi32, #tpu.memory_space<hbm>> -> memref<49x128xi32, #tpu.memory_space<hbm>>
        %dma_start3A_43 = arith.constant 0 : i32
        %dma_start3A_44 = arith.constant 0 : i32
        %dma_start3A_45 = tpu.memref_slice %arg2[%scan3A_33, %dma_start3A_43, %dma_start3A_44] : memref<16x49x128xi32, #tpu.memory_space<hbm>> -> memref<1x49x128xi32, #tpu.memory_space<hbm>>
        %dma_start3A_46 = tpu.memref_squeeze %dma_start3A_45 : memref<1x49x128xi32, #tpu.memory_space<hbm>> -> memref<49x128xi32, #tpu.memory_space<hbm>>
        tpu.enqueue_dma source(%dma_start3A_46 : memref<49x128xi32, #tpu.memory_space<hbm>>) target(%arg6 : memref<49x128xi32, #tpu.memory_space<vmem>>) target_semaphore(%run_scoped3A : memref<!tpu.dma_semaphore, #tpu.memory_space<semaphore_mem>>)
        %dma_wait3A = arith.constant 0 : i32
        %dma_wait3A_47 = arith.constant 0 : i32
        %dma_wait3A_48 = tpu.memref_slice %arg2[%scan3A_33, %dma_wait3A, %dma_wait3A_47] : memref<16x49x128xi32, #tpu.memory_space<hbm>> -> memref<1x49x128xi32, #tpu.memory_space<hbm>>
        %dma_wait3A_49 = tpu.memref_squeeze %dma_wait3A_48 : memref<1x49x128xi32, #tpu.memory_space<hbm>> -> memref<49x128xi32, #tpu.memory_space<hbm>>
        %dma_wait3A_50 = arith.constant 0 : i32
        %dma_wait3A_51 = arith.constant 0 : i32
        %dma_wait3A_52 = tpu.memref_slice %arg2[%scan3A_33, %dma_wait3A_50, %dma_wait3A_51] : memref<16x49x128xi32, #tpu.memory_space<hbm>> -> memref<1x49x128xi32, #tpu.memory_space<hbm>>
        %dma_wait3A_53 = tpu.memref_squeeze %dma_wait3A_52 : memref<1x49x128xi32, #tpu.memory_space<hbm>> -> memref<49x128xi32, #tpu.memory_space<hbm>>
        tpu.wait_dma2 semaphore(%run_scoped3A : memref<!tpu.dma_semaphore, #tpu.memory_space<semaphore_mem>>) src(%dma_wait3A_53 : memref<49x128xi32, #tpu.memory_space<hbm>>) dst(%arg6 : memref<49x128xi32, #tpu.memory_space<vmem>>)
        tpu.yield
      }) : () -> ()
      %scan3A_34 = arith.constant 0 : i32
      %scan3A_35 = arith.constant 0 : i32
      %scan3A_36 = arith.constant 392 : i32
      %scan3A_37 = arith.addi %scan3A_35, %scan3A_36 : i32
      %scan3A_38 = arith.constant 1 : i32
      scf.for %scan3A_40 = %scan3A_35 to %scan3A_37 step %scan3A_38  : i32 {
        %jit3A = arith.constant 8 : i32
        %div3A = arith.divsi %scan3A_40, %jit3A : i32
        %sign3A = arith.constant 0 : i32
        %sign3A_41 = arith.cmpi sgt, %scan3A_40, %sign3A : i32
        %sign3A_42 = arith.extui %sign3A_41 : i1 to i32
        %sign3A_43 = arith.constant 0 : i32
        %sign3A_44 = arith.cmpi slt, %scan3A_40, %sign3A_43 : i32
        %sign3A_45 = arith.extui %sign3A_44 : i1 to i32
        %sign3A_46 = arith.subi %sign3A_42, %sign3A_45 : i32
        %sign3A_47 = arith.constant 0 : i32
        %sign3A_48 = arith.cmpi sgt, %jit3A, %sign3A_47 : i32
        %sign3A_49 = arith.extui %sign3A_48 : i1 to i32
        %sign3A_50 = arith.constant 0 : i32
        %sign3A_51 = arith.cmpi slt, %jit3A, %sign3A_50 : i32
        %sign3A_52 = arith.extui %sign3A_51 : i1 to i32
        %sign3A_53 = arith.subi %sign3A_49, %sign3A_52 : i32
        %ne3A = arith.cmpi ne, %sign3A_46, %sign3A_53 : i32
        %rem3A = arith.remsi %scan3A_40, %jit3A : i32
        %ne3A_54 = arith.constant 0 : i32
        %ne3A_55 = arith.cmpi ne, %rem3A, %ne3A_54 : i32
        %and3A = arith.andi %ne3A, %ne3A_55 : i1
        %sub3A = arith.constant 1 : i32
        %sub3A_56 = arith.subi %div3A, %sub3A : i32
        %select_n3A = arith.select %and3A, %sub3A_56, %div3A : i32
        %jit3A_57 = arith.constant 8 : i32
        %eq3A = arith.constant 0 : i32
        %eq3A_58 = arith.cmpi eq, %jit3A_57, %eq3A : i32
        %jit3A_59 = arith.constant 1 : i32
        %select_n3A_60 = arith.select %eq3A_58, %jit3A_59, %jit3A_57 : i32
        %rem3A_61 = arith.remsi %scan3A_40, %select_n3A_60 : i32
        %ne3A_62 = arith.constant 0 : i32
        %ne3A_63 = arith.cmpi ne, %rem3A_61, %ne3A_62 : i32
        %lt3A = arith.constant 0 : i32
        %lt3A_64 = arith.cmpi slt, %rem3A_61, %lt3A : i32
        %lt3A_65 = arith.constant 0 : i32
        %lt3A_66 = arith.cmpi slt, %select_n3A_60, %lt3A_65 : i32
        %ne3A_67 = arith.xori %lt3A_64, %lt3A_66 : i1
        %and3A_68 = arith.andi %ne3A_67, %ne3A_63 : i1
        %add3A_69 = arith.addi %rem3A_61, %select_n3A_60 : i32
        %select_n3A_70 = arith.select %and3A_68, %add3A_69, %rem3A_61 : i32
        %mul3A_71 = arith.constant 16 : i32
        %mul3A_72 = arith.muli %select_n3A_70, %mul3A_71 : i32
        %get3A = arith.index_cast %select_n3A : i32 to index
        %get3A_73 = arith.index_cast %mul3A_72 : i32 to index
        %get3A_74 = tpu.vector_load %arg6[%get3A, %get3A_73] {strides = array<i32>} : memref<49x128xi32, #tpu.memory_space<vmem>>, vector<16xi32>,
        %sub3A_75 = vector.broadcast %mul3A_2 : i32 to vector<16xi32>
        %sub3A_76 = arith.subi %get3A_74, %sub3A_75 : vector<16xi32>
        %ge3A = arith.constant 0 : i32
        %ge3A_77 = vector.broadcast %ge3A : i32 to vector<16xi32>
        %ge3A_78 = arith.cmpi sge, %sub3A_76, %ge3A_77 : vector<16xi32>
        %lt3A_79 = arith.constant 65536 : i32
        %lt3A_80 = vector.broadcast %lt3A_79 : i32 to vector<16xi32>
        %lt3A_81 = arith.cmpi slt, %sub3A_76, %lt3A_80 : vector<16xi32>
        %and3A_82 = arith.andi %ge3A_78, %lt3A_81 : vector<16xi1>
        tpu.vector_store_idx %arg5[%sub3A_76], %broadcast_in_dim3A_8 masked %and3A_82 : memref<65536xi32, #tpu.memory_space<vmem>>[vector<16xi32>], vector<16xi32>, vector<16xi1>
      }
      %scan3A_39 = arith.constant 392 : i32
    }
    %scan3A_14 = arith.constant 16 : i32
    %scan3A_15 = arith.constant 0 : i32
    %scan3A_16 = arith.constant 0 : i32
    %scan3A_17 = arith.constant 4096 : i32
    %scan3A_18 = arith.addi %scan3A_16, %scan3A_17 : i32
    %scan3A_19 = arith.constant 1 : i32
    %scan3A_20 = scf.for %scan3A_33 = %scan3A_16 to %scan3A_18 step %scan3A_19 iter_args(%scan3A_34 = %scan3A_15) -> (i32)  : i32 {
      %mul3A_35 = arith.constant 16 : i32
      %mul3A_36 = arith.muli %scan3A_33, %mul3A_35 : i32
      %get3A = arith.index_cast %mul3A_36 : i32 to index
      %get3A_37 = tpu.vector_load %arg5[%get3A] {strides = array<i32>} : memref<65536xi32, #tpu.memory_space<vmem>>, vector<16xi32>,
      %broadcast_in_dim3A_38 = arith.constant true
      %broadcast_in_dim3A_39 = vector.broadcast %broadcast_in_dim3A_38 : i1 to vector<16xi1>
      %masked_cumsum3A = tpu.scan <sum>, %get3A_37 masked %broadcast_in_dim3A_39 : vector<16xi32>, vector<16xi1> -> vector<16xi32>
      %sub3A = arith.subi %masked_cumsum3A, %get3A_37 : vector<16xi32>
      %add3A_40 = vector.broadcast %scan3A_34 : i32 to vector<16xi32>
      %add3A_41 = arith.addi %sub3A, %add3A_40 : vector<16xi32>
      %mul3A_42 = arith.constant 16 : i32
      %mul3A_43 = arith.muli %scan3A_33, %mul3A_42 : i32
      %swap3A_44 = arith.index_cast %mul3A_43 : i32 to index
      %swap3A_45 = tpu.vector_load %arg5[%swap3A_44] {strides = array<i32>} : memref<65536xi32, #tpu.memory_space<vmem>>, vector<16xi32>,
      tpu.vector_store %arg5[%swap3A_44], %add3A_41 {strides = array<i32>} : memref<65536xi32, #tpu.memory_space<vmem>>, vector<16xi32>,
      %reduce_sum3A = arith.constant true
      %reduce_sum3A_46 = vector.broadcast %reduce_sum3A : i1 to vector<16xi1>
      %reduce_sum3A_47 = tpu.scan <sum>, %get3A_37 masked %reduce_sum3A_46 : vector<16xi32>, vector<16xi1> -> vector<16xi32>
      %reduce_sum3A_48 = vector.extract %reduce_sum3A_47[15] : i32 from vector<16xi32>
      %add3A_49 = arith.addi %scan3A_34, %reduce_sum3A_48 : i32
      scf.yield %add3A_49 : i32
    }
    %scan3A_21 = arith.constant 4096 : i32
    %scan3A_22 = arith.constant 0 : i32
    %scan3A_23 = arith.constant 0 : i32
    %scan3A_24 = arith.constant 16 : i32
    %scan3A_25 = arith.addi %scan3A_23, %scan3A_24 : i32
    %scan3A_26 = arith.constant 1 : i32
    scf.for %scan3A_33 = %scan3A_23 to %scan3A_25 step %scan3A_26  : i32 {
      "tpu.region"() ({
        %run_scoped3A = tpu.sem_alloc : memref<!tpu.dma_semaphore, #tpu.memory_space<semaphore_mem>>
        %dma_start3A = arith.constant 0 : i32
        %dma_start3A_40 = arith.constant 0 : i32
        %dma_start3A_41 = tpu.memref_slice %arg2[%scan3A_33, %dma_start3A, %dma_start3A_40] : memref<16x49x128xi32, #tpu.memory_space<hbm>> -> memref<1x49x128xi32, #tpu.memory_space<hbm>>
        %dma_start3A_42 = tpu.memref_squeeze %dma_start3A_41 : memref<1x49x128xi32, #tpu.memory_space<hbm>> -> memref<49x128xi32, #tpu.memory_space<hbm>>
        %dma_start3A_43 = arith.constant 0 : i32
        %dma_start3A_44 = arith.constant 0 : i32
        %dma_start3A_45 = tpu.memref_slice %arg2[%scan3A_33, %dma_start3A_43, %dma_start3A_44] : memref<16x49x128xi32, #tpu.memory_space<hbm>> -> memref<1x49x128xi32, #tpu.memory_space<hbm>>
        %dma_start3A_46 = tpu.memref_squeeze %dma_start3A_45 : memref<1x49x128xi32, #tpu.memory_space<hbm>> -> memref<49x128xi32, #tpu.memory_space<hbm>>
        tpu.enqueue_dma source(%dma_start3A_46 : memref<49x128xi32, #tpu.memory_space<hbm>>) target(%arg6 : memref<49x128xi32, #tpu.memory_space<vmem>>) target_semaphore(%run_scoped3A : memref<!tpu.dma_semaphore, #tpu.memory_space<semaphore_mem>>)
        %dma_wait3A = arith.constant 0 : i32
        %dma_wait3A_47 = arith.constant 0 : i32
        %dma_wait3A_48 = tpu.memref_slice %arg2[%scan3A_33, %dma_wait3A, %dma_wait3A_47] : memref<16x49x128xi32, #tpu.memory_space<hbm>> -> memref<1x49x128xi32, #tpu.memory_space<hbm>>
        %dma_wait3A_49 = tpu.memref_squeeze %dma_wait3A_48 : memref<1x49x128xi32, #tpu.memory_space<hbm>> -> memref<49x128xi32, #tpu.memory_space<hbm>>
        %dma_wait3A_50 = arith.constant 0 : i32
        %dma_wait3A_51 = arith.constant 0 : i32
        %dma_wait3A_52 = tpu.memref_slice %arg2[%scan3A_33, %dma_wait3A_50, %dma_wait3A_51] : memref<16x49x128xi32, #tpu.memory_space<hbm>> -> memref<1x49x128xi32, #tpu.memory_space<hbm>>
        %dma_wait3A_53 = tpu.memref_squeeze %dma_wait3A_52 : memref<1x49x128xi32, #tpu.memory_space<hbm>> -> memref<49x128xi32, #tpu.memory_space<hbm>>
        tpu.wait_dma2 semaphore(%run_scoped3A : memref<!tpu.dma_semaphore, #tpu.memory_space<semaphore_mem>>) src(%dma_wait3A_53 : memref<49x128xi32, #tpu.memory_space<hbm>>) dst(%arg6 : memref<49x128xi32, #tpu.memory_space<vmem>>)
        tpu.yield
      }) : () -> ()
      %scan3A_34 = arith.constant 0 : i32
      %scan3A_35 = arith.constant 0 : i32
      %scan3A_36 = arith.constant 392 : i32
      %scan3A_37 = arith.addi %scan3A_35, %scan3A_36 : i32
      %scan3A_38 = arith.constant 1 : i32
      scf.for %scan3A_40 = %scan3A_35 to %scan3A_37 step %scan3A_38  : i32 {
        %jit3A = arith.constant 8 : i32
        %div3A = arith.divsi %scan3A_40, %jit3A : i32
        %sign3A = arith.constant 0 : i32
        %sign3A_41 = arith.cmpi sgt, %scan3A_40, %sign3A : i32
        %sign3A_42 = arith.extui %sign3A_41 : i1 to i32
        %sign3A_43 = arith.constant 0 : i32
        %sign3A_44 = arith.cmpi slt, %scan3A_40, %sign3A_43 : i32
        %sign3A_45 = arith.extui %sign3A_44 : i1 to i32
        %sign3A_46 = arith.subi %sign3A_42, %sign3A_45 : i32
        %sign3A_47 = arith.constant 0 : i32
        %sign3A_48 = arith.cmpi sgt, %jit3A, %sign3A_47 : i32
        %sign3A_49 = arith.extui %sign3A_48 : i1 to i32
        %sign3A_50 = arith.constant 0 : i32
        %sign3A_51 = arith.cmpi slt, %jit3A, %sign3A_50 : i32
        %sign3A_52 = arith.extui %sign3A_51 : i1 to i32
        %sign3A_53 = arith.subi %sign3A_49, %sign3A_52 : i32
        %ne3A = arith.cmpi ne, %sign3A_46, %sign3A_53 : i32
        %rem3A = arith.remsi %scan3A_40, %jit3A : i32
        %ne3A_54 = arith.constant 0 : i32
        %ne3A_55 = arith.cmpi ne, %rem3A, %ne3A_54 : i32
        %and3A = arith.andi %ne3A, %ne3A_55 : i1
        %sub3A = arith.constant 1 : i32
        %sub3A_56 = arith.subi %div3A, %sub3A : i32
        %select_n3A = arith.select %and3A, %sub3A_56, %div3A : i32
        %jit3A_57 = arith.constant 8 : i32
        %eq3A = arith.constant 0 : i32
        %eq3A_58 = arith.cmpi eq, %jit3A_57, %eq3A : i32
        %jit3A_59 = arith.constant 1 : i32
        %select_n3A_60 = arith.select %eq3A_58, %jit3A_59, %jit3A_57 : i32
        %rem3A_61 = arith.remsi %scan3A_40, %select_n3A_60 : i32
        %ne3A_62 = arith.constant 0 : i32
        %ne3A_63 = arith.cmpi ne, %rem3A_61, %ne3A_62 : i32
        %lt3A = arith.constant 0 : i32
        %lt3A_64 = arith.cmpi slt, %rem3A_61, %lt3A : i32
        %lt3A_65 = arith.constant 0 : i32
        %lt3A_66 = arith.cmpi slt, %select_n3A_60, %lt3A_65 : i32
        %ne3A_67 = arith.xori %lt3A_64, %lt3A_66 : i1
        %and3A_68 = arith.andi %ne3A_67, %ne3A_63 : i1
        %add3A_69 = arith.addi %rem3A_61, %select_n3A_60 : i32
        %select_n3A_70 = arith.select %and3A_68, %add3A_69, %rem3A_61 : i32
        %mul3A_71 = arith.constant 16 : i32
        %mul3A_72 = arith.muli %select_n3A_70, %mul3A_71 : i32
        %get3A = arith.index_cast %select_n3A : i32 to index
        %get3A_73 = arith.index_cast %mul3A_72 : i32 to index
        %get3A_74 = tpu.vector_load %arg6[%get3A, %get3A_73] {strides = array<i32>} : memref<49x128xi32, #tpu.memory_space<vmem>>, vector<16xi32>,
        %sub3A_75 = vector.broadcast %mul3A_2 : i32 to vector<16xi32>
        %sub3A_76 = arith.subi %get3A_74, %sub3A_75 : vector<16xi32>
        %ge3A = arith.constant 0 : i32
        %ge3A_77 = vector.broadcast %ge3A : i32 to vector<16xi32>
        %ge3A_78 = arith.cmpi sge, %sub3A_76, %ge3A_77 : vector<16xi32>
        %lt3A_79 = arith.constant 65536 : i32
        %lt3A_80 = vector.broadcast %lt3A_79 : i32 to vector<16xi32>
        %lt3A_81 = arith.cmpi slt, %sub3A_76, %lt3A_80 : vector<16xi32>
        %and3A_82 = arith.andi %ge3A_78, %lt3A_81 : vector<16xi1>
        %gather3A = tpu.vector_load_idx %arg5[%sub3A_76] masked %and3A_82 : memref<65536xi32, #tpu.memory_space<vmem>>[vector<16xi32>], vector<16xi32>, vector<16xi1>
        %add3A_83 = arith.constant 1 : i32
        %add3A_84 = vector.broadcast %add3A_83 : i32 to vector<16xi32>
        %add3A_85 = arith.addi %gather3A, %add3A_84 : vector<16xi32>
        %jit3A_86 = arith.constant 0 : i32
        %broadcast_in_dim3A_87 = vector.broadcast %jit3A_86 : i32 to vector<16xi32>
        %select_n3A_88 = arith.select %and3A_82, %add3A_85, %broadcast_in_dim3A_87 : vector<16xi1>, vector<16xi32>
        %mul3A_89 = arith.constant 16 : i32
        %mul3A_90 = arith.muli %select_n3A_70, %mul3A_89 : i32
        %swap3A_91 = arith.index_cast %select_n3A : i32 to index
        %swap3A_92 = arith.index_cast %mul3A_90 : i32 to index
        %swap3A_93 = tpu.vector_load %arg7[%swap3A_91, %swap3A_92] {strides = array<i32>} : memref<49x128xi32, #tpu.memory_space<vmem>>, vector<16xi32>,
        tpu.vector_store %arg7[%swap3A_91, %swap3A_92], %select_n3A_88 {strides = array<i32>} : memref<49x128xi32, #tpu.memory_space<vmem>>, vector<16xi32>,
      }
      %scan3A_39 = arith.constant 392 : i32
      "tpu.region"() ({
        %run_scoped3A = tpu.sem_alloc : memref<!tpu.dma_semaphore, #tpu.memory_space<semaphore_mem>>
        %dma_start3A = arith.constant 0 : i32
        %dma_start3A_40 = arith.constant 0 : i32
        %dma_start3A_41 = tpu.memref_slice %arg3[%add3A, %scan3A_33, %dma_start3A, %dma_start3A_40] : memref<32x16x49x128xi32, #tpu.memory_space<hbm>> -> memref<1x1x49x128xi32, #tpu.memory_space<hbm>>
        %dma_start3A_42 = tpu.memref_squeeze %dma_start3A_41 : memref<1x1x49x128xi32, #tpu.memory_space<hbm>> -> memref<49x128xi32, #tpu.memory_space<hbm>>
        %dma_start3A_43 = arith.constant 0 : i32
        %dma_start3A_44 = arith.constant 0 : i32
        %dma_start3A_45 = tpu.memref_slice %arg3[%add3A, %scan3A_33, %dma_start3A_43, %dma_start3A_44] : memref<32x16x49x128xi32, #tpu.memory_space<hbm>> -> memref<1x1x49x128xi32, #tpu.memory_space<hbm>>
        %dma_start3A_46 = tpu.memref_squeeze %dma_start3A_45 : memref<1x1x49x128xi32, #tpu.memory_space<hbm>> -> memref<49x128xi32, #tpu.memory_space<hbm>>
        tpu.enqueue_dma source(%arg7 : memref<49x128xi32, #tpu.memory_space<vmem>>) target(%dma_start3A_46 : memref<49x128xi32, #tpu.memory_space<hbm>>) target_semaphore(%run_scoped3A : memref<!tpu.dma_semaphore, #tpu.memory_space<semaphore_mem>>)
        %dma_wait3A = arith.constant 0 : i32
        %dma_wait3A_47 = arith.constant 0 : i32
        %dma_wait3A_48 = tpu.memref_slice %arg3[%add3A, %scan3A_33, %dma_wait3A, %dma_wait3A_47] : memref<32x16x49x128xi32, #tpu.memory_space<hbm>> -> memref<1x1x49x128xi32, #tpu.memory_space<hbm>>
        %dma_wait3A_49 = tpu.memref_squeeze %dma_wait3A_48 : memref<1x1x49x128xi32, #tpu.memory_space<hbm>> -> memref<49x128xi32, #tpu.memory_space<hbm>>
        %dma_wait3A_50 = arith.constant 0 : i32
        %dma_wait3A_51 = arith.constant 0 : i32
        %dma_wait3A_52 = tpu.memref_slice %arg3[%add3A, %scan3A_33, %dma_wait3A_50, %dma_wait3A_51] : memref<32x16x49x128xi32, #tpu.memory_space<hbm>> -> memref<1x1x49x128xi32, #tpu.memory_space<hbm>>
        %dma_wait3A_53 = tpu.memref_squeeze %dma_wait3A_52 : memref<1x1x49x128xi32, #tpu.memory_space<hbm>> -> memref<49x128xi32, #tpu.memory_space<hbm>>
        tpu.wait_dma2 semaphore(%run_scoped3A : memref<!tpu.dma_semaphore, #tpu.memory_space<semaphore_mem>>) src(%arg7 : memref<49x128xi32, #tpu.memory_space<vmem>>) dst(%dma_wait3A_53 : memref<49x128xi32, #tpu.memory_space<hbm>>)
        tpu.yield
      }) : () -> ()
    }
    %scan3A_27 = arith.constant 16 : i32
    %broadcast_in_dim3A_28 = arith.constant 0 : i32
    %broadcast_in_dim3A_29 = vector.broadcast %broadcast_in_dim3A_28 : i32 to vector<16xi32>
    %add3A_30 = vector.broadcast %scan3A_20 : i32 to vector<16xi32>
    %add3A_31 = arith.addi %broadcast_in_dim3A_29, %add3A_30 : vector<16xi32>
    %swap3A = arith.constant 0 : index
    %swap3A_32 = tpu.vector_load %arg8[%swap3A] {strides = array<i32>} : memref<16xi32, #tpu.memory_space<vmem>>, vector<16xi32>,
    tpu.vector_store %arg8[%swap3A], %add3A_31 {strides = array<i32>} : memref<16xi32, #tpu.memory_space<vmem>>, vector<16xi32>,
    "tpu.region"() ({
      %run_scoped3A = tpu.sem_alloc : memref<!tpu.dma_semaphore, #tpu.memory_space<semaphore_mem>>
      %dma_start3A = arith.constant 0 : i32
      %dma_start3A_33 = tpu.memref_slice %arg4[%add3A, %dma_start3A] : memref<32x16xi32, #tpu.memory_space<hbm>> -> memref<1x16xi32, #tpu.memory_space<hbm>>
      %dma_start3A_34 = tpu.memref_squeeze %dma_start3A_33 : memref<1x16xi32, #tpu.memory_space<hbm>> -> memref<16xi32, #tpu.memory_space<hbm>>
      %dma_start3A_35 = arith.constant 0 : i32
      %dma_start3A_36 = tpu.memref_slice %arg4[%add3A, %dma_start3A_35] : memref<32x16xi32, #tpu.memory_space<hbm>> -> memref<1x16xi32, #tpu.memory_space<hbm>>
      %dma_start3A_37 = tpu.memref_squeeze %dma_start3A_36 : memref<1x16xi32, #tpu.memory_space<hbm>> -> memref<16xi32, #tpu.memory_space<hbm>>
      tpu.enqueue_dma source(%arg8 : memref<16xi32, #tpu.memory_space<vmem>>) target(%dma_start3A_37 : memref<16xi32, #tpu.memory_space<hbm>>) target_semaphore(%run_scoped3A : memref<!tpu.dma_semaphore, #tpu.memory_space<semaphore_mem>>)
      %dma_wait3A = arith.constant 0 : i32
      %dma_wait3A_38 = tpu.memref_slice %arg4[%add3A, %dma_wait3A] : memref<32x16xi32, #tpu.memory_space<hbm>> -> memref<1x16xi32, #tpu.memory_space<hbm>>
      %dma_wait3A_39 = tpu.memref_squeeze %dma_wait3A_38 : memref<1x16xi32, #tpu.memory_space<hbm>> -> memref<16xi32, #tpu.memory_space<hbm>>
      %dma_wait3A_40 = arith.constant 0 : i32
      %dma_wait3A_41 = tpu.memref_slice %arg4[%add3A, %dma_wait3A_40] : memref<32x16xi32, #tpu.memory_space<hbm>> -> memref<1x16xi32, #tpu.memory_space<hbm>>
      %dma_wait3A_42 = tpu.memref_squeeze %dma_wait3A_41 : memref<1x16xi32, #tpu.memory_space<hbm>> -> memref<16xi32, #tpu.memory_space<hbm>>
      tpu.wait_dma2 semaphore(%run_scoped3A : memref<!tpu.dma_semaphore, #tpu.memory_space<semaphore_mem>>) src(%arg8 : memref<16xi32, #tpu.memory_space<vmem>>) dst(%dma_wait3A_42 : memref<16xi32, #tpu.memory_space<hbm>>)
      tpu.yield
    }) : () -> ()
    return
  }
}

#map = affine_map<(d0, d1) -> (0, 0)>
#map1 = affine_map<(d0, d1) -> (0, 0, 0, 0)>
module attributes {stable_mosaic.version = 14 : i64} {
  func.func @_k2(%arg0: i32, %arg1: i32, %arg2: memref<100000x128xf32, #tpu.memory_space<hbm>>, %arg3: memref<2x16x25x128xi32, #tpu.memory_space<hbm>>, %arg4: memref<100000x128xf32, #tpu.memory_space<hbm>>, %arg5: memref<25x128xi32, #tpu.memory_space<vmem>>, %arg6: memref<128x128xf32, #tpu.memory_space<vmem>>, %arg7: memref<128x128xf32, #tpu.memory_space<vmem>>, %arg8: memref<!tpu.dma_semaphore, #tpu.memory_space<semaphore_mem>>, %arg9: memref<!tpu.dma_semaphore, #tpu.memory_space<semaphore_mem>>) attributes {dimension_semantics = [#tpu.dimension_semantics<core_parallel>, #tpu.dimension_semantics<subcore_parallel>], iteration_bounds = array<i64: 2, 16>, scalar_prefetch = 0 : i64, scratch_operands = 5 : i64, tpu.core_type = #tpu.core_type<sc_vector_subcore>, window_params = [{transform_indices = #map}, {transform_indices = #map1}, {transform_indices = #map}]} {
    %mul3A = arith.constant 16 : i32
    %mul3A_0 = arith.muli %arg0, %mul3A : i32
    %add3A = arith.addi %mul3A_0, %arg1 : i32
    %mul3A_1 = arith.constant 3125 : i32
    %mul3A_2 = arith.muli %add3A, %mul3A_1 : i32
    "tpu.region"() ({
      %run_scoped3A = tpu.sem_alloc : memref<!tpu.dma_semaphore, #tpu.memory_space<semaphore_mem>>
      %dma_start3A_29 = arith.constant 0 : i32
      %dma_start3A_30 = arith.constant 0 : i32
      %dma_start3A_31 = tpu.memref_slice %arg3[%arg0, %arg1, %dma_start3A_29, %dma_start3A_30] : memref<2x16x25x128xi32, #tpu.memory_space<hbm>> -> memref<1x1x25x128xi32, #tpu.memory_space<hbm>>
      %dma_start3A_32 = tpu.memref_squeeze %dma_start3A_31 : memref<1x1x25x128xi32, #tpu.memory_space<hbm>> -> memref<25x128xi32, #tpu.memory_space<hbm>>
      %dma_start3A_33 = arith.constant 0 : i32
      %dma_start3A_34 = arith.constant 0 : i32
      %dma_start3A_35 = tpu.memref_slice %arg3[%arg0, %arg1, %dma_start3A_33, %dma_start3A_34] : memref<2x16x25x128xi32, #tpu.memory_space<hbm>> -> memref<1x1x25x128xi32, #tpu.memory_space<hbm>>
      %dma_start3A_36 = tpu.memref_squeeze %dma_start3A_35 : memref<1x1x25x128xi32, #tpu.memory_space<hbm>> -> memref<25x128xi32, #tpu.memory_space<hbm>>
      tpu.enqueue_dma source(%dma_start3A_36 : memref<25x128xi32, #tpu.memory_space<hbm>>) target(%arg5 : memref<25x128xi32, #tpu.memory_space<vmem>>) target_semaphore(%run_scoped3A : memref<!tpu.dma_semaphore, #tpu.memory_space<semaphore_mem>>)
      %dma_wait3A_37 = arith.constant 0 : i32
      %dma_wait3A_38 = arith.constant 0 : i32
      %dma_wait3A_39 = tpu.memref_slice %arg3[%arg0, %arg1, %dma_wait3A_37, %dma_wait3A_38] : memref<2x16x25x128xi32, #tpu.memory_space<hbm>> -> memref<1x1x25x128xi32, #tpu.memory_space<hbm>>
      %dma_wait3A_40 = tpu.memref_squeeze %dma_wait3A_39 : memref<1x1x25x128xi32, #tpu.memory_space<hbm>> -> memref<25x128xi32, #tpu.memory_space<hbm>>
      %dma_wait3A_41 = arith.constant 0 : i32
      %dma_wait3A_42 = arith.constant 0 : i32
      %dma_wait3A_43 = tpu.memref_slice %arg3[%arg0, %arg1, %dma_wait3A_41, %dma_wait3A_42] : memref<2x16x25x128xi32, #tpu.memory_space<hbm>> -> memref<1x1x25x128xi32, #tpu.memory_space<hbm>>
      %dma_wait3A_44 = tpu.memref_squeeze %dma_wait3A_43 : memref<1x1x25x128xi32, #tpu.memory_space<hbm>> -> memref<25x128xi32, #tpu.memory_space<hbm>>
      tpu.wait_dma2 semaphore(%run_scoped3A : memref<!tpu.dma_semaphore, #tpu.memory_space<semaphore_mem>>) src(%dma_wait3A_44 : memref<25x128xi32, #tpu.memory_space<hbm>>) dst(%arg5 : memref<25x128xi32, #tpu.memory_space<vmem>>)
      tpu.yield
    }) : () -> ()
    %dma_start3A = arith.constant 0 : i32
    %dma_start3A_3 = arith.constant 0 : i32
    %dma_start3A_4 = tpu.memref_slice %arg5[%dma_start3A, %dma_start3A_3] : memref<25x128xi32, #tpu.memory_space<vmem>> -> memref<1x128xi32, #tpu.memory_space<vmem>>
    %dma_start3A_5 = tpu.memref_squeeze %dma_start3A_4 : memref<1x128xi32, #tpu.memory_space<vmem>> -> memref<128xi32, #tpu.memory_space<vmem>>
    %dma_start3A_6 = arith.constant 0 : i32
    %dma_start3A_7 = arith.constant 0 : i32
    %dma_start3A_8 = tpu.memref_slice %arg2[%dma_start3A_6, %dma_start3A_7] : memref<100000x128xf32, #tpu.memory_space<hbm>> -> memref<100000x128xf32, #tpu.memory_space<hbm>>
    tpu.enqueue_indirect_dma source(%dma_start3A_8 : memref<100000x128xf32, #tpu.memory_space<hbm>>) target(%arg6 : memref<128x128xf32, #tpu.memory_space<vmem>>) offsets(%dma_start3A_5 : memref<128xi32, #tpu.memory_space<vmem>>) semaphore(%arg8 : memref<!tpu.dma_semaphore, #tpu.memory_space<semaphore_mem>>)
    %scan3A = arith.constant 0 : i32
    %scan3A_9 = arith.constant 0 : i32
    %scan3A_10 = arith.constant 12 : i32
    %scan3A_11 = arith.addi %scan3A_9, %scan3A_10 : i32
    %scan3A_12 = arith.constant 1 : i32
    scf.for %scan3A_29 = %scan3A_9 to %scan3A_11 step %scan3A_12  : i32 {
      %mul3A_30 = arith.constant 2 : i32
      %mul3A_31 = arith.muli %mul3A_30, %scan3A_29 : i32
      %add3A_32 = arith.constant 1 : i32
      %add3A_33 = arith.addi %mul3A_31, %add3A_32 : i32
      %dma_start3A_34 = arith.constant 0 : i32
      %dma_start3A_35 = tpu.memref_slice %arg5[%add3A_33, %dma_start3A_34] : memref<25x128xi32, #tpu.memory_space<vmem>> -> memref<1x128xi32, #tpu.memory_space<vmem>>
      %dma_start3A_36 = tpu.memref_squeeze %dma_start3A_35 : memref<1x128xi32, #tpu.memory_space<vmem>> -> memref<128xi32, #tpu.memory_space<vmem>>
      %dma_start3A_37 = arith.constant 0 : i32
      %dma_start3A_38 = arith.constant 0 : i32
      %dma_start3A_39 = tpu.memref_slice %arg2[%dma_start3A_37, %dma_start3A_38] : memref<100000x128xf32, #tpu.memory_space<hbm>> -> memref<100000x128xf32, #tpu.memory_space<hbm>>
      tpu.enqueue_indirect_dma source(%dma_start3A_39 : memref<100000x128xf32, #tpu.memory_space<hbm>>) target(%arg7 : memref<128x128xf32, #tpu.memory_space<vmem>>) offsets(%dma_start3A_36 : memref<128xi32, #tpu.memory_space<vmem>>) semaphore(%arg9 : memref<!tpu.dma_semaphore, #tpu.memory_space<semaphore_mem>>)
      %dma_wait3A_40 = arith.constant 0 : i32
      %dma_wait3A_41 = tpu.memref_slice %arg5[%mul3A_31, %dma_wait3A_40] : memref<25x128xi32, #tpu.memory_space<vmem>> -> memref<1x128xi32, #tpu.memory_space<vmem>>
      %dma_wait3A_42 = tpu.memref_squeeze %dma_wait3A_41 : memref<1x128xi32, #tpu.memory_space<vmem>> -> memref<128xi32, #tpu.memory_space<vmem>>
      %dma_wait3A_43 = arith.constant 0 : i32
      %dma_wait3A_44 = arith.constant 0 : i32
      %dma_wait3A_45 = tpu.memref_slice %arg2[%dma_wait3A_43, %dma_wait3A_44] : memref<100000x128xf32, #tpu.memory_space<hbm>> -> memref<100000x128xf32, #tpu.memory_space<hbm>>
      tpu.wait_indirect_dma semaphore(%arg8 : memref<!tpu.dma_semaphore, #tpu.memory_space<semaphore_mem>>) src(%dma_wait3A_45 : memref<100000x128xf32, #tpu.memory_space<hbm>>) dst(%arg6 : memref<128x128xf32, #tpu.memory_space<vmem>>)
      %mul3A_46 = arith.constant 128 : i32
      %mul3A_47 = arith.muli %mul3A_31, %mul3A_46 : i32
      %add3A_48 = arith.addi %mul3A_2, %mul3A_47 : i32
      "tpu.region"() ({
        %run_scoped3A = tpu.sem_alloc : memref<!tpu.dma_semaphore, #tpu.memory_space<semaphore_mem>>
        %dma_start3A_66 = arith.constant 0 : i32
        %dma_start3A_67 = tpu.memref_slice %arg4[%add3A_48, %dma_start3A_66] : memref<100000x128xf32, #tpu.memory_space<hbm>> -> memref<128x128xf32, #tpu.memory_space<hbm>>
        %dma_start3A_68 = arith.constant 0 : i32
        %dma_start3A_69 = tpu.memref_slice %arg4[%add3A_48, %dma_start3A_68] : memref<100000x128xf32, #tpu.memory_space<hbm>> -> memref<128x128xf32, #tpu.memory_space<hbm>>
        tpu.enqueue_dma source(%arg6 : memref<128x128xf32, #tpu.memory_space<vmem>>) target(%dma_start3A_69 : memref<128x128xf32, #tpu.memory_space<hbm>>) target_semaphore(%run_scoped3A : memref<!tpu.dma_semaphore, #tpu.memory_space<semaphore_mem>>)
        %dma_wait3A_70 = arith.constant 0 : i32
        %dma_wait3A_71 = tpu.memref_slice %arg4[%add3A_48, %dma_wait3A_70] : memref<100000x128xf32, #tpu.memory_space<hbm>> -> memref<128x128xf32, #tpu.memory_space<hbm>>
        %dma_wait3A_72 = arith.constant 0 : i32
        %dma_wait3A_73 = tpu.memref_slice %arg4[%add3A_48, %dma_wait3A_72] : memref<100000x128xf32, #tpu.memory_space<hbm>> -> memref<128x128xf32, #tpu.memory_space<hbm>>
        tpu.wait_dma2 semaphore(%run_scoped3A : memref<!tpu.dma_semaphore, #tpu.memory_space<semaphore_mem>>) src(%arg6 : memref<128x128xf32, #tpu.memory_space<vmem>>) dst(%dma_wait3A_73 : memref<128x128xf32, #tpu.memory_space<hbm>>)
        tpu.yield
      }) : () -> ()
      %add3A_49 = arith.constant 2 : i32
      %add3A_50 = arith.addi %mul3A_31, %add3A_49 : i32
      %lt3A = arith.constant 24 : i32
      %lt3A_51 = arith.cmpi slt, %add3A_50, %lt3A : i32
      %convert_element_type3A = arith.extui %lt3A_51 : i1 to i32
      %cond3A = arith.constant 0 : i32
      %cond3A_52 = arith.cmpi ne, %convert_element_type3A, %cond3A : i32
      scf.if %cond3A_52 {
        %add3A_66 = arith.constant 2 : i32
        %add3A_67 = arith.addi %mul3A_31, %add3A_66 : i32
        %dma_start3A_68 = arith.constant 0 : i32
        %dma_start3A_69 = tpu.memref_slice %arg5[%add3A_67, %dma_start3A_68] : memref<25x128xi32, #tpu.memory_space<vmem>> -> memref<1x128xi32, #tpu.memory_space<vmem>>
        %dma_start3A_70 = tpu.memref_squeeze %dma_start3A_69 : memref<1x128xi32, #tpu.memory_space<vmem>> -> memref<128xi32, #tpu.memory_space<vmem>>
        %dma_start3A_71 = arith.constant 0 : i32
        %dma_start3A_72 = arith.constant 0 : i32
        %dma_start3A_73 = tpu.memref_slice %arg2[%dma_start3A_71, %dma_start3A_72] : memref<100000x128xf32, #tpu.memory_space<hbm>> -> memref<100000x128xf32, #tpu.memory_space<hbm>>
        tpu.enqueue_indirect_dma source(%dma_start3A_73 : memref<100000x128xf32, #tpu.memory_space<hbm>>) target(%arg6 : memref<128x128xf32, #tpu.memory_space<vmem>>) offsets(%dma_start3A_70 : memref<128xi32, #tpu.memory_space<vmem>>) semaphore(%arg8 : memref<!tpu.dma_semaphore, #tpu.memory_space<semaphore_mem>>)
      } else {
      }
      %add3A_53 = arith.constant 1 : i32
      %add3A_54 = arith.addi %mul3A_31, %add3A_53 : i32
      %dma_wait3A_55 = arith.constant 0 : i32
      %dma_wait3A_56 = tpu.memref_slice %arg5[%add3A_54, %dma_wait3A_55] : memref<25x128xi32, #tpu.memory_space<vmem>> -> memref<1x128xi32, #tpu.memory_space<vmem>>
      %dma_wait3A_57 = tpu.memref_squeeze %dma_wait3A_56 : memref<1x128xi32, #tpu.memory_space<vmem>> -> memref<128xi32, #tpu.memory_space<vmem>>
      %dma_wait3A_58 = arith.constant 0 : i32
      %dma_wait3A_59 = arith.constant 0 : i32
      %dma_wait3A_60 = tpu.memref_slice %arg2[%dma_wait3A_58, %dma_wait3A_59] : memref<100000x128xf32, #tpu.memory_space<hbm>> -> memref<100000x128xf32, #tpu.memory_space<hbm>>
      tpu.wait_indirect_dma semaphore(%arg9 : memref<!tpu.dma_semaphore, #tpu.memory_space<semaphore_mem>>) src(%dma_wait3A_60 : memref<100000x128xf32, #tpu.memory_space<hbm>>) dst(%arg7 : memref<128x128xf32, #tpu.memory_space<vmem>>)
      %add3A_61 = arith.constant 1 : i32
      %add3A_62 = arith.addi %mul3A_31, %add3A_61 : i32
      %mul3A_63 = arith.constant 128 : i32
      %mul3A_64 = arith.muli %add3A_62, %mul3A_63 : i32
      %add3A_65 = arith.addi %mul3A_2, %mul3A_64 : i32
      "tpu.region"() ({
        %run_scoped3A = tpu.sem_alloc : memref<!tpu.dma_semaphore, #tpu.memory_space<semaphore_mem>>
        %dma_start3A_66 = arith.constant 0 : i32
        %dma_start3A_67 = tpu.memref_slice %arg4[%add3A_65, %dma_start3A_66] : memref<100000x128xf32, #tpu.memory_space<hbm>> -> memref<128x128xf32, #tpu.memory_space<hbm>>
        %dma_start3A_68 = arith.constant 0 : i32
        %dma_start3A_69 = tpu.memref_slice %arg4[%add3A_65, %dma_start3A_68] : memref<100000x128xf32, #tpu.memory_space<hbm>> -> memref<128x128xf32, #tpu.memory_space<hbm>>
        tpu.enqueue_dma source(%arg7 : memref<128x128xf32, #tpu.memory_space<vmem>>) target(%dma_start3A_69 : memref<128x128xf32, #tpu.memory_space<hbm>>) target_semaphore(%run_scoped3A : memref<!tpu.dma_semaphore, #tpu.memory_space<semaphore_mem>>)
        %dma_wait3A_70 = arith.constant 0 : i32
        %dma_wait3A_71 = tpu.memref_slice %arg4[%add3A_65, %dma_wait3A_70] : memref<100000x128xf32, #tpu.memory_space<hbm>> -> memref<128x128xf32, #tpu.memory_space<hbm>>
        %dma_wait3A_72 = arith.constant 0 : i32
        %dma_wait3A_73 = tpu.memref_slice %arg4[%add3A_65, %dma_wait3A_72] : memref<100000x128xf32, #tpu.memory_space<hbm>> -> memref<128x128xf32, #tpu.memory_space<hbm>>
        tpu.wait_dma2 semaphore(%run_scoped3A : memref<!tpu.dma_semaphore, #tpu.memory_space<semaphore_mem>>) src(%arg7 : memref<128x128xf32, #tpu.memory_space<vmem>>) dst(%dma_wait3A_73 : memref<128x128xf32, #tpu.memory_space<hbm>>)
        tpu.yield
      }) : () -> ()
    }
    %scan3A_13 = arith.constant 12 : i32
    %dma_start3A_14 = arith.constant 24 : i32
    %dma_start3A_15 = arith.constant 0 : i32
    %dma_start3A_16 = tpu.memref_slice %arg5[%dma_start3A_14, %dma_start3A_15] : memref<25x128xi32, #tpu.memory_space<vmem>> -> memref<1x128xi32, #tpu.memory_space<vmem>>
    %dma_start3A_17 = tpu.memref_squeeze %dma_start3A_16 : memref<1x128xi32, #tpu.memory_space<vmem>> -> memref<128xi32, #tpu.memory_space<vmem>>
    %dma_start3A_18 = arith.constant 0 : i32
    %dma_start3A_19 = arith.constant 0 : i32
    %dma_start3A_20 = tpu.memref_slice %arg2[%dma_start3A_18, %dma_start3A_19] : memref<100000x128xf32, #tpu.memory_space<hbm>> -> memref<100000x128xf32, #tpu.memory_space<hbm>>
    tpu.enqueue_indirect_dma source(%dma_start3A_20 : memref<100000x128xf32, #tpu.memory_space<hbm>>) target(%arg6 : memref<128x128xf32, #tpu.memory_space<vmem>>) offsets(%dma_start3A_17 : memref<128xi32, #tpu.memory_space<vmem>>) semaphore(%arg8 : memref<!tpu.dma_semaphore, #tpu.memory_space<semaphore_mem>>)
    %dma_wait3A = arith.constant 24 : i32
    %dma_wait3A_21 = arith.constant 0 : i32
    %dma_wait3A_22 = tpu.memref_slice %arg5[%dma_wait3A, %dma_wait3A_21] : memref<25x128xi32, #tpu.memory_space<vmem>> -> memref<1x128xi32, #tpu.memory_space<vmem>>
    %dma_wait3A_23 = tpu.memref_squeeze %dma_wait3A_22 : memref<1x128xi32, #tpu.memory_space<vmem>> -> memref<128xi32, #tpu.memory_space<vmem>>
    %dma_wait3A_24 = arith.constant 0 : i32
    %dma_wait3A_25 = arith.constant 0 : i32
    %dma_wait3A_26 = tpu.memref_slice %arg2[%dma_wait3A_24, %dma_wait3A_25] : memref<100000x128xf32, #tpu.memory_space<hbm>> -> memref<100000x128xf32, #tpu.memory_space<hbm>>
    tpu.wait_indirect_dma semaphore(%arg8 : memref<!tpu.dma_semaphore, #tpu.memory_space<semaphore_mem>>) src(%dma_wait3A_26 : memref<100000x128xf32, #tpu.memory_space<hbm>>) dst(%arg6 : memref<128x128xf32, #tpu.memory_space<vmem>>)
    %add3A_27 = arith.constant 3072 : i32
    %add3A_28 = arith.addi %mul3A_2, %add3A_27 : i32
    "tpu.region"() ({
      %run_scoped3A = tpu.sem_alloc : memref<!tpu.dma_semaphore, #tpu.memory_space<semaphore_mem>>
      %dma_start3A_29 = arith.constant 0 : i32
      %dma_start3A_30 = arith.constant 0 : i32
      %dma_start3A_31 = tpu.memref_slice %arg6[%dma_start3A_29, %dma_start3A_30] : memref<128x128xf32, #tpu.memory_space<vmem>> -> memref<53x128xf32, #tpu.memory_space<vmem>>
      %dma_start3A_32 = arith.constant 0 : i32
      %dma_start3A_33 = tpu.memref_slice %arg4[%add3A_28, %dma_start3A_32] : memref<100000x128xf32, #tpu.memory_space<hbm>> -> memref<53x128xf32, #tpu.memory_space<hbm>>
      %dma_start3A_34 = arith.constant 0 : i32
      %dma_start3A_35 = tpu.memref_slice %arg4[%add3A_28, %dma_start3A_34] : memref<100000x128xf32, #tpu.memory_space<hbm>> -> memref<53x128xf32, #tpu.memory_space<hbm>>
      %dma_start3A_36 = arith.constant 0 : i32
      %dma_start3A_37 = arith.constant 0 : i32
      %dma_start3A_38 = tpu.memref_slice %arg6[%dma_start3A_36, %dma_start3A_37] : memref<128x128xf32, #tpu.memory_space<vmem>> -> memref<53x128xf32, #tpu.memory_space<vmem>>
      tpu.enqueue_dma source(%dma_start3A_38 : memref<53x128xf32, #tpu.memory_space<vmem>>) target(%dma_start3A_35 : memref<53x128xf32, #tpu.memory_space<hbm>>) target_semaphore(%run_scoped3A : memref<!tpu.dma_semaphore, #tpu.memory_space<semaphore_mem>>)
      %dma_wait3A_39 = arith.constant 0 : i32
      %dma_wait3A_40 = arith.constant 0 : i32
      %dma_wait3A_41 = tpu.memref_slice %arg6[%dma_wait3A_39, %dma_wait3A_40] : memref<128x128xf32, #tpu.memory_space<vmem>> -> memref<53x128xf32, #tpu.memory_space<vmem>>
      %dma_wait3A_42 = arith.constant 0 : i32
      %dma_wait3A_43 = tpu.memref_slice %arg4[%add3A_28, %dma_wait3A_42] : memref<100000x128xf32, #tpu.memory_space<hbm>> -> memref<53x128xf32, #tpu.memory_space<hbm>>
      %dma_wait3A_44 = arith.constant 0 : i32
      %dma_wait3A_45 = tpu.memref_slice %arg4[%add3A_28, %dma_wait3A_44] : memref<100000x128xf32, #tpu.memory_space<hbm>> -> memref<53x128xf32, #tpu.memory_space<hbm>>
      %dma_wait3A_46 = arith.constant 0 : i32
      %dma_wait3A_47 = arith.constant 0 : i32
      %dma_wait3A_48 = tpu.memref_slice %arg6[%dma_wait3A_46, %dma_wait3A_47] : memref<128x128xf32, #tpu.memory_space<vmem>> -> memref<53x128xf32, #tpu.memory_space<vmem>>
      tpu.wait_dma2 semaphore(%run_scoped3A : memref<!tpu.dma_semaphore, #tpu.memory_space<semaphore_mem>>) src(%dma_wait3A_48 : memref<53x128xf32, #tpu.memory_space<vmem>>) dst(%dma_wait3A_45 : memref<53x128xf32, #tpu.memory_space<hbm>>)
      tpu.yield
    }) : () -> ()
    return
  }
}

#map = affine_map<(d0, d1) -> (0, 0)>
#map1 = affine_map<(d0, d1) -> (0, 0, 0, 0, 0)>
#map2 = affine_map<(d0, d1) -> (0, 0, 0)>
module attributes {stable_mosaic.version = 14 : i64} {
  func.func @_k3(%arg0: i32, %arg1: i32, %arg2: memref<400000x32xf32, #tpu.memory_space<hbm>>, %arg3: memref<2x2x16x196x128xi32, #tpu.memory_space<hbm>>, %arg4: memref<16x196x128xi32, #tpu.memory_space<hbm>>, %arg5: memref<6x25088x32xf32, #tpu.memory_space<hbm>>, %arg6: memref<196x128xi32, #tpu.memory_space<vmem>>, %arg7: memref<196x128xi32, #tpu.memory_space<vmem>>, %arg8: memref<128x32xf32, #tpu.memory_space<vmem>>, %arg9: memref<128x32xf32, #tpu.memory_space<vmem>>, %arg10: memref<128x32xf32, #tpu.memory_space<vmem>>, %arg11: memref<56x32xf32, #tpu.memory_space<vmem>>, %arg12: memref<25088x32xf32, #tpu.memory_space<vmem_shared>>, %arg13: memref<!tpu.dma_semaphore, #tpu.memory_space<semaphore_mem>>, %arg14: memref<!tpu.dma_semaphore, #tpu.memory_space<semaphore_mem>>) attributes {dimension_semantics = [#tpu.dimension_semantics<core_parallel>, #tpu.dimension_semantics<subcore_parallel>], iteration_bounds = array<i64: 2, 16>, scalar_prefetch = 0 : i64, scratch_operands = 9 : i64, tpu.core_type = #tpu.core_type<sc_vector_subcore>, window_params = [{transform_indices = #map}, {transform_indices = #map1}, {transform_indices = #map2}, {transform_indices = #map2}]} {
    %scan3A = arith.constant 0 : i32
    %scan3A_0 = arith.constant 0 : i32
    %scan3A_1 = arith.constant 112 : i32
    %scan3A_2 = arith.addi %scan3A_0, %scan3A_1 : i32
    %scan3A_3 = arith.constant 1 : i32
    scf.for %scan3A_86 = %scan3A_0 to %scan3A_2 step %scan3A_3  : i32 {
      %jit3A = arith.constant 2 : i32
      %div3A = arith.divsi %scan3A_86, %jit3A : i32
      %sign3A = arith.constant 0 : i32
      %sign3A_87 = arith.cmpi sgt, %scan3A_86, %sign3A : i32
      %sign3A_88 = arith.extui %sign3A_87 : i1 to i32
      %sign3A_89 = arith.constant 0 : i32
      %sign3A_90 = arith.cmpi slt, %scan3A_86, %sign3A_89 : i32
      %sign3A_91 = arith.extui %sign3A_90 : i1 to i32
      %sign3A_92 = arith.subi %sign3A_88, %sign3A_91 : i32
      %sign3A_93 = arith.constant 0 : i32
      %sign3A_94 = arith.cmpi sgt, %jit3A, %sign3A_93 : i32
      %sign3A_95 = arith.extui %sign3A_94 : i1 to i32
      %sign3A_96 = arith.constant 0 : i32
      %sign3A_97 = arith.cmpi slt, %jit3A, %sign3A_96 : i32
      %sign3A_98 = arith.extui %sign3A_97 : i1 to i32
      %sign3A_99 = arith.subi %sign3A_95, %sign3A_98 : i32
      %ne3A = arith.cmpi ne, %sign3A_92, %sign3A_99 : i32
      %rem3A = arith.remsi %scan3A_86, %jit3A : i32
      %ne3A_100 = arith.constant 0 : i32
      %ne3A_101 = arith.cmpi ne, %rem3A, %ne3A_100 : i32
      %and3A = arith.andi %ne3A, %ne3A_101 : i1
      %sub3A = arith.constant 1 : i32
      %sub3A_102 = arith.subi %div3A, %sub3A : i32
      %select_n3A = arith.select %and3A, %sub3A_102, %div3A : i32
      %jit3A_103 = arith.constant 2 : i32
      %eq3A = arith.constant 0 : i32
      %eq3A_104 = arith.cmpi eq, %jit3A_103, %eq3A : i32
      %jit3A_105 = arith.constant 1 : i32
      %select_n3A_106 = arith.select %eq3A_104, %jit3A_105, %jit3A_103 : i32
      %rem3A_107 = arith.remsi %scan3A_86, %select_n3A_106 : i32
      %ne3A_108 = arith.constant 0 : i32
      %ne3A_109 = arith.cmpi ne, %rem3A_107, %ne3A_108 : i32
      %lt3A = arith.constant 0 : i32
      %lt3A_110 = arith.cmpi slt, %rem3A_107, %lt3A : i32
      %lt3A_111 = arith.constant 0 : i32
      %lt3A_112 = arith.cmpi slt, %select_n3A_106, %lt3A_111 : i32
      %ne3A_113 = arith.xori %lt3A_110, %lt3A_112 : i1
      %and3A_114 = arith.andi %ne3A_113, %ne3A_109 : i1
      %add3A_115 = arith.addi %rem3A_107, %select_n3A_106 : i32
      %select_n3A_116 = arith.select %and3A_114, %add3A_115, %rem3A_107 : i32
      %broadcast_in_dim3A = arith.constant 0.000000e+00 : f32
      %broadcast_in_dim3A_117 = vector.broadcast %broadcast_in_dim3A : f32 to vector<16xf32>
      %mul3A_118 = arith.constant 16 : i32
      %mul3A_119 = arith.muli %select_n3A_116, %mul3A_118 : i32
      %swap3A = arith.index_cast %select_n3A : i32 to index
      %swap3A_120 = arith.index_cast %mul3A_119 : i32 to index
      %swap3A_121 = tpu.vector_load %arg11[%swap3A, %swap3A_120] {strides = array<i32>} : memref<56x32xf32, #tpu.memory_space<vmem>>, vector<16xf32>,
      tpu.vector_store %arg11[%swap3A, %swap3A_120], %broadcast_in_dim3A_117 {strides = array<i32>} : memref<56x32xf32, #tpu.memory_space<vmem>>, vector<16xf32>,
    }
    %scan3A_4 = arith.constant 112 : i32
    %scan3A_5 = arith.constant 0 : i32
    %scan3A_6 = arith.constant 0 : i32
    %scan3A_7 = arith.constant 256 : i32
    %scan3A_8 = arith.addi %scan3A_6, %scan3A_7 : i32
    %scan3A_9 = arith.constant 1 : i32
    scf.for %scan3A_86 = %scan3A_6 to %scan3A_8 step %scan3A_9  : i32 {
      %jit3A = arith.constant 2 : i32
      %div3A = arith.divsi %scan3A_86, %jit3A : i32
      %sign3A = arith.constant 0 : i32
      %sign3A_87 = arith.cmpi sgt, %scan3A_86, %sign3A : i32
      %sign3A_88 = arith.extui %sign3A_87 : i1 to i32
      %sign3A_89 = arith.constant 0 : i32
      %sign3A_90 = arith.cmpi slt, %scan3A_86, %sign3A_89 : i32
      %sign3A_91 = arith.extui %sign3A_90 : i1 to i32
      %sign3A_92 = arith.subi %sign3A_88, %sign3A_91 : i32
      %sign3A_93 = arith.constant 0 : i32
      %sign3A_94 = arith.cmpi sgt, %jit3A, %sign3A_93 : i32
      %sign3A_95 = arith.extui %sign3A_94 : i1 to i32
      %sign3A_96 = arith.constant 0 : i32
      %sign3A_97 = arith.cmpi slt, %jit3A, %sign3A_96 : i32
      %sign3A_98 = arith.extui %sign3A_97 : i1 to i32
      %sign3A_99 = arith.subi %sign3A_95, %sign3A_98 : i32
      %ne3A = arith.cmpi ne, %sign3A_92, %sign3A_99 : i32
      %rem3A = arith.remsi %scan3A_86, %jit3A : i32
      %ne3A_100 = arith.constant 0 : i32
      %ne3A_101 = arith.cmpi ne, %rem3A, %ne3A_100 : i32
      %and3A = arith.andi %ne3A, %ne3A_101 : i1
      %sub3A = arith.constant 1 : i32
      %sub3A_102 = arith.subi %div3A, %sub3A : i32
      %select_n3A = arith.select %and3A, %sub3A_102, %div3A : i32
      %jit3A_103 = arith.constant 2 : i32
      %eq3A = arith.constant 0 : i32
      %eq3A_104 = arith.cmpi eq, %jit3A_103, %eq3A : i32
      %jit3A_105 = arith.constant 1 : i32
      %select_n3A_106 = arith.select %eq3A_104, %jit3A_105, %jit3A_103 : i32
      %rem3A_107 = arith.remsi %scan3A_86, %select_n3A_106 : i32
      %ne3A_108 = arith.constant 0 : i32
      %ne3A_109 = arith.cmpi ne, %rem3A_107, %ne3A_108 : i32
      %lt3A = arith.constant 0 : i32
      %lt3A_110 = arith.cmpi slt, %rem3A_107, %lt3A : i32
      %lt3A_111 = arith.constant 0 : i32
      %lt3A_112 = arith.cmpi slt, %select_n3A_106, %lt3A_111 : i32
      %ne3A_113 = arith.xori %lt3A_110, %lt3A_112 : i1
      %and3A_114 = arith.andi %ne3A_113, %ne3A_109 : i1
      %add3A_115 = arith.addi %rem3A_107, %select_n3A_106 : i32
      %select_n3A_116 = arith.select %and3A_114, %add3A_115, %rem3A_107 : i32
      %broadcast_in_dim3A = arith.constant 1.000000e+00 : f32
      %broadcast_in_dim3A_117 = vector.broadcast %broadcast_in_dim3A : f32 to vector<16xf32>
      %mul3A_118 = arith.constant 16 : i32
      %mul3A_119 = arith.muli %select_n3A_116, %mul3A_118 : i32
      %swap3A = arith.index_cast %select_n3A : i32 to index
      %swap3A_120 = arith.index_cast %mul3A_119 : i32 to index
      %swap3A_121 = tpu.vector_load %arg10[%swap3A, %swap3A_120] {strides = array<i32>} : memref<128x32xf32, #tpu.memory_space<vmem>>, vector<16xf32>,
      tpu.vector_store %arg10[%swap3A, %swap3A_120], %broadcast_in_dim3A_117 {strides = array<i32>} : memref<128x32xf32, #tpu.memory_space<vmem>>, vector<16xf32>,
    }
    %scan3A_10 = arith.constant 256 : i32
    "tpu.region"() ({
      %run_scoped3A_86 = tpu.sem_alloc : memref<!tpu.dma_semaphore, #tpu.memory_space<semaphore_mem>>
      %dma_start3A_87 = arith.constant 0 : i32
      %dma_start3A_88 = arith.constant 0 : i32
      %dma_start3A_89 = tpu.memref_slice %arg4[%arg1, %dma_start3A_87, %dma_start3A_88] : memref<16x196x128xi32, #tpu.memory_space<hbm>> -> memref<1x196x128xi32, #tpu.memory_space<hbm>>
      %dma_start3A_90 = tpu.memref_squeeze %dma_start3A_89 : memref<1x196x128xi32, #tpu.memory_space<hbm>> -> memref<196x128xi32, #tpu.memory_space<hbm>>
      %dma_start3A_91 = arith.constant 0 : i32
      %dma_start3A_92 = arith.constant 0 : i32
      %dma_start3A_93 = tpu.memref_slice %arg4[%arg1, %dma_start3A_91, %dma_start3A_92] : memref<16x196x128xi32, #tpu.memory_space<hbm>> -> memref<1x196x128xi32, #tpu.memory_space<hbm>>
      %dma_start3A_94 = tpu.memref_squeeze %dma_start3A_93 : memref<1x196x128xi32, #tpu.memory_space<hbm>> -> memref<196x128xi32, #tpu.memory_space<hbm>>
      tpu.enqueue_dma source(%dma_start3A_94 : memref<196x128xi32, #tpu.memory_space<hbm>>) target(%arg7 : memref<196x128xi32, #tpu.memory_space<vmem>>) target_semaphore(%run_scoped3A_86 : memref<!tpu.dma_semaphore, #tpu.memory_space<semaphore_mem>>)
      %dma_wait3A = arith.constant 0 : i32
      %dma_wait3A_95 = arith.constant 0 : i32
      %dma_wait3A_96 = tpu.memref_slice %arg4[%arg1, %dma_wait3A, %dma_wait3A_95] : memref<16x196x128xi32, #tpu.memory_space<hbm>> -> memref<1x196x128xi32, #tpu.memory_space<hbm>>
      %dma_wait3A_97 = tpu.memref_squeeze %dma_wait3A_96 : memref<1x196x128xi32, #tpu.memory_space<hbm>> -> memref<196x128xi32, #tpu.memory_space<hbm>>
      %dma_wait3A_98 = arith.constant 0 : i32
      %dma_wait3A_99 = arith.constant 0 : i32
      %dma_wait3A_100 = tpu.memref_slice %arg4[%arg1, %dma_wait3A_98, %dma_wait3A_99] : memref<16x196x128xi32, #tpu.memory_space<hbm>> -> memref<1x196x128xi32, #tpu.memory_space<hbm>>
      %dma_wait3A_101 = tpu.memref_squeeze %dma_wait3A_100 : memref<1x196x128xi32, #tpu.memory_space<hbm>> -> memref<196x128xi32, #tpu.memory_space<hbm>>
      tpu.wait_dma2 semaphore(%run_scoped3A_86 : memref<!tpu.dma_semaphore, #tpu.memory_space<semaphore_mem>>) src(%dma_wait3A_101 : memref<196x128xi32, #tpu.memory_space<hbm>>) dst(%arg7 : memref<196x128xi32, #tpu.memory_space<vmem>>)
      tpu.yield
    }) : () -> ()
    %run_scoped3A = arith.constant 0 : i32
    "tpu.region"() ({
      %run_scoped3A_86 = tpu.sem_alloc : memref<!tpu.dma_semaphore, #tpu.memory_space<semaphore_mem>>
      %dma_start3A_87 = arith.constant 0 : i32
      %dma_start3A_88 = arith.constant 0 : i32
      %dma_start3A_89 = tpu.memref_slice %arg3[%arg0, %run_scoped3A, %arg1, %dma_start3A_87, %dma_start3A_88] : memref<2x2x16x196x128xi32, #tpu.memory_space<hbm>> -> memref<1x1x1x196x128xi32, #tpu.memory_space<hbm>>
      %dma_start3A_90 = tpu.memref_squeeze %dma_start3A_89 : memref<1x1x1x196x128xi32, #tpu.memory_space<hbm>> -> memref<196x128xi32, #tpu.memory_space<hbm>>
      %dma_start3A_91 = arith.constant 0 : i32
      %dma_start3A_92 = arith.constant 0 : i32
      %dma_start3A_93 = tpu.memref_slice %arg3[%arg0, %run_scoped3A, %arg1, %dma_start3A_91, %dma_start3A_92] : memref<2x2x16x196x128xi32, #tpu.memory_space<hbm>> -> memref<1x1x1x196x128xi32, #tpu.memory_space<hbm>>
      %dma_start3A_94 = tpu.memref_squeeze %dma_start3A_93 : memref<1x1x1x196x128xi32, #tpu.memory_space<hbm>> -> memref<196x128xi32, #tpu.memory_space<hbm>>
      tpu.enqueue_dma source(%dma_start3A_94 : memref<196x128xi32, #tpu.memory_space<hbm>>) target(%arg6 : memref<196x128xi32, #tpu.memory_space<vmem>>) target_semaphore(%run_scoped3A_86 : memref<!tpu.dma_semaphore, #tpu.memory_space<semaphore_mem>>)
      %dma_wait3A = arith.constant 0 : i32
      %dma_wait3A_95 = arith.constant 0 : i32
      %dma_wait3A_96 = tpu.memref_slice %arg3[%arg0, %run_scoped3A, %arg1, %dma_wait3A, %dma_wait3A_95] : memref<2x2x16x196x128xi32, #tpu.memory_space<hbm>> -> memref<1x1x1x196x128xi32, #tpu.memory_space<hbm>>
      %dma_wait3A_97 = tpu.memref_squeeze %dma_wait3A_96 : memref<1x1x1x196x128xi32, #tpu.memory_space<hbm>> -> memref<196x128xi32, #tpu.memory_space<hbm>>
      %dma_wait3A_98 = arith.constant 0 : i32
      %dma_wait3A_99 = arith.constant 0 : i32
      %dma_wait3A_100 = tpu.memref_slice %arg3[%arg0, %run_scoped3A, %arg1, %dma_wait3A_98, %dma_wait3A_99] : memref<2x2x16x196x128xi32, #tpu.memory_space<hbm>> -> memref<1x1x1x196x128xi32, #tpu.memory_space<hbm>>
      %dma_wait3A_101 = tpu.memref_squeeze %dma_wait3A_100 : memref<1x1x1x196x128xi32, #tpu.memory_space<hbm>> -> memref<196x128xi32, #tpu.memory_space<hbm>>
      tpu.wait_dma2 semaphore(%run_scoped3A_86 : memref<!tpu.dma_semaphore, #tpu.memory_space<semaphore_mem>>) src(%dma_wait3A_101 : memref<196x128xi32, #tpu.memory_space<hbm>>) dst(%arg6 : memref<196x128xi32, #tpu.memory_space<vmem>>)
      tpu.yield
    }) : () -> ()
    %scan3A_11 = arith.constant 0 : i32
    %scan3A_12 = arith.constant 0 : i32
    %scan3A_13 = arith.constant 28 : i32
    %scan3A_14 = arith.addi %scan3A_12, %scan3A_13 : i32
    %scan3A_15 = arith.constant 1 : i32
    scf.for %scan3A_86 = %scan3A_12 to %scan3A_14 step %scan3A_15  : i32 {
      %mul3A_87 = arith.constant 1568 : i32
      %mul3A_88 = arith.muli %arg1, %mul3A_87 : i32
      %mul3A_89 = arith.constant 56 : i32
      %mul3A_90 = arith.muli %scan3A_86, %mul3A_89 : i32
      %add3A_91 = arith.addi %mul3A_88, %mul3A_90 : i32
      "tpu.region"() ({
        %run_scoped3A_92 = tpu.sem_alloc : memref<!tpu.dma_semaphore, #tpu.memory_space<semaphore_mem>>
        %dma_start3A_93 = arith.constant 0 : i32
        %dma_start3A_94 = tpu.memref_slice %arg12[%add3A_91, %dma_start3A_93] : memref<25088x32xf32, #tpu.memory_space<vmem_shared>> -> memref<56x32xf32, #tpu.memory_space<vmem_shared>>
        %dma_start3A_95 = arith.constant 0 : i32
        %dma_start3A_96 = tpu.memref_slice %arg12[%add3A_91, %dma_start3A_95] : memref<25088x32xf32, #tpu.memory_space<vmem_shared>> -> memref<56x32xf32, #tpu.memory_space<vmem_shared>>
        tpu.enqueue_dma source(%arg11 : memref<56x32xf32, #tpu.memory_space<vmem>>) target(%dma_start3A_96 : memref<56x32xf32, #tpu.memory_space<vmem_shared>>) target_semaphore(%run_scoped3A_92 : memref<!tpu.dma_semaphore, #tpu.memory_space<semaphore_mem>>)
        %dma_wait3A = arith.constant 0 : i32
        %dma_wait3A_97 = tpu.memref_slice %arg12[%add3A_91, %dma_wait3A] : memref<25088x32xf32, #tpu.memory_space<vmem_shared>> -> memref<56x32xf32, #tpu.memory_space<vmem_shared>>
        %dma_wait3A_98 = arith.constant 0 : i32
        %dma_wait3A_99 = tpu.memref_slice %arg12[%add3A_91, %dma_wait3A_98] : memref<25088x32xf32, #tpu.memory_space<vmem_shared>> -> memref<56x32xf32, #tpu.memory_space<vmem_shared>>
        tpu.wait_dma2 semaphore(%run_scoped3A_92 : memref<!tpu.dma_semaphore, #tpu.memory_space<semaphore_mem>>) src(%arg11 : memref<56x32xf32, #tpu.memory_space<vmem>>) dst(%dma_wait3A_99 : memref<56x32xf32, #tpu.memory_space<vmem_shared>>)
        tpu.yield
      }) : () -> ()
    }
    %scan3A_16 = arith.constant 28 : i32
    %barrier3A = arith.constant 0 : index
    tpu.barrier barrier_id(%barrier3A)
    %dma_start3A = arith.constant 0 : i32
    %dma_start3A_17 = arith.constant 0 : i32
    %dma_start3A_18 = tpu.memref_slice %arg6[%dma_start3A, %dma_start3A_17] : memref<196x128xi32, #tpu.memory_space<vmem>> -> memref<1x128xi32, #tpu.memory_space<vmem>>
    %dma_start3A_19 = tpu.memref_squeeze %dma_start3A_18 : memref<1x128xi32, #tpu.memory_space<vmem>> -> memref<128xi32, #tpu.memory_space<vmem>>
    %dma_start3A_20 = arith.constant 0 : i32
    %dma_start3A_21 = arith.constant 0 : i32
    %dma_start3A_22 = tpu.memref_slice %arg2[%dma_start3A_20, %dma_start3A_21] : memref<400000x32xf32, #tpu.memory_space<hbm>> -> memref<400000x32xf32, #tpu.memory_space<hbm>>
    tpu.enqueue_indirect_dma source(%dma_start3A_22 : memref<400000x32xf32, #tpu.memory_space<hbm>>) target(%arg8 : memref<128x32xf32, #tpu.memory_space<vmem>>) offsets(%dma_start3A_19 : memref<128xi32, #tpu.memory_space<vmem>>) semaphore(%arg13 : memref<!tpu.dma_semaphore, #tpu.memory_space<semaphore_mem>>)
    %scan3A_23 = arith.constant 0 : i32
    %scan3A_24 = arith.constant 0 : i32
    %scan3A_25 = arith.constant 98 : i32
    %scan3A_26 = arith.addi %scan3A_24, %scan3A_25 : i32
    %scan3A_27 = arith.constant 1 : i32
    scf.for %scan3A_86 = %scan3A_24 to %scan3A_26 step %scan3A_27  : i32 {
      %mul3A_87 = arith.constant 2 : i32
      %mul3A_88 = arith.muli %mul3A_87, %scan3A_86 : i32
      %add3A_89 = arith.constant 1 : i32
      %add3A_90 = arith.addi %mul3A_88, %add3A_89 : i32
      %dma_start3A_91 = arith.constant 0 : i32
      %dma_start3A_92 = tpu.memref_slice %arg6[%add3A_90, %dma_start3A_91] : memref<196x128xi32, #tpu.memory_space<vmem>> -> memref<1x128xi32, #tpu.memory_space<vmem>>
      %dma_start3A_93 = tpu.memref_squeeze %dma_start3A_92 : memref<1x128xi32, #tpu.memory_space<vmem>> -> memref<128xi32, #tpu.memory_space<vmem>>
      %dma_start3A_94 = arith.constant 0 : i32
      %dma_start3A_95 = arith.constant 0 : i32
      %dma_start3A_96 = tpu.memref_slice %arg2[%dma_start3A_94, %dma_start3A_95] : memref<400000x32xf32, #tpu.memory_space<hbm>> -> memref<400000x32xf32, #tpu.memory_space<hbm>>
      tpu.enqueue_indirect_dma source(%dma_start3A_96 : memref<400000x32xf32, #tpu.memory_space<hbm>>) target(%arg9 : memref<128x32xf32, #tpu.memory_space<vmem>>) offsets(%dma_start3A_93 : memref<128xi32, #tpu.memory_space<vmem>>) semaphore(%arg14 : memref<!tpu.dma_semaphore, #tpu.memory_space<semaphore_mem>>)
      %dma_wait3A = arith.constant 0 : i32
      %dma_wait3A_97 = tpu.memref_slice %arg6[%mul3A_88, %dma_wait3A] : memref<196x128xi32, #tpu.memory_space<vmem>> -> memref<1x128xi32, #tpu.memory_space<vmem>>
      %dma_wait3A_98 = tpu.memref_squeeze %dma_wait3A_97 : memref<1x128xi32, #tpu.memory_space<vmem>> -> memref<128xi32, #tpu.memory_space<vmem>>
      %dma_wait3A_99 = arith.constant 0 : i32
      %dma_wait3A_100 = arith.constant 0 : i32
      %dma_wait3A_101 = tpu.memref_slice %arg2[%dma_wait3A_99, %dma_wait3A_100] : memref<400000x32xf32, #tpu.memory_space<hbm>> -> memref<400000x32xf32, #tpu.memory_space<hbm>>
      tpu.wait_indirect_dma semaphore(%arg13 : memref<!tpu.dma_semaphore, #tpu.memory_space<semaphore_mem>>) src(%dma_wait3A_101 : memref<400000x32xf32, #tpu.memory_space<hbm>>) dst(%arg8 : memref<128x32xf32, #tpu.memory_space<vmem>>)
      "tpu.region"() ({
        %run_scoped3A_116 = tpu.sem_alloc : memref<!tpu.dma_semaphore, #tpu.memory_space<semaphore_mem>>
        %dma_start3A_117 = arith.constant 0 : i32
        %dma_start3A_118 = tpu.memref_slice %arg7[%mul3A_88, %dma_start3A_117] : memref<196x128xi32, #tpu.memory_space<vmem>> -> memref<1x128xi32, #tpu.memory_space<vmem>>
        %dma_start3A_119 = tpu.memref_squeeze %dma_start3A_118 : memref<1x128xi32, #tpu.memory_space<vmem>> -> memref<128xi32, #tpu.memory_space<vmem>>
        %dma_start3A_120 = arith.constant 0 : i32
        %dma_start3A_121 = arith.constant 0 : i32
        %dma_start3A_122 = tpu.memref_slice %arg12[%dma_start3A_120, %dma_start3A_121] : memref<25088x32xf32, #tpu.memory_space<vmem_shared>> -> memref<25088x32xf32, #tpu.memory_space<vmem_shared>>
        tpu.enqueue_indirect_dma source(%arg8 : memref<128x32xf32, #tpu.memory_space<vmem>>) target(%dma_start3A_122 : memref<25088x32xf32, #tpu.memory_space<vmem_shared>>) offsets(%dma_start3A_119 : memref<128xi32, #tpu.memory_space<vmem>>) semaphore(%run_scoped3A_116 : memref<!tpu.dma_semaphore, #tpu.memory_space<semaphore_mem>>) {add = true}
        %dma_wait3A_123 = arith.constant 0 : i32
        %dma_wait3A_124 = tpu.memref_slice %arg7[%mul3A_88, %dma_wait3A_123] : memref<196x128xi32, #tpu.memory_space<vmem>> -> memref<1x128xi32, #tpu.memory_space<vmem>>
        %dma_wait3A_125 = tpu.memref_squeeze %dma_wait3A_124 : memref<1x128xi32, #tpu.memory_space<vmem>> -> memref<128xi32, #tpu.memory_space<vmem>>
        %dma_wait3A_126 = arith.constant 0 : i32
        %dma_wait3A_127 = arith.constant 0 : i32
        %dma_wait3A_128 = tpu.memref_slice %arg12[%dma_wait3A_126, %dma_wait3A_127] : memref<25088x32xf32, #tpu.memory_space<vmem_shared>> -> memref<25088x32xf32, #tpu.memory_space<vmem_shared>>
        tpu.wait_indirect_dma semaphore(%run_scoped3A_116 : memref<!tpu.dma_semaphore, #tpu.memory_space<semaphore_mem>>) src(%arg8 : memref<128x32xf32, #tpu.memory_space<vmem>>) dst(%dma_wait3A_128 : memref<25088x32xf32, #tpu.memory_space<vmem_shared>>)
        tpu.yield
      }) : () -> ()
      %add3A_102 = arith.constant 2 : i32
      %add3A_103 = arith.addi %mul3A_88, %add3A_102 : i32
      %lt3A = arith.constant 196 : i32
      %lt3A_104 = arith.cmpi slt, %add3A_103, %lt3A : i32
      %convert_element_type3A = arith.extui %lt3A_104 : i1 to i32
      %cond3A = arith.constant 0 : i32
      %cond3A_105 = arith.cmpi ne, %convert_element_type3A, %cond3A : i32
      scf.if %cond3A_105 {
        %add3A_116 = arith.constant 2 : i32
        %add3A_117 = arith.addi %mul3A_88, %add3A_116 : i32
        %dma_start3A_118 = arith.constant 0 : i32
        %dma_start3A_119 = tpu.memref_slice %arg6[%add3A_117, %dma_start3A_118] : memref<196x128xi32, #tpu.memory_space<vmem>> -> memref<1x128xi32, #tpu.memory_space<vmem>>
        %dma_start3A_120 = tpu.memref_squeeze %dma_start3A_119 : memref<1x128xi32, #tpu.memory_space<vmem>> -> memref<128xi32, #tpu.memory_space<vmem>>
        %dma_start3A_121 = arith.constant 0 : i32
        %dma_start3A_122 = arith.constant 0 : i32
        %dma_start3A_123 = tpu.memref_slice %arg2[%dma_start3A_121, %dma_start3A_122] : memref<400000x32xf32, #tpu.memory_space<hbm>> -> memref<400000x32xf32, #tpu.memory_space<hbm>>
        tpu.enqueue_indirect_dma source(%dma_start3A_123 : memref<400000x32xf32, #tpu.memory_space<hbm>>) target(%arg8 : memref<128x32xf32, #tpu.memory_space<vmem>>) offsets(%dma_start3A_120 : memref<128xi32, #tpu.memory_space<vmem>>) semaphore(%arg13 : memref<!tpu.dma_semaphore, #tpu.memory_space<semaphore_mem>>)
      } else {
      }
      %add3A_106 = arith.constant 1 : i32
      %add3A_107 = arith.addi %mul3A_88, %add3A_106 : i32
      %dma_wait3A_108 = arith.constant 0 : i32
      %dma_wait3A_109 = tpu.memref_slice %arg6[%add3A_107, %dma_wait3A_108] : memref<196x128xi32, #tpu.memory_space<vmem>> -> memref<1x128xi32, #tpu.memory_space<vmem>>
      %dma_wait3A_110 = tpu.memref_squeeze %dma_wait3A_109 : memref<1x128xi32, #tpu.memory_space<vmem>> -> memref<128xi32, #tpu.memory_space<vmem>>
      %dma_wait3A_111 = arith.constant 0 : i32
      %dma_wait3A_112 = arith.constant 0 : i32
      %dma_wait3A_113 = tpu.memref_slice %arg2[%dma_wait3A_111, %dma_wait3A_112] : memref<400000x32xf32, #tpu.memory_space<hbm>> -> memref<400000x32xf32, #tpu.memory_space<hbm>>
      tpu.wait_indirect_dma semaphore(%arg14 : memref<!tpu.dma_semaphore, #tpu.memory_space<semaphore_mem>>) src(%dma_wait3A_113 : memref<400000x32xf32, #tpu.memory_space<hbm>>) dst(%arg9 : memref<128x32xf32, #tpu.memory_space<vmem>>)
      %add3A_114 = arith.constant 1 : i32
      %add3A_115 = arith.addi %mul3A_88, %add3A_114 : i32
      "tpu.region"() ({
        %run_scoped3A_116 = tpu.sem_alloc : memref<!tpu.dma_semaphore, #tpu.memory_space<semaphore_mem>>
        %dma_start3A_117 = arith.constant 0 : i32
        %dma_start3A_118 = tpu.memref_slice %arg7[%add3A_115, %dma_start3A_117] : memref<196x128xi32, #tpu.memory_space<vmem>> -> memref<1x128xi32, #tpu.memory_space<vmem>>
        %dma_start3A_119 = tpu.memref_squeeze %dma_start3A_118 : memref<1x128xi32, #tpu.memory_space<vmem>> -> memref<128xi32, #tpu.memory_space<vmem>>
        %dma_start3A_120 = arith.constant 0 : i32
        %dma_start3A_121 = arith.constant 0 : i32
        %dma_start3A_122 = tpu.memref_slice %arg12[%dma_start3A_120, %dma_start3A_121] : memref<25088x32xf32, #tpu.memory_space<vmem_shared>> -> memref<25088x32xf32, #tpu.memory_space<vmem_shared>>
        tpu.enqueue_indirect_dma source(%arg9 : memref<128x32xf32, #tpu.memory_space<vmem>>) target(%dma_start3A_122 : memref<25088x32xf32, #tpu.memory_space<vmem_shared>>) offsets(%dma_start3A_119 : memref<128xi32, #tpu.memory_space<vmem>>) semaphore(%run_scoped3A_116 : memref<!tpu.dma_semaphore, #tpu.memory_space<semaphore_mem>>) {add = true}
        %dma_wait3A_123 = arith.constant 0 : i32
        %dma_wait3A_124 = tpu.memref_slice %arg7[%add3A_115, %dma_wait3A_123] : memref<196x128xi32, #tpu.memory_space<vmem>> -> memref<1x128xi32, #tpu.memory_space<vmem>>
        %dma_wait3A_125 = tpu.memref_squeeze %dma_wait3A_124 : memref<1x128xi32, #tpu.memory_space<vmem>> -> memref<128xi32, #tpu.memory_space<vmem>>
        %dma_wait3A_126 = arith.constant 0 : i32
        %dma_wait3A_127 = arith.constant 0 : i32
        %dma_wait3A_128 = tpu.memref_slice %arg12[%dma_wait3A_126, %dma_wait3A_127] : memref<25088x32xf32, #tpu.memory_space<vmem_shared>> -> memref<25088x32xf32, #tpu.memory_space<vmem_shared>>
        tpu.wait_indirect_dma semaphore(%run_scoped3A_116 : memref<!tpu.dma_semaphore, #tpu.memory_space<semaphore_mem>>) src(%arg9 : memref<128x32xf32, #tpu.memory_space<vmem>>) dst(%dma_wait3A_128 : memref<25088x32xf32, #tpu.memory_space<vmem_shared>>)
        tpu.yield
      }) : () -> ()
    }
    %scan3A_28 = arith.constant 98 : i32
    %barrier3A_29 = arith.constant 0 : index
    tpu.barrier barrier_id(%barrier3A_29)
    %mul3A = arith.constant 1568 : i32
    %mul3A_30 = arith.muli %arg1, %mul3A : i32
    %mul3A_31 = arith.constant 2 : i32
    %mul3A_32 = arith.muli %mul3A_31, %arg0 : i32
    %add3A = arith.constant 0 : i32
    %add3A_33 = arith.addi %mul3A_32, %add3A : i32
    %mul3A_34 = arith.constant 1568 : i32
    %mul3A_35 = arith.muli %arg1, %mul3A_34 : i32
    "tpu.region"() ({
      %run_scoped3A_86 = tpu.sem_alloc : memref<!tpu.dma_semaphore, #tpu.memory_space<semaphore_mem>>
      %dma_start3A_87 = arith.constant 0 : i32
      %dma_start3A_88 = tpu.memref_slice %arg5[%add3A_33, %mul3A_35, %dma_start3A_87] : memref<6x25088x32xf32, #tpu.memory_space<hbm>> -> memref<1x1568x32xf32, #tpu.memory_space<hbm>>
      %dma_start3A_89 = tpu.memref_squeeze %dma_start3A_88 : memref<1x1568x32xf32, #tpu.memory_space<hbm>> -> memref<1568x32xf32, #tpu.memory_space<hbm>>
      %dma_start3A_90 = arith.constant 0 : i32
      %dma_start3A_91 = tpu.memref_slice %arg12[%mul3A_30, %dma_start3A_90] : memref<25088x32xf32, #tpu.memory_space<vmem_shared>> -> memref<1568x32xf32, #tpu.memory_space<vmem_shared>>
      tpu.enqueue_dma source(%dma_start3A_91 : memref<1568x32xf32, #tpu.memory_space<vmem_shared>>) target(%dma_start3A_89 : memref<1568x32xf32, #tpu.memory_space<hbm>>) target_semaphore(%run_scoped3A_86 : memref<!tpu.dma_semaphore, #tpu.memory_space<semaphore_mem>>)
      %dma_wait3A = arith.constant 0 : i32
      %dma_wait3A_92 = tpu.memref_slice %arg5[%add3A_33, %mul3A_35, %dma_wait3A] : memref<6x25088x32xf32, #tpu.memory_space<hbm>> -> memref<1x1568x32xf32, #tpu.memory_space<hbm>>
      %dma_wait3A_93 = tpu.memref_squeeze %dma_wait3A_92 : memref<1x1568x32xf32, #tpu.memory_space<hbm>> -> memref<1568x32xf32, #tpu.memory_space<hbm>>
      %dma_wait3A_94 = arith.constant 0 : i32
      %dma_wait3A_95 = tpu.memref_slice %arg12[%mul3A_30, %dma_wait3A_94] : memref<25088x32xf32, #tpu.memory_space<vmem_shared>> -> memref<1568x32xf32, #tpu.memory_space<vmem_shared>>
      tpu.wait_dma2 semaphore(%run_scoped3A_86 : memref<!tpu.dma_semaphore, #tpu.memory_space<semaphore_mem>>) src(%dma_wait3A_95 : memref<1568x32xf32, #tpu.memory_space<vmem_shared>>) dst(%dma_wait3A_93 : memref<1568x32xf32, #tpu.memory_space<hbm>>)
      tpu.yield
    }) : () -> ()
    %run_scoped3A_36 = arith.constant 1 : i32
    "tpu.region"() ({
      %run_scoped3A_86 = tpu.sem_alloc : memref<!tpu.dma_semaphore, #tpu.memory_space<semaphore_mem>>
      %dma_start3A_87 = arith.constant 0 : i32
      %dma_start3A_88 = arith.constant 0 : i32
      %dma_start3A_89 = tpu.memref_slice %arg3[%arg0, %run_scoped3A_36, %arg1, %dma_start3A_87, %dma_start3A_88] : memref<2x2x16x196x128xi32, #tpu.memory_space<hbm>> -> memref<1x1x1x196x128xi32, #tpu.memory_space<hbm>>
      %dma_start3A_90 = tpu.memref_squeeze %dma_start3A_89 : memref<1x1x1x196x128xi32, #tpu.memory_space<hbm>> -> memref<196x128xi32, #tpu.memory_space<hbm>>
      %dma_start3A_91 = arith.constant 0 : i32
      %dma_start3A_92 = arith.constant 0 : i32
      %dma_start3A_93 = tpu.memref_slice %arg3[%arg0, %run_scoped3A_36, %arg1, %dma_start3A_91, %dma_start3A_92] : memref<2x2x16x196x128xi32, #tpu.memory_space<hbm>> -> memref<1x1x1x196x128xi32, #tpu.memory_space<hbm>>
      %dma_start3A_94 = tpu.memref_squeeze %dma_start3A_93 : memref<1x1x1x196x128xi32, #tpu.memory_space<hbm>> -> memref<196x128xi32, #tpu.memory_space<hbm>>
      tpu.enqueue_dma source(%dma_start3A_94 : memref<196x128xi32, #tpu.memory_space<hbm>>) target(%arg6 : memref<196x128xi32, #tpu.memory_space<vmem>>) target_semaphore(%run_scoped3A_86 : memref<!tpu.dma_semaphore, #tpu.memory_space<semaphore_mem>>)
      %dma_wait3A = arith.constant 0 : i32
      %dma_wait3A_95 = arith.constant 0 : i32
      %dma_wait3A_96 = tpu.memref_slice %arg3[%arg0, %run_scoped3A_36, %arg1, %dma_wait3A, %dma_wait3A_95] : memref<2x2x16x196x128xi32, #tpu.memory_space<hbm>> -> memref<1x1x1x196x128xi32, #tpu.memory_space<hbm>>
      %dma_wait3A_97 = tpu.memref_squeeze %dma_wait3A_96 : memref<1x1x1x196x128xi32, #tpu.memory_space<hbm>> -> memref<196x128xi32, #tpu.memory_space<hbm>>
      %dma_wait3A_98 = arith.constant 0 : i32
      %dma_wait3A_99 = arith.constant 0 : i32
      %dma_wait3A_100 = tpu.memref_slice %arg3[%arg0, %run_scoped3A_36, %arg1, %dma_wait3A_98, %dma_wait3A_99] : memref<2x2x16x196x128xi32, #tpu.memory_space<hbm>> -> memref<1x1x1x196x128xi32, #tpu.memory_space<hbm>>
      %dma_wait3A_101 = tpu.memref_squeeze %dma_wait3A_100 : memref<1x1x1x196x128xi32, #tpu.memory_space<hbm>> -> memref<196x128xi32, #tpu.memory_space<hbm>>
      tpu.wait_dma2 semaphore(%run_scoped3A_86 : memref<!tpu.dma_semaphore, #tpu.memory_space<semaphore_mem>>) src(%dma_wait3A_101 : memref<196x128xi32, #tpu.memory_space<hbm>>) dst(%arg6 : memref<196x128xi32, #tpu.memory_space<vmem>>)
      tpu.yield
    }) : () -> ()
    %scan3A_37 = arith.constant 0 : i32
    %scan3A_38 = arith.constant 0 : i32
    %scan3A_39 = arith.constant 28 : i32
    %scan3A_40 = arith.addi %scan3A_38, %scan3A_39 : i32
    %scan3A_41 = arith.constant 1 : i32
    scf.for %scan3A_86 = %scan3A_38 to %scan3A_40 step %scan3A_41  : i32 {
      %mul3A_87 = arith.constant 1568 : i32
      %mul3A_88 = arith.muli %arg1, %mul3A_87 : i32
      %mul3A_89 = arith.constant 56 : i32
      %mul3A_90 = arith.muli %scan3A_86, %mul3A_89 : i32
      %add3A_91 = arith.addi %mul3A_88, %mul3A_90 : i32
      "tpu.region"() ({
        %run_scoped3A_92 = tpu.sem_alloc : memref<!tpu.dma_semaphore, #tpu.memory_space<semaphore_mem>>
        %dma_start3A_93 = arith.constant 0 : i32
        %dma_start3A_94 = tpu.memref_slice %arg12[%add3A_91, %dma_start3A_93] : memref<25088x32xf32, #tpu.memory_space<vmem_shared>> -> memref<56x32xf32, #tpu.memory_space<vmem_shared>>
        %dma_start3A_95 = arith.constant 0 : i32
        %dma_start3A_96 = tpu.memref_slice %arg12[%add3A_91, %dma_start3A_95] : memref<25088x32xf32, #tpu.memory_space<vmem_shared>> -> memref<56x32xf32, #tpu.memory_space<vmem_shared>>
        tpu.enqueue_dma source(%arg11 : memref<56x32xf32, #tpu.memory_space<vmem>>) target(%dma_start3A_96 : memref<56x32xf32, #tpu.memory_space<vmem_shared>>) target_semaphore(%run_scoped3A_92 : memref<!tpu.dma_semaphore, #tpu.memory_space<semaphore_mem>>)
        %dma_wait3A = arith.constant 0 : i32
        %dma_wait3A_97 = tpu.memref_slice %arg12[%add3A_91, %dma_wait3A] : memref<25088x32xf32, #tpu.memory_space<vmem_shared>> -> memref<56x32xf32, #tpu.memory_space<vmem_shared>>
        %dma_wait3A_98 = arith.constant 0 : i32
        %dma_wait3A_99 = tpu.memref_slice %arg12[%add3A_91, %dma_wait3A_98] : memref<25088x32xf32, #tpu.memory_space<vmem_shared>> -> memref<56x32xf32, #tpu.memory_space<vmem_shared>>
        tpu.wait_dma2 semaphore(%run_scoped3A_92 : memref<!tpu.dma_semaphore, #tpu.memory_space<semaphore_mem>>) src(%arg11 : memref<56x32xf32, #tpu.memory_space<vmem>>) dst(%dma_wait3A_99 : memref<56x32xf32, #tpu.memory_space<vmem_shared>>)
        tpu.yield
      }) : () -> ()
    }
    %scan3A_42 = arith.constant 28 : i32
    %barrier3A_43 = arith.constant 0 : index
    tpu.barrier barrier_id(%barrier3A_43)
    %dma_start3A_44 = arith.constant 0 : i32
    %dma_start3A_45 = arith.constant 0 : i32
    %dma_start3A_46 = tpu.memref_slice %arg6[%dma_start3A_44, %dma_start3A_45] : memref<196x128xi32, #tpu.memory_space<vmem>> -> memref<1x128xi32, #tpu.memory_space<vmem>>
    %dma_start3A_47 = tpu.memref_squeeze %dma_start3A_46 : memref<1x128xi32, #tpu.memory_space<vmem>> -> memref<128xi32, #tpu.memory_space<vmem>>
    %dma_start3A_48 = arith.constant 0 : i32
    %dma_start3A_49 = arith.constant 0 : i32
    %dma_start3A_50 = tpu.memref_slice %arg2[%dma_start3A_48, %dma_start3A_49] : memref<400000x32xf32, #tpu.memory_space<hbm>> -> memref<400000x32xf32, #tpu.memory_space<hbm>>
    tpu.enqueue_indirect_dma source(%dma_start3A_50 : memref<400000x32xf32, #tpu.memory_space<hbm>>) target(%arg8 : memref<128x32xf32, #tpu.memory_space<vmem>>) offsets(%dma_start3A_47 : memref<128xi32, #tpu.memory_space<vmem>>) semaphore(%arg13 : memref<!tpu.dma_semaphore, #tpu.memory_space<semaphore_mem>>)
    %scan3A_51 = arith.constant 0 : i32
    %scan3A_52 = arith.constant 0 : i32
    %scan3A_53 = arith.constant 98 : i32
    %scan3A_54 = arith.addi %scan3A_52, %scan3A_53 : i32
    %scan3A_55 = arith.constant 1 : i32
    scf.for %scan3A_86 = %scan3A_52 to %scan3A_54 step %scan3A_55  : i32 {
      %mul3A_87 = arith.constant 2 : i32
      %mul3A_88 = arith.muli %mul3A_87, %scan3A_86 : i32
      %add3A_89 = arith.constant 1 : i32
      %add3A_90 = arith.addi %mul3A_88, %add3A_89 : i32
      %dma_start3A_91 = arith.constant 0 : i32
      %dma_start3A_92 = tpu.memref_slice %arg6[%add3A_90, %dma_start3A_91] : memref<196x128xi32, #tpu.memory_space<vmem>> -> memref<1x128xi32, #tpu.memory_space<vmem>>
      %dma_start3A_93 = tpu.memref_squeeze %dma_start3A_92 : memref<1x128xi32, #tpu.memory_space<vmem>> -> memref<128xi32, #tpu.memory_space<vmem>>
      %dma_start3A_94 = arith.constant 0 : i32
      %dma_start3A_95 = arith.constant 0 : i32
      %dma_start3A_96 = tpu.memref_slice %arg2[%dma_start3A_94, %dma_start3A_95] : memref<400000x32xf32, #tpu.memory_space<hbm>> -> memref<400000x32xf32, #tpu.memory_space<hbm>>
      tpu.enqueue_indirect_dma source(%dma_start3A_96 : memref<400000x32xf32, #tpu.memory_space<hbm>>) target(%arg9 : memref<128x32xf32, #tpu.memory_space<vmem>>) offsets(%dma_start3A_93 : memref<128xi32, #tpu.memory_space<vmem>>) semaphore(%arg14 : memref<!tpu.dma_semaphore, #tpu.memory_space<semaphore_mem>>)
      %dma_wait3A = arith.constant 0 : i32
      %dma_wait3A_97 = tpu.memref_slice %arg6[%mul3A_88, %dma_wait3A] : memref<196x128xi32, #tpu.memory_space<vmem>> -> memref<1x128xi32, #tpu.memory_space<vmem>>
      %dma_wait3A_98 = tpu.memref_squeeze %dma_wait3A_97 : memref<1x128xi32, #tpu.memory_space<vmem>> -> memref<128xi32, #tpu.memory_space<vmem>>
      %dma_wait3A_99 = arith.constant 0 : i32
      %dma_wait3A_100 = arith.constant 0 : i32
      %dma_wait3A_101 = tpu.memref_slice %arg2[%dma_wait3A_99, %dma_wait3A_100] : memref<400000x32xf32, #tpu.memory_space<hbm>> -> memref<400000x32xf32, #tpu.memory_space<hbm>>
      tpu.wait_indirect_dma semaphore(%arg13 : memref<!tpu.dma_semaphore, #tpu.memory_space<semaphore_mem>>) src(%dma_wait3A_101 : memref<400000x32xf32, #tpu.memory_space<hbm>>) dst(%arg8 : memref<128x32xf32, #tpu.memory_space<vmem>>)
      "tpu.region"() ({
        %run_scoped3A_116 = tpu.sem_alloc : memref<!tpu.dma_semaphore, #tpu.memory_space<semaphore_mem>>
        %dma_start3A_117 = arith.constant 0 : i32
        %dma_start3A_118 = tpu.memref_slice %arg7[%mul3A_88, %dma_start3A_117] : memref<196x128xi32, #tpu.memory_space<vmem>> -> memref<1x128xi32, #tpu.memory_space<vmem>>
        %dma_start3A_119 = tpu.memref_squeeze %dma_start3A_118 : memref<1x128xi32, #tpu.memory_space<vmem>> -> memref<128xi32, #tpu.memory_space<vmem>>
        %dma_start3A_120 = arith.constant 0 : i32
        %dma_start3A_121 = arith.constant 0 : i32
        %dma_start3A_122 = tpu.memref_slice %arg12[%dma_start3A_120, %dma_start3A_121] : memref<25088x32xf32, #tpu.memory_space<vmem_shared>> -> memref<25088x32xf32, #tpu.memory_space<vmem_shared>>
        tpu.enqueue_indirect_dma source(%arg8 : memref<128x32xf32, #tpu.memory_space<vmem>>) target(%dma_start3A_122 : memref<25088x32xf32, #tpu.memory_space<vmem_shared>>) offsets(%dma_start3A_119 : memref<128xi32, #tpu.memory_space<vmem>>) semaphore(%run_scoped3A_116 : memref<!tpu.dma_semaphore, #tpu.memory_space<semaphore_mem>>) {add = true}
        %dma_wait3A_123 = arith.constant 0 : i32
        %dma_wait3A_124 = tpu.memref_slice %arg7[%mul3A_88, %dma_wait3A_123] : memref<196x128xi32, #tpu.memory_space<vmem>> -> memref<1x128xi32, #tpu.memory_space<vmem>>
        %dma_wait3A_125 = tpu.memref_squeeze %dma_wait3A_124 : memref<1x128xi32, #tpu.memory_space<vmem>> -> memref<128xi32, #tpu.memory_space<vmem>>
        %dma_wait3A_126 = arith.constant 0 : i32
        %dma_wait3A_127 = arith.constant 0 : i32
        %dma_wait3A_128 = tpu.memref_slice %arg12[%dma_wait3A_126, %dma_wait3A_127] : memref<25088x32xf32, #tpu.memory_space<vmem_shared>> -> memref<25088x32xf32, #tpu.memory_space<vmem_shared>>
        tpu.wait_indirect_dma semaphore(%run_scoped3A_116 : memref<!tpu.dma_semaphore, #tpu.memory_space<semaphore_mem>>) src(%arg8 : memref<128x32xf32, #tpu.memory_space<vmem>>) dst(%dma_wait3A_128 : memref<25088x32xf32, #tpu.memory_space<vmem_shared>>)
        tpu.yield
      }) : () -> ()
      %add3A_102 = arith.constant 2 : i32
      %add3A_103 = arith.addi %mul3A_88, %add3A_102 : i32
      %lt3A = arith.constant 196 : i32
      %lt3A_104 = arith.cmpi slt, %add3A_103, %lt3A : i32
      %convert_element_type3A = arith.extui %lt3A_104 : i1 to i32
      %cond3A = arith.constant 0 : i32
      %cond3A_105 = arith.cmpi ne, %convert_element_type3A, %cond3A : i32
      scf.if %cond3A_105 {
        %add3A_116 = arith.constant 2 : i32
        %add3A_117 = arith.addi %mul3A_88, %add3A_116 : i32
        %dma_start3A_118 = arith.constant 0 : i32
        %dma_start3A_119 = tpu.memref_slice %arg6[%add3A_117, %dma_start3A_118] : memref<196x128xi32, #tpu.memory_space<vmem>> -> memref<1x128xi32, #tpu.memory_space<vmem>>
        %dma_start3A_120 = tpu.memref_squeeze %dma_start3A_119 : memref<1x128xi32, #tpu.memory_space<vmem>> -> memref<128xi32, #tpu.memory_space<vmem>>
        %dma_start3A_121 = arith.constant 0 : i32
        %dma_start3A_122 = arith.constant 0 : i32
        %dma_start3A_123 = tpu.memref_slice %arg2[%dma_start3A_121, %dma_start3A_122] : memref<400000x32xf32, #tpu.memory_space<hbm>> -> memref<400000x32xf32, #tpu.memory_space<hbm>>
        tpu.enqueue_indirect_dma source(%dma_start3A_123 : memref<400000x32xf32, #tpu.memory_space<hbm>>) target(%arg8 : memref<128x32xf32, #tpu.memory_space<vmem>>) offsets(%dma_start3A_120 : memref<128xi32, #tpu.memory_space<vmem>>) semaphore(%arg13 : memref<!tpu.dma_semaphore, #tpu.memory_space<semaphore_mem>>)
      } else {
      }
      %add3A_106 = arith.constant 1 : i32
      %add3A_107 = arith.addi %mul3A_88, %add3A_106 : i32
      %dma_wait3A_108 = arith.constant 0 : i32
      %dma_wait3A_109 = tpu.memref_slice %arg6[%add3A_107, %dma_wait3A_108] : memref<196x128xi32, #tpu.memory_space<vmem>> -> memref<1x128xi32, #tpu.memory_space<vmem>>
      %dma_wait3A_110 = tpu.memref_squeeze %dma_wait3A_109 : memref<1x128xi32, #tpu.memory_space<vmem>> -> memref<128xi32, #tpu.memory_space<vmem>>
      %dma_wait3A_111 = arith.constant 0 : i32
      %dma_wait3A_112 = arith.constant 0 : i32
      %dma_wait3A_113 = tpu.memref_slice %arg2[%dma_wait3A_111, %dma_wait3A_112] : memref<400000x32xf32, #tpu.memory_space<hbm>> -> memref<400000x32xf32, #tpu.memory_space<hbm>>
      tpu.wait_indirect_dma semaphore(%arg14 : memref<!tpu.dma_semaphore, #tpu.memory_space<semaphore_mem>>) src(%dma_wait3A_113 : memref<400000x32xf32, #tpu.memory_space<hbm>>) dst(%arg9 : memref<128x32xf32, #tpu.memory_space<vmem>>)
      %add3A_114 = arith.constant 1 : i32
      %add3A_115 = arith.addi %mul3A_88, %add3A_114 : i32
      "tpu.region"() ({
        %run_scoped3A_116 = tpu.sem_alloc : memref<!tpu.dma_semaphore, #tpu.memory_space<semaphore_mem>>
        %dma_start3A_117 = arith.constant 0 : i32
        %dma_start3A_118 = tpu.memref_slice %arg7[%add3A_115, %dma_start3A_117] : memref<196x128xi32, #tpu.memory_space<vmem>> -> memref<1x128xi32, #tpu.memory_space<vmem>>
        %dma_start3A_119 = tpu.memref_squeeze %dma_start3A_118 : memref<1x128xi32, #tpu.memory_space<vmem>> -> memref<128xi32, #tpu.memory_space<vmem>>
        %dma_start3A_120 = arith.constant 0 : i32
        %dma_start3A_121 = arith.constant 0 : i32
        %dma_start3A_122 = tpu.memref_slice %arg12[%dma_start3A_120, %dma_start3A_121] : memref<25088x32xf32, #tpu.memory_space<vmem_shared>> -> memref<25088x32xf32, #tpu.memory_space<vmem_shared>>
        tpu.enqueue_indirect_dma source(%arg9 : memref<128x32xf32, #tpu.memory_space<vmem>>) target(%dma_start3A_122 : memref<25088x32xf32, #tpu.memory_space<vmem_shared>>) offsets(%dma_start3A_119 : memref<128xi32, #tpu.memory_space<vmem>>) semaphore(%run_scoped3A_116 : memref<!tpu.dma_semaphore, #tpu.memory_space<semaphore_mem>>) {add = true}
        %dma_wait3A_123 = arith.constant 0 : i32
        %dma_wait3A_124 = tpu.memref_slice %arg7[%add3A_115, %dma_wait3A_123] : memref<196x128xi32, #tpu.memory_space<vmem>> -> memref<1x128xi32, #tpu.memory_space<vmem>>
        %dma_wait3A_125 = tpu.memref_squeeze %dma_wait3A_124 : memref<1x128xi32, #tpu.memory_space<vmem>> -> memref<128xi32, #tpu.memory_space<vmem>>
        %dma_wait3A_126 = arith.constant 0 : i32
        %dma_wait3A_127 = arith.constant 0 : i32
        %dma_wait3A_128 = tpu.memref_slice %arg12[%dma_wait3A_126, %dma_wait3A_127] : memref<25088x32xf32, #tpu.memory_space<vmem_shared>> -> memref<25088x32xf32, #tpu.memory_space<vmem_shared>>
        tpu.wait_indirect_dma semaphore(%run_scoped3A_116 : memref<!tpu.dma_semaphore, #tpu.memory_space<semaphore_mem>>) src(%arg9 : memref<128x32xf32, #tpu.memory_space<vmem>>) dst(%dma_wait3A_128 : memref<25088x32xf32, #tpu.memory_space<vmem_shared>>)
        tpu.yield
      }) : () -> ()
    }
    %scan3A_56 = arith.constant 98 : i32
    %barrier3A_57 = arith.constant 0 : index
    tpu.barrier barrier_id(%barrier3A_57)
    %mul3A_58 = arith.constant 1568 : i32
    %mul3A_59 = arith.muli %arg1, %mul3A_58 : i32
    %mul3A_60 = arith.constant 2 : i32
    %mul3A_61 = arith.muli %mul3A_60, %arg0 : i32
    %add3A_62 = arith.constant 1 : i32
    %add3A_63 = arith.addi %mul3A_61, %add3A_62 : i32
    %mul3A_64 = arith.constant 1568 : i32
    %mul3A_65 = arith.muli %arg1, %mul3A_64 : i32
    "tpu.region"() ({
      %run_scoped3A_86 = tpu.sem_alloc : memref<!tpu.dma_semaphore, #tpu.memory_space<semaphore_mem>>
      %dma_start3A_87 = arith.constant 0 : i32
      %dma_start3A_88 = tpu.memref_slice %arg5[%add3A_63, %mul3A_65, %dma_start3A_87] : memref<6x25088x32xf32, #tpu.memory_space<hbm>> -> memref<1x1568x32xf32, #tpu.memory_space<hbm>>
      %dma_start3A_89 = tpu.memref_squeeze %dma_start3A_88 : memref<1x1568x32xf32, #tpu.memory_space<hbm>> -> memref<1568x32xf32, #tpu.memory_space<hbm>>
      %dma_start3A_90 = arith.constant 0 : i32
      %dma_start3A_91 = tpu.memref_slice %arg12[%mul3A_59, %dma_start3A_90] : memref<25088x32xf32, #tpu.memory_space<vmem_shared>> -> memref<1568x32xf32, #tpu.memory_space<vmem_shared>>
      tpu.enqueue_dma source(%dma_start3A_91 : memref<1568x32xf32, #tpu.memory_space<vmem_shared>>) target(%dma_start3A_89 : memref<1568x32xf32, #tpu.memory_space<hbm>>) target_semaphore(%run_scoped3A_86 : memref<!tpu.dma_semaphore, #tpu.memory_space<semaphore_mem>>)
      %dma_wait3A = arith.constant 0 : i32
      %dma_wait3A_92 = tpu.memref_slice %arg5[%add3A_63, %mul3A_65, %dma_wait3A] : memref<6x25088x32xf32, #tpu.memory_space<hbm>> -> memref<1x1568x32xf32, #tpu.memory_space<hbm>>
      %dma_wait3A_93 = tpu.memref_squeeze %dma_wait3A_92 : memref<1x1568x32xf32, #tpu.memory_space<hbm>> -> memref<1568x32xf32, #tpu.memory_space<hbm>>
      %dma_wait3A_94 = arith.constant 0 : i32
      %dma_wait3A_95 = tpu.memref_slice %arg12[%mul3A_59, %dma_wait3A_94] : memref<25088x32xf32, #tpu.memory_space<vmem_shared>> -> memref<1568x32xf32, #tpu.memory_space<vmem_shared>>
      tpu.wait_dma2 semaphore(%run_scoped3A_86 : memref<!tpu.dma_semaphore, #tpu.memory_space<semaphore_mem>>) src(%dma_wait3A_95 : memref<1568x32xf32, #tpu.memory_space<vmem_shared>>) dst(%dma_wait3A_93 : memref<1568x32xf32, #tpu.memory_space<hbm>>)
      tpu.yield
    }) : () -> ()
    %scan3A_66 = arith.constant 0 : i32
    %scan3A_67 = arith.constant 0 : i32
    %scan3A_68 = arith.constant 28 : i32
    %scan3A_69 = arith.addi %scan3A_67, %scan3A_68 : i32
    %scan3A_70 = arith.constant 1 : i32
    scf.for %scan3A_86 = %scan3A_67 to %scan3A_69 step %scan3A_70  : i32 {
      %mul3A_87 = arith.constant 1568 : i32
      %mul3A_88 = arith.muli %arg1, %mul3A_87 : i32
      %mul3A_89 = arith.constant 56 : i32
      %mul3A_90 = arith.muli %scan3A_86, %mul3A_89 : i32
      %add3A_91 = arith.addi %mul3A_88, %mul3A_90 : i32
      "tpu.region"() ({
        %run_scoped3A_92 = tpu.sem_alloc : memref<!tpu.dma_semaphore, #tpu.memory_space<semaphore_mem>>
        %dma_start3A_93 = arith.constant 0 : i32
        %dma_start3A_94 = tpu.memref_slice %arg12[%add3A_91, %dma_start3A_93] : memref<25088x32xf32, #tpu.memory_space<vmem_shared>> -> memref<56x32xf32, #tpu.memory_space<vmem_shared>>
        %dma_start3A_95 = arith.constant 0 : i32
        %dma_start3A_96 = tpu.memref_slice %arg12[%add3A_91, %dma_start3A_95] : memref<25088x32xf32, #tpu.memory_space<vmem_shared>> -> memref<56x32xf32, #tpu.memory_space<vmem_shared>>
        tpu.enqueue_dma source(%arg11 : memref<56x32xf32, #tpu.memory_space<vmem>>) target(%dma_start3A_96 : memref<56x32xf32, #tpu.memory_space<vmem_shared>>) target_semaphore(%run_scoped3A_92 : memref<!tpu.dma_semaphore, #tpu.memory_space<semaphore_mem>>)
        %dma_wait3A = arith.constant 0 : i32
        %dma_wait3A_97 = tpu.memref_slice %arg12[%add3A_91, %dma_wait3A] : memref<25088x32xf32, #tpu.memory_space<vmem_shared>> -> memref<56x32xf32, #tpu.memory_space<vmem_shared>>
        %dma_wait3A_98 = arith.constant 0 : i32
        %dma_wait3A_99 = tpu.memref_slice %arg12[%add3A_91, %dma_wait3A_98] : memref<25088x32xf32, #tpu.memory_space<vmem_shared>> -> memref<56x32xf32, #tpu.memory_space<vmem_shared>>
        tpu.wait_dma2 semaphore(%run_scoped3A_92 : memref<!tpu.dma_semaphore, #tpu.memory_space<semaphore_mem>>) src(%arg11 : memref<56x32xf32, #tpu.memory_space<vmem>>) dst(%dma_wait3A_99 : memref<56x32xf32, #tpu.memory_space<vmem_shared>>)
        tpu.yield
      }) : () -> ()
    }
    %scan3A_71 = arith.constant 28 : i32
    %barrier3A_72 = arith.constant 0 : index
    tpu.barrier barrier_id(%barrier3A_72)
    %scan3A_73 = arith.constant 0 : i32
    %scan3A_74 = arith.constant 0 : i32
    %scan3A_75 = arith.constant 98 : i32
    %scan3A_76 = arith.addi %scan3A_74, %scan3A_75 : i32
    %scan3A_77 = arith.constant 1 : i32
    scf.for %scan3A_86 = %scan3A_74 to %scan3A_76 step %scan3A_77  : i32 {
      %mul3A_87 = arith.constant 98 : i32
      %mul3A_88 = arith.muli %arg0, %mul3A_87 : i32
      %add3A_89 = arith.addi %mul3A_88, %scan3A_86 : i32
      "tpu.region"() ({
        %run_scoped3A_90 = tpu.sem_alloc : memref<!tpu.dma_semaphore, #tpu.memory_space<semaphore_mem>>
        %dma_start3A_91 = arith.constant 0 : i32
        %dma_start3A_92 = tpu.memref_slice %arg7[%add3A_89, %dma_start3A_91] : memref<196x128xi32, #tpu.memory_space<vmem>> -> memref<1x128xi32, #tpu.memory_space<vmem>>
        %dma_start3A_93 = tpu.memref_squeeze %dma_start3A_92 : memref<1x128xi32, #tpu.memory_space<vmem>> -> memref<128xi32, #tpu.memory_space<vmem>>
        %dma_start3A_94 = arith.constant 0 : i32
        %dma_start3A_95 = arith.constant 0 : i32
        %dma_start3A_96 = tpu.memref_slice %arg12[%dma_start3A_94, %dma_start3A_95] : memref<25088x32xf32, #tpu.memory_space<vmem_shared>> -> memref<25088x32xf32, #tpu.memory_space<vmem_shared>>
        tpu.enqueue_indirect_dma source(%arg10 : memref<128x32xf32, #tpu.memory_space<vmem>>) target(%dma_start3A_96 : memref<25088x32xf32, #tpu.memory_space<vmem_shared>>) offsets(%dma_start3A_93 : memref<128xi32, #tpu.memory_space<vmem>>) semaphore(%run_scoped3A_90 : memref<!tpu.dma_semaphore, #tpu.memory_space<semaphore_mem>>) {add = true}
        %dma_wait3A = arith.constant 0 : i32
        %dma_wait3A_97 = tpu.memref_slice %arg7[%add3A_89, %dma_wait3A] : memref<196x128xi32, #tpu.memory_space<vmem>> -> memref<1x128xi32, #tpu.memory_space<vmem>>
        %dma_wait3A_98 = tpu.memref_squeeze %dma_wait3A_97 : memref<1x128xi32, #tpu.memory_space<vmem>> -> memref<128xi32, #tpu.memory_space<vmem>>
        %dma_wait3A_99 = arith.constant 0 : i32
        %dma_wait3A_100 = arith.constant 0 : i32
        %dma_wait3A_101 = tpu.memref_slice %arg12[%dma_wait3A_99, %dma_wait3A_100] : memref<25088x32xf32, #tpu.memory_space<vmem_shared>> -> memref<25088x32xf32, #tpu.memory_space<vmem_shared>>
        tpu.wait_indirect_dma semaphore(%run_scoped3A_90 : memref<!tpu.dma_semaphore, #tpu.memory_space<semaphore_mem>>) src(%arg10 : memref<128x32xf32, #tpu.memory_space<vmem>>) dst(%dma_wait3A_101 : memref<25088x32xf32, #tpu.memory_space<vmem_shared>>)
        tpu.yield
      }) : () -> ()
    }
    %scan3A_78 = arith.constant 98 : i32
    %barrier3A_79 = arith.constant 0 : index
    tpu.barrier barrier_id(%barrier3A_79)
    %mul3A_80 = arith.constant 1568 : i32
    %mul3A_81 = arith.muli %arg1, %mul3A_80 : i32
    %add3A_82 = arith.constant 4 : i32
    %add3A_83 = arith.addi %add3A_82, %arg0 : i32
    %mul3A_84 = arith.constant 1568 : i32
    %mul3A_85 = arith.muli %arg1, %mul3A_84 : i32
    "tpu.region"() ({
      %run_scoped3A_86 = tpu.sem_alloc : memref<!tpu.dma_semaphore, #tpu.memory_space<semaphore_mem>>
      %dma_start3A_87 = arith.constant 0 : i32
      %dma_start3A_88 = tpu.memref_slice %arg5[%add3A_83, %mul3A_85, %dma_start3A_87] : memref<6x25088x32xf32, #tpu.memory_space<hbm>> -> memref<1x1568x32xf32, #tpu.memory_space<hbm>>
      %dma_start3A_89 = tpu.memref_squeeze %dma_start3A_88 : memref<1x1568x32xf32, #tpu.memory_space<hbm>> -> memref<1568x32xf32, #tpu.memory_space<hbm>>
      %dma_start3A_90 = arith.constant 0 : i32
      %dma_start3A_91 = tpu.memref_slice %arg12[%mul3A_81, %dma_start3A_90] : memref<25088x32xf32, #tpu.memory_space<vmem_shared>> -> memref<1568x32xf32, #tpu.memory_space<vmem_shared>>
      tpu.enqueue_dma source(%dma_start3A_91 : memref<1568x32xf32, #tpu.memory_space<vmem_shared>>) target(%dma_start3A_89 : memref<1568x32xf32, #tpu.memory_space<hbm>>) target_semaphore(%run_scoped3A_86 : memref<!tpu.dma_semaphore, #tpu.memory_space<semaphore_mem>>)
      %dma_wait3A = arith.constant 0 : i32
      %dma_wait3A_92 = tpu.memref_slice %arg5[%add3A_83, %mul3A_85, %dma_wait3A] : memref<6x25088x32xf32, #tpu.memory_space<hbm>> -> memref<1x1568x32xf32, #tpu.memory_space<hbm>>
      %dma_wait3A_93 = tpu.memref_squeeze %dma_wait3A_92 : memref<1x1568x32xf32, #tpu.memory_space<hbm>> -> memref<1568x32xf32, #tpu.memory_space<hbm>>
      %dma_wait3A_94 = arith.constant 0 : i32
      %dma_wait3A_95 = tpu.memref_slice %arg12[%mul3A_81, %dma_wait3A_94] : memref<25088x32xf32, #tpu.memory_space<vmem_shared>> -> memref<1568x32xf32, #tpu.memory_space<vmem_shared>>
      tpu.wait_dma2 semaphore(%run_scoped3A_86 : memref<!tpu.dma_semaphore, #tpu.memory_space<semaphore_mem>>) src(%dma_wait3A_95 : memref<1568x32xf32, #tpu.memory_space<vmem_shared>>) dst(%dma_wait3A_93 : memref<1568x32xf32, #tpu.memory_space<hbm>>)
      tpu.yield
    }) : () -> ()
    return
  }
}

module attributes {stable_mosaic.version = 14 : i64} {
  func.func @_p0_body(%arg0: i32, %arg1: memref<2000x128xf32, #tpu.memory_space<vmem>>, %arg2: memref<128x64xf32, #tpu.memory_space<vmem>>, %arg3: memref<128x128xf32, #tpu.memory_space<vmem>>, %arg4: memref<1x128xf32, #tpu.memory_space<vmem>>, %arg5: memref<128x128xf32, #tpu.memory_space<vmem>>, %arg6: memref<2000x64xf32, #tpu.memory_space<vmem>>, %arg7: memref<2000x128xf32, #tpu.memory_space<vmem>>) attributes {dimension_semantics = [#tpu.dimension_semantics<arbitrary>], iteration_bounds = array<i64: 50>, scalar_prefetch = 0 : i64, scratch_operands = 0 : i64, tpu.core_type = #tpu.core_type<tc>, window_params = [{transform_indices = @transform_0, window_bounds = array<i64: 2000, 128>}, {pipeline_mode = #tpu.pipeline_mode<synchronous>, transform_indices = @transform_1, window_bounds = array<i64: 128, 64>}, {pipeline_mode = #tpu.pipeline_mode<synchronous>, transform_indices = @transform_2, window_bounds = array<i64: 128, 128>}, {pipeline_mode = #tpu.pipeline_mode<synchronous>, transform_indices = @transform_3, window_bounds = array<i64: 1, 128>}, {pipeline_mode = #tpu.pipeline_mode<synchronous>, transform_indices = @transform_4, window_bounds = array<i64: 128, 128>}, {transform_indices = @transform_5, window_bounds = array<i64: 2000, 64>}, {transform_indices = @transform_6, window_bounds = array<i64: 2000, 128>}]} {
    %get3A = arith.constant 0 : index
    %get3A_0 = arith.constant 0 : index
    %get3A_1 = vector.load %arg1[%get3A, %get3A_0] : memref<2000x128xf32, #tpu.memory_space<vmem>>, vector<2000x128xf32>
    %get3A_2 = arith.constant 0 : index
    %get3A_3 = arith.constant 0 : index
    %get3A_4 = vector.load %arg2[%get3A_2, %get3A_3] : memref<128x64xf32, #tpu.memory_space<vmem>>, vector<128x64xf32>
    %dot_general3A = arith.constant dense<0.000000e+00> : vector<2000x64xf32>
    %dot_general3A_5 = tpu.matmul %get3A_1, %get3A_4, %dot_general3A {dimension_numbers = #tpu.dot_dimension_numbers<[1], [0], [0], [1], [0, 0, 1, 1], [], []>, transpose_lhs_hint = false} : vector<2000x128xf32>, vector<128x64xf32>, vector<2000x64xf32> -> vector<2000x64xf32>
    %swap3A = arith.constant 0 : index
    %swap3A_6 = arith.constant 0 : index
    %swap3A_7 = vector.load %arg6[%swap3A, %swap3A_6] : memref<2000x64xf32, #tpu.memory_space<vmem>>, vector<2000x64xf32>
    tpu.vector_store %arg6[%swap3A, %swap3A_6], %dot_general3A_5 {strides = array<i32>} : memref<2000x64xf32, #tpu.memory_space<vmem>>, vector<2000x64xf32>,
    %get3A_8 = arith.constant 0 : index
    %get3A_9 = arith.constant 0 : index
    %get3A_10 = vector.load %arg1[%get3A_8, %get3A_9] : memref<2000x128xf32, #tpu.memory_space<vmem>>, vector<2000x128xf32>
    %get3A_11 = arith.constant 0 : index
    %get3A_12 = arith.constant 0 : index
    %get3A_13 = vector.load %arg3[%get3A_11, %get3A_12] : memref<128x128xf32, #tpu.memory_space<vmem>>, vector<128x128xf32>
    %dot_general3A_14 = arith.constant dense<0.000000e+00> : vector<2000x128xf32>
    %dot_general3A_15 = tpu.matmul %get3A_10, %get3A_13, %dot_general3A_14 {dimension_numbers = #tpu.dot_dimension_numbers<[1], [0], [0], [1], [0, 0, 1, 1], [], []>, transpose_lhs_hint = false} : vector<2000x128xf32>, vector<128x128xf32>, vector<2000x128xf32> -> vector<2000x128xf32>
    %get3A_16 = arith.constant 0 : index
    %get3A_17 = arith.constant 0 : index
    %get3A_18 = vector.load %arg4[%get3A_16, %get3A_17] : memref<1x128xf32, #tpu.memory_space<vmem>>, vector<1x128xf32>
    %add3A = vector.broadcast %get3A_18 : vector<1x128xf32> to vector<2000x128xf32>
    %add3A_19 = arith.addf %dot_general3A_15, %add3A : vector<2000x128xf32>
    %ge3A = arith.constant 0.000000e+00 : f32
    %ge3A_20 = vector.broadcast %ge3A : f32 to vector<2000x128xf32>
    %ge3A_21 = arith.cmpf oge, %add3A_19, %ge3A_20 : vector<2000x128xf32>
    %mul3A = arith.constant 1.000000e-01 : f32
    %mul3A_22 = vector.broadcast %mul3A : f32 to vector<2000x128xf32>
    %mul3A_23 = arith.mulf %mul3A_22, %add3A_19 : vector<2000x128xf32>
    %select_n3A = arith.select %ge3A_21, %add3A_19, %mul3A_23 : vector<2000x128xi1>, vector<2000x128xf32>
    %get3A_24 = arith.constant 0 : index
    %get3A_25 = arith.constant 0 : index
    %get3A_26 = vector.load %arg5[%get3A_24, %get3A_25] : memref<128x128xf32, #tpu.memory_space<vmem>>, vector<128x128xf32>
    %dot_general3A_27 = arith.constant dense<0.000000e+00> : vector<2000x128xf32>
    %dot_general3A_28 = tpu.matmul %select_n3A, %get3A_26, %dot_general3A_27 {dimension_numbers = #tpu.dot_dimension_numbers<[1], [0], [0], [1], [0, 0, 1, 1], [], []>, transpose_lhs_hint = false} : vector<2000x128xf32>, vector<128x128xf32>, vector<2000x128xf32> -> vector<2000x128xf32>
    %swap3A_29 = arith.constant 0 : index
    %swap3A_30 = arith.constant 0 : index
    %swap3A_31 = vector.load %arg7[%swap3A_29, %swap3A_30] : memref<2000x128xf32, #tpu.memory_space<vmem>>, vector<2000x128xf32>
    tpu.vector_store %arg7[%swap3A_29, %swap3A_30], %dot_general3A_28 {strides = array<i32>} : memref<2000x128xf32, #tpu.memory_space<vmem>>, vector<2000x128xf32>,
    return
  }
  func.func @transform_0(%arg0: i32) -> (i32, i32) {
    %c0_i32 = arith.constant 0 : i32
    %c0_i32_0 = arith.constant 0 : i32
    return %arg0, %c0_i32 : i32, i32
  }
  func.func @transform_1(%arg0: i32) -> (i32, i32) {
    %c0_i32 = arith.constant 0 : i32
    %c0_i32_0 = arith.constant 0 : i32
    %c0_i32_1 = arith.constant 0 : i32
    return %c0_i32, %c0_i32_0 : i32, i32
  }
  func.func @transform_2(%arg0: i32) -> (i32, i32) {
    %c0_i32 = arith.constant 0 : i32
    %c0_i32_0 = arith.constant 0 : i32
    %c0_i32_1 = arith.constant 0 : i32
    return %c0_i32, %c0_i32_0 : i32, i32
  }
  func.func @transform_3(%arg0: i32) -> (i32, i32) {
    %c0_i32 = arith.constant 0 : i32
    %c0_i32_0 = arith.constant 0 : i32
    %c0_i32_1 = arith.constant 0 : i32
    return %c0_i32, %c0_i32_0 : i32, i32
  }
  func.func @transform_4(%arg0: i32) -> (i32, i32) {
    %c0_i32 = arith.constant 0 : i32
    %c0_i32_0 = arith.constant 0 : i32
    %c0_i32_1 = arith.constant 0 : i32
    return %c0_i32, %c0_i32_0 : i32, i32
  }
  func.func @transform_5(%arg0: i32) -> (i32, i32) {
    %c0_i32 = arith.constant 0 : i32
    %c0_i32_0 = arith.constant 0 : i32
    return %arg0, %c0_i32 : i32, i32
  }
  func.func @transform_6(%arg0: i32) -> (i32, i32) {
    %c0_i32 = arith.constant 0 : i32
    %c0_i32_0 = arith.constant 0 : i32
    return %arg0, %c0_i32 : i32, i32
  }
}

module attributes {stable_mosaic.version = 14 : i64} {
  func.func @_p1_body(%arg0: i32, %arg1: memref<2000x72xf32, #tpu.memory_space<vmem>>, %arg2: memref<1x64xf32, #tpu.memory_space<vmem>>, %arg3: memref<2000x64xf32, #tpu.memory_space<vmem>>, %arg4: memref<2x64xf32, #tpu.memory_space<vmem>>) attributes {dimension_semantics = [#tpu.dimension_semantics<arbitrary>], iteration_bounds = array<i64: 50>, scalar_prefetch = 0 : i64, scratch_operands = 0 : i64, tpu.core_type = #tpu.core_type<tc>, window_params = [{transform_indices = @transform_0, window_bounds = array<i64: 2000, 72>}, {pipeline_mode = #tpu.pipeline_mode<synchronous>, transform_indices = @transform_1, window_bounds = array<i64: 1, 64>}, {transform_indices = @transform_2, window_bounds = array<i64: 2000, 64>}, {pipeline_mode = #tpu.pipeline_mode<synchronous>, transform_indices = @transform_3, window_bounds = array<i64: 2, 64>}]} {
    %get3A = arith.constant 0 : index
    %get3A_0 = arith.constant 0 : index
    %get3A_1 = vector.load %arg1[%get3A, %get3A_0] : memref<2000x72xf32, #tpu.memory_space<vmem>>, vector<2000x72xf32>
    %slice3A = vector.extract_strided_slice %get3A_1 {offsets = [0, 64], sizes = [2000, 1], strides = [1, 1]} : vector<2000x72xf32> to vector<2000x1xf32>
    %max3A = arith.constant 1.000000e+00 : f32
    %max3A_2 = vector.broadcast %max3A : f32 to vector<2000x1xf32>
    %max3A_3 = arith.maximumf %slice3A, %max3A_2 : vector<2000x1xf32>
    %slice3A_4 = vector.extract_strided_slice %get3A_1 {offsets = [0, 0], sizes = [2000, 64], strides = [1, 1]} : vector<2000x72xf32> to vector<2000x64xf32>
    %div3A = vector.broadcast %max3A_3 : vector<2000x1xf32> to vector<2000x64xf32>
    %div3A_5 = arith.divf %slice3A_4, %div3A : vector<2000x64xf32>
    %get3A_6 = arith.constant 0 : index
    %get3A_7 = arith.constant 0 : index
    %get3A_8 = vector.load %arg2[%get3A_6, %get3A_7] : memref<1x64xf32, #tpu.memory_space<vmem>>, vector<1x64xf32>
    %add3A = vector.broadcast %get3A_8 : vector<1x64xf32> to vector<2000x64xf32>
    %add3A_9 = arith.addf %div3A_5, %add3A : vector<2000x64xf32>
    %ge3A = arith.constant 0.000000e+00 : f32
    %ge3A_10 = vector.broadcast %ge3A : f32 to vector<2000x64xf32>
    %ge3A_11 = arith.cmpf oge, %add3A_9, %ge3A_10 : vector<2000x64xf32>
    %mul3A = arith.constant 1.000000e-01 : f32
    %mul3A_12 = vector.broadcast %mul3A : f32 to vector<2000x64xf32>
    %mul3A_13 = arith.mulf %mul3A_12, %add3A_9 : vector<2000x64xf32>
    %select_n3A = arith.select %ge3A_11, %add3A_9, %mul3A_13 : vector<2000x64xi1>, vector<2000x64xf32>
    %swap3A = arith.constant 0 : index
    %swap3A_14 = arith.constant 0 : index
    %swap3A_15 = vector.load %arg3[%swap3A, %swap3A_14] : memref<2000x64xf32, #tpu.memory_space<vmem>>, vector<2000x64xf32>
    tpu.vector_store %arg3[%swap3A, %swap3A_14], %select_n3A {strides = array<i32>} : memref<2000x64xf32, #tpu.memory_space<vmem>>, vector<2000x64xf32>,
    %reduce_sum3A = arith.constant dense<0.000000e+00> : vector<64xf32>
    %reduce_sum3A_16 = vector.multi_reduction <add>, %select_n3A, %reduce_sum3A [0] : vector<2000x64xf32> to vector<64xf32>
    %broadcast_in_dim3A = vector.shape_cast %reduce_sum3A_16 : vector<64xf32> to vector<1x64xf32>
    %mul3A_17 = arith.mulf %select_n3A, %select_n3A : vector<2000x64xf32>
    %reduce_sum3A_18 = arith.constant dense<0.000000e+00> : vector<64xf32>
    %reduce_sum3A_19 = vector.multi_reduction <add>, %mul3A_17, %reduce_sum3A_18 [0] : vector<2000x64xf32> to vector<64xf32>
    %broadcast_in_dim3A_20 = vector.shape_cast %reduce_sum3A_19 : vector<64xf32> to vector<1x64xf32>
    %concatenate3A = tpu.concatenate %broadcast_in_dim3A, %broadcast_in_dim3A_20 in 0 : vector<1x64xf32>, vector<1x64xf32> -> vector<2x64xf32>
    %eq3A = arith.constant 0 : i32
    %eq3A_21 = arith.cmpi eq, %arg0, %eq3A : i32
    %convert_element_type3A = arith.extui %eq3A_21 : i1 to i32
    %cond3A = arith.constant 0 : i32
    %cond3A_22 = arith.cmpi ne, %convert_element_type3A, %cond3A : i32
    scf.if %cond3A_22 {
      %broadcast_in_dim3A_30 = arith.constant 0.000000e+00 : f32
      %broadcast_in_dim3A_31 = vector.broadcast %broadcast_in_dim3A_30 : f32 to vector<2x64xf32>
      %swap3A_32 = arith.constant 0 : index
      %swap3A_33 = arith.constant 0 : index
      %swap3A_34 = vector.load %arg4[%swap3A_32, %swap3A_33] : memref<2x64xf32, #tpu.memory_space<vmem>>, vector<2x64xf32>
      tpu.vector_store %arg4[%swap3A_32, %swap3A_33], %broadcast_in_dim3A_31 {strides = array<i32>} : memref<2x64xf32, #tpu.memory_space<vmem>>, vector<2x64xf32>,
    } else {
    }
    %get3A_23 = arith.constant 0 : index
    %get3A_24 = arith.constant 0 : index
    %get3A_25 = vector.load %arg4[%get3A_23, %get3A_24] : memref<2x64xf32, #tpu.memory_space<vmem>>, vector<2x64xf32>
    %add3A_26 = arith.addf %get3A_25, %concatenate3A : vector<2x64xf32>
    %swap3A_27 = arith.constant 0 : index
    %swap3A_28 = arith.constant 0 : index
    %swap3A_29 = vector.load %arg4[%swap3A_27, %swap3A_28] : memref<2x64xf32, #tpu.memory_space<vmem>>, vector<2x64xf32>
    tpu.vector_store %arg4[%swap3A_27, %swap3A_28], %add3A_26 {strides = array<i32>} : memref<2x64xf32, #tpu.memory_space<vmem>>, vector<2x64xf32>,
    return
  }
  func.func @transform_0(%arg0: i32) -> (i32, i32) {
    %c0_i32 = arith.constant 0 : i32
    %c0_i32_0 = arith.constant 0 : i32
    return %arg0, %c0_i32 : i32, i32
  }
  func.func @transform_1(%arg0: i32) -> (i32, i32) {
    %c0_i32 = arith.constant 0 : i32
    %c0_i32_0 = arith.constant 0 : i32
    %c0_i32_1 = arith.constant 0 : i32
    return %c0_i32, %c0_i32_0 : i32, i32
  }
  func.func @transform_2(%arg0: i32) -> (i32, i32) {
    %c0_i32 = arith.constant 0 : i32
    %c0_i32_0 = arith.constant 0 : i32
    return %arg0, %c0_i32 : i32, i32
  }
  func.func @transform_3(%arg0: i32) -> (i32, i32) {
    %c0_i32 = arith.constant 0 : i32
    %c0_i32_0 = arith.constant 0 : i32
    %c0_i32_1 = arith.constant 0 : i32
    return %c0_i32, %c0_i32_0 : i32, i32
  }
}

module attributes {stable_mosaic.version = 14 : i64} {
  func.func @_p2_body(%arg0: i32, %arg1: memref<2000x64xf32, #tpu.memory_space<vmem>>, %arg2: memref<64x64xf32, #tpu.memory_space<vmem>>, %arg3: memref<1x64xf32, #tpu.memory_space<vmem>>, %arg4: memref<2000x64xf32, #tpu.memory_space<vmem>>, %arg5: memref<2x64xf32, #tpu.memory_space<vmem>>) attributes {dimension_semantics = [#tpu.dimension_semantics<arbitrary>], iteration_bounds = array<i64: 50>, scalar_prefetch = 0 : i64, scratch_operands = 0 : i64, tpu.core_type = #tpu.core_type<tc>, window_params = [{transform_indices = @transform_0, window_bounds = array<i64: 2000, 64>}, {pipeline_mode = #tpu.pipeline_mode<synchronous>, transform_indices = @transform_1, window_bounds = array<i64: 64, 64>}, {pipeline_mode = #tpu.pipeline_mode<synchronous>, transform_indices = @transform_2, window_bounds = array<i64: 1, 64>}, {transform_indices = @transform_3, window_bounds = array<i64: 2000, 64>}, {pipeline_mode = #tpu.pipeline_mode<synchronous>, transform_indices = @transform_4, window_bounds = array<i64: 2, 64>}]} {
    %get3A = arith.constant 0 : index
    %get3A_0 = arith.constant 0 : index
    %get3A_1 = vector.load %arg1[%get3A, %get3A_0] : memref<2000x64xf32, #tpu.memory_space<vmem>>, vector<2000x64xf32>
    %get3A_2 = arith.constant 0 : index
    %get3A_3 = arith.constant 0 : index
    %get3A_4 = vector.load %arg2[%get3A_2, %get3A_3] : memref<64x64xf32, #tpu.memory_space<vmem>>, vector<64x64xf32>
    %dot_general3A = arith.constant dense<0.000000e+00> : vector<2000x64xf32>
    %dot_general3A_5 = tpu.matmul %get3A_1, %get3A_4, %dot_general3A {dimension_numbers = #tpu.dot_dimension_numbers<[1], [0], [0], [1], [0, 0, 1, 1], [], []>, transpose_lhs_hint = false} : vector<2000x64xf32>, vector<64x64xf32>, vector<2000x64xf32> -> vector<2000x64xf32>
    %get3A_6 = arith.constant 0 : index
    %get3A_7 = arith.constant 0 : index
    %get3A_8 = vector.load %arg3[%get3A_6, %get3A_7] : memref<1x64xf32, #tpu.memory_space<vmem>>, vector<1x64xf32>
    %add3A = vector.broadcast %get3A_8 : vector<1x64xf32> to vector<2000x64xf32>
    %add3A_9 = arith.addf %dot_general3A_5, %add3A : vector<2000x64xf32>
    %ge3A = arith.constant 0.000000e+00 : f32
    %ge3A_10 = vector.broadcast %ge3A : f32 to vector<2000x64xf32>
    %ge3A_11 = arith.cmpf oge, %add3A_9, %ge3A_10 : vector<2000x64xf32>
    %mul3A = arith.constant 1.000000e-01 : f32
    %mul3A_12 = vector.broadcast %mul3A : f32 to vector<2000x64xf32>
    %mul3A_13 = arith.mulf %mul3A_12, %add3A_9 : vector<2000x64xf32>
    %select_n3A = arith.select %ge3A_11, %add3A_9, %mul3A_13 : vector<2000x64xi1>, vector<2000x64xf32>
    %swap3A = arith.constant 0 : index
    %swap3A_14 = arith.constant 0 : index
    %swap3A_15 = vector.load %arg4[%swap3A, %swap3A_14] : memref<2000x64xf32, #tpu.memory_space<vmem>>, vector<2000x64xf32>
    tpu.vector_store %arg4[%swap3A, %swap3A_14], %select_n3A {strides = array<i32>} : memref<2000x64xf32, #tpu.memory_space<vmem>>, vector<2000x64xf32>,
    %reduce_sum3A = arith.constant dense<0.000000e+00> : vector<64xf32>
    %reduce_sum3A_16 = vector.multi_reduction <add>, %select_n3A, %reduce_sum3A [0] : vector<2000x64xf32> to vector<64xf32>
    %broadcast_in_dim3A = vector.shape_cast %reduce_sum3A_16 : vector<64xf32> to vector<1x64xf32>
    %mul3A_17 = arith.mulf %select_n3A, %select_n3A : vector<2000x64xf32>
    %reduce_sum3A_18 = arith.constant dense<0.000000e+00> : vector<64xf32>
    %reduce_sum3A_19 = vector.multi_reduction <add>, %mul3A_17, %reduce_sum3A_18 [0] : vector<2000x64xf32> to vector<64xf32>
    %broadcast_in_dim3A_20 = vector.shape_cast %reduce_sum3A_19 : vector<64xf32> to vector<1x64xf32>
    %concatenate3A = tpu.concatenate %broadcast_in_dim3A, %broadcast_in_dim3A_20 in 0 : vector<1x64xf32>, vector<1x64xf32> -> vector<2x64xf32>
    %eq3A = arith.constant 0 : i32
    %eq3A_21 = arith.cmpi eq, %arg0, %eq3A : i32
    %convert_element_type3A = arith.extui %eq3A_21 : i1 to i32
    %cond3A = arith.constant 0 : i32
    %cond3A_22 = arith.cmpi ne, %convert_element_type3A, %cond3A : i32
    scf.if %cond3A_22 {
      %broadcast_in_dim3A_30 = arith.constant 0.000000e+00 : f32
      %broadcast_in_dim3A_31 = vector.broadcast %broadcast_in_dim3A_30 : f32 to vector<2x64xf32>
      %swap3A_32 = arith.constant 0 : index
      %swap3A_33 = arith.constant 0 : index
      %swap3A_34 = vector.load %arg5[%swap3A_32, %swap3A_33] : memref<2x64xf32, #tpu.memory_space<vmem>>, vector<2x64xf32>
      tpu.vector_store %arg5[%swap3A_32, %swap3A_33], %broadcast_in_dim3A_31 {strides = array<i32>} : memref<2x64xf32, #tpu.memory_space<vmem>>, vector<2x64xf32>,
    } else {
    }
    %get3A_23 = arith.constant 0 : index
    %get3A_24 = arith.constant 0 : index
    %get3A_25 = vector.load %arg5[%get3A_23, %get3A_24] : memref<2x64xf32, #tpu.memory_space<vmem>>, vector<2x64xf32>
    %add3A_26 = arith.addf %get3A_25, %concatenate3A : vector<2x64xf32>
    %swap3A_27 = arith.constant 0 : index
    %swap3A_28 = arith.constant 0 : index
    %swap3A_29 = vector.load %arg5[%swap3A_27, %swap3A_28] : memref<2x64xf32, #tpu.memory_space<vmem>>, vector<2x64xf32>
    tpu.vector_store %arg5[%swap3A_27, %swap3A_28], %add3A_26 {strides = array<i32>} : memref<2x64xf32, #tpu.memory_space<vmem>>, vector<2x64xf32>,
    return
  }
  func.func @transform_0(%arg0: i32) -> (i32, i32) {
    %c0_i32 = arith.constant 0 : i32
    %c0_i32_0 = arith.constant 0 : i32
    return %arg0, %c0_i32 : i32, i32
  }
  func.func @transform_1(%arg0: i32) -> (i32, i32) {
    %c0_i32 = arith.constant 0 : i32
    %c0_i32_0 = arith.constant 0 : i32
    %c0_i32_1 = arith.constant 0 : i32
    return %c0_i32, %c0_i32_0 : i32, i32
  }
  func.func @transform_2(%arg0: i32) -> (i32, i32) {
    %c0_i32 = arith.constant 0 : i32
    %c0_i32_0 = arith.constant 0 : i32
    %c0_i32_1 = arith.constant 0 : i32
    return %c0_i32, %c0_i32_0 : i32, i32
  }
  func.func @transform_3(%arg0: i32) -> (i32, i32) {
    %c0_i32 = arith.constant 0 : i32
    %c0_i32_0 = arith.constant 0 : i32
    return %arg0, %c0_i32 : i32, i32
  }
  func.func @transform_4(%arg0: i32) -> (i32, i32) {
    %c0_i32 = arith.constant 0 : i32
    %c0_i32_0 = arith.constant 0 : i32
    %c0_i32_1 = arith.constant 0 : i32
    return %c0_i32, %c0_i32_0 : i32, i32
  }
}

module attributes {stable_mosaic.version = 14 : i64} {
  func.func @_p3_body(%arg0: i32, %arg1: memref<2000x64xf32, #tpu.memory_space<vmem>>, %arg2: memref<64x128xf32, #tpu.memory_space<vmem>>, %arg3: memref<1x128xf32, #tpu.memory_space<vmem>>, %arg4: memref<128x128xf32, #tpu.memory_space<vmem>>, %arg5: memref<2000x128xf32, #tpu.memory_space<vmem>>) attributes {dimension_semantics = [#tpu.dimension_semantics<arbitrary>], iteration_bounds = array<i64: 50>, scalar_prefetch = 0 : i64, scratch_operands = 0 : i64, tpu.core_type = #tpu.core_type<tc>, window_params = [{transform_indices = @transform_0, window_bounds = array<i64: 2000, 64>}, {pipeline_mode = #tpu.pipeline_mode<synchronous>, transform_indices = @transform_1, window_bounds = array<i64: 64, 128>}, {pipeline_mode = #tpu.pipeline_mode<synchronous>, transform_indices = @transform_2, window_bounds = array<i64: 1, 128>}, {pipeline_mode = #tpu.pipeline_mode<synchronous>, transform_indices = @transform_3, window_bounds = array<i64: 128, 128>}, {transform_indices = @transform_4, window_bounds = array<i64: 2000, 128>}]} {
    %get3A = arith.constant 0 : index
    %get3A_0 = arith.constant 0 : index
    %get3A_1 = vector.load %arg1[%get3A, %get3A_0] : memref<2000x64xf32, #tpu.memory_space<vmem>>, vector<2000x64xf32>
    %get3A_2 = arith.constant 0 : index
    %get3A_3 = arith.constant 0 : index
    %get3A_4 = vector.load %arg2[%get3A_2, %get3A_3] : memref<64x128xf32, #tpu.memory_space<vmem>>, vector<64x128xf32>
    %dot_general3A = arith.constant dense<0.000000e+00> : vector<2000x128xf32>
    %dot_general3A_5 = tpu.matmul %get3A_1, %get3A_4, %dot_general3A {dimension_numbers = #tpu.dot_dimension_numbers<[1], [0], [0], [1], [0, 0, 1, 1], [], []>, transpose_lhs_hint = false} : vector<2000x64xf32>, vector<64x128xf32>, vector<2000x128xf32> -> vector<2000x128xf32>
    %get3A_6 = arith.constant 0 : index
    %get3A_7 = arith.constant 0 : index
    %get3A_8 = vector.load %arg3[%get3A_6, %get3A_7] : memref<1x128xf32, #tpu.memory_space<vmem>>, vector<1x128xf32>
    %add3A = vector.broadcast %get3A_8 : vector<1x128xf32> to vector<2000x128xf32>
    %add3A_9 = arith.addf %dot_general3A_5, %add3A : vector<2000x128xf32>
    %ge3A = arith.constant 0.000000e+00 : f32
    %ge3A_10 = vector.broadcast %ge3A : f32 to vector<2000x128xf32>
    %ge3A_11 = arith.cmpf oge, %add3A_9, %ge3A_10 : vector<2000x128xf32>
    %mul3A = arith.constant 1.000000e-01 : f32
    %mul3A_12 = vector.broadcast %mul3A : f32 to vector<2000x128xf32>
    %mul3A_13 = arith.mulf %mul3A_12, %add3A_9 : vector<2000x128xf32>
    %select_n3A = arith.select %ge3A_11, %add3A_9, %mul3A_13 : vector<2000x128xi1>, vector<2000x128xf32>
    %get3A_14 = arith.constant 0 : index
    %get3A_15 = arith.constant 0 : index
    %get3A_16 = vector.load %arg4[%get3A_14, %get3A_15] : memref<128x128xf32, #tpu.memory_space<vmem>>, vector<128x128xf32>
    %dot_general3A_17 = arith.constant dense<0.000000e+00> : vector<2000x128xf32>
    %dot_general3A_18 = tpu.matmul %select_n3A, %get3A_16, %dot_general3A_17 {dimension_numbers = #tpu.dot_dimension_numbers<[1], [0], [0], [1], [0, 0, 1, 1], [], []>, transpose_lhs_hint = false} : vector<2000x128xf32>, vector<128x128xf32>, vector<2000x128xf32> -> vector<2000x128xf32>
    %swap3A = arith.constant 0 : index
    %swap3A_19 = arith.constant 0 : index
    %swap3A_20 = vector.load %arg5[%swap3A, %swap3A_19] : memref<2000x128xf32, #tpu.memory_space<vmem>>, vector<2000x128xf32>
    tpu.vector_store %arg5[%swap3A, %swap3A_19], %dot_general3A_18 {strides = array<i32>} : memref<2000x128xf32, #tpu.memory_space<vmem>>, vector<2000x128xf32>,
    return
  }
  func.func @transform_0(%arg0: i32) -> (i32, i32) {
    %c0_i32 = arith.constant 0 : i32
    %c0_i32_0 = arith.constant 0 : i32
    return %arg0, %c0_i32 : i32, i32
  }
  func.func @transform_1(%arg0: i32) -> (i32, i32) {
    %c0_i32 = arith.constant 0 : i32
    %c0_i32_0 = arith.constant 0 : i32
    %c0_i32_1 = arith.constant 0 : i32
    return %c0_i32, %c0_i32_0 : i32, i32
  }
  func.func @transform_2(%arg0: i32) -> (i32, i32) {
    %c0_i32 = arith.constant 0 : i32
    %c0_i32_0 = arith.constant 0 : i32
    %c0_i32_1 = arith.constant 0 : i32
    return %c0_i32, %c0_i32_0 : i32, i32
  }
  func.func @transform_3(%arg0: i32) -> (i32, i32) {
    %c0_i32 = arith.constant 0 : i32
    %c0_i32_0 = arith.constant 0 : i32
    %c0_i32_1 = arith.constant 0 : i32
    return %c0_i32, %c0_i32_0 : i32, i32
  }
  func.func @transform_4(%arg0: i32) -> (i32, i32) {
    %c0_i32 = arith.constant 0 : i32
    %c0_i32_0 = arith.constant 0 : i32
    return %arg0, %c0_i32 : i32, i32
  }
}

module attributes {stable_mosaic.version = 14 : i64} {
  func.func @_p4_body(%arg0: i32, %arg1: memref<2000x128xf32, #tpu.memory_space<vmem>>, %arg2: memref<2000x128xf32, #tpu.memory_space<vmem>>, %arg3: memref<1x128xf32, #tpu.memory_space<vmem>>, %arg4: memref<128x128xf32, #tpu.memory_space<vmem>>, %arg5: memref<1x128xf32, #tpu.memory_space<vmem>>, %arg6: memref<2000x128xf32, #tpu.memory_space<vmem>>) attributes {dimension_semantics = [#tpu.dimension_semantics<arbitrary>], iteration_bounds = array<i64: 50>, scalar_prefetch = 0 : i64, scratch_operands = 0 : i64, tpu.core_type = #tpu.core_type<tc>, window_params = [{transform_indices = @transform_0, window_bounds = array<i64: 2000, 128>}, {transform_indices = @transform_1, window_bounds = array<i64: 2000, 128>}, {pipeline_mode = #tpu.pipeline_mode<synchronous>, transform_indices = @transform_2, window_bounds = array<i64: 1, 128>}, {pipeline_mode = #tpu.pipeline_mode<synchronous>, transform_indices = @transform_3, window_bounds = array<i64: 128, 128>}, {pipeline_mode = #tpu.pipeline_mode<synchronous>, transform_indices = @transform_4, window_bounds = array<i64: 1, 128>}, {transform_indices = @transform_5, window_bounds = array<i64: 2000, 128>}]} {
    %get3A = arith.constant 0 : index
    %get3A_0 = arith.constant 0 : index
    %get3A_1 = vector.load %arg1[%get3A, %get3A_0] : memref<2000x128xf32, #tpu.memory_space<vmem>>, vector<2000x128xf32>
    %get3A_2 = arith.constant 0 : index
    %get3A_3 = arith.constant 0 : index
    %get3A_4 = vector.load %arg2[%get3A_2, %get3A_3] : memref<2000x128xf32, #tpu.memory_space<vmem>>, vector<2000x128xf32>
    %add3A = arith.addf %get3A_1, %get3A_4 : vector<2000x128xf32>
    %get3A_5 = arith.constant 0 : index
    %get3A_6 = arith.constant 0 : index
    %get3A_7 = vector.load %arg3[%get3A_5, %get3A_6] : memref<1x128xf32, #tpu.memory_space<vmem>>, vector<1x128xf32>
    %add3A_8 = vector.broadcast %get3A_7 : vector<1x128xf32> to vector<2000x128xf32>
    %add3A_9 = arith.addf %add3A, %add3A_8 : vector<2000x128xf32>
    %ge3A = arith.constant 0.000000e+00 : f32
    %ge3A_10 = vector.broadcast %ge3A : f32 to vector<2000x128xf32>
    %ge3A_11 = arith.cmpf oge, %add3A_9, %ge3A_10 : vector<2000x128xf32>
    %mul3A = arith.constant 1.000000e-01 : f32
    %mul3A_12 = vector.broadcast %mul3A : f32 to vector<2000x128xf32>
    %mul3A_13 = arith.mulf %mul3A_12, %add3A_9 : vector<2000x128xf32>
    %select_n3A = arith.select %ge3A_11, %add3A_9, %mul3A_13 : vector<2000x128xi1>, vector<2000x128xf32>
    %get3A_14 = arith.constant 0 : index
    %get3A_15 = arith.constant 0 : index
    %get3A_16 = vector.load %arg4[%get3A_14, %get3A_15] : memref<128x128xf32, #tpu.memory_space<vmem>>, vector<128x128xf32>
    %dot_general3A = arith.constant dense<0.000000e+00> : vector<2000x128xf32>
    %dot_general3A_17 = tpu.matmul %select_n3A, %get3A_16, %dot_general3A {dimension_numbers = #tpu.dot_dimension_numbers<[1], [0], [0], [1], [0, 0, 1, 1], [], []>, transpose_lhs_hint = false} : vector<2000x128xf32>, vector<128x128xf32>, vector<2000x128xf32> -> vector<2000x128xf32>
    %get3A_18 = arith.constant 0 : index
    %get3A_19 = arith.constant 0 : index
    %get3A_20 = vector.load %arg5[%get3A_18, %get3A_19] : memref<1x128xf32, #tpu.memory_space<vmem>>, vector<1x128xf32>
    %add3A_21 = vector.broadcast %get3A_20 : vector<1x128xf32> to vector<2000x128xf32>
    %add3A_22 = arith.addf %dot_general3A_17, %add3A_21 : vector<2000x128xf32>
    %swap3A = arith.constant 0 : index
    %swap3A_23 = arith.constant 0 : index
    %swap3A_24 = vector.load %arg6[%swap3A, %swap3A_23] : memref<2000x128xf32, #tpu.memory_space<vmem>>, vector<2000x128xf32>
    tpu.vector_store %arg6[%swap3A, %swap3A_23], %add3A_22 {strides = array<i32>} : memref<2000x128xf32, #tpu.memory_space<vmem>>, vector<2000x128xf32>,
    return
  }
  func.func @transform_0(%arg0: i32) -> (i32, i32) {
    %c0_i32 = arith.constant 0 : i32
    %c0_i32_0 = arith.constant 0 : i32
    return %arg0, %c0_i32 : i32, i32
  }
  func.func @transform_1(%arg0: i32) -> (i32, i32) {
    %c0_i32 = arith.constant 0 : i32
    %c0_i32_0 = arith.constant 0 : i32
    return %arg0, %c0_i32 : i32, i32
  }
  func.func @transform_2(%arg0: i32) -> (i32, i32) {
    %c0_i32 = arith.constant 0 : i32
    %c0_i32_0 = arith.constant 0 : i32
    %c0_i32_1 = arith.constant 0 : i32
    return %c0_i32, %c0_i32_0 : i32, i32
  }
  func.func @transform_3(%arg0: i32) -> (i32, i32) {
    %c0_i32 = arith.constant 0 : i32
    %c0_i32_0 = arith.constant 0 : i32
    %c0_i32_1 = arith.constant 0 : i32
    return %c0_i32, %c0_i32_0 : i32, i32
  }
  func.func @transform_4(%arg0: i32) -> (i32, i32) {
    %c0_i32 = arith.constant 0 : i32
    %c0_i32_0 = arith.constant 0 : i32
    %c0_i32_1 = arith.constant 0 : i32
    return %c0_i32, %c0_i32_0 : i32, i32
  }
  func.func @transform_5(%arg0: i32) -> (i32, i32) {
    %c0_i32 = arith.constant 0 : i32
    %c0_i32_0 = arith.constant 0 : i32
    return %arg0, %c0_i32 : i32, i32
  }
}

</mosaic_0001>

<sc_bundles>
// kernel: kernel.10.cloned.1.call-start
scs
__scs_entry_jumppad:
0x0: {  	(pc) =	sbr.rel $0x88, $3  }
0x1: {  	(tag) =	ssettag $0x0;
	lr =	simm.s32 $0x1  }
0x2: {  	[smem:$0x3F8D] =	sst lr;
	_ =	strace $0xD0000000  }
0x3: {  	_ = 	snop  }
0x4: {  	_ = 	snop  }
0x5: {  	_ = 	snop  }
0x6: {  	_ = 	snop  }
0x7: {  	_ = 	snop  }
__scs_overlays_trampoline_lowered:
0x8: {  	[smem:$0x3F9C] =	sst s0  }
0x9: {  	[smem:$0x3F9D] =	sst s1  }
0xa: {  	[smem:$0x3F9E] =	sst s2  }
0xb: {  	[smem:$0x3F9F] =	sst s3  }
0xc: {  	[smem:$0x3FA0] =	sst s4  }
0xd: {  	[smem:$0x3FA1] =	sst s5  }
0xe: {  	[smem:$0x3FA2] =	sst s6  }
0xf: {  	[smem:$0x3FA3] =	sst s7  }
0x10: {  	[smem:$0x3FA4] =	sst s8  }
0x11: {  	[smem:$0x3FA5] =	sst s9;
	s0 =	simm.s32 @!p0 $0x0  }
0x12: {  	s1 =	sld [smem:$0x3F8B];
	s0 =	simm.s32 @p0 $0x1  }
0x13: {  	[smem:$0x3FA6] =	sst s0;
	s0 =	simm.s32 @!p1 $0x0  }
0x14: {  	s2 =	sld [smem:$0x3F8A];
	s0 =	simm.s32 @p1 $0x1  }
0x15: {  	[smem:$0x3FA7] =	sst s0;
	s0 =	simm.s32 @!p2 $0x0  }
0x16: {  	s3 =	sld [smem:$0x3FDB];
	s0 =	simm.s32 @p2 $0x1  }
0x17: {  	s4 =	simm.s32 $0x1BF5;
	[smem:$0x3FA9] =	sst s0  }
0x18: {  	s0 =	sld [smem:$0x3F8C];
	_ =	swait.ge [sflag:s4], $0x0  }
0x19: {  	s7 =	sld [smem:$0x3F8D]  }
0x1a: {  	s8 =	sadd.s32 $0xFFFFE003, lr  }
0x1b: {  	s9 =	sadd.s32 $0xFFFFFEF7, lr;
	s5 =	simm.s32 $0xFFFFFFFF;
	p2 =	slt.u32 s8, $0xFFFFF086  }
0x1c: {  	p1 =	slt.u32 s9, $0xF7A;
	s5 =	simm.s32 @!p2 $0x0  }
0x1d: {  	s5 =	simm.s32 @p1 $0x1;
	p0 =	seq.s32 s7, s2  }
0x1e: {  	s7 =	smul.u32 @!p0 $0xF7A, s2;
	p2 =	seq.s32 @!p0 s5, $0x0  }
0x1f: {  	s9 =	smul.u32 $0xF7A, s1;
	s8 =	simm.s32 @!p0 $0x1BF5;
	p2 =	por !p2, p0  }
0x20: {  	[sflag:s8] =	ssyncset.s32 @!p0 $0xFFFFF086;
	s6 =	sadd.s32 @!p0 s3, s7;
	s7 =	simm.s32 @!p0 $0x108  }
0x21: {  	s3 =	sadd.s32 s3, s9;
	s6 =	sadd.s32 @!p0 $0x88, s6;
	s7 =	simm.s32 @p2 $0x1082  }
0x22: {  	[simem:s7], [sflag:s8] =	dma.local @!p0 [hbm:s6], $0xF7A  }
0x23: {  	s9 =	sor.u32 $0xD0000000, s2;
	s6 =	simm.s32 $0x108;
	_ =	swait.ge @!p0 [sflag:s8], $0x0  }
0x24: {  	s3 =	sadd.s32 $0x88, s3;
	s6 =	simm.s32 @!p1 $0x1082;
	[sflag:s4] =	ssyncset.s32 $0xFFFFF086  }
0x25: {  	[simem:s6], [sflag:s4] =	dma.local [hbm:s3], $0xF7A  }
0x26: {  	[smem:$0x3F8D] =	sst s1;
	(tag) =	ssettag s2;
	_ =	strace s9  }
0x27: {  	s1 =	sld [smem:$0x3F9D]  }
0x28: {  	s2 =	sld [smem:$0x3F9E]  }
0x29: {  	s4 =	sld [smem:$0x3FA0]  }
0x2a: {  	p0 =	seq.s32 s5, $0x0;
	s5 =	sld [smem:$0x3FA1]  }
0x2b: {  	s6 =	sld [smem:$0x3FA2]  }
0x2c: {  	s7 =	sld [smem:$0x3FA3]  }
0x2d: {  	s3 =	simm.s32 $0x108;
	s8 =	sld [smem:$0x3FA4]  }
0x2e: {  	s3 =	simm.s32 @!p0 $0x1082;
	s9 =	sld [smem:$0x3FA5]  }
0x2f: {  	lr =	sadd.s32 s0, s3;
	s0 =	sld [smem:$0x3F9C]  }
0x30: {  	s3 =	sld [smem:$0x3F9F]  }
0x31: {  	[smem:$0x3FA8] =	sst s10  }
0x32: {  	s10 =	sld [smem:$0x3FA6];
	_ =	sdelay $0x3  }
0x33: {  	p0 =	seq.s32 s10, $0x1;
	s10 =	sld [smem:$0x3FA8];
	_ =	sdelay $0x3  }
0x34: {  	[smem:$0x3FA8] =	sst s10  }
0x35: {  	s10 =	sld [smem:$0x3FA7];
	_ =	sdelay $0x3  }
0x36: {  	p1 =	seq.s32 s10, $0x1;
	s10 =	sld [smem:$0x3FA8];
	_ =	sdelay $0x3  }
0x37: {  	[smem:$0x3FA8] =	sst s10  }
0x38: {  	s10 =	sld [smem:$0x3FA9]  }
0x39: {  	_ = 	snop;
	(pc) =	sbr.ind lr, $3  }
0x3a: {  	_ = 	snop  }
0x3b: {  	_ = 	snop  }
0x3c: {  	p2 =	seq.s32 s10, $0x1;
	s10 =	sld [smem:$0x3FA8]  }
0x3d: {  	_ =	shalt  }
0x3e: {  	_ =	shalt  }
0x3f: {  	_ =	shalt  }
0x40: {  	_ =	shalt  }
0x41: {  	_ =	shalt  }
0x42: {  	_ =	shalt  }
0x43: {  	_ =	shalt  }
0x44: {  	_ =	shalt  }
0x45: {  	_ =	shalt  }
0x46: {  	_ =	shalt  }
0x47: {  	_ =	shalt  }
0x48: {  	_ =	shalt  }
0x49: {  	_ =	shalt  }
0x4a: {  	_ =	shalt  }
0x4b: {  	_ =	shalt  }
0x4c: {  	_ =	shalt  }
0x4d: {  	_ =	shalt  }
0x4e: {  	_ =	shalt  }
0x4f: {  	_ =	shalt  }
0x50: {  	_ =	shalt  }
0x51: {  	_ =	shalt  }
0x52: {  	_ =	shalt  }
0x53: {  	_ =	shalt  }
0x54: {  	_ =	shalt  }
0x55: {  	_ =	shalt  }
0x56: {  	_ =	shalt  }
0x57: {  	_ =	shalt  }
0x58: {  	_ =	shalt  }
0x59: {  	_ =	shalt  }
0x5a: {  	_ =	shalt  }
0x5b: {  	_ =	shalt  }
0x5c: {  	_ =	shalt  }
0x5d: {  	_ =	shalt  }
0x5e: {  	_ =	shalt  }
0x5f: {  	_ =	shalt  }
0x60: {  	_ =	shalt  }
0x61: {  	_ =	shalt  }
0x62: {  	_ =	shalt  }
0x63: {  	_ =	shalt  }
0x64: {  	_ =	shalt  }
0x65: {  	_ =	shalt  }
0x66: {  	_ =	shalt  }
0x67: {  	_ =	shalt  }
0x68: {  	_ =	shalt  }
0x69: {  	_ =	shalt  }
0x6a: {  	_ =	shalt  }
0x6b: {  	_ =	shalt  }
0x6c: {  	_ =	shalt  }
0x6d: {  	_ =	shalt  }
0x6e: {  	_ =	shalt  }
0x6f: {  	_ =	shalt  }
0x70: {  	_ =	shalt  }
0x71: {  	_ =	shalt  }
0x72: {  	_ =	shalt  }
0x73: {  	_ =	shalt  }
0x74: {  	_ =	shalt  }
0x75: {  	_ =	shalt  }
0x76: {  	_ =	shalt  }
0x77: {  	_ =	shalt  }
0x78: {  	_ =	shalt  }
0x79: {  	_ =	shalt  }
0x7a: {  	_ =	shalt  }
0x7b: {  	_ =	shalt  }
0x7c: {  	_ =	shalt  }
0x7d: {  	_ =	shalt  }
0x7e: {  	_ =	shalt  }
0x7f: {  	_ =	shalt  }
0x80: {  	_ =	shalt  }
0x81: {  	_ =	shalt  }
0x82: {  	_ =	shalt  }
0x83: {  	_ =	shalt  }
0x84: {  	_ =	shalt  }
0x85: {  	_ =	shalt  }
0x86: {  	_ =	shalt  }
0x87: {  	_ =	shalt  }
.Lfunc_end0:
.L_simem_size_0:
called_computation.1_lowered:
.L_overlay_start_0:
0x88: {  	s2 =	sld [smem:$0x3FD9]  }
0x89: {  	s3 =	sld [smem:$0x3FFE];
	_ =	sdelay $0x1  }
0x8a: {  	s1 =	srdreg.scid  }
0x8b: {  	s0 =	sand.u32 $0x1, s1  }
0x8c: {  	s17 =	sshll.u32 s0, $0xA;
	s2 =	sadd.s32 s3, s2  }
0x8d: {  	s2 =	sadd.s32 s2, s17  }
0x8e: {  	[smem:$0x3FB4] =	sst s2  }
0x8f: {  	_ = 	snop  }
0x90: {  	s2 =	sld [smem:$0x3FD0];
	(tm) =	ssettm $0x1  }
0x91: {  	s18 =	sld [smem:$0x3FFB];
	_ =	sdelay $0x3  }
0x92: {  	_ =	strace s18  }
0x93: {  	s3 =	sld [smem:$0x3FFC];
	_ =	sdelay $0x3  }
0x94: {  	_ =	strace s3  }
0x95: {  	s3 =	sld [smem:$0x3FFD];
	_ =	sdelay $0x3  }
0x96: {  	_ =	strace s3  }
0x97: {  	_ =	strace $0x8FFFFFFF  }
0x98: {  	s19 =	sld [smem:$0x3FDB];
	_ =	sdelay $0x1  }
0x99: {  	s4 =	simm.s32 $_scs_section_size  }
0x9a: {  	s5 =	simm.s32 $_size__tile_overlayer_lowered;
	s6 =	simm.s32 $_tile_overlayer_lowered  }
0x9b: {  	s22 =	simm.s32 $0x1BFF;
	s21 =	sshll.u32 s6, $0x1;
	s3 =	sadd.s32 s4, s19  }
0x9c: {  	s7 =	simm.s32 $0x0;
	s20 =	sshll.u32 s5, $0x1;
	s5 =	sadd.s32 s21, s3  }
0x9d: {  	[timem:s7], [sflag:s22] =	dma.local [hbm:s5], s20  }
0x9e: {  	_ =	swait.ge [sflag:s22], s20  }
0x9f: {  	s4 =	ssub.s32 $0x0, s20;
	[sflag:s22] =	ssyncset.done $0x0  }
0xa0: {  	[sflag:s22] =	ssyncadd.s32 s4;
	_ =	sdelay $0x1  }
0xa1: {  	s23 =	simm.s32 $0x1B8B  }
0xa2: {  	_ =	swait.ge [sflag:s23], $0x1  }
0xa3: {  	[sflag:s23] =	ssyncset.done $0x0  }
0xa4: {  	s25 =	simm.s32 $0x1B8E;
	s24 =	sld [smem:$0x3FFE];
	[sflag:s23] =	ssyncadd.s32 $0xFFFFFFFF  }
0xa5: {  	s26 =	simm.s32 $execute0_lowered;
	[smem:$0x3FD2] =	sst s25  }
0xa6: {  	s5 =	sshll.u32 s26, $0x1;
	_ =	strace $0x80000046;
	[dreg:$0x1] =	wrdreg $0xFFFFFFFF  }
0xa7: {  	s28 =	simm.s32 $_size_execute0_lowered;
	s3 =	sadd.s32 s3, s5;
	[dreg:$0x0] =	wrdreg $0x0  }
0xa8: {  	s5 =	sshll.u32 s28, $0x1;
	[dreg:$0x2] =	wrdreg s3  }
0xa9: {  	[dreg:$0x3] =	wrdreg s5  }
0xaa: {  	[dreg:$0x4] =	wrdreg $0xC0  }
0xab: {  	_ =	task [dreg:s7], $0x5FFFF  }
0xac: {  	[dreg:$0x1] =	wrdreg $0xFFFFFFFF  }
0xad: {  	[dreg:$0x0] =	wrdreg $0x60  }
0xae: {  	[dreg:$0x2] =	wrdreg s2  }
0xaf: {  	[dreg:$0x3] =	wrdreg s24  }
0xb0: {  	[dreg:$0x4] =	wrdreg $0x9  }
0xb1: {  	_ =	task.clear_ibuf [dreg:s7], $0x5FFFF;
	_ =	strace $0x90000046  }
0xb2: {  	s29 =	simm.s32 $0x9;
	_ =	strace $0x80000048  }
0xb3: {  	_ =	swait.ge [sflag:s29], $0x1  }
0xb4: {  	[sflag:s29] =	ssyncadd.s32 $0xFFFFFFFF  }
0xb5: {  	_ =	strace $0x90000048  }
0xb6: {  	_ =	sfence  }
0xb7: {  	s30 =	sld [smem:$0x0];
	_ =	sdelay $0x2  }
0xb8: {  	s31 =	sshll.u32 s1, $0xD;
	s1 =	sshrl.u32 s1, $0x2  }
0xb9: {  	s3 =	sand.u32 $0x4000, s31;
	s1 =	sadd.s32 s1, s30  }
0xba: {  	s0 =	sor.u32 s3, s0;
	s1 =	sshll.u32 s1, $0x11  }
0xbb: {  	s0 =	sor.u32 s1, s0  }
0xbc: {  	s0 =	sadd.s32 $0x8F2B, s0  }
0xbd: {  	[sflag:s0] =	ssyncadd.remote.s32 $0x1  }
0xbe: {  	_ =	sfence.sel $0xFFFF  }
0xbf: {  	[dreg:$0x0] =	wrdreg $0xFFFFFFFF;
	(pc) =	sbr.abs _section_cstart, $3  }
0xc0: {  	[dreg:$0x1] =	wrdreg $0xFFFFFFFF  }
0xc1: {  	_ =	task.clear_ibuf [dreg:s7], $0x2FFFF;
	_ =	strace $0x9FFFFFFF  }
0xc2: {  	(tm) =	ssettm $0x7FFFFFFF  }
0xc3: {  	_ =	shalt  }
tec
execute0_lowered:
.L_overlay_start_1:
0x0: {  	(tag) =	ssettag $0x1  }
0x1: {  	s1 =	rddreg [dreg:$0x0]  }
0x2: {  	s6 =	rddreg [dreg:$0x1]  }
0x3: {  	s0 =	rddreg [dreg:$0x2];
	s3 =	simm.s32 $0x0  }
0x4: {  	s2 =	srdreg.scid;
	s11 =	simm.s32 $0x13100;
	s12 =	simm.s32 $0x0  }
0x5: {  	[smem:$0x7FF] =	sst s3;
	s4 =	sand.u32 $0x1, s2;
	s2 =	stileid.u32  }
0x6: {  	s5 =	ssub.s32 $0x2, s4;
	s4 =	sshll.u32 s4, $0x4;
	_ =	strace $0x80000047  }
0x7: {  	s7 =	sshrl.u32 s5, $0x1;
	s8 =	sor.u32 s2, s4;
	s4 =	sadd.s32 $0x200, s6  }
0x8: {  	s7 =	ssub.s32 s5, s7;
	s9 =	sshll.u32 s8, $0x1;
	s10 =	sshll.u32 s8, $0x10  }
0x9: {  	s5 =	smul.u32 $0x18800, s8;
	s8 =	simm.s32 $0x10000;
	s6 =	sadd.s32 s6, s9  }
0xa: {  	v1 =	vimm.s32 $0x0;
	v2 =	vimm.s32 $0x1;
	s7 =	smax.u32 s7, $0x1;
	s9 =	simm.s32 $0x1;
	v0 =	vmov s10;
	s10 =	simm.s32 $0x11880  }
.LBB2_1:
0xb: {  	s13 =	simm.s32 $0x40;
	s14 =	simm.s32 $0x0  }
.LBB2_2:
0xc: {  	p0 =	sne.s32 s13, $0x3FFC0;
	[tilespmem:s14+$0x0] =	vst v1;
	s14 =	smov.u32 s13;
	s13 =	sadd.s32 $0x40, s13  }
.Ltmp0:
0xd: {  	(pc) =	sbr.rel @p0 .LBB2_2-.Ltmp0, $2  }
0xe: {  	_ =	sdelay $0x2  }
0xf: {  	s14 =	sshra.s32 s14, $0x2  }
0x10: {  	[tilespmem:s14+$0x0] =	vst v1;
	s14 =	simm.s32 $0x0;
	s15 =	simm.s32 $0x0  }
.LBB2_4:
0x11: {  	s13 =	smul.u32 $0x310, s15;
	_ =	sdelay $0x1  }
0x12: {  	s13 =	sadd.s32 s1, s13  }
0x13: {  	[tilespmem:s8], [sflag:$0x1] =	stream.linear.gather [hbm4b:s13+s14], $0x1880, $0x38;
	[tilespmem:$0x13110] =	vst v63  }
0x14: {  	s30 =	sand.u32 $0x7E00, s14;
	_ =	swait.ge [sflag:s9], $0x1880  }
0x15: {  	s16 =	sand.u32 $0x70, s14;
	s13 =	sshrl.u32 s30, $0x2;
	[sflag:s9] =	ssyncset.done $0x0  }
0x16: {  	s13 =	sor.u32 s16, s13;
	[sflag:s9] =	ssyncadd.s32 $0xFFFFE780  }
0x17: {  	v3 =	vld [tilespmem:s13+$0x10000];
	_ =	sdelay $0x4  }
0x18: {  	v4 =	vsub.s32 v3, v0  }
0x19: {  	v3 =	vand.u32 $0x7, v3;
	v5 =	vand.u32 $0xFFFFFFF8, v4;
	vm0 =	vlt.u32 v4, $0x10000  }
0x1a: {  	v3 =	vor.u32 v3, v5;
	_ =	sdelay $0x1  }
0x1b: {  	s31 =	simm.s32 $0x40  }
0x1c: {  	s17 =	sand.u32 $0x7E00, s31;
	s16 =	simm.s32 $0x80;
	s13 =	simm.s32 $0x10  }
.LBB2_5:
0x1d: {  	p0 =	sne.s32 s16, $0x61C0;
	s18 =	sand.u32 $0x70, s13;
	s17 =	sshrl.u32 s17, $0x2  }
0x1e: {  	s17 =	sor.u32 s18, s17;
	[tilespmem:v3+s3+$0x0] =	vst.idx.msk vm0, v2  }
0x1f: {  	v3 =	vld [tilespmem:s17+$0x10000];
	_ =	sdelay $0x4  }
0x20: {  	v4 =	vsub.s32 v3, v0  }
.Ltmp1:
0x21: {  	v3 =	vand.u32 $0x7, v3;
	vm0 =	vlt.u32 v4, $0x10000;
	v4 =	vand.u32 $0xFFFFFFF8, v4;
	(pc) =	sbr.rel @p0 .LBB2_5-.Ltmp1, $2  }
0x22: {  	v3 =	vor.u32 v3, v4;
	_ =	sdelay $0x2  }
0x23: {  	s13 =	sadd.s32 $0x10, s13;
	s17 =	sand.u32 $0x7E00, s16;
	s16 =	sadd.s32 $0x40, s16  }
0x24: {  	_ =	sdelay $0x3  }
0x25: {  	s13 =	sand.u32 $0x70, s13;
	s16 =	sshrl.u32 s17, $0x2  }
0x26: {  	[tilespmem:v3+s3+$0x0] =	vst.idx.msk vm0, v2;
	s13 =	sor.u32 s13, s16  }
0x27: {  	v3 =	vld [tilespmem:s13+$0x10000];
	_ =	sdelay $0x4  }
0x28: {  	v4 =	vsub.s32 v3, v0  }
0x29: {  	s15 =	sadd.s32 $0x1, s15;
	v3 =	vand.u32 $0x7, v3;
	vm15 =	vlt.u32 v4, $0x10000;
	v4 =	vand.u32 $0xFFFFFFF8, v4  }
0x2a: {  	p0 =	sne.s32 s15, $0x10;
	v3 =	vor.u32 v3, v4  }
.Ltmp2:
0x2b: {  	_ = 	snop;
	(pc) =	sbr.rel @p0 .LBB2_4-.Ltmp2, $2  }
0x2c: {  	_ =	sdelay $0x2  }
0x2d: {  	s13 =	simm.s32 $0x0;
	[tilespmem:v3+s3+$0x0] =	vst.idx.msk vm15, v2  }
0x2e: {  	s15 =	sshra.s32 s13, $0x2  }
0x2f: {  	v3 =	vld [tilespmem:s15+$0x0];
	_ =	sdelay $0x4  }
0x30: {  	(xrf0) =	vadd.scan.msk.s32 $0xffff, v3;
	_ =	sdelay $0x5  }
0x31: {  	v4, _, _ =	vpop (xrf0)  }
0x32: {  	(v2sf) =	vpush v4, $0xF  }
0x33: {  	v3 =	vsub.s32 s13, v3  }
0x34: {  	s16 =	sadd.s32 $0x40, s13;
	v3 =	vadd.s32 v4, v3  }
0x35: {  	s14 =	sshra.s32 s16, $0x2;
	s16 =	sadd.s32 $0x40, s16;
	[tilespmem:s15+$0x0] =	vst v3;
	s15 =	simm.s32 $0x0  }
.LBB2_8:
0x36: {  	p0 =	sne.s32 s16, $0x3FFC0;
	v3 =	vld [tilespmem:s14+$0x0];
	_ =	sdelay $0x4  }
0x37: {  	(xrf0) =	vadd.scan.msk.s32 $0xffff, v3;
	_ =	sdelay $0x5  }
.Ltmp3:
0x38: {  	v4, _, _ =	vpop (xrf0);
	s17 =	spop (v2sf);
	(pc) =	sbr.rel @p0 .LBB2_8-.Ltmp3, $4  }
0x39: {  	(v2sf) =	vpush v4, $0xF;
	s15 =	sadd.s32 s15, s17  }
0x3a: {  	v3 =	vsub.s32 s15, v3  }
0x3b: {  	v3 =	vadd.s32 v4, v3  }
0x3c: {  	[tilespmem:s14+$0x0] =	vst v3;
	s14 =	sshra.s32 s16, $0x2;
	s16 =	sadd.s32 $0x40, s16  }
0x3d: {  	v3 =	vld [tilespmem:s14+$0x0];
	_ =	sdelay $0x4  }
0x3e: {  	(xrf0) =	vadd.scan.msk.s32 $0xffff, v3;
	_ =	sdelay $0x5  }
0x3f: {  	v4, _, _ =	vpop (xrf0)  }
0x40: {  	(v2sf) =	vpush v4, $0xF;
	_ =	sdelay $0xb  }
0x41: {  	s16 =	spop (v2sf)  }
0x42: {  	s15 =	sadd.s32 s15, s16  }
0x43: {  	v3 =	vsub.s32 s15, v3  }
0x44: {  	v3 =	vadd.s32 v4, v3;
	s31 =	spop (v2sf)  }
0x45: {  	[tilespmem:s14+$0x0] =	vst v3;
	s14 =	sadd.s32 s15, s31  }
.LBB2_10:
0x46: {  	s15 =	smul.u32 $0x1880, s13;
	_ =	sdelay $0x1  }
0x47: {  	s16 =	sshrl.u32 s15, $0x3  }
0x48: {  	s17 =	simm.s32 $0x0;
	s16 =	sadd.s32 s1, s16  }
0x49: {  	[tilespmem:s8], [sflag:$0x1] =	stream.linear.gather [hbm4b:s16+s17], $0x1880, $0x38;
	[tilespmem:$0x13110] =	vst v63  }
0x4a: {  	_ =	swait.ge [sflag:s9], $0x1880  }
0x4b: {  	[sflag:s9] =	ssyncset.done $0x0  }
0x4c: {  	s17 =	simm.s32 $0x0;
	[sflag:s9] =	ssyncadd.s32 $0xFFFFE780  }
0x4d: {  	v3 =	vld [tilespmem:s17+$0x10000];
	_ =	sdelay $0x4  }
0x4e: {  	s16 =	simm.s32 $0x10;
	v4 =	vsub.s32 v3, v0  }
0x4f: {  	v5 =	vld [tilespmem:s16+$0x10000];
	v3 =	vand.u32 $0x7, v3;
	vm1 =	vlt.u32 v4, $0x10000;
	v4 =	vand.u32 $0xFFFFFFF8, v4  }
0x50: {  	v3 =	vor.u32 v3, v4;
	_ =	sdelay $0x3  }
0x51: {  	v4 =	vsub.s32 v5, v0  }
0x52: {  	v6 =	vand.u32 $0xFFFFFFF8, v4;
	vm0 =	vlt.u32 v4, $0x10000;
	v4 =	vld.idx.msk [tilespmem:v3+s3+$0x0], vm1;
	_ =	sdelay $0x1  }
0x53: {  	v5 =	vand.u32 $0x7, v5  }
0x54: {  	v3 =	vor.u32 v5, v6  }
0x55: {  	s18 =	simm.s32 $0x20;
	s19 =	simm.s32 $0xC0;
	vm1 =	vmmov vm1  }
.LBB2_11:
0x56: {  	p0 =	sne.s32 s19, $0x61C0;
	v5 =	vld [tilespmem:s18+$0x10000];
	v4 =	vadd.s32 $0x1, v4  }
0x57: {  	v4 =	vnsel vm1, $0x0, v4;
	vm1 =	vmmov vm0  }
0x58: {  	[tilespmem:s17+$0x11880] =	vst v4;
	s17 =	smov.u32 s16;
	s16 =	smov.u32 s18  }
0x59: {  	v4 =	vld.idx.msk [tilespmem:v3+s3+$0x0], vm0  }
.Ltmp4:
0x5a: {  	(pc) =	sbr.rel @p0 .LBB2_11-.Ltmp4, $4  }
0x5b: {  	v3 =	vsub.s32 v5, v0  }
0x5c: {  	v5 =	vand.u32 $0x7, v5;
	vm0 =	vlt.u32 v3, $0x10000;
	v3 =	vand.u32 $0xFFFFFFF8, v3  }
0x5d: {  	v3 =	vor.u32 v5, v3  }
0x5e: {  	s18 =	sshra.s32 s19, $0x2;
	s19 =	sadd.s32 $0x40, s19  }
0x5f: {  	_ = 	snop  }
0x60: {  	v5 =	vld [tilespmem:s18+$0x10000]  }
0x61: {  	v4 =	vadd.s32 $0x1, v4  }
0x62: {  	v4 =	vnsel vm1, $0x0, v4  }
0x63: {  	[tilespmem:s17+$0x11880] =	vst v4  }
0x64: {  	v3 =	vld.idx.msk [tilespmem:v3+s3+$0x0], vm0  }
0x65: {  	v63 =	vsub.s32 v5, v0  }
0x66: {  	v5 =	vand.u32 $0x7, v5;
	vm13 =	vlt.u32 v63, $0x10000;
	v4 =	vand.u32 $0xFFFFFFF8, v63  }
0x67: {  	v4 =	vor.u32 v5, v4;
	_ =	sdelay $0x1  }
0x68: {  	vm14 =	vmmov vm0;
	v3 =	vadd.s32 $0x1, v3  }
0x69: {  	v3 =	vnsel vm14, $0x0, v3  }
0x6a: {  	[tilespmem:s16+$0x11880] =	vst v3  }
0x6b: {  	v3 =	vld.idx.msk [tilespmem:v4+s3+$0x0], vm13;
	_ =	sdelay $0x4  }
0x6c: {  	s15 =	sadd.s32 s5, s15;
	s13 =	sadd.s32 $0x1, s13;
	vm15 =	vmmov vm13;
	v3 =	vadd.s32 $0x1, v3  }
0x6d: {  	s15 =	sshrl.u32 s15, $0x3;
	p0 =	sne.s32 s13, $0x10;
	v3 =	vnsel vm15, $0x0, v3  }
.Ltmp5:
0x6e: {  	s15 =	sadd.s32 s4, s15;
	[tilespmem:s18+$0x11880] =	vst v3;
	(pc) =	sbr.rel @p0 .LBB2_10-.Ltmp5, $4  }
0x6f: {  	[hbm4b:s15+s3] =	stream.linear.scatter [tilespmem:s10], [sflag:$0x1], $0x1880, $0x38;
	[tilespmem:$0x13110] =	vst v63  }
0x70: {  	_ =	swait.ge [sflag:s9], $0x1880  }
0x71: {  	[sflag:s9] =	ssyncset.done $0x0  }
0x72: {  	[sflag:s9] =	ssyncadd.s32 $0xFFFFE780  }
0x73: {  	s12 =	sadd.s32 $0x1, s12  }
0x74: {  	v3 =	vmov s14;
	p0 =	sne.s32 s12, s7  }
.Ltmp6:
0x75: {  	[tilespmem:$0x13100] =	vst v3;
	(pc) =	sbr.rel @p0 .LBB2_1-.Ltmp6, $4  }
0x76: {  	[hbm4b:s6+s3] =	stream.linear.scatter [tilespmem:s11], [sflag:$0x1], $0x10, $0x38;
	[tilespmem:$0x13110] =	vst v63  }
0x77: {  	_ =	swait.ge [sflag:s9], $0x10  }
0x78: {  	[sflag:s9] =	ssyncset.done $0x0  }
0x79: {  	[sflag:s9] =	ssyncadd.s32 $0xFFFFFFF0  }
0x7a: {  	_ =	sfence.sel $0x180000  }
0x7b: {  	[bflag:$0x0] =	sbarrier.arrive $0xFFFF  }
0x7c: {  	p0 =	sne.s32 s2, $0x0;
	_ =	strace $0x90000047  }
0x7d: {  	s0 =	sadd.s32 @!p0 $0x100000, s0;
	[bflag:$0x2] =	sbarrier.arrive $0xFFFF  }
0x7e: {  	[sflag:s0] =	ssyncadd.tile.s32 @!p0 $0x1;
	_ =	shalt  }
.Lfunc_end2:
_tile_overlayer_lowered:
.L_overlay_start_2:
0x7f: {  	(tag) =	ssettag $0x2  }
0x80: {  	s0 =	rddreg [dreg:$0x0];
	s2 =	stileid.u32  }
0x81: {  	s1 =	rddreg [dreg:$0x1];
	p0 =	sne.s32 s2, $0x0  }
0x82: {  	s3 =	rddreg [dreg:$0x2];
	[bflag:$0x3] =	sbarrier.arrive $0xFFFF;
	s2 =	simm.s32 @!p0 $0x1C01  }
0x83: {  	[timem:s3], [sflag:s2] =	dma.local @!p0 [hbm:s0], s1  }
0x84: {  	s0 =	simm.s32 @!p0 $0x1  }
0x85: {  	_ =	swait.ge @!p0 [sflag:s0], s1  }
0x86: {  	s1 =	ssub.s32 @!p0 $0x0, s1;
	[sflag:s0] =	ssyncset.done @!p0 $0x0  }
0x87: {  	[sflag:s0] =	ssyncadd.s32 @!p0 s1  }
0x88: {  	[bflag:$0x3] =	sbarrier.arrive $0xFFFF  }
0x89: {  	_ =	shalt  }

// kernel: kernel.13.cloned.1.call-start
scs
__scs_entry_jumppad:
0x0: {  	(pc) =	sbr.rel $0x88, $3  }
0x1: {  	(tag) =	ssettag $0x0;
	lr =	simm.s32 $0x1  }
0x2: {  	[smem:$0x3F8D] =	sst lr;
	_ =	strace $0xD0000000  }
0x3: {  	_ = 	snop  }
0x4: {  	_ = 	snop  }
0x5: {  	_ = 	snop  }
0x6: {  	_ = 	snop  }
0x7: {  	_ = 	snop  }
__scs_overlays_trampoline_lowered:
0x8: {  	[smem:$0x3F9C] =	sst s0  }
0x9: {  	[smem:$0x3F9D] =	sst s1  }
0xa: {  	[smem:$0x3F9E] =	sst s2  }
0xb: {  	[smem:$0x3F9F] =	sst s3  }
0xc: {  	[smem:$0x3FA0] =	sst s4  }
0xd: {  	[smem:$0x3FA1] =	sst s5  }
0xe: {  	[smem:$0x3FA2] =	sst s6  }
0xf: {  	[smem:$0x3FA3] =	sst s7  }
0x10: {  	[smem:$0x3FA4] =	sst s8  }
0x11: {  	[smem:$0x3FA5] =	sst s9;
	s0 =	simm.s32 @!p0 $0x0  }
0x12: {  	s1 =	sld [smem:$0x3F8B];
	s0 =	simm.s32 @p0 $0x1  }
0x13: {  	[smem:$0x3FA6] =	sst s0;
	s0 =	simm.s32 @!p1 $0x0  }
0x14: {  	s2 =	sld [smem:$0x3F8A];
	s0 =	simm.s32 @p1 $0x1  }
0x15: {  	[smem:$0x3FA7] =	sst s0;
	s0 =	simm.s32 @!p2 $0x0  }
0x16: {  	s3 =	sld [smem:$0x3FDB];
	s0 =	simm.s32 @p2 $0x1  }
0x17: {  	s4 =	simm.s32 $0x1BF5;
	[smem:$0x3FA9] =	sst s0  }
0x18: {  	s0 =	sld [smem:$0x3F8C];
	_ =	swait.ge [sflag:s4], $0x0  }
0x19: {  	s7 =	sld [smem:$0x3F8D]  }
0x1a: {  	s8 =	sadd.s32 $0xFFFFE003, lr  }
0x1b: {  	s9 =	sadd.s32 $0xFFFFFEF7, lr;
	s5 =	simm.s32 $0xFFFFFFFF;
	p2 =	slt.u32 s8, $0xFFFFF086  }
0x1c: {  	p1 =	slt.u32 s9, $0xF7A;
	s5 =	simm.s32 @!p2 $0x0  }
0x1d: {  	s5 =	simm.s32 @p1 $0x1;
	p0 =	seq.s32 s7, s2  }
0x1e: {  	s7 =	smul.u32 @!p0 $0xF7A, s2;
	p2 =	seq.s32 @!p0 s5, $0x0  }
0x1f: {  	s9 =	smul.u32 $0xF7A, s1;
	s8 =	simm.s32 @!p0 $0x1BF5;
	p2 =	por !p2, p0  }
0x20: {  	[sflag:s8] =	ssyncset.s32 @!p0 $0xFFFFF086;
	s6 =	sadd.s32 @!p0 s3, s7;
	s7 =	simm.s32 @!p0 $0x108  }
0x21: {  	s3 =	sadd.s32 s3, s9;
	s6 =	sadd.s32 @!p0 $0x88, s6;
	s7 =	simm.s32 @p2 $0x1082  }
0x22: {  	[simem:s7], [sflag:s8] =	dma.local @!p0 [hbm:s6], $0xF7A  }
0x23: {  	s9 =	sor.u32 $0xD0000000, s2;
	s6 =	simm.s32 $0x108;
	_ =	swait.ge @!p0 [sflag:s8], $0x0  }
0x24: {  	s3 =	sadd.s32 $0x88, s3;
	s6 =	simm.s32 @!p1 $0x1082;
	[sflag:s4] =	ssyncset.s32 $0xFFFFF086  }
0x25: {  	[simem:s6], [sflag:s4] =	dma.local [hbm:s3], $0xF7A  }
0x26: {  	[smem:$0x3F8D] =	sst s1;
	(tag) =	ssettag s2;
	_ =	strace s9  }
0x27: {  	s1 =	sld [smem:$0x3F9D]  }
0x28: {  	s2 =	sld [smem:$0x3F9E]  }
0x29: {  	s4 =	sld [smem:$0x3FA0]  }
0x2a: {  	p0 =	seq.s32 s5, $0x0;
	s5 =	sld [smem:$0x3FA1]  }
0x2b: {  	s6 =	sld [smem:$0x3FA2]  }
0x2c: {  	s7 =	sld [smem:$0x3FA3]  }
0x2d: {  	s3 =	simm.s32 $0x108;
	s8 =	sld [smem:$0x3FA4]  }
0x2e: {  	s3 =	simm.s32 @!p0 $0x1082;
	s9 =	sld [smem:$0x3FA5]  }
0x2f: {  	lr =	sadd.s32 s0, s3;
	s0 =	sld [smem:$0x3F9C]  }
0x30: {  	s3 =	sld [smem:$0x3F9F]  }
0x31: {  	[smem:$0x3FA8] =	sst s10  }
0x32: {  	s10 =	sld [smem:$0x3FA6];
	_ =	sdelay $0x3  }
0x33: {  	p0 =	seq.s32 s10, $0x1;
	s10 =	sld [smem:$0x3FA8];
	_ =	sdelay $0x3  }
0x34: {  	[smem:$0x3FA8] =	sst s10  }
0x35: {  	s10 =	sld [smem:$0x3FA7];
	_ =	sdelay $0x3  }
0x36: {  	p1 =	seq.s32 s10, $0x1;
	s10 =	sld [smem:$0x3FA8];
	_ =	sdelay $0x3  }
0x37: {  	[smem:$0x3FA8] =	sst s10  }
0x38: {  	s10 =	sld [smem:$0x3FA9]  }
0x39: {  	_ = 	snop;
	(pc) =	sbr.ind lr, $3  }
0x3a: {  	_ = 	snop  }
0x3b: {  	_ = 	snop  }
0x3c: {  	p2 =	seq.s32 s10, $0x1;
	s10 =	sld [smem:$0x3FA8]  }
0x3d: {  	_ =	shalt  }
0x3e: {  	_ =	shalt  }
0x3f: {  	_ =	shalt  }
0x40: {  	_ =	shalt  }
0x41: {  	_ =	shalt  }
0x42: {  	_ =	shalt  }
0x43: {  	_ =	shalt  }
0x44: {  	_ =	shalt  }
0x45: {  	_ =	shalt  }
0x46: {  	_ =	shalt  }
0x47: {  	_ =	shalt  }
0x48: {  	_ =	shalt  }
0x49: {  	_ =	shalt  }
0x4a: {  	_ =	shalt  }
0x4b: {  	_ =	shalt  }
0x4c: {  	_ =	shalt  }
0x4d: {  	_ =	shalt  }
0x4e: {  	_ =	shalt  }
0x4f: {  	_ =	shalt  }
0x50: {  	_ =	shalt  }
0x51: {  	_ =	shalt  }
0x52: {  	_ =	shalt  }
0x53: {  	_ =	shalt  }
0x54: {  	_ =	shalt  }
0x55: {  	_ =	shalt  }
0x56: {  	_ =	shalt  }
0x57: {  	_ =	shalt  }
0x58: {  	_ =	shalt  }
0x59: {  	_ =	shalt  }
0x5a: {  	_ =	shalt  }
0x5b: {  	_ =	shalt  }
0x5c: {  	_ =	shalt  }
0x5d: {  	_ =	shalt  }
0x5e: {  	_ =	shalt  }
0x5f: {  	_ =	shalt  }
0x60: {  	_ =	shalt  }
0x61: {  	_ =	shalt  }
0x62: {  	_ =	shalt  }
0x63: {  	_ =	shalt  }
0x64: {  	_ =	shalt  }
0x65: {  	_ =	shalt  }
0x66: {  	_ =	shalt  }
0x67: {  	_ =	shalt  }
0x68: {  	_ =	shalt  }
0x69: {  	_ =	shalt  }
0x6a: {  	_ =	shalt  }
0x6b: {  	_ =	shalt  }
0x6c: {  	_ =	shalt  }
0x6d: {  	_ =	shalt  }
0x6e: {  	_ =	shalt  }
0x6f: {  	_ =	shalt  }
0x70: {  	_ =	shalt  }
0x71: {  	_ =	shalt  }
0x72: {  	_ =	shalt  }
0x73: {  	_ =	shalt  }
0x74: {  	_ =	shalt  }
0x75: {  	_ =	shalt  }
0x76: {  	_ =	shalt  }
0x77: {  	_ =	shalt  }
0x78: {  	_ =	shalt  }
0x79: {  	_ =	shalt  }
0x7a: {  	_ =	shalt  }
0x7b: {  	_ =	shalt  }
0x7c: {  	_ =	shalt  }
0x7d: {  	_ =	shalt  }
0x7e: {  	_ =	shalt  }
0x7f: {  	_ =	shalt  }
0x80: {  	_ =	shalt  }
0x81: {  	_ =	shalt  }
0x82: {  	_ =	shalt  }
0x83: {  	_ =	shalt  }
0x84: {  	_ =	shalt  }
0x85: {  	_ =	shalt  }
0x86: {  	_ =	shalt  }
0x87: {  	_ =	shalt  }
.Lfunc_end0:
.L_simem_size_0:
called_computation.2_lowered:
.L_overlay_start_0:
0x88: {  	s2 =	sld [smem:$0x3FD9]  }
0x89: {  	s3 =	sld [smem:$0x3FFE];
	_ =	sdelay $0x1  }
0x8a: {  	s1 =	srdreg.scid  }
0x8b: {  	s0 =	sand.u32 $0x1, s1  }
0x8c: {  	s16 =	sshll.u32 s0, $0xA;
	s2 =	sadd.s32 s3, s2  }
0x8d: {  	s2 =	sadd.s32 s2, s16  }
0x8e: {  	[smem:$0x3FB4] =	sst s2  }
0x8f: {  	_ = 	snop  }
0x90: {  	(tm) =	ssettm $0x1  }
0x91: {  	s17 =	sld [smem:$0x3FFB];
	_ =	sdelay $0x3  }
0x92: {  	_ =	strace s17  }
0x93: {  	s2 =	sld [smem:$0x3FFC];
	_ =	sdelay $0x3  }
0x94: {  	_ =	strace s2  }
0x95: {  	s2 =	sld [smem:$0x3FFD];
	_ =	sdelay $0x3  }
0x96: {  	_ =	strace s2  }
0x97: {  	_ =	strace $0x8FFFFFFF  }
0x98: {  	s18 =	sld [smem:$0x3FDB];
	_ =	sdelay $0x1  }
0x99: {  	s19 =	simm.s32 $_scs_section_size  }
0x9a: {  	s4 =	simm.s32 $_size__tile_overlayer_lowered;
	s5 =	simm.s32 $_tile_overlayer_lowered  }
0x9b: {  	s22 =	simm.s32 $0x1BFF;
	s21 =	sshll.u32 s5, $0x1;
	s2 =	sadd.s32 s19, s18  }
0x9c: {  	s6 =	simm.s32 $0x0;
	s20 =	sshll.u32 s4, $0x1;
	s4 =	sadd.s32 s21, s2  }
0x9d: {  	[timem:s6], [sflag:s22] =	dma.local [hbm:s4], s20  }
0x9e: {  	_ =	swait.ge [sflag:s22], s20  }
0x9f: {  	s3 =	ssub.s32 $0x0, s20;
	[sflag:s22] =	ssyncset.done $0x0  }
0xa0: {  	[sflag:s22] =	ssyncadd.s32 s3;
	_ =	sdelay $0x1  }
0xa1: {  	s23 =	simm.s32 $0x1B8B  }
0xa2: {  	_ =	swait.ge [sflag:s23], $0x1  }
0xa3: {  	[sflag:s23] =	ssyncset.done $0x0  }
0xa4: {  	s25 =	simm.s32 $0x1B8E;
	s24 =	sld [smem:$0x3FFE];
	[sflag:s23] =	ssyncadd.s32 $0xFFFFFFFF  }
0xa5: {  	s26 =	simm.s32 $execute0_lowered;
	[smem:$0x3FD2] =	sst s25  }
0xa6: {  	s4 =	sshll.u32 s26, $0x1;
	_ =	strace $0x8000004C;
	[dreg:$0x1] =	wrdreg $0xFFFFFFFF  }
0xa7: {  	s28 =	simm.s32 $_size_execute0_lowered;
	s2 =	sadd.s32 s2, s4;
	[dreg:$0x0] =	wrdreg $0x0  }
0xa8: {  	s4 =	sshll.u32 s28, $0x1;
	[dreg:$0x2] =	wrdreg s2  }
0xa9: {  	[dreg:$0x3] =	wrdreg s4  }
0xaa: {  	[dreg:$0x4] =	wrdreg $0xC0  }
0xab: {  	_ =	task [dreg:s6], $0x5FFFF  }
0xac: {  	[dreg:$0x1] =	wrdreg $0xFFFFFFFF  }
0xad: {  	[dreg:$0x0] =	wrdreg $0x60  }
0xae: {  	[dreg:$0x2] =	wrdreg s24  }
0xaf: {  	[dreg:$0x3] =	wrdreg $0x9  }
0xb0: {  	_ =	task.clear_ibuf [dreg:s6], $0x4FFFF;
	_ =	strace $0x9000004C  }
0xb1: {  	s29 =	simm.s32 $0x9;
	_ =	strace $0x8000004E  }
0xb2: {  	_ =	swait.ge [sflag:s29], $0x1  }
0xb3: {  	[sflag:s29] =	ssyncadd.s32 $0xFFFFFFFF  }
0xb4: {  	_ =	strace $0x9000004E  }
0xb5: {  	_ =	sfence  }
0xb6: {  	s30 =	sld [smem:$0x0];
	_ =	sdelay $0x2  }
0xb7: {  	s31 =	sshll.u32 s1, $0xD;
	s1 =	sshrl.u32 s1, $0x2  }
0xb8: {  	s3 =	sand.u32 $0x4000, s31;
	s1 =	sadd.s32 s1, s30  }
0xb9: {  	s0 =	sor.u32 s3, s0;
	s1 =	sshll.u32 s1, $0x11  }
0xba: {  	s0 =	sor.u32 s1, s0  }
0xbb: {  	s0 =	sadd.s32 $0x8F2B, s0  }
0xbc: {  	[sflag:s0] =	ssyncadd.remote.s32 $0x1  }
0xbd: {  	_ =	sfence.sel $0xFFFF  }
0xbe: {  	[dreg:$0x0] =	wrdreg $0xFFFFFFFF;
	(pc) =	sbr.abs _section_cstart, $3  }
0xbf: {  	[dreg:$0x1] =	wrdreg $0xFFFFFFFF  }
0xc0: {  	_ =	task.clear_ibuf [dreg:s6], $0x2FFFF;
	_ =	strace $0x9FFFFFFF  }
0xc1: {  	(tm) =	ssettm $0x7FFFFFFF  }
tec
execute0_lowered:
.L_overlay_start_1:
0x0: {  	(tag) =	ssettag $0x1  }
0x1: {  	s4 =	rddreg [dreg:$0x0];
	s2 =	srdreg.scid  }
0x2: {  	s0 =	rddreg [dreg:$0x1];
	s5 =	sand.u32 $0x1, s2  }
0x3: {  	s1 =	simm.s32 $0x0;
	s2 =	stileid.u32;
	s6 =	smul.u32 $0xC800, s5  }
0x4: {  	s15 =	simm.s32 $0x1;
	s16 =	simm.s32 $0x2;
	s9 =	smul.u32 $0xC80, s2  }
0x5: {  	s17 =	simm.s32 $0xB80;
	s18 =	simm.s32 $0xC00;
	s25 =	smul.u32 $0x61A800, s5  }
0x6: {  	s19 =	simm.s32 $0x0;
	[smem:$0x7FF] =	sst s1;
	s28 =	smul.u32 $0xC350, s5  }
0x7: {  	s12 =	sadd.s32 $0x3200, s4;
	_ =	strace $0x8000004D;
	s13 =	smul.u32 $0xC35, s2  }
0x8: {  	s3 =	sshll.u32 s5, $0x4;
	s7 =	ssub.s32 $0x2, s5;
	s14 =	smul.u32 $0x61A80, s2  }
0x9: {  	s8 =	sor.u32 s2, s3;
	s3 =	sadd.s32 $0x36FE00, s4;
	s10 =	sshrl.u32 s7, $0x1  }
0xa: {  	s11 =	smul.u32 $0x61A80, s8;
	s7 =	ssub.s32 s7, s10;
	s6 =	sadd.s32 s9, s6  }
0xb: {  	s8 =	smul.u32 $0xC350, s8;
	s30 =	sadd.s32 s14, s25;
	s14 =	simm.s32 $0x4C80  }
0xc: {  	s29 =	sshrl.u32 s6, $0x3;
	s6 =	smax.u32 s7, $0x1;
	s26 =	sshrl.u32 s11, $0x3  }
0xd: {  	s4 =	sadd.s32 s4, s29;
	s11 =	sadd.s32 s13, s28;
	s8 =	sadd.s32 s12, s8  }
0xe: {  	s13 =	simm.s32 $0x80;
	s9 =	sadd.s32 s12, s26;
	s31 =	sshll.u32 s11, $0x4  }
0xf: {  	s8 =	sadd.s32 $0xB800, s8;
	s11 =	simm.s32 $0x3;
	s5 =	sadd.s32 $0xC000, s9  }
0x10: {  	s7 =	sadd.s32 $0xB000, s9;
	s9 =	sshrl.u32 s30, $0x3;
	s10 =	sadd.s32 s12, s31  }
0x11: {  	s9 =	sadd.s32 s9, s12;
	s10 =	sadd.s32 $0x800, s10;
	s12 =	simm.s32 $0xC80  }
.LBB2_1:
0x12: {  	[tilespmem:s1], [sflag:$0x3] =	stream.linear.gather [hbm4b:s4+s1], $0xC80, $0x38;
	[tilespmem:$0x8C80] =	vst v63  }
0x13: {  	_ =	swait.ge [sflag:s11], $0xC80  }
0x14: {  	[sflag:s11] =	ssyncset.done $0x0  }
0x15: {  	[sflag:s11] =	ssyncadd.s32 $0xFFFFF380  }
0x16: {  	[tilespmem:s12], [sflag:$0x1] =	stream.indirect.gather [hbm4b:s3+s13], $0x80, s1, s13, $0xb8;
	[tilespmem:$0x8C80] =	vst v63  }
0x17: {  	_ = 	snop  }
0x18: {  	[tilespmem:s14], [sflag:$0x2] =	stream.indirect.gather [hbm4b:s3+s13], $0x80, s13, s13, $0xb8;
	[tilespmem:$0x8C80] =	vst v63  }
0x19: {  	_ =	swait.ge [sflag:s15], $0x4000  }
0x1a: {  	[sflag:s15] =	ssyncset.done $0x0  }
0x1b: {  	s20 =	sadd.s32 $0x0, s9;
	[sflag:s15] =	ssyncadd.s32 $0xFFFFC000  }
0x1c: {  	[hbm4b:s20+s1] =	stream.linear.scatter [tilespmem:s12], [sflag:$0x3], $0x4000, $0x38;
	[tilespmem:$0x8C80] =	vst v63  }
0x1d: {  	_ =	swait.ge [sflag:s11], $0x4000  }
0x1e: {  	[sflag:s11] =	ssyncset.done $0x0  }
0x1f: {  	s30 =	simm.s32 $0x100;
	[sflag:s11] =	ssyncadd.s32 $0xFFFFC000  }
0x20: {  	[tilespmem:s12], [sflag:$0x1] =	stream.indirect.gather [hbm4b:s3+s13], $0x80, s30, s13, $0xb8;
	[tilespmem:$0x8C80] =	vst v63  }
0x21: {  	_ =	swait.ge [sflag:s16], $0x4000  }
0x22: {  	[sflag:s16] =	ssyncset.done $0x0  }
0x23: {  	s31 =	sadd.s32 $0x0, s10;
	[sflag:s16] =	ssyncadd.s32 $0xFFFFC000  }
0x24: {  	[hbm4b:s31+s1] =	stream.linear.scatter [tilespmem:s14], [sflag:$0x3], $0x4000, $0x38;
	[tilespmem:$0x8C80] =	vst v63  }
0x25: {  	_ =	swait.ge [sflag:s11], $0x4000  }
0x26: {  	s21 =	simm.s32 $0x80;
	s20 =	simm.s32 $0x1000;
	[sflag:s11] =	ssyncset.done $0x0  }
.LBB2_2:
0x27: {  	p0 =	sne.s32 s20, $0xA000;
	[sflag:s11] =	ssyncadd.s32 $0xFFFFC000;
	s21 =	sadd.s32 $0x100, s21  }
0x28: {  	[tilespmem:s14], [sflag:$0x2] =	stream.indirect.gather [hbm4b:s3+s13], $0x80, s21, s13, $0xb8;
	[tilespmem:$0x8C80] =	vst v63  }
0x29: {  	s22 =	smov.u32 s20;
	s20 =	sadd.s32 $0x1000, s20;
	_ =	swait.ge [sflag:s15], $0x4000  }
0x2a: {  	[sflag:s15] =	ssyncset.done $0x0  }
0x2b: {  	s23 =	sadd.s32 s22, s9;
	[sflag:s15] =	ssyncadd.s32 $0xFFFFC000  }
0x2c: {  	[hbm4b:s23+s1] =	stream.linear.scatter [tilespmem:s12], [sflag:$0x3], $0x4000, $0x38;
	[tilespmem:$0x8C80] =	vst v63  }
0x2d: {  	_ =	swait.ge [sflag:s11], $0x4000  }
0x2e: {  	[sflag:s11] =	ssyncset.done $0x0  }
0x2f: {  	s23 =	sadd.s32 $0x80, s21;
	[sflag:s11] =	ssyncadd.s32 $0xFFFFC000  }
0x30: {  	[tilespmem:s12], [sflag:$0x1] =	stream.indirect.gather [hbm4b:s3+s13], $0x80, s23, s13, $0xb8;
	[tilespmem:$0x8C80] =	vst v63  }
0x31: {  	_ =	swait.ge [sflag:s16], $0x4000  }
.Ltmp0:
0x32: {  	[sflag:s16] =	ssyncset.done $0x0;
	(pc) =	sbr.rel @p0 .LBB2_2-.Ltmp0, $4  }
0x33: {  	s22 =	sadd.s32 s22, s10;
	[sflag:s16] =	ssyncadd.s32 $0xFFFFC000  }
0x34: {  	[hbm4b:s22+s1] =	stream.linear.scatter [tilespmem:s14], [sflag:$0x3], $0x4000, $0x38;
	[tilespmem:$0x8C80] =	vst v63  }
0x35: {  	_ =	swait.ge [sflag:s11], $0x4000  }
0x36: {  	[sflag:s11] =	ssyncset.done $0x0  }
0x37: {  	[sflag:s11] =	ssyncadd.s32 $0xFFFFC000  }
0x38: {  	[tilespmem:s14], [sflag:$0x2] =	stream.indirect.gather [hbm4b:s3+s13], $0x80, s17, s13, $0xb8;
	[tilespmem:$0x8C80] =	vst v63  }
0x39: {  	_ =	swait.ge [sflag:s15], $0x4000  }
0x3a: {  	[sflag:s15] =	ssyncset.done $0x0  }
0x3b: {  	[sflag:s15] =	ssyncadd.s32 $0xFFFFC000  }
0x3c: {  	[hbm4b:s7+s1] =	stream.linear.scatter [tilespmem:s12], [sflag:$0x3], $0x4000, $0x38;
	[tilespmem:$0x8C80] =	vst v63  }
0x3d: {  	_ =	swait.ge [sflag:s11], $0x4000  }
0x3e: {  	[sflag:s11] =	ssyncset.done $0x0  }
0x3f: {  	[sflag:s11] =	ssyncadd.s32 $0xFFFFC000  }
0x40: {  	_ =	swait.ge [sflag:s16], $0x4000  }
0x41: {  	[sflag:s16] =	ssyncset.done $0x0  }
0x42: {  	[sflag:s16] =	ssyncadd.s32 $0xFFFFC000  }
0x43: {  	[hbm4b:s8+s1] =	stream.linear.scatter [tilespmem:s14], [sflag:$0x3], $0x4000, $0x38;
	[tilespmem:$0x8C80] =	vst v63  }
0x44: {  	_ =	swait.ge [sflag:s11], $0x4000  }
0x45: {  	[sflag:s11] =	ssyncset.done $0x0  }
0x46: {  	[sflag:s11] =	ssyncadd.s32 $0xFFFFC000  }
0x47: {  	[tilespmem:s12], [sflag:$0x1] =	stream.indirect.gather [hbm4b:s3+s13], $0x80, s18, s13, $0xb8;
	[tilespmem:$0x8C80] =	vst v63  }
0x48: {  	s19 =	sadd.s32 $0x1, s19;
	_ =	swait.ge [sflag:s15], $0x4000  }
0x49: {  	p0 =	sne.s32 s19, s6;
	[sflag:s15] =	ssyncset.done $0x0  }
.Ltmp1:
0x4a: {  	[sflag:s15] =	ssyncadd.s32 $0xFFFFC000;
	(pc) =	sbr.rel @p0 .LBB2_1-.Ltmp1, $4  }
0x4b: {  	[hbm4b:s5+s1] =	stream.linear.scatter [tilespmem:s12], [sflag:$0x3], $0x1A80, $0x38;
	[tilespmem:$0x8C80] =	vst v63  }
0x4c: {  	_ =	swait.ge [sflag:s11], $0x1A80  }
0x4d: {  	[sflag:s11] =	ssyncset.done $0x0  }
0x4e: {  	[sflag:s11] =	ssyncadd.s32 $0xFFFFE580  }
0x4f: {  	_ =	sfence.sel $0x180000  }
0x50: {  	[bflag:$0x0] =	sbarrier.arrive $0xFFFF  }
0x51: {  	p0 =	sne.s32 s2, $0x0;
	_ =	strace $0x9000004D  }
0x52: {  	s0 =	sadd.s32 @!p0 $0x100000, s0;
	[bflag:$0x2] =	sbarrier.arrive $0xFFFF  }
0x53: {  	[sflag:s0] =	ssyncadd.tile.s32 @!p0 $0x1;
	_ =	shalt  }
.Lfunc_end2:
_tile_overlayer_lowered:
.L_overlay_start_2:
0x54: {  	(tag) =	ssettag $0x2  }
0x55: {  	s0 =	rddreg [dreg:$0x0];
	s2 =	stileid.u32  }
0x56: {  	s1 =	rddreg [dreg:$0x1];
	p0 =	sne.s32 s2, $0x0  }
0x57: {  	s3 =	rddreg [dreg:$0x2];
	[bflag:$0x3] =	sbarrier.arrive $0xFFFF;
	s2 =	simm.s32 @!p0 $0x1C03  }
0x58: {  	[timem:s3], [sflag:s2] =	dma.local @!p0 [hbm:s0], s1  }
0x59: {  	s0 =	simm.s32 @!p0 $0x3  }
0x5a: {  	_ =	swait.ge @!p0 [sflag:s0], s1  }
0x5b: {  	s1 =	ssub.s32 @!p0 $0x0, s1;
	[sflag:s0] =	ssyncset.done @!p0 $0x0  }
0x5c: {  	[sflag:s0] =	ssyncadd.s32 @!p0 s1  }
0x5d: {  	[bflag:$0x3] =	sbarrier.arrive $0xFFFF  }
0x5e: {  	_ =	shalt  }

// kernel: kernel.16.cloned.1.call-start
scs
__scs_entry_jumppad:
0x0: {  	(pc) =	sbr.rel $0x88, $3  }
0x1: {  	(tag) =	ssettag $0x0;
	lr =	simm.s32 $0x1  }
0x2: {  	[smem:$0x3F8D] =	sst lr;
	_ =	strace $0xD0000000  }
0x3: {  	_ = 	snop  }
0x4: {  	_ = 	snop  }
0x5: {  	_ = 	snop  }
0x6: {  	_ = 	snop  }
0x7: {  	_ = 	snop  }
__scs_overlays_trampoline_lowered:
0x8: {  	[smem:$0x3F9C] =	sst s0  }
0x9: {  	[smem:$0x3F9D] =	sst s1  }
0xa: {  	[smem:$0x3F9E] =	sst s2  }
0xb: {  	[smem:$0x3F9F] =	sst s3  }
0xc: {  	[smem:$0x3FA0] =	sst s4  }
0xd: {  	[smem:$0x3FA1] =	sst s5  }
0xe: {  	[smem:$0x3FA2] =	sst s6  }
0xf: {  	[smem:$0x3FA3] =	sst s7  }
0x10: {  	[smem:$0x3FA4] =	sst s8  }
0x11: {  	[smem:$0x3FA5] =	sst s9;
	s0 =	simm.s32 @!p0 $0x0  }
0x12: {  	s1 =	sld [smem:$0x3F8B];
	s0 =	simm.s32 @p0 $0x1  }
0x13: {  	[smem:$0x3FA6] =	sst s0;
	s0 =	simm.s32 @!p1 $0x0  }
0x14: {  	s2 =	sld [smem:$0x3F8A];
	s0 =	simm.s32 @p1 $0x1  }
0x15: {  	[smem:$0x3FA7] =	sst s0;
	s0 =	simm.s32 @!p2 $0x0  }
0x16: {  	s3 =	sld [smem:$0x3FDB];
	s0 =	simm.s32 @p2 $0x1  }
0x17: {  	s4 =	simm.s32 $0x1BF5;
	[smem:$0x3FA9] =	sst s0  }
0x18: {  	s0 =	sld [smem:$0x3F8C];
	_ =	swait.ge [sflag:s4], $0x0  }
0x19: {  	s7 =	sld [smem:$0x3F8D]  }
0x1a: {  	s8 =	sadd.s32 $0xFFFFE003, lr  }
0x1b: {  	s9 =	sadd.s32 $0xFFFFFEF7, lr;
	s5 =	simm.s32 $0xFFFFFFFF;
	p2 =	slt.u32 s8, $0xFFFFF086  }
0x1c: {  	p1 =	slt.u32 s9, $0xF7A;
	s5 =	simm.s32 @!p2 $0x0  }
0x1d: {  	s5 =	simm.s32 @p1 $0x1;
	p0 =	seq.s32 s7, s2  }
0x1e: {  	s7 =	smul.u32 @!p0 $0xF7A, s2;
	p2 =	seq.s32 @!p0 s5, $0x0  }
0x1f: {  	s9 =	smul.u32 $0xF7A, s1;
	s8 =	simm.s32 @!p0 $0x1BF5;
	p2 =	por !p2, p0  }
0x20: {  	[sflag:s8] =	ssyncset.s32 @!p0 $0xFFFFF086;
	s6 =	sadd.s32 @!p0 s3, s7;
	s7 =	simm.s32 @!p0 $0x108  }
0x21: {  	s3 =	sadd.s32 s3, s9;
	s6 =	sadd.s32 @!p0 $0x88, s6;
	s7 =	simm.s32 @p2 $0x1082  }
0x22: {  	[simem:s7], [sflag:s8] =	dma.local @!p0 [hbm:s6], $0xF7A  }
0x23: {  	s9 =	sor.u32 $0xD0000000, s2;
	s6 =	simm.s32 $0x108;
	_ =	swait.ge @!p0 [sflag:s8], $0x0  }
0x24: {  	s3 =	sadd.s32 $0x88, s3;
	s6 =	simm.s32 @!p1 $0x1082;
	[sflag:s4] =	ssyncset.s32 $0xFFFFF086  }
0x25: {  	[simem:s6], [sflag:s4] =	dma.local [hbm:s3], $0xF7A  }
0x26: {  	[smem:$0x3F8D] =	sst s1;
	(tag) =	ssettag s2;
	_ =	strace s9  }
0x27: {  	s1 =	sld [smem:$0x3F9D]  }
0x28: {  	s2 =	sld [smem:$0x3F9E]  }
0x29: {  	s4 =	sld [smem:$0x3FA0]  }
0x2a: {  	p0 =	seq.s32 s5, $0x0;
	s5 =	sld [smem:$0x3FA1]  }
0x2b: {  	s6 =	sld [smem:$0x3FA2]  }
0x2c: {  	s7 =	sld [smem:$0x3FA3]  }
0x2d: {  	s3 =	simm.s32 $0x108;
	s8 =	sld [smem:$0x3FA4]  }
0x2e: {  	s3 =	simm.s32 @!p0 $0x1082;
	s9 =	sld [smem:$0x3FA5]  }
0x2f: {  	lr =	sadd.s32 s0, s3;
	s0 =	sld [smem:$0x3F9C]  }
0x30: {  	s3 =	sld [smem:$0x3F9F]  }
0x31: {  	[smem:$0x3FA8] =	sst s10  }
0x32: {  	s10 =	sld [smem:$0x3FA6];
	_ =	sdelay $0x3  }
0x33: {  	p0 =	seq.s32 s10, $0x1;
	s10 =	sld [smem:$0x3FA8];
	_ =	sdelay $0x3  }
0x34: {  	[smem:$0x3FA8] =	sst s10  }
0x35: {  	s10 =	sld [smem:$0x3FA7];
	_ =	sdelay $0x3  }
0x36: {  	p1 =	seq.s32 s10, $0x1;
	s10 =	sld [smem:$0x3FA8];
	_ =	sdelay $0x3  }
0x37: {  	[smem:$0x3FA8] =	sst s10  }
0x38: {  	s10 =	sld [smem:$0x3FA9]  }
0x39: {  	_ = 	snop;
	(pc) =	sbr.ind lr, $3  }
0x3a: {  	_ = 	snop  }
0x3b: {  	_ = 	snop  }
0x3c: {  	p2 =	seq.s32 s10, $0x1;
	s10 =	sld [smem:$0x3FA8]  }
0x3d: {  	_ =	shalt  }
0x3e: {  	_ =	shalt  }
0x3f: {  	_ =	shalt  }
0x40: {  	_ =	shalt  }
0x41: {  	_ =	shalt  }
0x42: {  	_ =	shalt  }
0x43: {  	_ =	shalt  }
0x44: {  	_ =	shalt  }
0x45: {  	_ =	shalt  }
0x46: {  	_ =	shalt  }
0x47: {  	_ =	shalt  }
0x48: {  	_ =	shalt  }
0x49: {  	_ =	shalt  }
0x4a: {  	_ =	shalt  }
0x4b: {  	_ =	shalt  }
0x4c: {  	_ =	shalt  }
0x4d: {  	_ =	shalt  }
0x4e: {  	_ =	shalt  }
0x4f: {  	_ =	shalt  }
0x50: {  	_ =	shalt  }
0x51: {  	_ =	shalt  }
0x52: {  	_ =	shalt  }
0x53: {  	_ =	shalt  }
0x54: {  	_ =	shalt  }
0x55: {  	_ =	shalt  }
0x56: {  	_ =	shalt  }
0x57: {  	_ =	shalt  }
0x58: {  	_ =	shalt  }
0x59: {  	_ =	shalt  }
0x5a: {  	_ =	shalt  }
0x5b: {  	_ =	shalt  }
0x5c: {  	_ =	shalt  }
0x5d: {  	_ =	shalt  }
0x5e: {  	_ =	shalt  }
0x5f: {  	_ =	shalt  }
0x60: {  	_ =	shalt  }
0x61: {  	_ =	shalt  }
0x62: {  	_ =	shalt  }
0x63: {  	_ =	shalt  }
0x64: {  	_ =	shalt  }
0x65: {  	_ =	shalt  }
0x66: {  	_ =	shalt  }
0x67: {  	_ =	shalt  }
0x68: {  	_ =	shalt  }
0x69: {  	_ =	shalt  }
0x6a: {  	_ =	shalt  }
0x6b: {  	_ =	shalt  }
0x6c: {  	_ =	shalt  }
0x6d: {  	_ =	shalt  }
0x6e: {  	_ =	shalt  }
0x6f: {  	_ =	shalt  }
0x70: {  	_ =	shalt  }
0x71: {  	_ =	shalt  }
0x72: {  	_ =	shalt  }
0x73: {  	_ =	shalt  }
0x74: {  	_ =	shalt  }
0x75: {  	_ =	shalt  }
0x76: {  	_ =	shalt  }
0x77: {  	_ =	shalt  }
0x78: {  	_ =	shalt  }
0x79: {  	_ =	shalt  }
0x7a: {  	_ =	shalt  }
0x7b: {  	_ =	shalt  }
0x7c: {  	_ =	shalt  }
0x7d: {  	_ =	shalt  }
0x7e: {  	_ =	shalt  }
0x7f: {  	_ =	shalt  }
0x80: {  	_ =	shalt  }
0x81: {  	_ =	shalt  }
0x82: {  	_ =	shalt  }
0x83: {  	_ =	shalt  }
0x84: {  	_ =	shalt  }
0x85: {  	_ =	shalt  }
0x86: {  	_ =	shalt  }
0x87: {  	_ =	shalt  }
.Lfunc_end0:
.L_simem_size_0:
called_computation.3_lowered:
.L_overlay_start_0:
0x88: {  	s2 =	sld [smem:$0x3FD9]  }
0x89: {  	s3 =	sld [smem:$0x3FFE];
	_ =	sdelay $0x1  }
0x8a: {  	s1 =	srdreg.scid  }
0x8b: {  	s0 =	sand.u32 $0x1, s1  }
0x8c: {  	s17 =	sshll.u32 s0, $0xA;
	s2 =	sadd.s32 s3, s2  }
0x8d: {  	s2 =	sadd.s32 s2, s17  }
0x8e: {  	[smem:$0x3FB4] =	sst s2  }
0x8f: {  	_ = 	snop  }
0x90: {  	s2 =	sld [smem:$0x3FD0];
	(tm) =	ssettm $0x1  }
0x91: {  	s18 =	sld [smem:$0x3FFB];
	_ =	sdelay $0x3  }
0x92: {  	_ =	strace s18  }
0x93: {  	s3 =	sld [smem:$0x3FFC];
	_ =	sdelay $0x3  }
0x94: {  	_ =	strace s3  }
0x95: {  	s3 =	sld [smem:$0x3FFD];
	_ =	sdelay $0x3  }
0x96: {  	_ =	strace s3  }
0x97: {  	_ =	strace $0x8FFFFFFF  }
0x98: {  	s19 =	sld [smem:$0x3FDB];
	_ =	sdelay $0x1  }
0x99: {  	s4 =	simm.s32 $_scs_section_size  }
0x9a: {  	s5 =	simm.s32 $_size__tile_overlayer_lowered;
	s6 =	simm.s32 $_tile_overlayer_lowered  }
0x9b: {  	s22 =	simm.s32 $0x1BFF;
	s21 =	sshll.u32 s6, $0x1;
	s3 =	sadd.s32 s4, s19  }
0x9c: {  	s7 =	simm.s32 $0x0;
	s20 =	sshll.u32 s5, $0x1;
	s5 =	sadd.s32 s21, s3  }
0x9d: {  	[timem:s7], [sflag:s22] =	dma.local [hbm:s5], s20  }
0x9e: {  	_ =	swait.ge [sflag:s22], s20  }
0x9f: {  	s4 =	ssub.s32 $0x0, s20;
	[sflag:s22] =	ssyncset.done $0x0  }
0xa0: {  	[sflag:s22] =	ssyncadd.s32 s4;
	_ =	sdelay $0x1  }
0xa1: {  	s23 =	simm.s32 $0x1B8B  }
0xa2: {  	_ =	swait.ge [sflag:s23], $0x1  }
0xa3: {  	[sflag:s23] =	ssyncset.done $0x0  }
0xa4: {  	s25 =	simm.s32 $0x1B8E;
	s24 =	sld [smem:$0x3FFE];
	[sflag:s23] =	ssyncadd.s32 $0xFFFFFFFF  }
0xa5: {  	s26 =	simm.s32 $execute0_lowered;
	[smem:$0x3FD2] =	sst s25  }
0xa6: {  	s5 =	sshll.u32 s26, $0x1;
	_ =	strace $0x8000004F;
	[dreg:$0x1] =	wrdreg $0xFFFFFFFF  }
0xa7: {  	s28 =	simm.s32 $_size_execute0_lowered;
	s3 =	sadd.s32 s3, s5;
	[dreg:$0x0] =	wrdreg $0x0  }
0xa8: {  	s5 =	sshll.u32 s28, $0x1;
	[dreg:$0x2] =	wrdreg s3  }
0xa9: {  	[dreg:$0x3] =	wrdreg s5  }
0xaa: {  	[dreg:$0x4] =	wrdreg $0xC0  }
0xab: {  	_ =	task [dreg:s7], $0x5FFFF  }
0xac: {  	[dreg:$0x1] =	wrdreg $0xFFFFFFFF  }
0xad: {  	[dreg:$0x0] =	wrdreg $0x60  }
0xae: {  	[dreg:$0x2] =	wrdreg s24  }
0xaf: {  	[dreg:$0x3] =	wrdreg s2  }
0xb0: {  	[dreg:$0x4] =	wrdreg $0xFB000  }
0xb1: {  	[dreg:$0x5] =	wrdreg $0x9  }
0xb2: {  	_ =	task.clear_ibuf [dreg:s7], $0x6FFFF;
	_ =	strace $0x9000004F  }
0xb3: {  	s29 =	simm.s32 $0x9;
	_ =	strace $0x80000051  }
0xb4: {  	_ =	swait.ge [sflag:s29], $0x1  }
0xb5: {  	[sflag:s29] =	ssyncadd.s32 $0xFFFFFFFF  }
0xb6: {  	_ =	strace $0x90000051  }
0xb7: {  	_ =	sfence  }
0xb8: {  	s30 =	sld [smem:$0x0];
	_ =	sdelay $0x2  }
0xb9: {  	s31 =	sshll.u32 s1, $0xD;
	s1 =	sshrl.u32 s1, $0x2  }
0xba: {  	s3 =	sand.u32 $0x4000, s31;
	s1 =	sadd.s32 s1, s30  }
0xbb: {  	s0 =	sor.u32 s3, s0;
	s1 =	sshll.u32 s1, $0x11  }
0xbc: {  	s0 =	sor.u32 s1, s0  }
0xbd: {  	s0 =	sadd.s32 $0x8F2B, s0  }
0xbe: {  	[sflag:s0] =	ssyncadd.remote.s32 $0x1  }
0xbf: {  	_ =	sfence.sel $0xFFFF  }
0xc0: {  	[dreg:$0x0] =	wrdreg $0xFFFFFFFF;
	(pc) =	sbr.abs _section_cstart, $3  }
0xc1: {  	[dreg:$0x1] =	wrdreg $0xFFFFFFFF  }
0xc2: {  	_ =	task.clear_ibuf [dreg:s7], $0x2FFFF;
	_ =	strace $0x9FFFFFFF  }
0xc3: {  	(tm) =	ssettm $0x7FFFFFFF  }
tec
execute0_lowered:
.L_overlay_start_1:
0x0: {  	(tag) =	ssettag $0x1  }
0x1: {  	s11 =	rddreg [dreg:$0x0]  }
0x2: {  	s6 =	rddreg [dreg:$0x1]  }
0x3: {  	s2 =	rddreg [dreg:$0x2]  }
0x4: {  	s3 =	simm.s32 $0x0;
	s0 =	stileid.u32;
	s4 =	srdreg.scid  }
0x5: {  	s16 =	simm.s32 $0x3;
	s17 =	simm.s32 $0xF400;
	s18 =	simm.s32 $0x80  }
0x6: {  	s19 =	simm.s32 $0xC400;
	s20 =	simm.s32 $0xD400;
	s5 =	smul.u32 $0x6200, s0  }
0x7: {  	s21 =	simm.s32 $0x1;
	s22 =	simm.s32 $0x2;
	s10 =	smul.u32 $0xC400, s0  }
0x8: {  	s23 =	simm.s32 $0x6180;
	s9 =	sand.u32 $0x1, s4;
	s29 =	smul.u32 $0x31000, s0  }
0x9: {  	[smem:$0x7FF] =	sst s3;
	s4 =	sadd.s32 $0x36FE00, s11;
	s8 =	smul.u32 $0xC4000, s9  }
0xa: {  	s24 =	simm.s32 $0xC300;
	_ =	strace $0x80000050;
	s13 =	smul.u32 $0x188000, s9  }
0xb: {  	s12 =	ssub.s32 $0x2, s9;
	s15 =	smul.u32 $0xC400, s9;
	s7 =	sshrl.u32 s5, $0x3  }
0xc: {  	s14 =	sshrl.u32 s12, $0x1;
	s30 =	sshrl.u32 s29, $0x2;
	s7 =	sadd.s32 s7, s11  }
0xd: {  	s5 =	sadd.s32 s5, s8;
	s12 =	ssub.s32 s12, s14;
	s13 =	sadd.s32 s10, s13  }
0xe: {  	s28 =	sadd.s32 s10, s8;
	s8 =	sadd.s32 s10, s2;
	s31 =	sshrl.u32 s15, $0x2  }
0xf: {  	s25 =	sshrl.u32 s5, $0x3;
	s5 =	sadd.s32 $0x189C00, s7;
	s26 =	sshrl.u32 s13, $0x3  }
0x10: {  	s13 =	sshrl.u32 s28, $0x3;
	s12 =	smax.u32 s12, $0x1;
	s14 =	sadd.s32 $0x6200, s31  }
0x11: {  	s6 =	sadd.s32 s6, s25;
	s7 =	sadd.s32 s11, s26;
	s11 =	sadd.s32 s11, s13  }
0x12: {  	s13 =	sadd.s32 s30, s2;
	s25 =	simm.s32 $0xC380;
	s26 =	simm.s32 $0xE400  }
0x13: {  	v0 =	vimm.f32 $0.0e+00;
	v1 =	vimm.f32 $1.000000000e+00;
	s9 =	sadd.s32 $0xC400, s6;
	s10 =	sadd.s32 $0x18800, s7;
	s11 =	sadd.s32 $0x62000, s11  }
.LBB2_1:
0x14: {  	s28 =	simm.s32 $0x0;
	s29 =	simm.s32 $0x0  }
.LBB2_2:
0x15: {  	p0 =	sne.s32 s29, $0x1BC0  }
.Ltmp0:
0x16: {  	_ = 	snop;
	(pc) =	sbr.rel @p0 .LBB2_2-.Ltmp0, $4  }
0x17: {  	s30 =	sand.u32 $0x1F80, s29  }
0x18: {  	s31 =	sand.u32 $0x10, s28;
	s30 =	sshrl.u32 s30, $0x2  }
0x19: {  	s30 =	sor.u32 s31, s30  }
0x1a: {  	s28 =	sadd.s32 $0x10, s28;
	s29 =	sadd.s32 $0x40, s29;
	[tilespmem:s30+$0xF400] =	vst v0  }
0x1b: {  	s28 =	simm.s32 $0x0  }
0x1c: {  	s29 =	sand.u32 $0x3F80, s28  }
0x1d: {  	s30 =	sand.u32 $0x10, s28;
	s31 =	sshrl.u32 s29, $0x2  }
0x1e: {  	s29 =	simm.s32 $0x40;
	s30 =	sor.u32 s30, s31  }
.LBB2_4:
0x1f: {  	p0 =	sne.s32 s29, $0x3FC0  }
0x20: {  	[tilespmem:s30+$0xE400] =	vst v1;
	s28 =	sadd.s32 $0x10, s28;
	s30 =	smov.u32 s29;
	s29 =	sadd.s32 $0x40, s29  }
.Ltmp1:
0x21: {  	(pc) =	sbr.rel @p0 .LBB2_4-.Ltmp1, $4  }
0x22: {  	_ = 	snop  }
0x23: {  	s30 =	sand.u32 $0x3F80, s30  }
0x24: {  	s31 =	sand.u32 $0x10, s28;
	s30 =	sshrl.u32 s30, $0x2  }
0x25: {  	s30 =	sor.u32 s31, s30  }
0x26: {  	[tilespmem:s30+$0xE400] =	vst v1;
	s28 =	simm.s32 $0x0;
	s0 =	simm.s32 $0x6200  }
0x27: {  	[tilespmem:s0], [sflag:$0x3] =	stream.linear.gather [hbm4b:s5+s28], $0x6200, $0x38;
	[tilespmem:$0x1BF00] =	vst v63  }
0x28: {  	_ =	swait.ge [sflag:s16], $0x6200  }
0x29: {  	[sflag:s16] =	ssyncset.done $0x0  }
0x2a: {  	[sflag:s16] =	ssyncadd.s32 $0xFFFF9E00  }
0x2b: {  	[tilespmem:s28], [sflag:$0x3] =	stream.linear.gather [hbm4b:s6+s28], $0x6200, $0x38;
	[tilespmem:$0x1BF00] =	vst v63  }
0x2c: {  	_ =	swait.ge [sflag:s16], $0x6200  }
0x2d: {  	[sflag:s16] =	ssyncset.done $0x0  }
0x2e: {  	s28 =	sadd.s32 $0x0, s13;
	[sflag:s16] =	ssyncadd.s32 $0xFFFF9E00  }
0x2f: {  	[spmem:s28] =	stream.linear.scatter [tilespmem:s17], [sflag:$0x3], $0x700, $0x38;
	[tilespmem:$0x1BF00] =	vst v63  }
0x30: {  	s28 =	simm.s32 $0x1C00;
	_ =	swait.ge [sflag:s16], $0x700  }
.LBB2_6:
0x31: {  	s29 =	sshra.s32 s28, $0x2;
	[sflag:s16] =	ssyncset.done $0x0;
	p0 =	sne.s32 s28, $0x2F400  }
.Ltmp2:
0x32: {  	s29 =	sadd.s32 s29, s13;
	[sflag:s16] =	ssyncadd.s32 $0xFFFFF900;
	(pc) =	sbr.rel @p0 .LBB2_6-.Ltmp2, $3  }
0x33: {  	[spmem:s29] =	stream.linear.scatter [tilespmem:s17], [sflag:$0x3], $0x700, $0x38;
	[tilespmem:$0x1BF00] =	vst v63  }
0x34: {  	s28 =	sadd.s32 $0x1C00, s28;
	_ =	sdelay $0x1  }
0x35: {  	_ =	swait.ge [sflag:s16], $0x700  }
0x36: {  	[sflag:s16] =	ssyncset.done $0x0  }
0x37: {  	[sflag:s16] =	ssyncadd.s32 $0xFFFFF900  }
0x38: {  	s28 =	simm.s32 $0x0;
	[bflag:$0x0] =	sbarrier.arrive $0xFFFF  }
0x39: {  	[tilespmem:s19], [sflag:$0x1] =	stream.indirect.gather [hbm4b:s4+s18], $0x20, s28, s18, $0xb8;
	[tilespmem:$0x1BF00] =	vst v63  }
0x3a: {  	s28 =	simm.s32 $0x80  }
0x3b: {  	[tilespmem:s20], [sflag:$0x2] =	stream.indirect.gather [hbm4b:s4+s18], $0x20, s28, s18, $0xb8;
	[tilespmem:$0x1BF00] =	vst v63  }
0x3c: {  	_ =	swait.ge [sflag:s21], $0x1000  }
0x3d: {  	[sflag:s21] =	ssyncset.done $0x0  }
0x3e: {  	s28 =	simm.s32 $0x6200;
	[sflag:s21] =	ssyncadd.s32 $0xFFFFF000  }
0x3f: {  	[spmem:s2] =	stream.indirect.scatter.add.f32 [tilespmem:s19], [sflag:$0x3], $0x20, s28, s18, $0xb8;
	[tilespmem:$0x1BF00] =	vst v63  }
0x40: {  	_ =	swait.ge [sflag:s16], $0x1000  }
0x41: {  	[sflag:s16] =	ssyncset.done $0x0  }
0x42: {  	s28 =	simm.s32 $0x100;
	[sflag:s16] =	ssyncadd.s32 $0xFFFFF000  }
0x43: {  	[tilespmem:s19], [sflag:$0x1] =	stream.indirect.gather [hbm4b:s4+s18], $0x20, s28, s18, $0xb8;
	[tilespmem:$0x1BF00] =	vst v63  }
0x44: {  	_ =	swait.ge [sflag:s22], $0x1000  }
0x45: {  	[sflag:s22] =	ssyncset.done $0x0  }
0x46: {  	s28 =	simm.s32 $0x6280;
	[sflag:s22] =	ssyncadd.s32 $0xFFFFF000  }
0x47: {  	[spmem:s2] =	stream.indirect.scatter.add.f32 [tilespmem:s20], [sflag:$0x3], $0x20, s28, s18, $0xb8;
	[tilespmem:$0x1BF00] =	vst v63  }
0x48: {  	_ =	swait.ge [sflag:s16], $0x1000  }
0x49: {  	s29 =	simm.s32 $0x800;
	s28 =	simm.s32 $0x100;
	[sflag:s16] =	ssyncset.done $0x0  }
.LBB2_8:
0x4a: {  	s30 =	sadd.s32 $0x80, s28  }
0x4b: {  	[sflag:s16] =	ssyncadd.s32 $0xFFFFF000;
	s31 =	smov.u32 s29;
	s0 =	sadd.s32 $0x400, s29  }
0x4c: {  	[tilespmem:s20], [sflag:$0x2] =	stream.indirect.gather [hbm4b:s4+s18], $0x20, s30, s18, $0xb8;
	[tilespmem:$0x1BF00] =	vst v63  }
0x4d: {  	p0 =	sne.s32 s29, $0x18000;
	_ =	swait.ge [sflag:s21], $0x1000  }
0x4e: {  	[sflag:s21] =	ssyncset.done $0x0  }
0x4f: {  	s29 =	sadd.s32 $0x6200, s28;
	[sflag:s21] =	ssyncadd.s32 $0xFFFFF000  }
0x50: {  	[spmem:s2] =	stream.indirect.scatter.add.f32 [tilespmem:s19], [sflag:$0x3], $0x20, s29, s18, $0xb8;
	[tilespmem:$0x1BF00] =	vst v63  }
0x51: {  	_ =	swait.ge [sflag:s16], $0x1000  }
0x52: {  	[sflag:s16] =	ssyncset.done $0x0  }
0x53: {  	s29 =	sadd.s32 $0x100, s28;
	[sflag:s16] =	ssyncadd.s32 $0xFFFFF000  }
0x54: {  	[tilespmem:s19], [sflag:$0x1] =	stream.indirect.gather [hbm4b:s4+s18], $0x20, s29, s18, $0xb8;
	[tilespmem:$0x1BF00] =	vst v63  }
0x55: {  	_ =	swait.ge [sflag:s22], $0x1000  }
.Ltmp3:
0x56: {  	[sflag:s22] =	ssyncset.done $0x0;
	(pc) =	sbr.rel @p0 .LBB2_8-.Ltmp3, $4  }
0x57: {  	s28 =	sadd.s32 $0x6280, s28;
	[sflag:s22] =	ssyncadd.s32 $0xFFFFF000  }
0x58: {  	[spmem:s2] =	stream.indirect.scatter.add.f32 [tilespmem:s20], [sflag:$0x3], $0x20, s28, s18, $0xb8;
	[tilespmem:$0x1BF00] =	vst v63  }
0x59: {  	_ =	swait.ge [sflag:s16], $0x1000  }
0x5a: {  	s29 =	smov.u32 s0;
	s28 =	sshra.s32 s31, $0x2;
	[sflag:s16] =	ssyncset.done $0x0  }
0x5b: {  	s0 =	sadd.s32 $0x80, s28;
	[sflag:s16] =	ssyncadd.s32 $0xFFFFF000  }
0x5c: {  	[tilespmem:s20], [sflag:$0x2] =	stream.indirect.gather [hbm4b:s4+s18], $0x20, s0, s18, $0xb8;
	[tilespmem:$0x1BF00] =	vst v63  }
0x5d: {  	_ =	swait.ge [sflag:s21], $0x1000  }
0x5e: {  	[sflag:s21] =	ssyncset.done $0x0  }
0x5f: {  	s1 =	sadd.s32 $0x6200, s28;
	[sflag:s21] =	ssyncadd.s32 $0xFFFFF000  }
0x60: {  	[spmem:s2] =	stream.indirect.scatter.add.f32 [tilespmem:s19], [sflag:$0x3], $0x20, s1, s18, $0xb8;
	[tilespmem:$0x1BF00] =	vst v63  }
0x61: {  	_ =	swait.ge [sflag:s16], $0x1000  }
0x62: {  	[sflag:s16] =	ssyncset.done $0x0  }
0x63: {  	s15 =	sadd.s32 $0x100, s28;
	[sflag:s16] =	ssyncadd.s32 $0xFFFFF000  }
0x64: {  	[tilespmem:s19], [sflag:$0x1] =	stream.indirect.gather [hbm4b:s4+s18], $0x20, s15, s18, $0xb8;
	[tilespmem:$0x1BF00] =	vst v63  }
0x65: {  	_ =	swait.ge [sflag:s22], $0x1000  }
0x66: {  	[sflag:s22] =	ssyncset.done $0x0  }
0x67: {  	s31 =	sadd.s32 $0x6280, s28;
	[sflag:s22] =	ssyncadd.s32 $0xFFFFF000  }
0x68: {  	[spmem:s2] =	stream.indirect.scatter.add.f32 [tilespmem:s20], [sflag:$0x3], $0x20, s31, s18, $0xb8;
	[tilespmem:$0x1BF00] =	vst v63  }
0x69: {  	_ =	swait.ge [sflag:s16], $0x1000  }
0x6a: {  	[sflag:s16] =	ssyncset.done $0x0  }
0x6b: {  	[sflag:s16] =	ssyncadd.s32 $0xFFFFF000  }
0x6c: {  	[tilespmem:s20], [sflag:$0x2] =	stream.indirect.gather [hbm4b:s4+s18], $0x20, s23, s18, $0xb8;
	[tilespmem:$0x1BF00] =	vst v63  }
0x6d: {  	_ =	swait.ge [sflag:s21], $0x1000  }
0x6e: {  	[sflag:s21] =	ssyncset.done $0x0  }
0x6f: {  	[sflag:s21] =	ssyncadd.s32 $0xFFFFF000  }
0x70: {  	[spmem:s2] =	stream.indirect.scatter.add.f32 [tilespmem:s19], [sflag:$0x3], $0x20, s24, s18, $0xb8;
	[tilespmem:$0x1BF00] =	vst v63  }
0x71: {  	_ =	swait.ge [sflag:s16], $0x1000  }
0x72: {  	[sflag:s16] =	ssyncset.done $0x0  }
0x73: {  	[sflag:s16] =	ssyncadd.s32 $0xFFFFF000  }
0x74: {  	_ =	swait.ge [sflag:s22], $0x1000  }
0x75: {  	[sflag:s22] =	ssyncset.done $0x0  }
0x76: {  	[sflag:s22] =	ssyncadd.s32 $0xFFFFF000  }
0x77: {  	[spmem:s2] =	stream.indirect.scatter.add.f32 [tilespmem:s20], [sflag:$0x3], $0x20, s25, s18, $0xb8;
	[tilespmem:$0x1BF00] =	vst v63  }
0x78: {  	_ =	swait.ge [sflag:s16], $0x1000  }
0x79: {  	s1 =	stileid.u32;
	[sflag:s16] =	ssyncset.done $0x0  }
0x7a: {  	s0 =	sshll.u32 s1, $0x6;
	[sflag:s16] =	ssyncadd.s32 $0xFFFFF000  }
0x7b: {  	s29 =	sshrl.u32 s8, $0x3;
	s28 =	sor.u32 $0x1C03, s0;
	[bflag:$0x0] =	sbarrier.arrive $0xFFFF  }
0x7c: {  	[hbm:s7], [sflag:s28] =	dma.local [spmem:s29], $0x1880  }
0x7d: {  	_ =	swait.ge [sflag:s16], $0x1880  }
0x7e: {  	[sflag:s16] =	ssyncset.done $0x0  }
0x7f: {  	s15 =	simm.s32 $0x0;
	[sflag:s16] =	ssyncadd.s32 $0xFFFFE780  }
0x80: {  	[tilespmem:s15], [sflag:$0x3] =	stream.linear.gather [hbm4b:s9+s15], $0x6200, $0x38;
	[tilespmem:$0x1BF00] =	vst v63  }
0x81: {  	_ =	swait.ge [sflag:s16], $0x6200  }
0x82: {  	[sflag:s16] =	ssyncset.done $0x0  }
0x83: {  	s31 =	sadd.s32 $0x0, s13;
	[sflag:s16] =	ssyncadd.s32 $0xFFFF9E00  }
0x84: {  	[spmem:s31] =	stream.linear.scatter [tilespmem:s17], [sflag:$0x3], $0x700, $0x38;
	[tilespmem:$0x1BF00] =	vst v63  }
0x85: {  	s30 =	simm.s32 $0x1C00;
	_ =	swait.ge [sflag:s16], $0x700  }
.LBB2_10:
0x86: {  	s0 =	sshra.s32 s30, $0x2;
	[sflag:s16] =	ssyncset.done $0x0;
	p0 =	sne.s32 s30, $0x2F400  }
.Ltmp4:
0x87: {  	s0 =	sadd.s32 s0, s13;
	[sflag:s16] =	ssyncadd.s32 $0xFFFFF900;
	(pc) =	sbr.rel @p0 .LBB2_10-.Ltmp4, $3  }
0x88: {  	[spmem:s0] =	stream.linear.scatter [tilespmem:s17], [sflag:$0x3], $0x700, $0x38;
	[tilespmem:$0x1BF00] =	vst v63  }
0x89: {  	s30 =	sadd.s32 $0x1C00, s30;
	_ =	sdelay $0x1  }
0x8a: {  	_ =	swait.ge [sflag:s16], $0x700  }
0x8b: {  	[sflag:s16] =	ssyncset.done $0x0  }
0x8c: {  	[sflag:s16] =	ssyncadd.s32 $0xFFFFF900  }
0x8d: {  	s0 =	simm.s32 $0x0;
	[bflag:$0x0] =	sbarrier.arrive $0xFFFF  }
0x8e: {  	[tilespmem:s19], [sflag:$0x1] =	stream.indirect.gather [hbm4b:s4+s18], $0x20, s0, s18, $0xb8;
	[tilespmem:$0x1BF00] =	vst v63  }
0x8f: {  	s1 =	simm.s32 $0x80  }
0x90: {  	[tilespmem:s20], [sflag:$0x2] =	stream.indirect.gather [hbm4b:s4+s18], $0x20, s1, s18, $0xb8;
	[tilespmem:$0x1BF00] =	vst v63  }
0x91: {  	_ =	swait.ge [sflag:s21], $0x1000  }
0x92: {  	[sflag:s21] =	ssyncset.done $0x0  }
0x93: {  	s15 =	simm.s32 $0x6200;
	[sflag:s21] =	ssyncadd.s32 $0xFFFFF000  }
0x94: {  	[spmem:s2] =	stream.indirect.scatter.add.f32 [tilespmem:s19], [sflag:$0x3], $0x20, s15, s18, $0xb8;
	[tilespmem:$0x1BF00] =	vst v63  }
0x95: {  	_ =	swait.ge [sflag:s16], $0x1000  }
0x96: {  	[sflag:s16] =	ssyncset.done $0x0  }
0x97: {  	s1 =	simm.s32 $0x100;
	[sflag:s16] =	ssyncadd.s32 $0xFFFFF000  }
0x98: {  	[tilespmem:s19], [sflag:$0x1] =	stream.indirect.gather [hbm4b:s4+s18], $0x20, s1, s18, $0xb8;
	[tilespmem:$0x1BF00] =	vst v63  }
0x99: {  	_ =	swait.ge [sflag:s22], $0x1000  }
0x9a: {  	[sflag:s22] =	ssyncset.done $0x0  }
0x9b: {  	s15 =	simm.s32 $0x6280;
	[sflag:s22] =	ssyncadd.s32 $0xFFFFF000  }
0x9c: {  	[spmem:s2] =	stream.indirect.scatter.add.f32 [tilespmem:s20], [sflag:$0x3], $0x20, s15, s18, $0xb8;
	[tilespmem:$0x1BF00] =	vst v63  }
0x9d: {  	_ =	swait.ge [sflag:s16], $0x1000  }
0x9e: {  	s31 =	simm.s32 $0x800;
	s30 =	simm.s32 $0x100;
	[sflag:s16] =	ssyncset.done $0x0  }
.LBB2_12:
0x9f: {  	s0 =	sadd.s32 $0x80, s30  }
0xa0: {  	[sflag:s16] =	ssyncadd.s32 $0xFFFFF000;
	s15 =	smov.u32 s31;
	s1 =	sadd.s32 $0x400, s31  }
0xa1: {  	[tilespmem:s20], [sflag:$0x2] =	stream.indirect.gather [hbm4b:s4+s18], $0x20, s0, s18, $0xb8;
	[tilespmem:$0x1BF00] =	vst v63  }
0xa2: {  	p0 =	sne.s32 s31, $0x18000;
	_ =	swait.ge [sflag:s21], $0x1000  }
0xa3: {  	[sflag:s21] =	ssyncset.done $0x0  }
0xa4: {  	s0 =	sadd.s32 $0x6200, s30;
	[sflag:s21] =	ssyncadd.s32 $0xFFFFF000  }
0xa5: {  	[spmem:s2] =	stream.indirect.scatter.add.f32 [tilespmem:s19], [sflag:$0x3], $0x20, s0, s18, $0xb8;
	[tilespmem:$0x1BF00] =	vst v63  }
0xa6: {  	_ =	swait.ge [sflag:s16], $0x1000  }
0xa7: {  	[sflag:s16] =	ssyncset.done $0x0  }
0xa8: {  	s0 =	sadd.s32 $0x100, s30;
	[sflag:s16] =	ssyncadd.s32 $0xFFFFF000  }
0xa9: {  	[tilespmem:s19], [sflag:$0x1] =	stream.indirect.gather [hbm4b:s4+s18], $0x20, s0, s18, $0xb8;
	[tilespmem:$0x1BF00] =	vst v63  }
0xaa: {  	_ =	swait.ge [sflag:s22], $0x1000  }
.Ltmp5:
0xab: {  	[sflag:s22] =	ssyncset.done $0x0;
	(pc) =	sbr.rel @p0 .LBB2_12-.Ltmp5, $4  }
0xac: {  	s0 =	sadd.s32 $0x6280, s30;
	[sflag:s22] =	ssyncadd.s32 $0xFFFFF000  }
0xad: {  	[spmem:s2] =	stream.indirect.scatter.add.f32 [tilespmem:s20], [sflag:$0x3], $0x20, s0, s18, $0xb8;
	[tilespmem:$0x1BF00] =	vst v63  }
0xae: {  	_ =	swait.ge [sflag:s16], $0x1000  }
0xaf: {  	s31 =	smov.u32 s1;
	s30 =	sshra.s32 s15, $0x2;
	[sflag:s16] =	ssyncset.done $0x0  }
0xb0: {  	s0 =	sadd.s32 $0x80, s30;
	[sflag:s16] =	ssyncadd.s32 $0xFFFFF000  }
0xb1: {  	[tilespmem:s20], [sflag:$0x2] =	stream.indirect.gather [hbm4b:s4+s18], $0x20, s0, s18, $0xb8;
	[tilespmem:$0x1BF00] =	vst v63  }
0xb2: {  	_ =	swait.ge [sflag:s21], $0x1000  }
0xb3: {  	[sflag:s21] =	ssyncset.done $0x0  }
0xb4: {  	s31 =	sadd.s32 $0x6200, s30;
	[sflag:s21] =	ssyncadd.s32 $0xFFFFF000  }
0xb5: {  	[spmem:s2] =	stream.indirect.scatter.add.f32 [tilespmem:s19], [sflag:$0x3], $0x20, s31, s18, $0xb8;
	[tilespmem:$0x1BF00] =	vst v63  }
0xb6: {  	_ =	swait.ge [sflag:s16], $0x1000  }
0xb7: {  	[sflag:s16] =	ssyncset.done $0x0  }
0xb8: {  	s1 =	sadd.s32 $0x100, s30;
	[sflag:s16] =	ssyncadd.s32 $0xFFFFF000  }
0xb9: {  	[tilespmem:s19], [sflag:$0x1] =	stream.indirect.gather [hbm4b:s4+s18], $0x20, s1, s18, $0xb8;
	[tilespmem:$0x1BF00] =	vst v63  }
0xba: {  	_ =	swait.ge [sflag:s22], $0x1000  }
0xbb: {  	[sflag:s22] =	ssyncset.done $0x0  }
0xbc: {  	s15 =	sadd.s32 $0x6280, s30;
	[sflag:s22] =	ssyncadd.s32 $0xFFFFF000  }
0xbd: {  	[spmem:s2] =	stream.indirect.scatter.add.f32 [tilespmem:s20], [sflag:$0x3], $0x20, s15, s18, $0xb8;
	[tilespmem:$0x1BF00] =	vst v63  }
0xbe: {  	_ =	swait.ge [sflag:s16], $0x1000  }
0xbf: {  	[sflag:s16] =	ssyncset.done $0x0  }
0xc0: {  	[sflag:s16] =	ssyncadd.s32 $0xFFFFF000  }
0xc1: {  	[tilespmem:s20], [sflag:$0x2] =	stream.indirect.gather [hbm4b:s4+s18], $0x20, s23, s18, $0xb8;
	[tilespmem:$0x1BF00] =	vst v63  }
0xc2: {  	_ =	swait.ge [sflag:s21], $0x1000  }
0xc3: {  	[sflag:s21] =	ssyncset.done $0x0  }
0xc4: {  	[sflag:s21] =	ssyncadd.s32 $0xFFFFF000  }
0xc5: {  	[spmem:s2] =	stream.indirect.scatter.add.f32 [tilespmem:s19], [sflag:$0x3], $0x20, s24, s18, $0xb8;
	[tilespmem:$0x1BF00] =	vst v63  }
0xc6: {  	_ =	swait.ge [sflag:s16], $0x1000  }
0xc7: {  	[sflag:s16] =	ssyncset.done $0x0  }
0xc8: {  	[sflag:s16] =	ssyncadd.s32 $0xFFFFF000  }
0xc9: {  	_ =	swait.ge [sflag:s22], $0x1000  }
0xca: {  	[sflag:s22] =	ssyncset.done $0x0  }
0xcb: {  	[sflag:s22] =	ssyncadd.s32 $0xFFFFF000  }
0xcc: {  	[spmem:s2] =	stream.indirect.scatter.add.f32 [tilespmem:s20], [sflag:$0x3], $0x20, s25, s18, $0xb8;
	[tilespmem:$0x1BF00] =	vst v63  }
0xcd: {  	_ =	swait.ge [sflag:s16], $0x1000  }
0xce: {  	[sflag:s16] =	ssyncset.done $0x0  }
0xcf: {  	[sflag:s16] =	ssyncadd.s32 $0xFFFFF000  }
0xd0: {  	[bflag:$0x0] =	sbarrier.arrive $0xFFFF  }
0xd1: {  	[hbm:s10], [sflag:s28] =	dma.local [spmem:s29], $0x1880  }
0xd2: {  	_ =	swait.ge [sflag:s16], $0x1880  }
0xd3: {  	[sflag:s16] =	ssyncset.done $0x0  }
0xd4: {  	s31 =	sadd.s32 $0x0, s13;
	[sflag:s16] =	ssyncadd.s32 $0xFFFFE780  }
0xd5: {  	[spmem:s31] =	stream.linear.scatter [tilespmem:s17], [sflag:$0x3], $0x700, $0x38;
	[tilespmem:$0x1BF00] =	vst v63  }
0xd6: {  	s30 =	simm.s32 $0x1C00;
	_ =	swait.ge [sflag:s16], $0x700  }
.LBB2_14:
0xd7: {  	s0 =	sshra.s32 s30, $0x2;
	[sflag:s16] =	ssyncset.done $0x0;
	p0 =	sne.s32 s30, $0x2F400  }
.Ltmp6:
0xd8: {  	s0 =	sadd.s32 s0, s13;
	[sflag:s16] =	ssyncadd.s32 $0xFFFFF900;
	(pc) =	sbr.rel @p0 .LBB2_14-.Ltmp6, $3  }
0xd9: {  	[spmem:s0] =	stream.linear.scatter [tilespmem:s17], [sflag:$0x3], $0x700, $0x38;
	[tilespmem:$0x1BF00] =	vst v63  }
0xda: {  	s30 =	sadd.s32 $0x1C00, s30;
	_ =	sdelay $0x1  }
0xdb: {  	_ =	swait.ge [sflag:s16], $0x700  }
0xdc: {  	[sflag:s16] =	ssyncset.done $0x0  }
0xdd: {  	[sflag:s16] =	ssyncadd.s32 $0xFFFFF900  }
0xde: {  	s0 =	sadd.s32 $0x0, s14;
	[bflag:$0x0] =	sbarrier.arrive $0xFFFF  }
0xdf: {  	[spmem:s2] =	stream.indirect.scatter.add.f32 [tilespmem:s26], [sflag:$0x3], $0x20, s0, s18, $0xb8;
	[tilespmem:$0x1BF00] =	vst v63  }
0xe0: {  	s30 =	simm.s32 $0x200;
	_ =	swait.ge [sflag:s16], $0x1000  }
.LBB2_16:
0xe1: {  	s0 =	sshra.s32 s30, $0x2;
	[sflag:s16] =	ssyncset.done $0x0;
	p0 =	sne.s32 s30, $0xC200  }
.Ltmp7:
0xe2: {  	s0 =	sadd.s32 s0, s14;
	[sflag:s16] =	ssyncadd.s32 $0xFFFFF000;
	(pc) =	sbr.rel @p0 .LBB2_16-.Ltmp7, $3  }
0xe3: {  	[spmem:s2] =	stream.indirect.scatter.add.f32 [tilespmem:s26], [sflag:$0x3], $0x20, s0, s18, $0xb8;
	[tilespmem:$0x1BF00] =	vst v63  }
0xe4: {  	s30 =	sadd.s32 $0x200, s30;
	_ =	sdelay $0x1  }
0xe5: {  	_ =	swait.ge [sflag:s16], $0x1000  }
0xe6: {  	[sflag:s16] =	ssyncset.done $0x0;
	s3 =	sadd.s32 $0x1, s3  }
0xe7: {  	[sflag:s16] =	ssyncadd.s32 $0xFFFFF000;
	p0 =	sne.s32 s3, s12  }
.Ltmp8:
0xe8: {  	[bflag:$0x0] =	sbarrier.arrive $0xFFFF;
	(pc) =	sbr.rel @p0 .LBB2_1-.Ltmp8, $4  }
0xe9: {  	[hbm:s11], [sflag:s28] =	dma.local [spmem:s29], $0x1880  }
0xea: {  	_ =	swait.ge [sflag:s16], $0x1880  }
0xeb: {  	[sflag:s16] =	ssyncset.done $0x0  }
0xec: {  	[sflag:s16] =	ssyncadd.s32 $0xFFFFE780  }
0xed: {  	_ =	sfence.sel $0x180000  }
0xee: {  	[bflag:$0x0] =	sbarrier.arrive $0xFFFF  }
0xef: {  	_ =	strace $0x90000050  }
0xf0: {  	s0 =	stileid.u32;
	[bflag:$0x2] =	sbarrier.arrive $0xFFFF  }
0xf1: {  	p0 =	sne.s32 s0, $0x0;
	s0 =	rddreg [dreg:$0x3]  }
0xf2: {  	s0 =	sadd.s32 @!p0 $0x100000, s0  }
0xf3: {  	[sflag:s0] =	ssyncadd.tile.s32 @!p0 $0x1;
	_ =	shalt  }
.Lfunc_end2:
_tile_overlayer_lowered:
.L_overlay_start_2:
0xf4: {  	(tag) =	ssettag $0x2  }
0xf5: {  	s0 =	rddreg [dreg:$0x0];
	s2 =	stileid.u32  }
0xf6: {  	s1 =	rddreg [dreg:$0x1];
	p0 =	sne.s32 s2, $0x0  }
0xf7: {  	s3 =	rddreg [dreg:$0x2];
	[bflag:$0x3] =	sbarrier.arrive $0xFFFF;
	s2 =	simm.s32 @!p0 $0x1C03  }
0xf8: {  	[timem:s3], [sflag:s2] =	dma.local @!p0 [hbm:s0], s1  }
0xf9: {  	s0 =	simm.s32 @!p0 $0x3  }
0xfa: {  	_ =	swait.ge @!p0 [sflag:s0], s1  }
0xfb: {  	s1 =	ssub.s32 @!p0 $0x0, s1;
	[sflag:s0] =	ssyncset.done @!p0 $0x0  }
0xfc: {  	[sflag:s0] =	ssyncadd.s32 @!p0 s1  }
0xfd: {  	[bflag:$0x3] =	sbarrier.arrive $0xFFFF  }
0xfe: {  	_ =	shalt  }

// kernel: scatter_offload_async_start
scs
__scs_entry_jumppad:
0x0: {  	(pc) =	sbr.rel $0x88, $3  }
0x1: {  	(tag) =	ssettag $0x0;
	lr =	simm.s32 $0x1  }
0x2: {  	[smem:$0x3F8D] =	sst lr;
	_ =	strace $0xD0000000  }
0x3: {  	_ = 	snop  }
0x4: {  	_ = 	snop  }
0x5: {  	_ = 	snop  }
0x6: {  	_ = 	snop  }
0x7: {  	_ = 	snop  }
__scs_overlays_trampoline_lowered:
0x8: {  	[smem:$0x3F9C] =	sst s0  }
0x9: {  	[smem:$0x3F9D] =	sst s1  }
0xa: {  	[smem:$0x3F9E] =	sst s2  }
0xb: {  	[smem:$0x3F9F] =	sst s3  }
0xc: {  	[smem:$0x3FA0] =	sst s4  }
0xd: {  	[smem:$0x3FA1] =	sst s5  }
0xe: {  	[smem:$0x3FA2] =	sst s6  }
0xf: {  	[smem:$0x3FA3] =	sst s7  }
0x10: {  	[smem:$0x3FA4] =	sst s8  }
0x11: {  	[smem:$0x3FA5] =	sst s9;
	s0 =	simm.s32 @!p0 $0x0  }
0x12: {  	s1 =	sld [smem:$0x3F8B];
	s0 =	simm.s32 @p0 $0x1  }
0x13: {  	[smem:$0x3FA6] =	sst s0;
	s0 =	simm.s32 @!p1 $0x0  }
0x14: {  	s2 =	sld [smem:$0x3F8A];
	s0 =	simm.s32 @p1 $0x1  }
0x15: {  	[smem:$0x3FA7] =	sst s0;
	s0 =	simm.s32 @!p2 $0x0  }
0x16: {  	s3 =	sld [smem:$0x3FDB];
	s0 =	simm.s32 @p2 $0x1  }
0x17: {  	s4 =	simm.s32 $0x1BF5;
	[smem:$0x3FA9] =	sst s0  }
0x18: {  	s0 =	sld [smem:$0x3F8C];
	_ =	swait.ge [sflag:s4], $0x0  }
0x19: {  	s7 =	sld [smem:$0x3F8D]  }
0x1a: {  	s8 =	sadd.s32 $0xFFFFE003, lr  }
0x1b: {  	s9 =	sadd.s32 $0xFFFFFEF7, lr;
	s5 =	simm.s32 $0xFFFFFFFF;
	p2 =	slt.u32 s8, $0xFFFFF086  }
0x1c: {  	p1 =	slt.u32 s9, $0xF7A;
	s5 =	simm.s32 @!p2 $0x0  }
0x1d: {  	s5 =	simm.s32 @p1 $0x1;
	p0 =	seq.s32 s7, s2  }
0x1e: {  	s7 =	smul.u32 @!p0 $0xF7A, s2;
	p2 =	seq.s32 @!p0 s5, $0x0  }
0x1f: {  	s9 =	smul.u32 $0xF7A, s1;
	s8 =	simm.s32 @!p0 $0x1BF5;
	p2 =	por !p2, p0  }
0x20: {  	[sflag:s8] =	ssyncset.s32 @!p0 $0xFFFFF086;
	s6 =	sadd.s32 @!p0 s3, s7;
	s7 =	simm.s32 @!p0 $0x108  }
0x21: {  	s3 =	sadd.s32 s3, s9;
	s6 =	sadd.s32 @!p0 $0x88, s6;
	s7 =	simm.s32 @p2 $0x1082  }
0x22: {  	[simem:s7], [sflag:s8] =	dma.local @!p0 [hbm:s6], $0xF7A  }
0x23: {  	s9 =	sor.u32 $0xD0000000, s2;
	s6 =	simm.s32 $0x108;
	_ =	swait.ge @!p0 [sflag:s8], $0x0  }
0x24: {  	s3 =	sadd.s32 $0x88, s3;
	s6 =	simm.s32 @!p1 $0x1082;
	[sflag:s4] =	ssyncset.s32 $0xFFFFF086  }
0x25: {  	[simem:s6], [sflag:s4] =	dma.local [hbm:s3], $0xF7A  }
0x26: {  	[smem:$0x3F8D] =	sst s1;
	(tag) =	ssettag s2;
	_ =	strace s9  }
0x27: {  	s1 =	sld [smem:$0x3F9D]  }
0x28: {  	s2 =	sld [smem:$0x3F9E]  }
0x29: {  	s4 =	sld [smem:$0x3FA0]  }
0x2a: {  	p0 =	seq.s32 s5, $0x0;
	s5 =	sld [smem:$0x3FA1]  }
0x2b: {  	s6 =	sld [smem:$0x3FA2]  }
0x2c: {  	s7 =	sld [smem:$0x3FA3]  }
0x2d: {  	s3 =	simm.s32 $0x108;
	s8 =	sld [smem:$0x3FA4]  }
0x2e: {  	s3 =	simm.s32 @!p0 $0x1082;
	s9 =	sld [smem:$0x3FA5]  }
0x2f: {  	lr =	sadd.s32 s0, s3;
	s0 =	sld [smem:$0x3F9C]  }
0x30: {  	s3 =	sld [smem:$0x3F9F]  }
0x31: {  	[smem:$0x3FA8] =	sst s10  }
0x32: {  	s10 =	sld [smem:$0x3FA6];
	_ =	sdelay $0x3  }
0x33: {  	p0 =	seq.s32 s10, $0x1;
	s10 =	sld [smem:$0x3FA8];
	_ =	sdelay $0x3  }
0x34: {  	[smem:$0x3FA8] =	sst s10  }
0x35: {  	s10 =	sld [smem:$0x3FA7];
	_ =	sdelay $0x3  }
0x36: {  	p1 =	seq.s32 s10, $0x1;
	s10 =	sld [smem:$0x3FA8];
	_ =	sdelay $0x3  }
0x37: {  	[smem:$0x3FA8] =	sst s10  }
0x38: {  	s10 =	sld [smem:$0x3FA9]  }
0x39: {  	_ = 	snop;
	(pc) =	sbr.ind lr, $3  }
0x3a: {  	_ = 	snop  }
0x3b: {  	_ = 	snop  }
0x3c: {  	p2 =	seq.s32 s10, $0x1;
	s10 =	sld [smem:$0x3FA8]  }
0x3d: {  	_ =	shalt  }
0x3e: {  	_ =	shalt  }
0x3f: {  	_ =	shalt  }
0x40: {  	_ =	shalt  }
0x41: {  	_ =	shalt  }
0x42: {  	_ =	shalt  }
0x43: {  	_ =	shalt  }
0x44: {  	_ =	shalt  }
0x45: {  	_ =	shalt  }
0x46: {  	_ =	shalt  }
0x47: {  	_ =	shalt  }
0x48: {  	_ =	shalt  }
0x49: {  	_ =	shalt  }
0x4a: {  	_ =	shalt  }
0x4b: {  	_ =	shalt  }
0x4c: {  	_ =	shalt  }
0x4d: {  	_ =	shalt  }
0x4e: {  	_ =	shalt  }
0x4f: {  	_ =	shalt  }
0x50: {  	_ =	shalt  }
0x51: {  	_ =	shalt  }
0x52: {  	_ =	shalt  }
0x53: {  	_ =	shalt  }
0x54: {  	_ =	shalt  }
0x55: {  	_ =	shalt  }
0x56: {  	_ =	shalt  }
0x57: {  	_ =	shalt  }
0x58: {  	_ =	shalt  }
0x59: {  	_ =	shalt  }
0x5a: {  	_ =	shalt  }
0x5b: {  	_ =	shalt  }
0x5c: {  	_ =	shalt  }
0x5d: {  	_ =	shalt  }
0x5e: {  	_ =	shalt  }
0x5f: {  	_ =	shalt  }
0x60: {  	_ =	shalt  }
0x61: {  	_ =	shalt  }
0x62: {  	_ =	shalt  }
0x63: {  	_ =	shalt  }
0x64: {  	_ =	shalt  }
0x65: {  	_ =	shalt  }
0x66: {  	_ =	shalt  }
0x67: {  	_ =	shalt  }
0x68: {  	_ =	shalt  }
0x69: {  	_ =	shalt  }
0x6a: {  	_ =	shalt  }
0x6b: {  	_ =	shalt  }
0x6c: {  	_ =	shalt  }
0x6d: {  	_ =	shalt  }
0x6e: {  	_ =	shalt  }
0x6f: {  	_ =	shalt  }
0x70: {  	_ =	shalt  }
0x71: {  	_ =	shalt  }
0x72: {  	_ =	shalt  }
0x73: {  	_ =	shalt  }
0x74: {  	_ =	shalt  }
0x75: {  	_ =	shalt  }
0x76: {  	_ =	shalt  }
0x77: {  	_ =	shalt  }
0x78: {  	_ =	shalt  }
0x79: {  	_ =	shalt  }
0x7a: {  	_ =	shalt  }
0x7b: {  	_ =	shalt  }
0x7c: {  	_ =	shalt  }
0x7d: {  	_ =	shalt  }
0x7e: {  	_ =	shalt  }
0x7f: {  	_ =	shalt  }
0x80: {  	_ =	shalt  }
0x81: {  	_ =	shalt  }
0x82: {  	_ =	shalt  }
0x83: {  	_ =	shalt  }
0x84: {  	_ =	shalt  }
0x85: {  	_ =	shalt  }
0x86: {  	_ =	shalt  }
0x87: {  	_ =	shalt  }
.Lfunc_end0:
.L_simem_size_0:
called_computation_lowered:
.L_overlay_start_0:
0x88: {  	s2 =	sld [smem:$0x3FD9]  }
0x89: {  	s3 =	sld [smem:$0x3FFE];
	_ =	sdelay $0x1  }
0x8a: {  	s1 =	srdreg.scid  }
0x8b: {  	s0 =	sand.u32 $0x1, s1  }
0x8c: {  	s16 =	sshll.u32 s0, $0xA;
	s2 =	sadd.s32 s3, s2  }
0x8d: {  	s2 =	sadd.s32 s2, s16  }
0x8e: {  	[smem:$0x3FB4] =	sst s2  }
0x8f: {  	_ = 	snop  }
0x90: {  	s2 =	sld [smem:$0x3FD0];
	(tm) =	ssettm $0x1  }
0x91: {  	s17 =	sld [smem:$0x3FFB];
	_ =	sdelay $0x3  }
0x92: {  	_ =	strace s17  }
0x93: {  	s3 =	sld [smem:$0x3FFC];
	_ =	sdelay $0x3  }
0x94: {  	_ =	strace s3  }
0x95: {  	s3 =	sld [smem:$0x3FFD];
	_ =	sdelay $0x3  }
0x96: {  	_ =	strace s3  }
0x97: {  	_ =	strace $0x8FFFFFFF  }
0x98: {  	s18 =	sld [smem:$0x3FDB];
	_ =	sdelay $0x1  }
0x99: {  	s4 =	simm.s32 $_scs_section_size  }
0x9a: {  	s5 =	simm.s32 $_size__tile_overlayer_lowered;
	s6 =	simm.s32 $_tile_overlayer_lowered  }
0x9b: {  	s21 =	simm.s32 $0x1BFF;
	s20 =	sshll.u32 s6, $0x1;
	s3 =	sadd.s32 s4, s18  }
0x9c: {  	s7 =	simm.s32 $0x0;
	s19 =	sshll.u32 s5, $0x1;
	s5 =	sadd.s32 s20, s3  }
0x9d: {  	[timem:s7], [sflag:s21] =	dma.local [hbm:s5], s19  }
0x9e: {  	_ =	swait.ge [sflag:s21], s19  }
0x9f: {  	s4 =	ssub.s32 $0x0, s19;
	[sflag:s21] =	ssyncset.done $0x0  }
0xa0: {  	[sflag:s21] =	ssyncadd.s32 s4;
	_ =	sdelay $0x1  }
0xa1: {  	s22 =	simm.s32 $0x1B8B  }
0xa2: {  	_ =	swait.ge [sflag:s22], $0x1  }
0xa3: {  	[sflag:s22] =	ssyncset.done $0x0  }
0xa4: {  	s23 =	sld [smem:$0x3FFE];
	[sflag:s22] =	ssyncadd.s32 $0xFFFFFFFF  }
0xa5: {  	s25 =	simm.s32 $0x1B8E;
	s24 =	sld [smem:$0x0]  }
0xa6: {  	s26 =	simm.s32 $execute0_lowered;
	[smem:$0x3FD2] =	sst s25  }
0xa7: {  	s6 =	sshll.u32 s26, $0x1;
	_ =	strace $0x80000049;
	[dreg:$0x1] =	wrdreg $0xFFFFFFFF  }
0xa8: {  	s28 =	simm.s32 $_size_execute0_lowered;
	s3 =	sadd.s32 s3, s6;
	[dreg:$0x0] =	wrdreg $0x0  }
0xa9: {  	s6 =	sshll.u32 s28, $0x1;
	[dreg:$0x2] =	wrdreg s3  }
0xaa: {  	[dreg:$0x3] =	wrdreg s6  }
0xab: {  	[dreg:$0x4] =	wrdreg $0xC0  }
0xac: {  	_ =	task [dreg:s7], $0x5FFFF  }
0xad: {  	[dreg:$0x1] =	wrdreg $0xFFFFFFFF  }
0xae: {  	[dreg:$0x0] =	wrdreg $0x60  }
0xaf: {  	[dreg:$0x2] =	wrdreg s23  }
0xb0: {  	[dreg:$0x3] =	wrdreg s2  }
0xb1: {  	[dreg:$0x4] =	wrdreg s1  }
0xb2: {  	[dreg:$0x5] =	wrdreg s24  }
0xb3: {  	[dreg:$0x6] =	wrdreg $0x9  }
0xb4: {  	_ =	task.clear_ibuf [dreg:s7], $0x7FFFF;
	_ =	strace $0x90000049  }
0xb5: {  	s29 =	simm.s32 $0x9;
	_ =	strace $0x8000004B  }
0xb6: {  	_ =	swait.ge [sflag:s29], $0x1  }
0xb7: {  	[sflag:s29] =	ssyncadd.s32 $0xFFFFFFFF  }
0xb8: {  	_ =	strace $0x9000004B  }
0xb9: {  	_ =	sfence  }
0xba: {  	s30 =	sld [smem:$0x0];
	_ =	sdelay $0x2  }
0xbb: {  	s31 =	sshll.u32 s1, $0xD;
	s1 =	sshrl.u32 s1, $0x2  }
0xbc: {  	s3 =	sand.u32 $0x4000, s31;
	s1 =	sadd.s32 s1, s30  }
0xbd: {  	s0 =	sor.u32 s3, s0;
	s1 =	sshll.u32 s1, $0x11  }
0xbe: {  	s0 =	sor.u32 s1, s0  }
0xbf: {  	s0 =	sadd.s32 $0x8F2B, s0  }
0xc0: {  	[sflag:s0] =	ssyncadd.remote.s32 $0x1  }
0xc1: {  	_ =	sfence.sel $0xFFFF  }
0xc2: {  	[dreg:$0x0] =	wrdreg $0xFFFFFFFF;
	(pc) =	sbr.abs _section_cstart, $3  }
0xc3: {  	[dreg:$0x1] =	wrdreg $0xFFFFFFFF  }
0xc4: {  	_ =	task.clear_ibuf [dreg:s7], $0x2FFFF;
	_ =	strace $0x9FFFFFFF  }
0xc5: {  	(tm) =	ssettm $0x7FFFFFFF  }
tec
execute0_lowered:
.L_overlay_start_1:
0x0: {  	(tag) =	ssettag $0x1  }
0x1: {  	s5 =	rddreg [dreg:$0x0]  }
0x2: {  	s4 =	rddreg [dreg:$0x1]  }
0x3: {  	s2 =	rddreg [dreg:$0x2];
	_ =	strace $0x8000004A;
	s3 =	simm.s32 $0x1  }
0x4: {  	v0 =	vimm.s32 $0x0;
	[sflag:s3] =	ssyncpa.u1 $0x0  }
0x5: {  	[tilespmem:$0xA8] =	vst v0  }
0x6: {  	[tilespmem:$0xB8] =	vst v0  }
0x7: {  	[tilespmem:$0xC8] =	vst v0  }
0x8: {  	[tilespmem:$0xD8] =	vst v0  }
0x9: {  	[tilespmem:$0xE8] =	vst v0  }
0xa: {  	[tilespmem:$0xF8] =	vst v0  }
0xb: {  	[tilespmem:$0x108] =	vst v0  }
0xc: {  	[tilespmem:$0x118] =	vst v0  }
0xd: {  	[tilespmem:$0x128] =	vst v0  }
0xe: {  	[tilespmem:$0x138] =	vst v0  }
0xf: {  	[tilespmem:$0x148] =	vst v0  }
0x10: {  	[tilespmem:$0x158] =	vst v0  }
0x11: {  	[tilespmem:$0x168] =	vst v0  }
0x12: {  	[tilespmem:$0x178] =	vst v0  }
0x13: {  	[tilespmem:$0x188] =	vst v0  }
0x14: {  	[tilespmem:$0x198] =	vst v0  }
0x15: {  	[tilespmem:$0x1A8] =	vst v0  }
0x16: {  	[tilespmem:$0x1B8] =	vst v0  }
0x17: {  	[tilespmem:$0x1C8] =	vst v0  }
0x18: {  	[tilespmem:$0x1D8] =	vst v0  }
0x19: {  	[tilespmem:$0x1E8] =	vst v0  }
0x1a: {  	[tilespmem:$0x1F8] =	vst v0  }
0x1b: {  	[tilespmem:$0x208] =	vst v0  }
0x1c: {  	[tilespmem:$0x218] =	vst v0  }
0x1d: {  	[tilespmem:$0x228] =	vst v0  }
0x1e: {  	[tilespmem:$0x238] =	vst v0  }
0x1f: {  	[tilespmem:$0x248] =	vst v0  }
0x20: {  	[tilespmem:$0x258] =	vst v0  }
0x21: {  	[tilespmem:$0x268] =	vst v0  }
0x22: {  	[tilespmem:$0x278] =	vst v0  }
0x23: {  	[tilespmem:$0x288] =	vst v0  }
0x24: {  	[tilespmem:$0x298] =	vst v0  }
0x25: {  	[tilespmem:$0x2A8] =	vst v0  }
0x26: {  	[tilespmem:$0x2B8] =	vst v0  }
0x27: {  	[tilespmem:$0x2C8] =	vst v0  }
0x28: {  	[tilespmem:$0x2D8] =	vst v0  }
0x29: {  	[tilespmem:$0x2E8] =	vst v0  }
0x2a: {  	[tilespmem:$0x2F8] =	vst v0  }
0x2b: {  	[tilespmem:$0x308] =	vst v0  }
0x2c: {  	[tilespmem:$0x318] =	vst v0  }
0x2d: {  	[tilespmem:$0x328] =	vst v0  }
0x2e: {  	[tilespmem:$0x338] =	vst v0  }
0x2f: {  	[tilespmem:$0x348] =	vst v0  }
0x30: {  	[tilespmem:$0x358] =	vst v0  }
0x31: {  	[tilespmem:$0x368] =	vst v0  }
0x32: {  	[tilespmem:$0x378] =	vst v0  }
0x33: {  	[tilespmem:$0x388] =	vst v0  }
0x34: {  	[tilespmem:$0x398] =	vst v0  }
0x35: {  	[tilespmem:$0x3A8] =	vst v0  }
0x36: {  	[tilespmem:$0x3B8] =	vst v0  }
0x37: {  	[tilespmem:$0x3C8] =	vst v0  }
0x38: {  	[tilespmem:$0x3D8] =	vst v0  }
0x39: {  	[tilespmem:$0x3E8] =	vst v0  }
0x3a: {  	[tilespmem:$0x3F8] =	vst v0  }
0x3b: {  	[tilespmem:$0x408] =	vst v0  }
0x3c: {  	[tilespmem:$0x418] =	vst v0  }
0x3d: {  	[tilespmem:$0x428] =	vst v0  }
0x3e: {  	[tilespmem:$0x438] =	vst v0  }
0x3f: {  	[tilespmem:$0x448] =	vst v0  }
0x40: {  	[tilespmem:$0x458] =	vst v0  }
0x41: {  	[tilespmem:$0x468] =	vst v0  }
0x42: {  	[tilespmem:$0x478] =	vst v0  }
0x43: {  	[tilespmem:$0x488] =	vst v0  }
0x44: {  	[tilespmem:$0x498] =	vst v0  }
0x45: {  	[tilespmem:$0x4A8] =	vst v0  }
0x46: {  	[tilespmem:$0x4B8] =	vst v0  }
0x47: {  	[tilespmem:$0x4C8] =	vst v0  }
0x48: {  	[tilespmem:$0x4D8] =	vst v0  }
0x49: {  	[tilespmem:$0x4E8] =	vst v0  }
0x4a: {  	[tilespmem:$0x4F8] =	vst v0  }
0x4b: {  	[tilespmem:$0x508] =	vst v0  }
0x4c: {  	[tilespmem:$0x518] =	vst v0  }
0x4d: {  	[tilespmem:$0x528] =	vst v0  }
0x4e: {  	[tilespmem:$0x538] =	vst v0  }
0x4f: {  	[tilespmem:$0x548] =	vst v0  }
0x50: {  	[tilespmem:$0x558] =	vst v0  }
0x51: {  	[tilespmem:$0x568] =	vst v0  }
0x52: {  	[tilespmem:$0x578] =	vst v0  }
0x53: {  	[tilespmem:$0x588] =	vst v0  }
0x54: {  	[tilespmem:$0x598] =	vst v0  }
0x55: {  	[tilespmem:$0x5A8] =	vst v0  }
0x56: {  	[tilespmem:$0x5B8] =	vst v0  }
0x57: {  	[tilespmem:$0x5C8] =	vst v0  }
0x58: {  	[tilespmem:$0x5D8] =	vst v0  }
0x59: {  	[tilespmem:$0x5E8] =	vst v0  }
0x5a: {  	[tilespmem:$0x5F8] =	vst v0  }
0x5b: {  	[tilespmem:$0x608] =	vst v0  }
0x5c: {  	[tilespmem:$0x618] =	vst v0  }
0x5d: {  	[tilespmem:$0x628] =	vst v0  }
0x5e: {  	[tilespmem:$0x638] =	vst v0  }
0x5f: {  	[tilespmem:$0x648] =	vst v0  }
0x60: {  	[tilespmem:$0x658] =	vst v0  }
0x61: {  	[tilespmem:$0x668] =	vst v0  }
0x62: {  	[tilespmem:$0x678] =	vst v0  }
0x63: {  	[tilespmem:$0x688] =	vst v0  }
0x64: {  	[tilespmem:$0x698] =	vst v0  }
0x65: {  	[tilespmem:$0x6A8] =	vst v0  }
0x66: {  	[tilespmem:$0x6B8] =	vst v0  }
0x67: {  	[tilespmem:$0x6C8] =	vst v0  }
0x68: {  	[tilespmem:$0x6D8] =	vst v0  }
0x69: {  	[tilespmem:$0x6E8] =	vst v0  }
0x6a: {  	[tilespmem:$0x6F8] =	vst v0  }
0x6b: {  	[tilespmem:$0x708] =	vst v0  }
0x6c: {  	[tilespmem:$0x718] =	vst v0  }
0x6d: {  	[tilespmem:$0x728] =	vst v0  }
0x6e: {  	[tilespmem:$0x738] =	vst v0  }
0x6f: {  	[tilespmem:$0x748] =	vst v0  }
0x70: {  	[tilespmem:$0x758] =	vst v0  }
0x71: {  	[tilespmem:$0x768] =	vst v0  }
0x72: {  	[tilespmem:$0x778] =	vst v0  }
0x73: {  	[tilespmem:$0x788] =	vst v0  }
0x74: {  	[tilespmem:$0x798] =	vst v0  }
0x75: {  	[tilespmem:$0x7A8] =	vst v0  }
0x76: {  	[tilespmem:$0x7B8] =	vst v0  }
0x77: {  	[tilespmem:$0x7C8] =	vst v0  }
0x78: {  	[tilespmem:$0x7D8] =	vst v0  }
0x79: {  	[tilespmem:$0x7E8] =	vst v0  }
0x7a: {  	[tilespmem:$0x7F8] =	vst v0  }
0x7b: {  	[tilespmem:$0x808] =	vst v0  }
0x7c: {  	[tilespmem:$0x818] =	vst v0  }
0x7d: {  	[tilespmem:$0x828] =	vst v0  }
0x7e: {  	[tilespmem:$0x838] =	vst v0  }
0x7f: {  	[tilespmem:$0x848] =	vst v0  }
0x80: {  	[tilespmem:$0x858] =	vst v0  }
0x81: {  	[tilespmem:$0x868] =	vst v0  }
0x82: {  	[tilespmem:$0x878] =	vst v0  }
0x83: {  	[tilespmem:$0x888] =	vst v0  }
0x84: {  	[tilespmem:$0x898] =	vst v0  }
0x85: {  	[tilespmem:$0x8A8] =	vst v0  }
0x86: {  	[tilespmem:$0x8B8] =	vst v0  }
0x87: {  	[tilespmem:$0x8C8] =	vst v0  }
0x88: {  	[tilespmem:$0x8D8] =	vst v0  }
0x89: {  	[tilespmem:$0x8E8] =	vst v0  }
0x8a: {  	[tilespmem:$0x8F8] =	vst v0  }
0x8b: {  	[tilespmem:$0x908] =	vst v0  }
0x8c: {  	[tilespmem:$0x918] =	vst v0  }
0x8d: {  	[tilespmem:$0x928] =	vst v0  }
0x8e: {  	[tilespmem:$0x938] =	vst v0  }
0x8f: {  	[tilespmem:$0x948] =	vst v0  }
0x90: {  	[tilespmem:$0x958] =	vst v0  }
0x91: {  	[tilespmem:$0x968] =	vst v0  }
0x92: {  	[tilespmem:$0x978] =	vst v0  }
0x93: {  	[tilespmem:$0x988] =	vst v0  }
0x94: {  	[tilespmem:$0x998] =	vst v0  }
0x95: {  	[tilespmem:$0x9A8] =	vst v0  }
0x96: {  	[tilespmem:$0x9B8] =	vst v0  }
0x97: {  	[tilespmem:$0x9C8] =	vst v0  }
0x98: {  	[tilespmem:$0x9D8] =	vst v0  }
0x99: {  	[tilespmem:$0x9E8] =	vst v0  }
0x9a: {  	[tilespmem:$0x9F8] =	vst v0  }
0x9b: {  	[tilespmem:$0xA08] =	vst v0  }
0x9c: {  	[tilespmem:$0xA18] =	vst v0  }
0x9d: {  	[tilespmem:$0xA28] =	vst v0  }
0x9e: {  	[tilespmem:$0xA38] =	vst v0  }
0x9f: {  	[tilespmem:$0xA48] =	vst v0  }
0xa0: {  	[tilespmem:$0xA58] =	vst v0  }
0xa1: {  	[tilespmem:$0xA68] =	vst v0  }
0xa2: {  	[tilespmem:$0xA78] =	vst v0  }
0xa3: {  	[tilespmem:$0xA88] =	vst v0  }
0xa4: {  	[tilespmem:$0xA98] =	vst v0  }
0xa5: {  	[tilespmem:$0xAA8] =	vst v0  }
0xa6: {  	[tilespmem:$0xAB8] =	vst v0  }
0xa7: {  	[tilespmem:$0xAC8] =	vst v0  }
0xa8: {  	[tilespmem:$0xAD8] =	vst v0  }
0xa9: {  	[tilespmem:$0xAE8] =	vst v0  }
0xaa: {  	[tilespmem:$0xAF8] =	vst v0  }
0xab: {  	[tilespmem:$0xB08] =	vst v0  }
0xac: {  	[tilespmem:$0xB18] =	vst v0  }
0xad: {  	[tilespmem:$0xB28] =	vst v0  }
0xae: {  	[tilespmem:$0xB38] =	vst v0  }
0xaf: {  	[tilespmem:$0xB48] =	vst v0  }
0xb0: {  	[tilespmem:$0xB58] =	vst v0  }
0xb1: {  	[tilespmem:$0xB68] =	vst v0  }
0xb2: {  	[tilespmem:$0xB78] =	vst v0  }
0xb3: {  	[tilespmem:$0xB88] =	vst v0  }
0xb4: {  	[tilespmem:$0xB98] =	vst v0  }
0xb5: {  	[tilespmem:$0xBA8] =	vst v0  }
0xb6: {  	[tilespmem:$0xBB8] =	vst v0  }
0xb7: {  	[tilespmem:$0xBC8] =	vst v0  }
0xb8: {  	[tilespmem:$0xBD8] =	vst v0  }
0xb9: {  	[tilespmem:$0xBE8] =	vst v0  }
0xba: {  	[tilespmem:$0xBF8] =	vst v0  }
0xbb: {  	[tilespmem:$0xC08] =	vst v0  }
0xbc: {  	[tilespmem:$0xC18] =	vst v0  }
0xbd: {  	[tilespmem:$0xC28] =	vst v0  }
0xbe: {  	[tilespmem:$0xC38] =	vst v0  }
0xbf: {  	[tilespmem:$0xC48] =	vst v0  }
0xc0: {  	[tilespmem:$0xC58] =	vst v0  }
0xc1: {  	[tilespmem:$0xC68] =	vst v0  }
0xc2: {  	[tilespmem:$0xC78] =	vst v0  }
0xc3: {  	[tilespmem:$0xC88] =	vst v0  }
0xc4: {  	[tilespmem:$0xC98] =	vst v0  }
0xc5: {  	[tilespmem:$0xCA8] =	vst v0  }
0xc6: {  	[tilespmem:$0xCB8] =	vst v0  }
0xc7: {  	[tilespmem:$0xCC8] =	vst v0  }
0xc8: {  	[tilespmem:$0xCD8] =	vst v0  }
0xc9: {  	[tilespmem:$0xCE8] =	vst v0  }
0xca: {  	[tilespmem:$0xCF8] =	vst v0  }
0xcb: {  	[tilespmem:$0xD08] =	vst v0  }
0xcc: {  	[tilespmem:$0xD18] =	vst v0  }
0xcd: {  	[tilespmem:$0xD28] =	vst v0  }
0xce: {  	[tilespmem:$0xD38] =	vst v0  }
0xcf: {  	[tilespmem:$0xD48] =	vst v0  }
0xd0: {  	[tilespmem:$0xD58] =	vst v0  }
0xd1: {  	[tilespmem:$0xD68] =	vst v0  }
0xd2: {  	[tilespmem:$0xD78] =	vst v0  }
0xd3: {  	[tilespmem:$0xD88] =	vst v0  }
0xd4: {  	[tilespmem:$0xD98] =	vst v0  }
0xd5: {  	[tilespmem:$0xDA8] =	vst v0  }
0xd6: {  	[tilespmem:$0xDB8] =	vst v0  }
0xd7: {  	[tilespmem:$0xDC8] =	vst v0  }
0xd8: {  	[tilespmem:$0xDD8] =	vst v0  }
0xd9: {  	[tilespmem:$0xDE8] =	vst v0  }
0xda: {  	[tilespmem:$0xDF8] =	vst v0  }
0xdb: {  	[tilespmem:$0xE08] =	vst v0  }
0xdc: {  	[tilespmem:$0xE18] =	vst v0  }
0xdd: {  	[tilespmem:$0xE28] =	vst v0  }
0xde: {  	[tilespmem:$0xE38] =	vst v0  }
0xdf: {  	[tilespmem:$0xE48] =	vst v0  }
0xe0: {  	[tilespmem:$0xE58] =	vst v0  }
0xe1: {  	[tilespmem:$0xE68] =	vst v0  }
0xe2: {  	[tilespmem:$0xE78] =	vst v0  }
0xe3: {  	[tilespmem:$0xE88] =	vst v0  }
0xe4: {  	[tilespmem:$0xE98] =	vst v0  }
0xe5: {  	[tilespmem:$0xEA8] =	vst v0  }
0xe6: {  	[tilespmem:$0xEB8] =	vst v0  }
0xe7: {  	[tilespmem:$0xEC8] =	vst v0  }
0xe8: {  	[tilespmem:$0xED8] =	vst v0  }
0xe9: {  	[tilespmem:$0xEE8] =	vst v0  }
0xea: {  	[tilespmem:$0xEF8] =	vst v0  }
0xeb: {  	[tilespmem:$0xF08] =	vst v0  }
0xec: {  	[tilespmem:$0xF18] =	vst v0  }
0xed: {  	[tilespmem:$0xF28] =	vst v0  }
0xee: {  	[tilespmem:$0xF38] =	vst v0  }
0xef: {  	[tilespmem:$0xF48] =	vst v0  }
0xf0: {  	[tilespmem:$0xF58] =	vst v0  }
0xf1: {  	[tilespmem:$0xF68] =	vst v0  }
0xf2: {  	[tilespmem:$0xF78] =	vst v0  }
0xf3: {  	[tilespmem:$0xF88] =	vst v0  }
0xf4: {  	[tilespmem:$0xF98] =	vst v0  }
0xf5: {  	[tilespmem:$0xFA8] =	vst v0  }
0xf6: {  	[tilespmem:$0xFB8] =	vst v0  }
0xf7: {  	[tilespmem:$0xFC8] =	vst v0  }
0xf8: {  	[tilespmem:$0xFD8] =	vst v0  }
0xf9: {  	[tilespmem:$0xFE8] =	vst v0  }
0xfa: {  	[tilespmem:$0xFF8] =	vst v0  }
0xfb: {  	[tilespmem:$0x1008] =	vst v0  }
0xfc: {  	[tilespmem:$0x1018] =	vst v0  }
0xfd: {  	[tilespmem:$0x1028] =	vst v0  }
0xfe: {  	[tilespmem:$0x1038] =	vst v0  }
0xff: {  	[tilespmem:$0x1048] =	vst v0  }
0x100: {  	[tilespmem:$0x1058] =	vst v0  }
0x101: {  	[tilespmem:$0x1068] =	vst v0  }
0x102: {  	[tilespmem:$0x1078] =	vst v0  }
0x103: {  	[tilespmem:$0x1088] =	vst v0  }
0x104: {  	[tilespmem:$0x1098] =	vst v0  }
0x105: {  	[tilespmem:$0x10A8] =	vst v0  }
0x106: {  	[tilespmem:$0x10B8] =	vst v0  }
0x107: {  	[tilespmem:$0x10C8] =	vst v0  }
0x108: {  	[tilespmem:$0x10D8] =	vst v0  }
0x109: {  	[tilespmem:$0x10E8] =	vst v0  }
0x10a: {  	[tilespmem:$0x10F8] =	vst v0  }
0x10b: {  	[tilespmem:$0x1108] =	vst v0  }
0x10c: {  	[tilespmem:$0x1118] =	vst v0  }
0x10d: {  	[tilespmem:$0x1128] =	vst v0  }
0x10e: {  	[tilespmem:$0x1138] =	vst v0  }
0x10f: {  	[tilespmem:$0x1148] =	vst v0  }
0x110: {  	[tilespmem:$0x1158] =	vst v0  }
0x111: {  	[tilespmem:$0x1168] =	vst v0  }
0x112: {  	[tilespmem:$0x1178] =	vst v0  }
0x113: {  	[tilespmem:$0x1188] =	vst v0  }
0x114: {  	[tilespmem:$0x1198] =	vst v0  }
0x115: {  	[tilespmem:$0x11A8] =	vst v0  }
0x116: {  	[tilespmem:$0x11B8] =	vst v0  }
0x117: {  	[tilespmem:$0x11C8] =	vst v0  }
0x118: {  	[tilespmem:$0x11D8] =	vst v0  }
0x119: {  	[tilespmem:$0x11E8] =	vst v0  }
0x11a: {  	[tilespmem:$0x11F8] =	vst v0  }
0x11b: {  	[tilespmem:$0x1208] =	vst v0  }
0x11c: {  	[tilespmem:$0x1218] =	vst v0  }
0x11d: {  	[tilespmem:$0x1228] =	vst v0  }
0x11e: {  	[tilespmem:$0x1238] =	vst v0  }
0x11f: {  	[tilespmem:$0x1248] =	vst v0  }
0x120: {  	[tilespmem:$0x1258] =	vst v0  }
0x121: {  	[tilespmem:$0x1268] =	vst v0  }
0x122: {  	[tilespmem:$0x1278] =	vst v0  }
0x123: {  	[tilespmem:$0x21A8] =	vst v0  }
0x124: {  	[tilespmem:$0x21B8] =	vst v0  }
0x125: {  	[tilespmem:$0x1288] =	vst v0  }
0x126: {  	[tilespmem:$0x1298] =	vst v0  }
0x127: {  	[tilespmem:$0x12A8] =	vst v0  }
0x128: {  	[tilespmem:$0x12B8] =	vst v0  }
0x129: {  	[tilespmem:$0x12C8] =	vst v0  }
0x12a: {  	[tilespmem:$0x12D8] =	vst v0  }
0x12b: {  	[tilespmem:$0x12E8] =	vst v0  }
0x12c: {  	[tilespmem:$0x12F8] =	vst v0  }
0x12d: {  	[tilespmem:$0x1308] =	vst v0  }
0x12e: {  	[tilespmem:$0x1318] =	vst v0  }
0x12f: {  	[tilespmem:$0x1328] =	vst v0  }
0x130: {  	[tilespmem:$0x1338] =	vst v0  }
0x131: {  	[tilespmem:$0x1348] =	vst v0  }
0x132: {  	[tilespmem:$0x1358] =	vst v0  }
0x133: {  	[tilespmem:$0x1368] =	vst v0  }
0x134: {  	[tilespmem:$0x1378] =	vst v0  }
0x135: {  	[tilespmem:$0x1388] =	vst v0  }
0x136: {  	[tilespmem:$0x1398] =	vst v0  }
0x137: {  	[tilespmem:$0x13A8] =	vst v0  }
0x138: {  	[tilespmem:$0x13B8] =	vst v0  }
0x139: {  	[tilespmem:$0x13C8] =	vst v0  }
0x13a: {  	[tilespmem:$0x13D8] =	vst v0  }
0x13b: {  	[tilespmem:$0x13E8] =	vst v0  }
0x13c: {  	[tilespmem:$0x13F8] =	vst v0  }
0x13d: {  	[tilespmem:$0x1408] =	vst v0  }
0x13e: {  	[tilespmem:$0x1418] =	vst v0  }
0x13f: {  	[tilespmem:$0x1428] =	vst v0  }
0x140: {  	[tilespmem:$0x1438] =	vst v0  }
0x141: {  	[tilespmem:$0x1448] =	vst v0  }
0x142: {  	[tilespmem:$0x1458] =	vst v0  }
0x143: {  	[tilespmem:$0x1468] =	vst v0  }
0x144: {  	[tilespmem:$0x1478] =	vst v0  }
0x145: {  	[tilespmem:$0x1488] =	vst v0  }
0x146: {  	[tilespmem:$0x1498] =	vst v0  }
0x147: {  	[tilespmem:$0x14A8] =	vst v0  }
0x148: {  	[tilespmem:$0x14B8] =	vst v0  }
0x149: {  	[tilespmem:$0x14C8] =	vst v0  }
0x14a: {  	[tilespmem:$0x14D8] =	vst v0  }
0x14b: {  	[tilespmem:$0x14E8] =	vst v0  }
0x14c: {  	[tilespmem:$0x14F8] =	vst v0  }
0x14d: {  	[tilespmem:$0x1508] =	vst v0  }
0x14e: {  	[tilespmem:$0x1518] =	vst v0  }
0x14f: {  	[tilespmem:$0x1528] =	vst v0  }
0x150: {  	[tilespmem:$0x1538] =	vst v0  }
0x151: {  	[tilespmem:$0x1548] =	vst v0  }
0x152: {  	[tilespmem:$0x1558] =	vst v0  }
0x153: {  	[tilespmem:$0x1568] =	vst v0  }
0x154: {  	[tilespmem:$0x1578] =	vst v0  }
0x155: {  	[tilespmem:$0x1588] =	vst v0  }
0x156: {  	[tilespmem:$0x1598] =	vst v0  }
0x157: {  	[tilespmem:$0x15A8] =	vst v0  }
0x158: {  	[tilespmem:$0x15B8] =	vst v0  }
0x159: {  	[tilespmem:$0x15C8] =	vst v0  }
0x15a: {  	[tilespmem:$0x15D8] =	vst v0  }
0x15b: {  	[tilespmem:$0x15E8] =	vst v0  }
0x15c: {  	[tilespmem:$0x15F8] =	vst v0  }
0x15d: {  	[tilespmem:$0x1608] =	vst v0  }
0x15e: {  	[tilespmem:$0x1618] =	vst v0  }
0x15f: {  	[tilespmem:$0x1628] =	vst v0  }
0x160: {  	[tilespmem:$0x1638] =	vst v0  }
0x161: {  	[tilespmem:$0x1648] =	vst v0  }
0x162: {  	[tilespmem:$0x1658] =	vst v0  }
0x163: {  	[tilespmem:$0x1668] =	vst v0  }
0x164: {  	[tilespmem:$0x1678] =	vst v0  }
0x165: {  	[tilespmem:$0x1688] =	vst v0  }
0x166: {  	[tilespmem:$0x1698] =	vst v0  }
0x167: {  	[tilespmem:$0x16A8] =	vst v0  }
0x168: {  	[tilespmem:$0x16B8] =	vst v0  }
0x169: {  	[tilespmem:$0x16C8] =	vst v0  }
0x16a: {  	[tilespmem:$0x16D8] =	vst v0  }
0x16b: {  	[tilespmem:$0x16E8] =	vst v0  }
0x16c: {  	[tilespmem:$0x16F8] =	vst v0  }
0x16d: {  	[tilespmem:$0x1708] =	vst v0  }
0x16e: {  	[tilespmem:$0x1718] =	vst v0  }
0x16f: {  	[tilespmem:$0x1728] =	vst v0  }
0x170: {  	[tilespmem:$0x1738] =	vst v0  }
0x171: {  	[tilespmem:$0x1748] =	vst v0  }
0x172: {  	[tilespmem:$0x1758] =	vst v0  }
0x173: {  	[tilespmem:$0x1768] =	vst v0  }
0x174: {  	[tilespmem:$0x1778] =	vst v0  }
0x175: {  	[tilespmem:$0x1788] =	vst v0  }
0x176: {  	[tilespmem:$0x1798] =	vst v0  }
0x177: {  	[tilespmem:$0x17A8] =	vst v0  }
0x178: {  	[tilespmem:$0x17B8] =	vst v0  }
0x179: {  	[tilespmem:$0x17C8] =	vst v0  }
0x17a: {  	[tilespmem:$0x17D8] =	vst v0  }
0x17b: {  	[tilespmem:$0x17E8] =	vst v0  }
0x17c: {  	[tilespmem:$0x17F8] =	vst v0  }
0x17d: {  	[tilespmem:$0x1808] =	vst v0  }
0x17e: {  	[tilespmem:$0x1818] =	vst v0  }
0x17f: {  	[tilespmem:$0x1828] =	vst v0  }
0x180: {  	[tilespmem:$0x1838] =	vst v0  }
0x181: {  	[tilespmem:$0x1848] =	vst v0  }
0x182: {  	[tilespmem:$0x1858] =	vst v0  }
0x183: {  	[tilespmem:$0x1868] =	vst v0  }
0x184: {  	[tilespmem:$0x1878] =	vst v0  }
0x185: {  	[tilespmem:$0x1888] =	vst v0  }
0x186: {  	[tilespmem:$0x1898] =	vst v0  }
0x187: {  	[tilespmem:$0x18A8] =	vst v0  }
0x188: {  	[tilespmem:$0x18B8] =	vst v0  }
0x189: {  	[tilespmem:$0x18C8] =	vst v0  }
0x18a: {  	[tilespmem:$0x18D8] =	vst v0  }
0x18b: {  	[tilespmem:$0x18E8] =	vst v0  }
0x18c: {  	[tilespmem:$0x18F8] =	vst v0  }
0x18d: {  	[tilespmem:$0x1908] =	vst v0  }
0x18e: {  	[tilespmem:$0x1918] =	vst v0  }
0x18f: {  	[tilespmem:$0x1928] =	vst v0  }
0x190: {  	[tilespmem:$0x1938] =	vst v0  }
0x191: {  	[tilespmem:$0x1948] =	vst v0  }
0x192: {  	[tilespmem:$0x1958] =	vst v0  }
0x193: {  	[tilespmem:$0x1968] =	vst v0  }
0x194: {  	[tilespmem:$0x1978] =	vst v0  }
0x195: {  	[tilespmem:$0x1988] =	vst v0  }
0x196: {  	[tilespmem:$0x1998] =	vst v0  }
0x197: {  	[tilespmem:$0x19A8] =	vst v0  }
0x198: {  	[tilespmem:$0x19B8] =	vst v0  }
0x199: {  	[tilespmem:$0x19C8] =	vst v0  }
0x19a: {  	[tilespmem:$0x19D8] =	vst v0  }
0x19b: {  	[tilespmem:$0x19E8] =	vst v0  }
0x19c: {  	[tilespmem:$0x19F8] =	vst v0  }
0x19d: {  	[tilespmem:$0x1A08] =	vst v0  }
0x19e: {  	[tilespmem:$0x1A18] =	vst v0  }
0x19f: {  	[tilespmem:$0x1A28] =	vst v0  }
0x1a0: {  	[tilespmem:$0x1A38] =	vst v0  }
0x1a1: {  	[tilespmem:$0x1A48] =	vst v0  }
0x1a2: {  	[tilespmem:$0x1A58] =	vst v0  }
0x1a3: {  	[tilespmem:$0x1A68] =	vst v0  }
0x1a4: {  	[tilespmem:$0x1A78] =	vst v0  }
0x1a5: {  	[tilespmem:$0x1A88] =	vst v0  }
0x1a6: {  	[tilespmem:$0x1A98] =	vst v0  }
0x1a7: {  	[tilespmem:$0x1AA8] =	vst v0  }
0x1a8: {  	[tilespmem:$0x1AB8] =	vst v0  }
0x1a9: {  	[tilespmem:$0x1AC8] =	vst v0  }
0x1aa: {  	[tilespmem:$0x1AD8] =	vst v0  }
0x1ab: {  	[tilespmem:$0x1AE8] =	vst v0  }
0x1ac: {  	[tilespmem:$0x1AF8] =	vst v0  }
0x1ad: {  	[tilespmem:$0x1B08] =	vst v0  }
0x1ae: {  	[tilespmem:$0x1B18] =	vst v0  }
0x1af: {  	[tilespmem:$0x1B28] =	vst v0  }
0x1b0: {  	[tilespmem:$0x1B38] =	vst v0  }
0x1b1: {  	[tilespmem:$0x1B48] =	vst v0  }
0x1b2: {  	[tilespmem:$0x1B58] =	vst v0  }
0x1b3: {  	[tilespmem:$0x1B68] =	vst v0  }
0x1b4: {  	[tilespmem:$0x1B78] =	vst v0  }
0x1b5: {  	[tilespmem:$0x1B88] =	vst v0  }
0x1b6: {  	[tilespmem:$0x1B98] =	vst v0  }
0x1b7: {  	[tilespmem:$0x1BA8] =	vst v0  }
0x1b8: {  	[tilespmem:$0x1BB8] =	vst v0  }
0x1b9: {  	[tilespmem:$0x1BC8] =	vst v0  }
0x1ba: {  	[tilespmem:$0x1BD8] =	vst v0  }
0x1bb: {  	[tilespmem:$0x1BE8] =	vst v0  }
0x1bc: {  	[tilespmem:$0x1BF8] =	vst v0  }
0x1bd: {  	[tilespmem:$0x1C08] =	vst v0  }
0x1be: {  	[tilespmem:$0x1C18] =	vst v0  }
0x1bf: {  	[tilespmem:$0x1C28] =	vst v0  }
0x1c0: {  	[tilespmem:$0x1C38] =	vst v0  }
0x1c1: {  	[tilespmem:$0x1C48] =	vst v0  }
0x1c2: {  	[tilespmem:$0x1C58] =	vst v0  }
0x1c3: {  	[tilespmem:$0x1C68] =	vst v0  }
0x1c4: {  	[tilespmem:$0x1C78] =	vst v0  }
0x1c5: {  	[tilespmem:$0x1C88] =	vst v0  }
0x1c6: {  	[tilespmem:$0x1C98] =	vst v0  }
0x1c7: {  	[tilespmem:$0x1CA8] =	vst v0  }
0x1c8: {  	[tilespmem:$0x1CB8] =	vst v0  }
0x1c9: {  	[tilespmem:$0x1CC8] =	vst v0  }
0x1ca: {  	[tilespmem:$0x1CD8] =	vst v0  }
0x1cb: {  	[tilespmem:$0x1CE8] =	vst v0  }
0x1cc: {  	[tilespmem:$0x1CF8] =	vst v0  }
0x1cd: {  	[tilespmem:$0x1D08] =	vst v0  }
0x1ce: {  	[tilespmem:$0x1D18] =	vst v0  }
0x1cf: {  	[tilespmem:$0x1D28] =	vst v0  }
0x1d0: {  	[tilespmem:$0x1D38] =	vst v0  }
0x1d1: {  	[tilespmem:$0x1D48] =	vst v0  }
0x1d2: {  	[tilespmem:$0x1D58] =	vst v0  }
0x1d3: {  	[tilespmem:$0x1D68] =	vst v0  }
0x1d4: {  	[tilespmem:$0x1D78] =	vst v0  }
0x1d5: {  	[tilespmem:$0x1D88] =	vst v0  }
0x1d6: {  	[tilespmem:$0x1D98] =	vst v0  }
0x1d7: {  	[tilespmem:$0x1DA8] =	vst v0  }
0x1d8: {  	[tilespmem:$0x1DB8] =	vst v0  }
0x1d9: {  	[tilespmem:$0x1DC8] =	vst v0  }
0x1da: {  	[tilespmem:$0x1DD8] =	vst v0  }
0x1db: {  	[tilespmem:$0x1DE8] =	vst v0  }
0x1dc: {  	[tilespmem:$0x1DF8] =	vst v0  }
0x1dd: {  	[tilespmem:$0x1E08] =	vst v0  }
0x1de: {  	[tilespmem:$0x1E18] =	vst v0  }
0x1df: {  	[tilespmem:$0x1E28] =	vst v0  }
0x1e0: {  	[tilespmem:$0x1E38] =	vst v0  }
0x1e1: {  	[tilespmem:$0x1E48] =	vst v0  }
0x1e2: {  	[tilespmem:$0x1E58] =	vst v0  }
0x1e3: {  	[tilespmem:$0x1E68] =	vst v0  }
0x1e4: {  	[tilespmem:$0x1E78] =	vst v0  }
0x1e5: {  	[tilespmem:$0x1E88] =	vst v0  }
0x1e6: {  	[tilespmem:$0x1E98] =	vst v0  }
0x1e7: {  	[tilespmem:$0x1EA8] =	vst v0  }
0x1e8: {  	[tilespmem:$0x1EB8] =	vst v0  }
0x1e9: {  	[tilespmem:$0x1EC8] =	vst v0  }
0x1ea: {  	[tilespmem:$0x1ED8] =	vst v0  }
0x1eb: {  	[tilespmem:$0x1EE8] =	vst v0  }
0x1ec: {  	[tilespmem:$0x1EF8] =	vst v0  }
0x1ed: {  	[tilespmem:$0x1F08] =	vst v0  }
0x1ee: {  	[tilespmem:$0x1F18] =	vst v0  }
0x1ef: {  	[tilespmem:$0x1F28] =	vst v0  }
0x1f0: {  	[tilespmem:$0x1F38] =	vst v0  }
0x1f1: {  	[tilespmem:$0x1F48] =	vst v0  }
0x1f2: {  	[tilespmem:$0x1F58] =	vst v0  }
0x1f3: {  	[tilespmem:$0x1F68] =	vst v0  }
0x1f4: {  	[tilespmem:$0x1F78] =	vst v0  }
0x1f5: {  	[tilespmem:$0x1F88] =	vst v0  }
0x1f6: {  	[tilespmem:$0x1F98] =	vst v0  }
0x1f7: {  	[tilespmem:$0x1FA8] =	vst v0  }
0x1f8: {  	[tilespmem:$0x1FB8] =	vst v0  }
0x1f9: {  	[tilespmem:$0x1FC8] =	vst v0  }
0x1fa: {  	[tilespmem:$0x1FD8] =	vst v0  }
0x1fb: {  	[tilespmem:$0x1FE8] =	vst v0  }
0x1fc: {  	[tilespmem:$0x1FF8] =	vst v0  }
0x1fd: {  	[tilespmem:$0x2008] =	vst v0  }
0x1fe: {  	[tilespmem:$0x2018] =	vst v0  }
0x1ff: {  	[tilespmem:$0x2028] =	vst v0  }
0x200: {  	[tilespmem:$0x2038] =	vst v0  }
0x201: {  	[tilespmem:$0x2048] =	vst v0  }
0x202: {  	[tilespmem:$0x2058] =	vst v0  }
0x203: {  	[tilespmem:$0x2068] =	vst v0  }
0x204: {  	[tilespmem:$0x2078] =	vst v0  }
0x205: {  	[tilespmem:$0x2088] =	vst v0  }
0x206: {  	[tilespmem:$0x2098] =	vst v0  }
0x207: {  	[tilespmem:$0x20A8] =	vst v0  }
0x208: {  	[tilespmem:$0x20B8] =	vst v0  }
0x209: {  	[tilespmem:$0x20C8] =	vst v0  }
0x20a: {  	[tilespmem:$0x20D8] =	vst v0  }
0x20b: {  	[tilespmem:$0x20E8] =	vst v0  }
0x20c: {  	[tilespmem:$0x20F8] =	vst v0  }
0x20d: {  	[tilespmem:$0x2108] =	vst v0  }
0x20e: {  	[tilespmem:$0x2118] =	vst v0  }
0x20f: {  	[tilespmem:$0x2128] =	vst v0  }
0x210: {  	[tilespmem:$0x2138] =	vst v0  }
0x211: {  	[tilespmem:$0x2148] =	vst v0  }
0x212: {  	[tilespmem:$0x2158] =	vst v0  }
0x213: {  	[tilespmem:$0x2168] =	vst v0  }
0x214: {  	[tilespmem:$0x2178] =	vst v0  }
0x215: {  	[tilespmem:$0x2188] =	vst v0  }
0x216: {  	[tilespmem:$0x2198] =	vst v0  }
0x217: {  	[tilespmem:$0x21C8] =	vst v0  }
0x218: {  	[tilespmem:$0x21D8] =	vst v0  }
0x219: {  	[tilespmem:$0x21E8] =	vst v0  }
0x21a: {  	[tilespmem:$0x21F8] =	vst v0  }
0x21b: {  	[tilespmem:$0x2208] =	vst v0  }
0x21c: {  	[tilespmem:$0x2218] =	vst v0  }
0x21d: {  	[tilespmem:$0x2228] =	vst v0  }
0x21e: {  	[tilespmem:$0x2238] =	vst v0  }
0x21f: {  	[tilespmem:$0x2248] =	vst v0  }
0x220: {  	[tilespmem:$0x2258] =	vst v0  }
0x221: {  	[tilespmem:$0x2268] =	vst v0  }
0x222: {  	[tilespmem:$0x2278] =	vst v0  }
0x223: {  	[tilespmem:$0x2288] =	vst v0  }
0x224: {  	[tilespmem:$0x2298] =	vst v0  }
0x225: {  	[tilespmem:$0x22A8] =	vst v0  }
0x226: {  	[tilespmem:$0x22B8] =	vst v0  }
0x227: {  	[tilespmem:$0x22C8] =	vst v0  }
0x228: {  	[tilespmem:$0x22D8] =	vst v0  }
0x229: {  	[tilespmem:$0x22E8] =	vst v0  }
0x22a: {  	[tilespmem:$0x22F8] =	vst v0  }
0x22b: {  	[tilespmem:$0x2308] =	vst v0  }
0x22c: {  	[tilespmem:$0x2318] =	vst v0  }
0x22d: {  	[tilespmem:$0x2328] =	vst v0  }
0x22e: {  	[tilespmem:$0x2338] =	vst v0  }
0x22f: {  	[tilespmem:$0x2348] =	vst v0  }
0x230: {  	[tilespmem:$0x2358] =	vst v0  }
0x231: {  	[tilespmem:$0x2368] =	vst v0  }
0x232: {  	[tilespmem:$0x2378] =	vst v0  }
0x233: {  	[tilespmem:$0x2388] =	vst v0  }
0x234: {  	[tilespmem:$0x2398] =	vst v0  }
0x235: {  	[tilespmem:$0x23A8] =	vst v0  }
0x236: {  	[tilespmem:$0x23B8] =	vst v0  }
0x237: {  	[tilespmem:$0x23C8] =	vst v0  }
0x238: {  	[tilespmem:$0x23D8] =	vst v0  }
0x239: {  	[tilespmem:$0x23E8] =	vst v0  }
0x23a: {  	[tilespmem:$0x23F8] =	vst v0  }
0x23b: {  	[tilespmem:$0x2408] =	vst v0  }
0x23c: {  	[tilespmem:$0x2418] =	vst v0  }
0x23d: {  	[tilespmem:$0x2428] =	vst v0  }
0x23e: {  	[tilespmem:$0x2438] =	vst v0  }
0x23f: {  	[tilespmem:$0x2448] =	vst v0  }
0x240: {  	[tilespmem:$0x2458] =	vst v0  }
0x241: {  	[tilespmem:$0x2468] =	vst v0  }
0x242: {  	[tilespmem:$0x2478] =	vst v0  }
0x243: {  	[tilespmem:$0x2488] =	vst v0  }
0x244: {  	[tilespmem:$0x2498] =	vst v0  }
0x245: {  	[tilespmem:$0x24A8] =	vst v0  }
0x246: {  	[tilespmem:$0x24B8] =	vst v0  }
0x247: {  	[tilespmem:$0x24C8] =	vst v0  }
0x248: {  	[tilespmem:$0x24D8] =	vst v0  }
0x249: {  	[tilespmem:$0x24E8] =	vst v0  }
0x24a: {  	[tilespmem:$0x24F8] =	vst v0  }
0x24b: {  	[tilespmem:$0x2508] =	vst v0  }
0x24c: {  	[tilespmem:$0x2518] =	vst v0  }
0x24d: {  	[tilespmem:$0x2528] =	vst v0  }
0x24e: {  	[tilespmem:$0x2538] =	vst v0  }
0x24f: {  	[tilespmem:$0x2548] =	vst v0  }
0x250: {  	[tilespmem:$0x2558] =	vst v0  }
0x251: {  	[tilespmem:$0x2568] =	vst v0  }
0x252: {  	[tilespmem:$0x2578] =	vst v0  }
0x253: {  	[tilespmem:$0x2588] =	vst v0  }
0x254: {  	[tilespmem:$0x2598] =	vst v0  }
0x255: {  	[tilespmem:$0x25A8] =	vst v0  }
0x256: {  	[tilespmem:$0x25B8] =	vst v0  }
0x257: {  	[tilespmem:$0x25C8] =	vst v0  }
0x258: {  	[tilespmem:$0x25D8] =	vst v0  }
0x259: {  	[tilespmem:$0x25E8] =	vst v0  }
0x25a: {  	[tilespmem:$0x25F8] =	vst v0  }
0x25b: {  	[tilespmem:$0x2608] =	vst v0  }
0x25c: {  	[tilespmem:$0x2618] =	vst v0  }
0x25d: {  	[tilespmem:$0x2628] =	vst v0  }
0x25e: {  	[tilespmem:$0x2638] =	vst v0  }
0x25f: {  	[tilespmem:$0x2648] =	vst v0  }
0x260: {  	[tilespmem:$0x2658] =	vst v0  }
0x261: {  	[tilespmem:$0x2668] =	vst v0  }
0x262: {  	[tilespmem:$0x2678] =	vst v0  }
0x263: {  	[tilespmem:$0x2688] =	vst v0  }
0x264: {  	[tilespmem:$0x2698] =	vst v0  }
0x265: {  	[tilespmem:$0x26A8] =	vst v0  }
0x266: {  	[tilespmem:$0x26B8] =	vst v0  }
0x267: {  	[tilespmem:$0x26C8] =	vst v0  }
0x268: {  	[tilespmem:$0x26D8] =	vst v0  }
0x269: {  	[tilespmem:$0x26E8] =	vst v0  }
0x26a: {  	[tilespmem:$0x26F8] =	vst v0  }
0x26b: {  	[tilespmem:$0x2708] =	vst v0  }
0x26c: {  	[tilespmem:$0x2718] =	vst v0  }
0x26d: {  	[tilespmem:$0x2728] =	vst v0  }
0x26e: {  	[tilespmem:$0x2738] =	vst v0  }
0x26f: {  	[tilespmem:$0x2748] =	vst v0  }
0x270: {  	[tilespmem:$0x2758] =	vst v0  }
0x271: {  	[tilespmem:$0x2768] =	vst v0  }
0x272: {  	[tilespmem:$0x2778] =	vst v0  }
0x273: {  	[tilespmem:$0x2788] =	vst v0  }
0x274: {  	[tilespmem:$0x2798] =	vst v0  }
0x275: {  	[tilespmem:$0x27A8] =	vst v0  }
0x276: {  	[tilespmem:$0x27B8] =	vst v0  }
0x277: {  	[tilespmem:$0x27C8] =	vst v0  }
0x278: {  	[tilespmem:$0x27D8] =	vst v0  }
0x279: {  	[tilespmem:$0x27E8] =	vst v0  }
0x27a: {  	[tilespmem:$0x27F8] =	vst v0  }
0x27b: {  	[tilespmem:$0x2808] =	vst v0  }
0x27c: {  	[tilespmem:$0x2818] =	vst v0  }
0x27d: {  	[tilespmem:$0x2828] =	vst v0  }
0x27e: {  	[tilespmem:$0x2838] =	vst v0  }
0x27f: {  	[tilespmem:$0x2848] =	vst v0  }
0x280: {  	[tilespmem:$0x2858] =	vst v0  }
0x281: {  	[tilespmem:$0x2868] =	vst v0  }
0x282: {  	[tilespmem:$0x2878] =	vst v0  }
0x283: {  	[tilespmem:$0x2888] =	vst v0  }
0x284: {  	[tilespmem:$0x2898] =	vst v0  }
0x285: {  	[tilespmem:$0x28A8] =	vst v0  }
0x286: {  	[tilespmem:$0x28B8] =	vst v0  }
0x287: {  	[tilespmem:$0x28C8] =	vst v0  }
0x288: {  	[tilespmem:$0x28D8] =	vst v0  }
0x289: {  	[tilespmem:$0x28E8] =	vst v0  }
0x28a: {  	[tilespmem:$0x28F8] =	vst v0  }
0x28b: {  	[tilespmem:$0x2908] =	vst v0  }
0x28c: {  	[tilespmem:$0x2918] =	vst v0  }
0x28d: {  	[tilespmem:$0x2928] =	vst v0  }
0x28e: {  	[tilespmem:$0x2938] =	vst v0  }
0x28f: {  	[tilespmem:$0x2948] =	vst v0  }
0x290: {  	[tilespmem:$0x2958] =	vst v0  }
0x291: {  	[tilespmem:$0x2968] =	vst v0  }
0x292: {  	[tilespmem:$0x2978] =	vst v0  }
0x293: {  	[tilespmem:$0x2988] =	vst v0  }
0x294: {  	[tilespmem:$0x2998] =	vst v0  }
0x295: {  	[tilespmem:$0x29A8] =	vst v0  }
0x296: {  	[tilespmem:$0x29B8] =	vst v0  }
0x297: {  	[tilespmem:$0x29C8] =	vst v0  }
0x298: {  	[tilespmem:$0x29D8] =	vst v0  }
0x299: {  	[tilespmem:$0x29E8] =	vst v0  }
0x29a: {  	[tilespmem:$0x29F8] =	vst v0  }
0x29b: {  	[tilespmem:$0x2A08] =	vst v0  }
0x29c: {  	[tilespmem:$0x2A18] =	vst v0  }
0x29d: {  	[tilespmem:$0x2A28] =	vst v0  }
0x29e: {  	[tilespmem:$0x2A38] =	vst v0  }
0x29f: {  	[tilespmem:$0x2A48] =	vst v0  }
0x2a0: {  	[tilespmem:$0x2A58] =	vst v0  }
0x2a1: {  	[tilespmem:$0x2A68] =	vst v0  }
0x2a2: {  	[tilespmem:$0x2A78] =	vst v0  }
0x2a3: {  	[tilespmem:$0x2A88] =	vst v0  }
0x2a4: {  	[tilespmem:$0x2A98] =	vst v0  }
0x2a5: {  	[tilespmem:$0x2AA8] =	vst v0  }
0x2a6: {  	[tilespmem:$0x2AB8] =	vst v0  }
0x2a7: {  	[tilespmem:$0x2AC8] =	vst v0  }
0x2a8: {  	[tilespmem:$0x2AD8] =	vst v0  }
0x2a9: {  	[tilespmem:$0x2AE8] =	vst v0  }
0x2aa: {  	[tilespmem:$0x2AF8] =	vst v0  }
0x2ab: {  	[tilespmem:$0x2B08] =	vst v0  }
0x2ac: {  	[tilespmem:$0x2B18] =	vst v0  }
0x2ad: {  	[tilespmem:$0x2B28] =	vst v0  }
0x2ae: {  	[tilespmem:$0x2B38] =	vst v0  }
0x2af: {  	[tilespmem:$0x2B48] =	vst v0  }
0x2b0: {  	[tilespmem:$0x2B58] =	vst v0  }
0x2b1: {  	[tilespmem:$0x2B68] =	vst v0  }
0x2b2: {  	[tilespmem:$0x2B78] =	vst v0  }
0x2b3: {  	[tilespmem:$0x2B88] =	vst v0  }
0x2b4: {  	[tilespmem:$0x2B98] =	vst v0  }
0x2b5: {  	[tilespmem:$0x2BA8] =	vst v0  }
0x2b6: {  	[tilespmem:$0x2BB8] =	vst v0  }
0x2b7: {  	[tilespmem:$0x2BC8] =	vst v0  }
0x2b8: {  	[tilespmem:$0x2BD8] =	vst v0  }
0x2b9: {  	[tilespmem:$0x2BE8] =	vst v0  }
0x2ba: {  	[tilespmem:$0x2BF8] =	vst v0  }
0x2bb: {  	[tilespmem:$0x2C08] =	vst v0  }
0x2bc: {  	[tilespmem:$0x2C18] =	vst v0  }
0x2bd: {  	[tilespmem:$0x2C28] =	vst v0  }
0x2be: {  	[tilespmem:$0x2C38] =	vst v0  }
0x2bf: {  	[tilespmem:$0x2C48] =	vst v0  }
0x2c0: {  	[tilespmem:$0x2C58] =	vst v0  }
0x2c1: {  	[tilespmem:$0x2C68] =	vst v0  }
0x2c2: {  	[tilespmem:$0x2C78] =	vst v0  }
0x2c3: {  	[tilespmem:$0x2C88] =	vst v0  }
0x2c4: {  	[tilespmem:$0x2C98] =	vst v0  }
0x2c5: {  	[tilespmem:$0x2CA8] =	vst v0  }
0x2c6: {  	[tilespmem:$0x2CB8] =	vst v0  }
0x2c7: {  	[tilespmem:$0x2CC8] =	vst v0  }
0x2c8: {  	[tilespmem:$0x2CD8] =	vst v0  }
0x2c9: {  	[tilespmem:$0x2CE8] =	vst v0  }
0x2ca: {  	[tilespmem:$0x2CF8] =	vst v0  }
0x2cb: {  	[tilespmem:$0x2D08] =	vst v0  }
0x2cc: {  	[tilespmem:$0x2D18] =	vst v0  }
0x2cd: {  	[tilespmem:$0x2D28] =	vst v0  }
0x2ce: {  	[tilespmem:$0x2D38] =	vst v0  }
0x2cf: {  	[tilespmem:$0x2D48] =	vst v0  }
0x2d0: {  	[tilespmem:$0x2D58] =	vst v0  }
0x2d1: {  	[tilespmem:$0x2D68] =	vst v0  }
0x2d2: {  	[tilespmem:$0x2D78] =	vst v0  }
0x2d3: {  	[tilespmem:$0x2D88] =	vst v0  }
0x2d4: {  	[tilespmem:$0x2D98] =	vst v0  }
0x2d5: {  	[tilespmem:$0x2DA8] =	vst v0  }
0x2d6: {  	[tilespmem:$0x2DB8] =	vst v0  }
0x2d7: {  	[tilespmem:$0x2DC8] =	vst v0  }
0x2d8: {  	[tilespmem:$0x2DD8] =	vst v0  }
0x2d9: {  	[tilespmem:$0x2DE8] =	vst v0  }
0x2da: {  	[tilespmem:$0x2DF8] =	vst v0  }
0x2db: {  	[tilespmem:$0x2E08] =	vst v0  }
0x2dc: {  	[tilespmem:$0x2E18] =	vst v0  }
0x2dd: {  	[tilespmem:$0x2E28] =	vst v0  }
0x2de: {  	[tilespmem:$0x2E38] =	vst v0  }
0x2df: {  	[tilespmem:$0x2E48] =	vst v0  }
0x2e0: {  	[tilespmem:$0x2E58] =	vst v0  }
0x2e1: {  	[tilespmem:$0x2E68] =	vst v0  }
0x2e2: {  	[tilespmem:$0x2E78] =	vst v0  }
0x2e3: {  	[tilespmem:$0x2E88] =	vst v0  }
0x2e4: {  	[tilespmem:$0x2E98] =	vst v0  }
0x2e5: {  	[tilespmem:$0x2EA8] =	vst v0  }
0x2e6: {  	[tilespmem:$0x2EB8] =	vst v0  }
0x2e7: {  	[tilespmem:$0x2EC8] =	vst v0  }
0x2e8: {  	[tilespmem:$0x2ED8] =	vst v0  }
0x2e9: {  	[tilespmem:$0x2EE8] =	vst v0  }
0x2ea: {  	[tilespmem:$0x2EF8] =	vst v0  }
0x2eb: {  	[tilespmem:$0x2F08] =	vst v0  }
0x2ec: {  	[tilespmem:$0x2F18] =	vst v0  }
0x2ed: {  	[tilespmem:$0x2F28] =	vst v0  }
0x2ee: {  	[tilespmem:$0x2F38] =	vst v0  }
0x2ef: {  	[tilespmem:$0x2F48] =	vst v0  }
0x2f0: {  	[tilespmem:$0x2F58] =	vst v0  }
0x2f1: {  	[tilespmem:$0x2F68] =	vst v0  }
0x2f2: {  	[tilespmem:$0x2F78] =	vst v0  }
0x2f3: {  	[tilespmem:$0x2F88] =	vst v0  }
0x2f4: {  	[tilespmem:$0x2F98] =	vst v0  }
0x2f5: {  	[tilespmem:$0x2FA8] =	vst v0  }
0x2f6: {  	[tilespmem:$0x2FB8] =	vst v0  }
0x2f7: {  	[tilespmem:$0x2FC8] =	vst v0  }
0x2f8: {  	[tilespmem:$0x2FD8] =	vst v0  }
0x2f9: {  	[tilespmem:$0x2FE8] =	vst v0  }
0x2fa: {  	[tilespmem:$0x2FF8] =	vst v0  }
0x2fb: {  	[tilespmem:$0x3008] =	vst v0  }
0x2fc: {  	[tilespmem:$0x3018] =	vst v0  }
0x2fd: {  	[tilespmem:$0x3028] =	vst v0  }
0x2fe: {  	[tilespmem:$0x3038] =	vst v0  }
0x2ff: {  	[tilespmem:$0x3048] =	vst v0  }
0x300: {  	[tilespmem:$0x3058] =	vst v0  }
0x301: {  	[tilespmem:$0x3068] =	vst v0  }
0x302: {  	[tilespmem:$0x3078] =	vst v0  }
0x303: {  	[tilespmem:$0x3088] =	vst v0  }
0x304: {  	[tilespmem:$0x3098] =	vst v0  }
0x305: {  	[tilespmem:$0x30A8] =	vst v0  }
0x306: {  	[tilespmem:$0x30B8] =	vst v0  }
0x307: {  	[tilespmem:$0x30C8] =	vst v0  }
0x308: {  	[tilespmem:$0x30D8] =	vst v0  }
0x309: {  	[tilespmem:$0x30E8] =	vst v0  }
0x30a: {  	[tilespmem:$0x30F8] =	vst v0  }
0x30b: {  	[tilespmem:$0x3108] =	vst v0  }
0x30c: {  	[tilespmem:$0x3118] =	vst v0  }
0x30d: {  	[tilespmem:$0x3128] =	vst v0  }
0x30e: {  	[tilespmem:$0x3138] =	vst v0  }
0x30f: {  	[tilespmem:$0x3148] =	vst v0  }
0x310: {  	[tilespmem:$0x3158] =	vst v0  }
0x311: {  	[tilespmem:$0x3168] =	vst v0  }
0x312: {  	[tilespmem:$0x3178] =	vst v0  }
0x313: {  	[tilespmem:$0x3188] =	vst v0  }
0x314: {  	[tilespmem:$0x3198] =	vst v0  }
0x315: {  	[tilespmem:$0x31A8] =	vst v0  }
0x316: {  	[tilespmem:$0x31B8] =	vst v0  }
0x317: {  	[tilespmem:$0x40E8] =	vst v0  }
0x318: {  	[tilespmem:$0x40F8] =	vst v0  }
0x319: {  	[tilespmem:$0x31C8] =	vst v0  }
0x31a: {  	[tilespmem:$0x31D8] =	vst v0  }
0x31b: {  	[tilespmem:$0x31E8] =	vst v0  }
0x31c: {  	[tilespmem:$0x31F8] =	vst v0  }
0x31d: {  	[tilespmem:$0x3208] =	vst v0  }
0x31e: {  	[tilespmem:$0x3218] =	vst v0  }
0x31f: {  	[tilespmem:$0x3228] =	vst v0  }
0x320: {  	[tilespmem:$0x3238] =	vst v0  }
0x321: {  	[tilespmem:$0x3248] =	vst v0  }
0x322: {  	[tilespmem:$0x3258] =	vst v0  }
0x323: {  	[tilespmem:$0x3268] =	vst v0  }
0x324: {  	[tilespmem:$0x3278] =	vst v0  }
0x325: {  	[tilespmem:$0x3288] =	vst v0  }
0x326: {  	[tilespmem:$0x3298] =	vst v0  }
0x327: {  	[tilespmem:$0x32A8] =	vst v0  }
0x328: {  	[tilespmem:$0x32B8] =	vst v0  }
0x329: {  	[tilespmem:$0x32C8] =	vst v0  }
0x32a: {  	[tilespmem:$0x32D8] =	vst v0  }
0x32b: {  	[tilespmem:$0x32E8] =	vst v0  }
0x32c: {  	[tilespmem:$0x32F8] =	vst v0  }
0x32d: {  	[tilespmem:$0x3308] =	vst v0  }
0x32e: {  	[tilespmem:$0x3318] =	vst v0  }
0x32f: {  	[tilespmem:$0x3328] =	vst v0  }
0x330: {  	[tilespmem:$0x3338] =	vst v0  }
0x331: {  	[tilespmem:$0x3348] =	vst v0  }
0x332: {  	[tilespmem:$0x3358] =	vst v0  }
0x333: {  	[tilespmem:$0x3368] =	vst v0  }
0x334: {  	[tilespmem:$0x3378] =	vst v0  }
0x335: {  	[tilespmem:$0x3388] =	vst v0  }
0x336: {  	[tilespmem:$0x3398] =	vst v0  }
0x337: {  	[tilespmem:$0x33A8] =	vst v0  }
0x338: {  	[tilespmem:$0x33B8] =	vst v0  }
0x339: {  	[tilespmem:$0x33C8] =	vst v0  }
0x33a: {  	[tilespmem:$0x33D8] =	vst v0  }
0x33b: {  	[tilespmem:$0x33E8] =	vst v0  }
0x33c: {  	[tilespmem:$0x33F8] =	vst v0  }
0x33d: {  	[tilespmem:$0x3408] =	vst v0  }
0x33e: {  	[tilespmem:$0x3418] =	vst v0  }
0x33f: {  	[tilespmem:$0x3428] =	vst v0  }
0x340: {  	[tilespmem:$0x3438] =	vst v0  }
0x341: {  	[tilespmem:$0x3448] =	vst v0  }
0x342: {  	[tilespmem:$0x3458] =	vst v0  }
0x343: {  	[tilespmem:$0x3468] =	vst v0  }
0x344: {  	[tilespmem:$0x3478] =	vst v0  }
0x345: {  	[tilespmem:$0x3488] =	vst v0  }
0x346: {  	[tilespmem:$0x3498] =	vst v0  }
0x347: {  	[tilespmem:$0x34A8] =	vst v0  }
0x348: {  	[tilespmem:$0x34B8] =	vst v0  }
0x349: {  	[tilespmem:$0x34C8] =	vst v0  }
0x34a: {  	[tilespmem:$0x34D8] =	vst v0  }
0x34b: {  	[tilespmem:$0x34E8] =	vst v0  }
0x34c: {  	[tilespmem:$0x34F8] =	vst v0  }
0x34d: {  	[tilespmem:$0x3508] =	vst v0  }
0x34e: {  	[tilespmem:$0x3518] =	vst v0  }
0x34f: {  	[tilespmem:$0x3528] =	vst v0  }
0x350: {  	[tilespmem:$0x3538] =	vst v0  }
0x351: {  	[tilespmem:$0x3548] =	vst v0  }
0x352: {  	[tilespmem:$0x3558] =	vst v0  }
0x353: {  	[tilespmem:$0x3568] =	vst v0  }
0x354: {  	[tilespmem:$0x3578] =	vst v0  }
0x355: {  	[tilespmem:$0x3588] =	vst v0  }
0x356: {  	[tilespmem:$0x3598] =	vst v0  }
0x357: {  	[tilespmem:$0x35A8] =	vst v0  }
0x358: {  	[tilespmem:$0x35B8] =	vst v0  }
0x359: {  	[tilespmem:$0x35C8] =	vst v0  }
0x35a: {  	[tilespmem:$0x35D8] =	vst v0  }
0x35b: {  	[tilespmem:$0x35E8] =	vst v0  }
0x35c: {  	[tilespmem:$0x35F8] =	vst v0  }
0x35d: {  	[tilespmem:$0x3608] =	vst v0  }
0x35e: {  	[tilespmem:$0x3618] =	vst v0  }
0x35f: {  	[tilespmem:$0x3628] =	vst v0  }
0x360: {  	[tilespmem:$0x3638] =	vst v0  }
0x361: {  	[tilespmem:$0x3648] =	vst v0  }
0x362: {  	[tilespmem:$0x3658] =	vst v0  }
0x363: {  	[tilespmem:$0x3668] =	vst v0  }
0x364: {  	[tilespmem:$0x3678] =	vst v0  }
0x365: {  	[tilespmem:$0x3688] =	vst v0  }
0x366: {  	[tilespmem:$0x3698] =	vst v0  }
0x367: {  	[tilespmem:$0x36A8] =	vst v0  }
0x368: {  	[tilespmem:$0x36B8] =	vst v0  }
0x369: {  	[tilespmem:$0x36C8] =	vst v0  }
0x36a: {  	[tilespmem:$0x36D8] =	vst v0  }
0x36b: {  	[tilespmem:$0x36E8] =	vst v0  }
0x36c: {  	[tilespmem:$0x36F8] =	vst v0  }
0x36d: {  	[tilespmem:$0x3708] =	vst v0  }
0x36e: {  	[tilespmem:$0x3718] =	vst v0  }
0x36f: {  	[tilespmem:$0x3728] =	vst v0  }
0x370: {  	[tilespmem:$0x3738] =	vst v0  }
0x371: {  	[tilespmem:$0x3748] =	vst v0  }
0x372: {  	[tilespmem:$0x3758] =	vst v0  }
0x373: {  	[tilespmem:$0x3768] =	vst v0  }
0x374: {  	[tilespmem:$0x3778] =	vst v0  }
0x375: {  	[tilespmem:$0x3788] =	vst v0  }
0x376: {  	[tilespmem:$0x3798] =	vst v0  }
0x377: {  	[tilespmem:$0x37A8] =	vst v0  }
0x378: {  	[tilespmem:$0x37B8] =	vst v0  }
0x379: {  	[tilespmem:$0x37C8] =	vst v0  }
0x37a: {  	[tilespmem:$0x37D8] =	vst v0  }
0x37b: {  	[tilespmem:$0x37E8] =	vst v0  }
0x37c: {  	[tilespmem:$0x37F8] =	vst v0  }
0x37d: {  	[tilespmem:$0x3808] =	vst v0  }
0x37e: {  	[tilespmem:$0x3818] =	vst v0  }
0x37f: {  	[tilespmem:$0x3828] =	vst v0  }
0x380: {  	[tilespmem:$0x3838] =	vst v0  }
0x381: {  	[tilespmem:$0x3848] =	vst v0  }
0x382: {  	[tilespmem:$0x3858] =	vst v0  }
0x383: {  	[tilespmem:$0x3868] =	vst v0  }
0x384: {  	[tilespmem:$0x3878] =	vst v0  }
0x385: {  	[tilespmem:$0x3888] =	vst v0  }
0x386: {  	[tilespmem:$0x3898] =	vst v0  }
0x387: {  	[tilespmem:$0x38A8] =	vst v0  }
0x388: {  	[tilespmem:$0x38B8] =	vst v0  }
0x389: {  	[tilespmem:$0x38C8] =	vst v0  }
0x38a: {  	[tilespmem:$0x38D8] =	vst v0  }
0x38b: {  	[tilespmem:$0x38E8] =	vst v0  }
0x38c: {  	[tilespmem:$0x38F8] =	vst v0  }
0x38d: {  	[tilespmem:$0x3908] =	vst v0  }
0x38e: {  	[tilespmem:$0x3918] =	vst v0  }
0x38f: {  	[tilespmem:$0x3928] =	vst v0  }
0x390: {  	[tilespmem:$0x3938] =	vst v0  }
0x391: {  	[tilespmem:$0x3948] =	vst v0  }
0x392: {  	[tilespmem:$0x3958] =	vst v0  }
0x393: {  	[tilespmem:$0x3968] =	vst v0  }
0x394: {  	[tilespmem:$0x3978] =	vst v0  }
0x395: {  	[tilespmem:$0x3988] =	vst v0  }
0x396: {  	[tilespmem:$0x3998] =	vst v0  }
0x397: {  	[tilespmem:$0x39A8] =	vst v0  }
0x398: {  	[tilespmem:$0x39B8] =	vst v0  }
0x399: {  	[tilespmem:$0x39C8] =	vst v0  }
0x39a: {  	[tilespmem:$0x39D8] =	vst v0  }
0x39b: {  	[tilespmem:$0x39E8] =	vst v0  }
0x39c: {  	[tilespmem:$0x39F8] =	vst v0  }
0x39d: {  	[tilespmem:$0x3A08] =	vst v0  }
0x39e: {  	[tilespmem:$0x3A18] =	vst v0  }
0x39f: {  	[tilespmem:$0x3A28] =	vst v0  }
0x3a0: {  	[tilespmem:$0x3A38] =	vst v0  }
0x3a1: {  	[tilespmem:$0x3A48] =	vst v0  }
0x3a2: {  	[tilespmem:$0x3A58] =	vst v0  }
0x3a3: {  	[tilespmem:$0x3A68] =	vst v0  }
0x3a4: {  	[tilespmem:$0x3A78] =	vst v0  }
0x3a5: {  	[tilespmem:$0x3A88] =	vst v0  }
0x3a6: {  	[tilespmem:$0x3A98] =	vst v0  }
0x3a7: {  	[tilespmem:$0x3AA8] =	vst v0  }
0x3a8: {  	[tilespmem:$0x3AB8] =	vst v0  }
0x3a9: {  	[tilespmem:$0x3AC8] =	vst v0  }
0x3aa: {  	[tilespmem:$0x3AD8] =	vst v0  }
0x3ab: {  	[tilespmem:$0x3AE8] =	vst v0  }
0x3ac: {  	[tilespmem:$0x3AF8] =	vst v0  }
0x3ad: {  	[tilespmem:$0x3B08] =	vst v0  }
0x3ae: {  	[tilespmem:$0x3B18] =	vst v0  }
0x3af: {  	[tilespmem:$0x3B28] =	vst v0  }
0x3b0: {  	[tilespmem:$0x3B38] =	vst v0  }
0x3b1: {  	[tilespmem:$0x3B48] =	vst v0  }
0x3b2: {  	[tilespmem:$0x3B58] =	vst v0  }
0x3b3: {  	[tilespmem:$0x3B68] =	vst v0  }
0x3b4: {  	[tilespmem:$0x3B78] =	vst v0  }
0x3b5: {  	[tilespmem:$0x3B88] =	vst v0  }
0x3b6: {  	[tilespmem:$0x3B98] =	vst v0  }
0x3b7: {  	[tilespmem:$0x3BA8] =	vst v0  }
0x3b8: {  	[tilespmem:$0x3BB8] =	vst v0  }
0x3b9: {  	[tilespmem:$0x3BC8] =	vst v0  }
0x3ba: {  	[tilespmem:$0x3BD8] =	vst v0  }
0x3bb: {  	[tilespmem:$0x3BE8] =	vst v0  }
0x3bc: {  	[tilespmem:$0x3BF8] =	vst v0  }
0x3bd: {  	[tilespmem:$0x3C08] =	vst v0  }
0x3be: {  	[tilespmem:$0x3C18] =	vst v0  }
0x3bf: {  	[tilespmem:$0x3C28] =	vst v0  }
0x3c0: {  	[tilespmem:$0x3C38] =	vst v0  }
0x3c1: {  	[tilespmem:$0x3C48] =	vst v0  }
0x3c2: {  	[tilespmem:$0x3C58] =	vst v0  }
0x3c3: {  	[tilespmem:$0x3C68] =	vst v0  }
0x3c4: {  	[tilespmem:$0x3C78] =	vst v0  }
0x3c5: {  	[tilespmem:$0x3C88] =	vst v0  }
0x3c6: {  	[tilespmem:$0x3C98] =	vst v0  }
0x3c7: {  	[tilespmem:$0x3CA8] =	vst v0  }
0x3c8: {  	[tilespmem:$0x3CB8] =	vst v0  }
0x3c9: {  	[tilespmem:$0x3CC8] =	vst v0  }
0x3ca: {  	[tilespmem:$0x3CD8] =	vst v0  }
0x3cb: {  	[tilespmem:$0x3CE8] =	vst v0  }
0x3cc: {  	[tilespmem:$0x3CF8] =	vst v0  }
0x3cd: {  	[tilespmem:$0x3D08] =	vst v0  }
0x3ce: {  	[tilespmem:$0x3D18] =	vst v0  }
0x3cf: {  	[tilespmem:$0x3D28] =	vst v0  }
0x3d0: {  	[tilespmem:$0x3D38] =	vst v0  }
0x3d1: {  	[tilespmem:$0x3D48] =	vst v0  }
0x3d2: {  	[tilespmem:$0x3D58] =	vst v0  }
0x3d3: {  	[tilespmem:$0x3D68] =	vst v0  }
0x3d4: {  	[tilespmem:$0x3D78] =	vst v0  }
0x3d5: {  	[tilespmem:$0x3D88] =	vst v0  }
0x3d6: {  	[tilespmem:$0x3D98] =	vst v0  }
0x3d7: {  	[tilespmem:$0x3DA8] =	vst v0  }
0x3d8: {  	[tilespmem:$0x3DB8] =	vst v0  }
0x3d9: {  	[tilespmem:$0x3DC8] =	vst v0  }
0x3da: {  	[tilespmem:$0x3DD8] =	vst v0  }
0x3db: {  	[tilespmem:$0x3DE8] =	vst v0  }
0x3dc: {  	[tilespmem:$0x3DF8] =	vst v0  }
0x3dd: {  	[tilespmem:$0x3E08] =	vst v0  }
0x3de: {  	[tilespmem:$0x3E18] =	vst v0  }
0x3df: {  	[tilespmem:$0x3E28] =	vst v0  }
0x3e0: {  	[tilespmem:$0x3E38] =	vst v0  }
0x3e1: {  	[tilespmem:$0x3E48] =	vst v0  }
0x3e2: {  	[tilespmem:$0x3E58] =	vst v0  }
0x3e3: {  	[tilespmem:$0x3E68] =	vst v0  }
0x3e4: {  	[tilespmem:$0x3E78] =	vst v0  }
0x3e5: {  	[tilespmem:$0x3E88] =	vst v0  }
0x3e6: {  	[tilespmem:$0x3E98] =	vst v0  }
0x3e7: {  	[tilespmem:$0x3EA8] =	vst v0  }
0x3e8: {  	[tilespmem:$0x3EB8] =	vst v0  }
0x3e9: {  	[tilespmem:$0x3EC8] =	vst v0  }
0x3ea: {  	[tilespmem:$0x3ED8] =	vst v0  }
0x3eb: {  	[tilespmem:$0x3EE8] =	vst v0  }
0x3ec: {  	[tilespmem:$0x3EF8] =	vst v0  }
0x3ed: {  	[tilespmem:$0x3F08] =	vst v0  }
0x3ee: {  	[tilespmem:$0x3F18] =	vst v0  }
0x3ef: {  	[tilespmem:$0x3F28] =	vst v0  }
0x3f0: {  	[tilespmem:$0x3F38] =	vst v0  }
0x3f1: {  	[tilespmem:$0x3F48] =	vst v0  }
0x3f2: {  	[tilespmem:$0x3F58] =	vst v0  }
0x3f3: {  	[tilespmem:$0x3F68] =	vst v0  }
0x3f4: {  	[tilespmem:$0x3F78] =	vst v0  }
0x3f5: {  	[tilespmem:$0x3F88] =	vst v0  }
0x3f6: {  	[tilespmem:$0x3F98] =	vst v0  }
0x3f7: {  	[tilespmem:$0x3FA8] =	vst v0  }
0x3f8: {  	[tilespmem:$0x3FB8] =	vst v0  }
0x3f9: {  	[tilespmem:$0x3FC8] =	vst v0  }
0x3fa: {  	[tilespmem:$0x3FD8] =	vst v0  }
0x3fb: {  	[tilespmem:$0x3FE8] =	vst v0  }
0x3fc: {  	[tilespmem:$0x3FF8] =	vst v0  }
0x3fd: {  	[tilespmem:$0x4008] =	vst v0  }
0x3fe: {  	[tilespmem:$0x4018] =	vst v0  }
0x3ff: {  	[tilespmem:$0x4028] =	vst v0  }
0x400: {  	[tilespmem:$0x4038] =	vst v0  }
0x401: {  	[tilespmem:$0x4048] =	vst v0  }
0x402: {  	[tilespmem:$0x4058] =	vst v0  }
0x403: {  	[tilespmem:$0x4068] =	vst v0  }
0x404: {  	[tilespmem:$0x4078] =	vst v0  }
0x405: {  	[tilespmem:$0x4088] =	vst v0  }
0x406: {  	[tilespmem:$0x4098] =	vst v0  }
0x407: {  	[tilespmem:$0x40A8] =	vst v0  }
0x408: {  	[tilespmem:$0x40B8] =	vst v0  }
0x409: {  	[tilespmem:$0x40C8] =	vst v0  }
0x40a: {  	[tilespmem:$0x40D8] =	vst v0  }
0x40b: {  	[tilespmem:$0x4108] =	vst v0  }
0x40c: {  	[tilespmem:$0x4118] =	vst v0  }
0x40d: {  	[tilespmem:$0x4128] =	vst v0  }
0x40e: {  	[tilespmem:$0x4138] =	vst v0  }
0x40f: {  	[tilespmem:$0x4148] =	vst v0  }
0x410: {  	[tilespmem:$0x4158] =	vst v0  }
0x411: {  	[tilespmem:$0x4168] =	vst v0  }
0x412: {  	[tilespmem:$0x4178] =	vst v0  }
0x413: {  	[tilespmem:$0x4188] =	vst v0  }
0x414: {  	[tilespmem:$0x4198] =	vst v0  }
0x415: {  	[tilespmem:$0x41A8] =	vst v0  }
0x416: {  	[tilespmem:$0x41B8] =	vst v0  }
0x417: {  	[tilespmem:$0x41C8] =	vst v0  }
0x418: {  	[tilespmem:$0x41D8] =	vst v0  }
0x419: {  	[tilespmem:$0x41E8] =	vst v0  }
0x41a: {  	[tilespmem:$0x41F8] =	vst v0  }
0x41b: {  	[tilespmem:$0x4208] =	vst v0  }
0x41c: {  	[tilespmem:$0x4218] =	vst v0  }
0x41d: {  	[tilespmem:$0x4228] =	vst v0  }
0x41e: {  	[tilespmem:$0x4238] =	vst v0  }
0x41f: {  	[tilespmem:$0x4248] =	vst v0  }
0x420: {  	[tilespmem:$0x4258] =	vst v0  }
0x421: {  	[tilespmem:$0x4268] =	vst v0  }
0x422: {  	[tilespmem:$0x4278] =	vst v0  }
0x423: {  	[tilespmem:$0x4288] =	vst v0  }
0x424: {  	[tilespmem:$0x4298] =	vst v0  }
0x425: {  	[tilespmem:$0x42A8] =	vst v0  }
0x426: {  	[tilespmem:$0x42B8] =	vst v0  }
0x427: {  	[tilespmem:$0x42C8] =	vst v0  }
0x428: {  	[tilespmem:$0x42D8] =	vst v0  }
0x429: {  	[tilespmem:$0x42E8] =	vst v0  }
0x42a: {  	[tilespmem:$0x42F8] =	vst v0  }
0x42b: {  	[tilespmem:$0x4308] =	vst v0  }
0x42c: {  	[tilespmem:$0x4318] =	vst v0  }
0x42d: {  	[tilespmem:$0x4328] =	vst v0  }
0x42e: {  	[tilespmem:$0x4338] =	vst v0  }
0x42f: {  	[tilespmem:$0x4348] =	vst v0  }
0x430: {  	[tilespmem:$0x4358] =	vst v0  }
0x431: {  	[tilespmem:$0x4368] =	vst v0  }
0x432: {  	[tilespmem:$0x4378] =	vst v0  }
0x433: {  	[tilespmem:$0x4388] =	vst v0  }
0x434: {  	[tilespmem:$0x4398] =	vst v0  }
0x435: {  	[tilespmem:$0x43A8] =	vst v0  }
0x436: {  	[tilespmem:$0x43B8] =	vst v0  }
0x437: {  	[tilespmem:$0x43C8] =	vst v0  }
0x438: {  	[tilespmem:$0x43D8] =	vst v0  }
0x439: {  	[tilespmem:$0x43E8] =	vst v0  }
0x43a: {  	[tilespmem:$0x43F8] =	vst v0  }
0x43b: {  	[tilespmem:$0x4408] =	vst v0  }
0x43c: {  	[tilespmem:$0x4418] =	vst v0  }
0x43d: {  	[tilespmem:$0x4428] =	vst v0  }
0x43e: {  	[tilespmem:$0x4438] =	vst v0  }
0x43f: {  	[tilespmem:$0x4448] =	vst v0  }
0x440: {  	[tilespmem:$0x4458] =	vst v0  }
0x441: {  	[tilespmem:$0x4468] =	vst v0  }
0x442: {  	[tilespmem:$0x4478] =	vst v0  }
0x443: {  	[tilespmem:$0x4488] =	vst v0  }
0x444: {  	[tilespmem:$0x4498] =	vst v0  }
0x445: {  	[tilespmem:$0x44A8] =	vst v0  }
0x446: {  	[tilespmem:$0x44B8] =	vst v0  }
0x447: {  	[tilespmem:$0x44C8] =	vst v0  }
0x448: {  	[tilespmem:$0x44D8] =	vst v0  }
0x449: {  	[tilespmem:$0x44E8] =	vst v0  }
0x44a: {  	[tilespmem:$0x44F8] =	vst v0  }
0x44b: {  	[tilespmem:$0x4508] =	vst v0  }
0x44c: {  	[tilespmem:$0x4518] =	vst v0  }
0x44d: {  	[tilespmem:$0x4528] =	vst v0  }
0x44e: {  	[tilespmem:$0x4538] =	vst v0  }
0x44f: {  	[tilespmem:$0x4548] =	vst v0  }
0x450: {  	[tilespmem:$0x4558] =	vst v0  }
0x451: {  	[tilespmem:$0x4568] =	vst v0  }
0x452: {  	[tilespmem:$0x4578] =	vst v0  }
0x453: {  	[tilespmem:$0x4588] =	vst v0  }
0x454: {  	[tilespmem:$0x4598] =	vst v0  }
0x455: {  	[tilespmem:$0x45A8] =	vst v0  }
0x456: {  	[tilespmem:$0x45B8] =	vst v0  }
0x457: {  	[tilespmem:$0x45C8] =	vst v0  }
0x458: {  	[tilespmem:$0x45D8] =	vst v0  }
0x459: {  	[tilespmem:$0x45E8] =	vst v0  }
0x45a: {  	[tilespmem:$0x45F8] =	vst v0  }
0x45b: {  	[tilespmem:$0x4608] =	vst v0  }
0x45c: {  	[tilespmem:$0x4618] =	vst v0  }
0x45d: {  	[tilespmem:$0x4628] =	vst v0  }
0x45e: {  	[tilespmem:$0x4638] =	vst v0  }
0x45f: {  	[tilespmem:$0x4648] =	vst v0  }
0x460: {  	[tilespmem:$0x4658] =	vst v0  }
0x461: {  	[tilespmem:$0x4668] =	vst v0  }
0x462: {  	[tilespmem:$0x4678] =	vst v0  }
0x463: {  	[tilespmem:$0x4688] =	vst v0  }
0x464: {  	[tilespmem:$0x4698] =	vst v0  }
0x465: {  	[tilespmem:$0x46A8] =	vst v0  }
0x466: {  	[tilespmem:$0x46B8] =	vst v0  }
0x467: {  	[tilespmem:$0x46C8] =	vst v0  }
0x468: {  	[tilespmem:$0x46D8] =	vst v0  }
0x469: {  	[tilespmem:$0x46E8] =	vst v0  }
0x46a: {  	[tilespmem:$0x46F8] =	vst v0  }
0x46b: {  	[tilespmem:$0x4708] =	vst v0  }
0x46c: {  	[tilespmem:$0x4718] =	vst v0  }
0x46d: {  	[tilespmem:$0x4728] =	vst v0  }
0x46e: {  	[tilespmem:$0x4738] =	vst v0  }
0x46f: {  	[tilespmem:$0x4748] =	vst v0  }
0x470: {  	[tilespmem:$0x4758] =	vst v0  }
0x471: {  	[tilespmem:$0x4768] =	vst v0  }
0x472: {  	[tilespmem:$0x4778] =	vst v0  }
0x473: {  	[tilespmem:$0x4788] =	vst v0  }
0x474: {  	[tilespmem:$0x4798] =	vst v0  }
0x475: {  	[tilespmem:$0x47A8] =	vst v0  }
0x476: {  	[tilespmem:$0x47B8] =	vst v0  }
0x477: {  	[tilespmem:$0x47C8] =	vst v0  }
0x478: {  	[tilespmem:$0x47D8] =	vst v0  }
0x479: {  	[tilespmem:$0x47E8] =	vst v0  }
0x47a: {  	[tilespmem:$0x47F8] =	vst v0  }
0x47b: {  	[tilespmem:$0x4808] =	vst v0  }
0x47c: {  	[tilespmem:$0x4818] =	vst v0  }
0x47d: {  	[tilespmem:$0x4828] =	vst v0  }
0x47e: {  	[tilespmem:$0x4838] =	vst v0  }
0x47f: {  	[tilespmem:$0x4848] =	vst v0  }
0x480: {  	[tilespmem:$0x4858] =	vst v0  }
0x481: {  	[tilespmem:$0x4868] =	vst v0  }
0x482: {  	[tilespmem:$0x4878] =	vst v0  }
0x483: {  	[tilespmem:$0x4888] =	vst v0  }
0x484: {  	[tilespmem:$0x4898] =	vst v0  }
0x485: {  	[tilespmem:$0x48A8] =	vst v0  }
0x486: {  	[tilespmem:$0x48B8] =	vst v0  }
0x487: {  	[tilespmem:$0x48C8] =	vst v0  }
0x488: {  	[tilespmem:$0x48D8] =	vst v0  }
0x489: {  	[tilespmem:$0x48E8] =	vst v0  }
0x48a: {  	[tilespmem:$0x48F8] =	vst v0  }
0x48b: {  	[tilespmem:$0x4908] =	vst v0  }
0x48c: {  	[tilespmem:$0x4918] =	vst v0  }
0x48d: {  	[tilespmem:$0x4928] =	vst v0  }
0x48e: {  	[tilespmem:$0x4938] =	vst v0  }
0x48f: {  	[tilespmem:$0x4948] =	vst v0  }
0x490: {  	[tilespmem:$0x4958] =	vst v0  }
0x491: {  	[tilespmem:$0x4968] =	vst v0  }
0x492: {  	[tilespmem:$0x4978] =	vst v0  }
0x493: {  	[tilespmem:$0x4988] =	vst v0  }
0x494: {  	[tilespmem:$0x4998] =	vst v0  }
0x495: {  	[tilespmem:$0x49A8] =	vst v0  }
0x496: {  	[tilespmem:$0x49B8] =	vst v0  }
0x497: {  	[tilespmem:$0x49C8] =	vst v0  }
0x498: {  	[tilespmem:$0x49D8] =	vst v0  }
0x499: {  	[tilespmem:$0x49E8] =	vst v0  }
0x49a: {  	[tilespmem:$0x49F8] =	vst v0  }
0x49b: {  	[tilespmem:$0x4A08] =	vst v0  }
0x49c: {  	[tilespmem:$0x4A18] =	vst v0  }
0x49d: {  	[tilespmem:$0x4A28] =	vst v0  }
0x49e: {  	[tilespmem:$0x4A38] =	vst v0  }
0x49f: {  	[tilespmem:$0x4A48] =	vst v0  }
0x4a0: {  	[tilespmem:$0x4A58] =	vst v0  }
0x4a1: {  	[tilespmem:$0x4A68] =	vst v0  }
0x4a2: {  	[tilespmem:$0x4A78] =	vst v0  }
0x4a3: {  	[tilespmem:$0x4A88] =	vst v0  }
0x4a4: {  	[tilespmem:$0x4A98] =	vst v0  }
0x4a5: {  	[tilespmem:$0x4AA8] =	vst v0  }
0x4a6: {  	[tilespmem:$0x4AB8] =	vst v0  }
0x4a7: {  	[tilespmem:$0x4AC8] =	vst v0  }
0x4a8: {  	[tilespmem:$0x4AD8] =	vst v0  }
0x4a9: {  	[tilespmem:$0x4AE8] =	vst v0  }
0x4aa: {  	[tilespmem:$0x4AF8] =	vst v0  }
0x4ab: {  	[tilespmem:$0x4B08] =	vst v0  }
0x4ac: {  	[tilespmem:$0x4B18] =	vst v0  }
0x4ad: {  	[tilespmem:$0x4B28] =	vst v0  }
0x4ae: {  	[tilespmem:$0x4B38] =	vst v0  }
0x4af: {  	[tilespmem:$0x4B48] =	vst v0  }
0x4b0: {  	[tilespmem:$0x4B58] =	vst v0  }
0x4b1: {  	[tilespmem:$0x4B68] =	vst v0  }
0x4b2: {  	[tilespmem:$0x4B78] =	vst v0  }
0x4b3: {  	[tilespmem:$0x4B88] =	vst v0  }
0x4b4: {  	[tilespmem:$0x4B98] =	vst v0  }
0x4b5: {  	[tilespmem:$0x4BA8] =	vst v0  }
0x4b6: {  	[tilespmem:$0x4BB8] =	vst v0  }
0x4b7: {  	[tilespmem:$0x4BC8] =	vst v0  }
0x4b8: {  	[tilespmem:$0x4BD8] =	vst v0  }
0x4b9: {  	[tilespmem:$0x4BE8] =	vst v0  }
0x4ba: {  	[tilespmem:$0x4BF8] =	vst v0  }
0x4bb: {  	[tilespmem:$0x4C08] =	vst v0  }
0x4bc: {  	[tilespmem:$0x4C18] =	vst v0  }
0x4bd: {  	[tilespmem:$0x4C28] =	vst v0  }
0x4be: {  	[tilespmem:$0x4C38] =	vst v0  }
0x4bf: {  	[tilespmem:$0x4C48] =	vst v0  }
0x4c0: {  	[tilespmem:$0x4C58] =	vst v0  }
0x4c1: {  	[tilespmem:$0x4C68] =	vst v0  }
0x4c2: {  	[tilespmem:$0x4C78] =	vst v0  }
0x4c3: {  	[tilespmem:$0x4C88] =	vst v0  }
0x4c4: {  	[tilespmem:$0x4C98] =	vst v0  }
0x4c5: {  	[tilespmem:$0x4CA8] =	vst v0  }
0x4c6: {  	[tilespmem:$0x4CB8] =	vst v0  }
0x4c7: {  	[tilespmem:$0x4CC8] =	vst v0  }
0x4c8: {  	[tilespmem:$0x4CD8] =	vst v0  }
0x4c9: {  	[tilespmem:$0x4CE8] =	vst v0  }
0x4ca: {  	[tilespmem:$0x4CF8] =	vst v0  }
0x4cb: {  	[tilespmem:$0x4D08] =	vst v0  }
0x4cc: {  	[tilespmem:$0x4D18] =	vst v0  }
0x4cd: {  	[tilespmem:$0x4D28] =	vst v0  }
0x4ce: {  	[tilespmem:$0x4D38] =	vst v0  }
0x4cf: {  	[tilespmem:$0x4D48] =	vst v0  }
0x4d0: {  	[tilespmem:$0x4D58] =	vst v0  }
0x4d1: {  	[tilespmem:$0x4D68] =	vst v0  }
0x4d2: {  	[tilespmem:$0x4D78] =	vst v0  }
0x4d3: {  	[tilespmem:$0x4D88] =	vst v0  }
0x4d4: {  	[tilespmem:$0x4D98] =	vst v0  }
0x4d5: {  	[tilespmem:$0x4DA8] =	vst v0  }
0x4d6: {  	[tilespmem:$0x4DB8] =	vst v0  }
0x4d7: {  	[tilespmem:$0x4DC8] =	vst v0  }
0x4d8: {  	[tilespmem:$0x4DD8] =	vst v0  }
0x4d9: {  	[tilespmem:$0x4DE8] =	vst v0  }
0x4da: {  	[tilespmem:$0x4DF8] =	vst v0  }
0x4db: {  	[tilespmem:$0x4E08] =	vst v0  }
0x4dc: {  	[tilespmem:$0x4E18] =	vst v0  }
0x4dd: {  	[tilespmem:$0x4E28] =	vst v0  }
0x4de: {  	[tilespmem:$0x4E38] =	vst v0  }
0x4df: {  	[tilespmem:$0x4E48] =	vst v0  }
0x4e0: {  	[tilespmem:$0x4E58] =	vst v0  }
0x4e1: {  	[tilespmem:$0x4E68] =	vst v0  }
0x4e2: {  	[tilespmem:$0x4E78] =	vst v0  }
0x4e3: {  	[tilespmem:$0x4E88] =	vst v0  }
0x4e4: {  	[tilespmem:$0x4E98] =	vst v0  }
0x4e5: {  	[tilespmem:$0x4EA8] =	vst v0  }
0x4e6: {  	[tilespmem:$0x4EB8] =	vst v0  }
0x4e7: {  	[tilespmem:$0x4EC8] =	vst v0  }
0x4e8: {  	[tilespmem:$0x4ED8] =	vst v0  }
0x4e9: {  	[tilespmem:$0x4EE8] =	vst v0  }
0x4ea: {  	[tilespmem:$0x4EF8] =	vst v0  }
0x4eb: {  	[tilespmem:$0x4F08] =	vst v0  }
0x4ec: {  	[tilespmem:$0x4F18] =	vst v0  }
0x4ed: {  	[tilespmem:$0x4F28] =	vst v0  }
0x4ee: {  	[tilespmem:$0x4F38] =	vst v0  }
0x4ef: {  	[tilespmem:$0x4F48] =	vst v0  }
0x4f0: {  	[tilespmem:$0x4F58] =	vst v0  }
0x4f1: {  	[tilespmem:$0x4F68] =	vst v0  }
0x4f2: {  	[tilespmem:$0x4F78] =	vst v0  }
0x4f3: {  	[tilespmem:$0x4F88] =	vst v0  }
0x4f4: {  	[tilespmem:$0x4F98] =	vst v0  }
0x4f5: {  	[tilespmem:$0x4FA8] =	vst v0  }
0x4f6: {  	[tilespmem:$0x4FB8] =	vst v0  }
0x4f7: {  	[tilespmem:$0x4FC8] =	vst v0  }
0x4f8: {  	[tilespmem:$0x4FD8] =	vst v0  }
0x4f9: {  	[tilespmem:$0x4FE8] =	vst v0  }
0x4fa: {  	[tilespmem:$0x4FF8] =	vst v0  }
0x4fb: {  	[tilespmem:$0x5008] =	vst v0  }
0x4fc: {  	[tilespmem:$0x5018] =	vst v0  }
0x4fd: {  	[tilespmem:$0x5028] =	vst v0  }
0x4fe: {  	[tilespmem:$0x5038] =	vst v0  }
0x4ff: {  	[tilespmem:$0x5048] =	vst v0  }
0x500: {  	[tilespmem:$0x5058] =	vst v0  }
0x501: {  	[tilespmem:$0x5068] =	vst v0  }
0x502: {  	[tilespmem:$0x5078] =	vst v0  }
0x503: {  	[tilespmem:$0x5088] =	vst v0  }
0x504: {  	[tilespmem:$0x5098] =	vst v0  }
0x505: {  	[tilespmem:$0x50A8] =	vst v0  }
0x506: {  	[tilespmem:$0x50B8] =	vst v0  }
0x507: {  	[tilespmem:$0x50C8] =	vst v0  }
0x508: {  	[tilespmem:$0x50D8] =	vst v0  }
0x509: {  	[tilespmem:$0x50E8] =	vst v0  }
0x50a: {  	[tilespmem:$0x50F8] =	vst v0  }
0x50b: {  	[tilespmem:$0x51A8] =	vst v0  }
0x50c: {  	[tilespmem:$0x5FE8] =	vst v0  }
0x50d: {  	[tilespmem:$0x5FD8] =	vst v0  }
0x50e: {  	[tilespmem:$0x5FC8] =	vst v0  }
0x50f: {  	[tilespmem:$0x5FB8] =	vst v0  }
0x510: {  	[tilespmem:$0x5FA8] =	vst v0  }
0x511: {  	[tilespmem:$0x5F98] =	vst v0  }
0x512: {  	[tilespmem:$0x5F88] =	vst v0  }
0x513: {  	[tilespmem:$0x5F78] =	vst v0  }
0x514: {  	[tilespmem:$0x5F68] =	vst v0  }
0x515: {  	[tilespmem:$0x5F58] =	vst v0  }
0x516: {  	[tilespmem:$0x5F48] =	vst v0  }
0x517: {  	[tilespmem:$0x5F38] =	vst v0  }
0x518: {  	[tilespmem:$0x5F28] =	vst v0  }
0x519: {  	[tilespmem:$0x5F18] =	vst v0  }
0x51a: {  	[tilespmem:$0x5F08] =	vst v0  }
0x51b: {  	[tilespmem:$0x5EF8] =	vst v0  }
0x51c: {  	[tilespmem:$0x5EE8] =	vst v0  }
0x51d: {  	[tilespmem:$0x5ED8] =	vst v0  }
0x51e: {  	[tilespmem:$0x5EC8] =	vst v0  }
0x51f: {  	[tilespmem:$0x5EB8] =	vst v0  }
0x520: {  	[tilespmem:$0x5EA8] =	vst v0  }
0x521: {  	[tilespmem:$0x5E98] =	vst v0  }
0x522: {  	[tilespmem:$0x5E88] =	vst v0  }
0x523: {  	[tilespmem:$0x5E78] =	vst v0  }
0x524: {  	[tilespmem:$0x5E68] =	vst v0  }
0x525: {  	[tilespmem:$0x5E58] =	vst v0  }
0x526: {  	[tilespmem:$0x5E48] =	vst v0  }
0x527: {  	[tilespmem:$0x5E38] =	vst v0  }
0x528: {  	[tilespmem:$0x5E28] =	vst v0  }
0x529: {  	[tilespmem:$0x5E18] =	vst v0  }
0x52a: {  	[tilespmem:$0x5E08] =	vst v0  }
0x52b: {  	[tilespmem:$0x5DF8] =	vst v0  }
0x52c: {  	[tilespmem:$0x5DE8] =	vst v0  }
0x52d: {  	[tilespmem:$0x5DD8] =	vst v0  }
0x52e: {  	[tilespmem:$0x5DC8] =	vst v0  }
0x52f: {  	[tilespmem:$0x5DB8] =	vst v0  }
0x530: {  	[tilespmem:$0x5DA8] =	vst v0  }
0x531: {  	[tilespmem:$0x5D98] =	vst v0  }
0x532: {  	[tilespmem:$0x5D88] =	vst v0  }
0x533: {  	[tilespmem:$0x5D78] =	vst v0  }
0x534: {  	[tilespmem:$0x5D68] =	vst v0  }
0x535: {  	[tilespmem:$0x5D58] =	vst v0  }
0x536: {  	[tilespmem:$0x5D48] =	vst v0  }
0x537: {  	[tilespmem:$0x5D38] =	vst v0  }
0x538: {  	[tilespmem:$0x5D28] =	vst v0  }
0x539: {  	[tilespmem:$0x5D18] =	vst v0  }
0x53a: {  	[tilespmem:$0x5D08] =	vst v0  }
0x53b: {  	[tilespmem:$0x5CF8] =	vst v0  }
0x53c: {  	[tilespmem:$0x5CE8] =	vst v0  }
0x53d: {  	[tilespmem:$0x5CD8] =	vst v0  }
0x53e: {  	[tilespmem:$0x5CC8] =	vst v0  }
0x53f: {  	[tilespmem:$0x5CB8] =	vst v0  }
0x540: {  	[tilespmem:$0x5CA8] =	vst v0  }
0x541: {  	[tilespmem:$0x5C98] =	vst v0  }
0x542: {  	[tilespmem:$0x5C88] =	vst v0  }
0x543: {  	[tilespmem:$0x5C78] =	vst v0  }
0x544: {  	[tilespmem:$0x5C68] =	vst v0  }
0x545: {  	[tilespmem:$0x5C58] =	vst v0  }
0x546: {  	[tilespmem:$0x5C48] =	vst v0  }
0x547: {  	[tilespmem:$0x5C38] =	vst v0  }
0x548: {  	[tilespmem:$0x5C28] =	vst v0  }
0x549: {  	[tilespmem:$0x5C18] =	vst v0  }
0x54a: {  	[tilespmem:$0x5C08] =	vst v0  }
0x54b: {  	[tilespmem:$0x5BF8] =	vst v0  }
0x54c: {  	[tilespmem:$0x5BE8] =	vst v0  }
0x54d: {  	[tilespmem:$0x5BD8] =	vst v0  }
0x54e: {  	[tilespmem:$0x5BC8] =	vst v0  }
0x54f: {  	[tilespmem:$0x5BB8] =	vst v0  }
0x550: {  	[tilespmem:$0x5BA8] =	vst v0  }
0x551: {  	[tilespmem:$0x5B98] =	vst v0  }
0x552: {  	[tilespmem:$0x5B88] =	vst v0  }
0x553: {  	[tilespmem:$0x5B78] =	vst v0  }
0x554: {  	[tilespmem:$0x5B68] =	vst v0  }
0x555: {  	[tilespmem:$0x5B58] =	vst v0  }
0x556: {  	[tilespmem:$0x5B48] =	vst v0  }
0x557: {  	[tilespmem:$0x5B38] =	vst v0  }
0x558: {  	[tilespmem:$0x5B28] =	vst v0  }
0x559: {  	[tilespmem:$0x5B18] =	vst v0  }
0x55a: {  	[tilespmem:$0x5B08] =	vst v0  }
0x55b: {  	[tilespmem:$0x5AF8] =	vst v0  }
0x55c: {  	[tilespmem:$0x5AE8] =	vst v0  }
0x55d: {  	[tilespmem:$0x5AD8] =	vst v0  }
0x55e: {  	[tilespmem:$0x5AC8] =	vst v0  }
0x55f: {  	[tilespmem:$0x5AB8] =	vst v0  }
0x560: {  	[tilespmem:$0x5AA8] =	vst v0  }
0x561: {  	[tilespmem:$0x5A98] =	vst v0  }
0x562: {  	[tilespmem:$0x5A88] =	vst v0  }
0x563: {  	[tilespmem:$0x5A78] =	vst v0  }
0x564: {  	[tilespmem:$0x5A68] =	vst v0  }
0x565: {  	[tilespmem:$0x5A58] =	vst v0  }
0x566: {  	[tilespmem:$0x5A48] =	vst v0  }
0x567: {  	[tilespmem:$0x5A38] =	vst v0  }
0x568: {  	[tilespmem:$0x5A28] =	vst v0  }
0x569: {  	[tilespmem:$0x5A18] =	vst v0  }
0x56a: {  	[tilespmem:$0x5A08] =	vst v0  }
0x56b: {  	[tilespmem:$0x59F8] =	vst v0  }
0x56c: {  	[tilespmem:$0x59E8] =	vst v0  }
0x56d: {  	[tilespmem:$0x59D8] =	vst v0  }
0x56e: {  	[tilespmem:$0x59C8] =	vst v0  }
0x56f: {  	[tilespmem:$0x59B8] =	vst v0  }
0x570: {  	[tilespmem:$0x59A8] =	vst v0  }
0x571: {  	[tilespmem:$0x5998] =	vst v0  }
0x572: {  	[tilespmem:$0x5988] =	vst v0  }
0x573: {  	[tilespmem:$0x5978] =	vst v0  }
0x574: {  	[tilespmem:$0x5968] =	vst v0  }
0x575: {  	[tilespmem:$0x5958] =	vst v0  }
0x576: {  	[tilespmem:$0x5948] =	vst v0  }
0x577: {  	[tilespmem:$0x5938] =	vst v0  }
0x578: {  	[tilespmem:$0x5928] =	vst v0  }
0x579: {  	[tilespmem:$0x5918] =	vst v0  }
0x57a: {  	[tilespmem:$0x5908] =	vst v0  }
0x57b: {  	[tilespmem:$0x58F8] =	vst v0  }
0x57c: {  	[tilespmem:$0x58E8] =	vst v0  }
0x57d: {  	[tilespmem:$0x58D8] =	vst v0  }
0x57e: {  	[tilespmem:$0x58C8] =	vst v0  }
0x57f: {  	[tilespmem:$0x58B8] =	vst v0  }
0x580: {  	[tilespmem:$0x58A8] =	vst v0  }
0x581: {  	[tilespmem:$0x5898] =	vst v0  }
0x582: {  	[tilespmem:$0x5888] =	vst v0  }
0x583: {  	[tilespmem:$0x5878] =	vst v0  }
0x584: {  	[tilespmem:$0x5868] =	vst v0  }
0x585: {  	[tilespmem:$0x5858] =	vst v0  }
0x586: {  	[tilespmem:$0x5848] =	vst v0  }
0x587: {  	[tilespmem:$0x5838] =	vst v0  }
0x588: {  	[tilespmem:$0x5828] =	vst v0  }
0x589: {  	[tilespmem:$0x5818] =	vst v0  }
0x58a: {  	[tilespmem:$0x5808] =	vst v0  }
0x58b: {  	[tilespmem:$0x57F8] =	vst v0  }
0x58c: {  	[tilespmem:$0x57E8] =	vst v0  }
0x58d: {  	[tilespmem:$0x57D8] =	vst v0  }
0x58e: {  	[tilespmem:$0x57C8] =	vst v0  }
0x58f: {  	[tilespmem:$0x57B8] =	vst v0  }
0x590: {  	[tilespmem:$0x57A8] =	vst v0  }
0x591: {  	[tilespmem:$0x5798] =	vst v0  }
0x592: {  	[tilespmem:$0x5788] =	vst v0  }
0x593: {  	[tilespmem:$0x5778] =	vst v0  }
0x594: {  	[tilespmem:$0x5768] =	vst v0  }
0x595: {  	[tilespmem:$0x5758] =	vst v0  }
0x596: {  	[tilespmem:$0x5748] =	vst v0  }
0x597: {  	[tilespmem:$0x5738] =	vst v0  }
0x598: {  	[tilespmem:$0x5728] =	vst v0  }
0x599: {  	[tilespmem:$0x5718] =	vst v0  }
0x59a: {  	[tilespmem:$0x5708] =	vst v0  }
0x59b: {  	[tilespmem:$0x56F8] =	vst v0  }
0x59c: {  	[tilespmem:$0x56E8] =	vst v0  }
0x59d: {  	[tilespmem:$0x56D8] =	vst v0  }
0x59e: {  	[tilespmem:$0x56C8] =	vst v0  }
0x59f: {  	[tilespmem:$0x56B8] =	vst v0  }
0x5a0: {  	[tilespmem:$0x56A8] =	vst v0  }
0x5a1: {  	[tilespmem:$0x5698] =	vst v0  }
0x5a2: {  	[tilespmem:$0x5688] =	vst v0  }
0x5a3: {  	[tilespmem:$0x5678] =	vst v0  }
0x5a4: {  	[tilespmem:$0x5668] =	vst v0  }
0x5a5: {  	[tilespmem:$0x5658] =	vst v0  }
0x5a6: {  	[tilespmem:$0x5648] =	vst v0  }
0x5a7: {  	[tilespmem:$0x5638] =	vst v0  }
0x5a8: {  	[tilespmem:$0x5628] =	vst v0  }
0x5a9: {  	[tilespmem:$0x5618] =	vst v0  }
0x5aa: {  	[tilespmem:$0x5608] =	vst v0  }
0x5ab: {  	[tilespmem:$0x55F8] =	vst v0  }
0x5ac: {  	[tilespmem:$0x55E8] =	vst v0  }
0x5ad: {  	[tilespmem:$0x55D8] =	vst v0  }
0x5ae: {  	[tilespmem:$0x55C8] =	vst v0  }
0x5af: {  	[tilespmem:$0x55B8] =	vst v0  }
0x5b0: {  	[tilespmem:$0x55A8] =	vst v0  }
0x5b1: {  	[tilespmem:$0x5598] =	vst v0  }
0x5b2: {  	[tilespmem:$0x5588] =	vst v0  }
0x5b3: {  	[tilespmem:$0x5578] =	vst v0  }
0x5b4: {  	[tilespmem:$0x5568] =	vst v0  }
0x5b5: {  	[tilespmem:$0x5558] =	vst v0  }
0x5b6: {  	[tilespmem:$0x5548] =	vst v0  }
0x5b7: {  	[tilespmem:$0x5538] =	vst v0  }
0x5b8: {  	[tilespmem:$0x5528] =	vst v0  }
0x5b9: {  	[tilespmem:$0x5518] =	vst v0  }
0x5ba: {  	[tilespmem:$0x5508] =	vst v0  }
0x5bb: {  	[tilespmem:$0x54F8] =	vst v0  }
0x5bc: {  	[tilespmem:$0x54E8] =	vst v0  }
0x5bd: {  	[tilespmem:$0x54D8] =	vst v0  }
0x5be: {  	[tilespmem:$0x54C8] =	vst v0  }
0x5bf: {  	[tilespmem:$0x54B8] =	vst v0  }
0x5c0: {  	[tilespmem:$0x54A8] =	vst v0  }
0x5c1: {  	[tilespmem:$0x5498] =	vst v0  }
0x5c2: {  	[tilespmem:$0x5488] =	vst v0  }
0x5c3: {  	[tilespmem:$0x5478] =	vst v0  }
0x5c4: {  	[tilespmem:$0x5468] =	vst v0  }
0x5c5: {  	[tilespmem:$0x5458] =	vst v0  }
0x5c6: {  	[tilespmem:$0x5448] =	vst v0  }
0x5c7: {  	[tilespmem:$0x5438] =	vst v0  }
0x5c8: {  	[tilespmem:$0x5428] =	vst v0  }
0x5c9: {  	[tilespmem:$0x5418] =	vst v0  }
0x5ca: {  	[tilespmem:$0x5408] =	vst v0  }
0x5cb: {  	[tilespmem:$0x53F8] =	vst v0  }
0x5cc: {  	[tilespmem:$0x53E8] =	vst v0  }
0x5cd: {  	[tilespmem:$0x53D8] =	vst v0  }
0x5ce: {  	[tilespmem:$0x53C8] =	vst v0  }
0x5cf: {  	[tilespmem:$0x53B8] =	vst v0  }
0x5d0: {  	[tilespmem:$0x53A8] =	vst v0  }
0x5d1: {  	[tilespmem:$0x5398] =	vst v0  }
0x5d2: {  	[tilespmem:$0x5388] =	vst v0  }
0x5d3: {  	[tilespmem:$0x5378] =	vst v0  }
0x5d4: {  	[tilespmem:$0x5368] =	vst v0  }
0x5d5: {  	[tilespmem:$0x5358] =	vst v0  }
0x5d6: {  	[tilespmem:$0x5348] =	vst v0  }
0x5d7: {  	[tilespmem:$0x5338] =	vst v0  }
0x5d8: {  	[tilespmem:$0x5328] =	vst v0  }
0x5d9: {  	[tilespmem:$0x5318] =	vst v0  }
0x5da: {  	[tilespmem:$0x5308] =	vst v0  }
0x5db: {  	[tilespmem:$0x52F8] =	vst v0  }
0x5dc: {  	[tilespmem:$0x52E8] =	vst v0  }
0x5dd: {  	[tilespmem:$0x52D8] =	vst v0  }
0x5de: {  	[tilespmem:$0x52C8] =	vst v0  }
0x5df: {  	[tilespmem:$0x52B8] =	vst v0  }
0x5e0: {  	[tilespmem:$0x52A8] =	vst v0  }
0x5e1: {  	[tilespmem:$0x5298] =	vst v0  }
0x5e2: {  	[tilespmem:$0x5288] =	vst v0  }
0x5e3: {  	[tilespmem:$0x5278] =	vst v0  }
0x5e4: {  	[tilespmem:$0x5268] =	vst v0  }
0x5e5: {  	[tilespmem:$0x5258] =	vst v0  }
0x5e6: {  	[tilespmem:$0x5248] =	vst v0  }
0x5e7: {  	[tilespmem:$0x5238] =	vst v0  }
0x5e8: {  	[tilespmem:$0x5228] =	vst v0  }
0x5e9: {  	[tilespmem:$0x5218] =	vst v0  }
0x5ea: {  	[tilespmem:$0x5208] =	vst v0  }
0x5eb: {  	[tilespmem:$0x51F8] =	vst v0  }
0x5ec: {  	[tilespmem:$0x51E8] =	vst v0  }
0x5ed: {  	s12 =	stileid.u32;
	[tilespmem:$0x51D8] =	vst v0  }
0x5ee: {  	s0 =	smul.u32 $0xA, s12;
	[tilespmem:$0x51C8] =	vst v0  }
0x5ef: {  	s1 =	smin.u32 s12, $0x5;
	[tilespmem:$0x51B8] =	vst v0  }
0x5f0: {  	[tilespmem:$0x5188] =	vst v0;
	s0 =	sadd.s32 s1, s0  }
0x5f1: {  	p0 =	slt.u32 s12, $0x5;
	[tilespmem:$0x5198] =	vst v0;
	s1 =	simm.s32 $0xD10;
	s9 =	smul.u32 $0x130, s0  }
0x5f2: {  	s1 =	simm.s32 @!p0 $0xBE0;
	[tilespmem:$0x5178] =	vst v0  }
0x5f3: {  	[tilespmem:$0x5118] =	vst v0;
	s0 =	sadd.s32 s1, s9  }
0x5f4: {  	s7 =	simm.s32 $0x2;
	s29 =	simm.s32 $0x9;
	[tilespmem:$0x5168] =	vst v0;
	s10 =	smin.u32 s0, $0xC350  }
0x5f5: {  	s30 =	simm.s32 $0xA;
	s18 =	simm.s32 $0x0;
	[tilespmem:$0x5158] =	vst v0;
	s0 =	ssub.s32 s10, s9  }
0x5f6: {  	p1 =	por $0x0, $0x0;
	s19 =	simm.s32 $0xC;
	[tilespmem:$0x5148] =	vst v0;
	p0 =	sgt.s32 s0, $0x0  }
0x5f7: {  	s23 =	simm.s32 $0x0;
	s20 =	simm.s32 $0x0;
	[tilespmem:$0x5138] =	vst v0;
	s0 =	simm.s32 @!p0 $0x0  }
0x5f8: {  	s22 =	simm.s32 $0x0;
	s6 =	sadd.s32 $0x62A00, s5;
	[tilespmem:$0x5128] =	vst v0;
	s28 =	smul.u32 $0xD795, s0  }
0x5f9: {  	s2 =	sand.u32 $0x1, s2;
	s31 =	smul.u32 $0x280, s12;
	[tilespmem:$0x5108] =	vst v0;
	[sflag:s7] =	ssyncpa.u1 $0x0  }
0x5fa: {  	v0 =	vimm.s32 $0xFFFFFFFF;
	[dreg:$0x5] =	wrdreg s2;
	s2 =	smul.u32 $0x186A, s2;
	s1 =	sshrl.u32 s28, $0x18  }
0x5fb: {  	s13 =	sadd.s32 $0x36FE00, s5;
	[tilespmem:$0xBF48] =	vst v0;
	[sflag:s29] =	ssyncpa.u1 $0x0;
	s8 =	smul.u32 $0x130, s1  }
.Ltmp0:
0x5fc: {  	s16 =	sshrl.u32 s31, $0x2;
	s11 =	sadd.s32 s2, s5;
	(pc) =	sbr.rel .LBB2_1-.Ltmp0, $4  }
0x5fd: {  	[sflag:s30] =	ssyncpa.u1 $0x0;
	p0 =	sne.s32 s0, s8;
	s0 =	simm.s32 $0x1  }
0x5fe: {  	s5 =	simm.s32 $0xB;
	s4 =	sadd.s32 s2, s4;
	s0 =	simm.s32 @!p0 $0x0  }
0x5ff: {  	[sflag:s5] =	ssyncpa.u1 $0x0;
	s15 =	sadd.s32 $0x6600, s11;
	s14 =	sadd.s32 s1, s0  }
0x600: {  	v0 =	vlaneseq.u32;
	s21 =	smov.u32 s9;
	p0 =	por $0x1, $0x1;
	s17 =	sadd.s32 $0x1, s14  }
.LBB2_22:
0x601: {  	s0 =	sshrl.u32 s0, $0x2  }
.LBB2_24:
0x602: {  	_ =	swait.ge [sflag:s19], s0  }
0x603: {  	s30 =	ssub.s32 $0x0, s0;
	v1 =	vmov s25;
	vm0 =	veq.s32 v0, $0x0;
	[sflag:s19] =	ssyncset.done $0x0  }
0x604: {  	vm15 =	veq.s32 v0, $0x2;
	v1 =	vsel vm0, s31, v1;
	[sflag:s19] =	ssyncadd.s32 s30  }
0x605: {  	v1 =	vsel vm15, s23, v1;
	[sflag:s19] =	ssyncpa.u1 $0x1  }
0x606: {  	[tilespmem:$0xBF48] =	vst v1  }
.LBB2_25:
0x607: {  	s0 =	sadd.s32 $0x130, s21  }
0x608: {  	s1 =	smov.u32 s9;
	p2 =	slt.s32 s0, s10  }
0x609: {  	s1 =	smov.u32 @p2 s0;
	p2 =	sne.s32 s22, s17  }
.Ltmp1:
0x60a: {  	_ = 	snop;
	(pc) =	sbr.rel @!p2 .LBB2_26-.Ltmp1, $4  }
0x60b: {  	_ = 	snop  }
0x60c: {  	s23 =	smov.u32 s20  }
0x60d: {  	s31 =	sadd.s32 $0x1, s22;
	s20 =	smov.u32 s21;
	p0 =	por !p0, !p0  }
0x60e: {  	p1 =	por !p1, !p1;
	s22 =	smov.u32 s31;
	s21 =	smov.u32 s1  }
.LBB2_1:
0x60f: {  	p2 =	sge.u32 s22, s14  }
0x610: {  	s0 =	smulhi.u32 @!p2 $0xAAAAAAAB, s22  }
0x611: {  	s1 =	smov.u32 s21;
	p3 =	sgt.s32 @!p2 s21, $0xC220  }
0x612: {  	s2 =	sshra.s32 @!p2 s21, $0x1F;
	p3 =	por !p3, p2;
	s0 =	sshrl.u32 @!p2 s0, $0x1  }
0x613: {  	s2 =	sand.u32 @!p2 s2, s21;
	s1 =	simm.s32 @p3 $0xC220;
	s0 =	smul.u32 @!p2 $0x3, s0  }
0x614: {  	s1 =	ssub.s32 @!p2 s1, s2  }
0x615: {  	s1 =	sadd.s32 @!p2 $0xFFFF3DE0, s1;
	s0 =	ssub.s32 @!p2 s22, s0  }
0x616: {  	s2 =	sshll.u32 @!p2 s1, $0x2;
	p3 =	sgt.s32 @!p2 s1, $0x12F;
	s0 =	smul.u32 @!p2 $0x4C0, s0  }
0x617: {  	s7 =	sand.u32 @!p2 $0x7, s21;
	s1 =	ssub.s32 @!p2 $0x4C0, s2;
	p3 =	por !p3, p2  }
0x618: {  	s2 =	sshrl.u32 @!p2 s21, $0x3;
	s1 =	sshrl.u32 @!p2 s1, $0x2;
	s0 =	sshrl.u32 @!p2 s0, $0x2  }
0x619: {  	s2 =	sadd.s32 @!p2 s2, s15;
	s1 =	simm.s32 @!p3 $0x0;
	s0 =	sadd.s32 @!p2 $0xC988, s0  }
0x61a: {  	[tilespmem:s0], [sflag:$0xA] =	stream.linear.gather @!p2 [hbm4b:s2+s7], s1, $0x38;
	[tilespmem:$0x1FF78] =	vst v63  }
0x61b: {  	s1 =	sadd.s32 $0xFFFFFFFF, s22  }
0x61c: {  	p2 =	sge.u32 s1, s14  }
0x61d: {  	p3 =	sgt.s32 @!p2 s20, $0xC220  }
0x61e: {  	s0 =	smov.u32 s20;
	s2 =	sshra.s32 @!p2 s20, $0x1F;
	p3 =	por !p3, p2  }
0x61f: {  	s2 =	sand.u32 @!p2 s2, s20;
	s0 =	simm.s32 @p3 $0xC220  }
0x620: {  	s0 =	ssub.s32 @!p2 s0, s2  }
0x621: {  	s0 =	sadd.s32 @!p2 $0xFFFF3DE0, s0  }
0x622: {  	s2 =	sshll.u32 @!p2 s0, $0x2  }
0x623: {  	p3 =	sgt.s32 @!p2 s0, $0x12F;
	s0 =	ssub.s32 @!p2 $0x4C0, s2  }
0x624: {  	p3 =	por !p3, p2;
	s0 =	sshrl.u32 @!p2 s0, $0x2  }
0x625: {  	s7 =	simm.s32 @!p2 $0xA;
	s2 =	sand.u32 @!p2 $0x1, s1;
	s0 =	simm.s32 @!p3 $0x0  }
0x626: {  	s2 =	smul.u32 @!p2 $0x4C0, s2;
	_ =	swait.ge @!p2 [sflag:s7], s0  }
0x627: {  	s8 =	ssub.s32 @!p2 $0x0, s0;
	[sflag:s7] =	ssyncset.done @!p2 $0x0  }
0x628: {  	s2 =	sshrl.u32 @!p2 s2, $0x2;
	[sflag:s7] =	ssyncadd.s32 @!p2 s8;
	s7 =	sshrl.u32 @!p2 s20, $0x3  }
0x629: {  	s2 =	sadd.s32 @!p2 $0xCD18, s2;
	s8 =	sand.u32 @!p2 $0x7, s20;
	s7 =	sadd.s32 @!p2 s7, s4  }
0x62a: {  	[tilespmem:s2], [sflag:$0xB] =	stream.linear.gather @!p2 [hbm4b:s7+s8], s0, $0x38;
	[tilespmem:$0x1FF78] =	vst v63  }
0x62b: {  	s0 =	ssub.s32 @!p2 $0xC350, s20  }
0x62c: {  	p3 =	slt.s32 @!p2 s0, $0x1  }
0x62d: {  	p3 =	por p2, p3  }
.Ltmp2:
0x62e: {  	_ = 	snop;
	(pc) =	sbr.rel @p3 .LBB2_7-.Ltmp2, $1  }
0x62f: {  	_ =	sdelay $0x3  }
0x630: {  	s2 =	smulhi.u32 $0xAAAAAAAB, s1;
	_ =	sdelay $0x1  }
0x631: {  	s2 =	sshrl.u32 s2, $0x1  }
0x632: {  	s2 =	smul.u32 $0x3, s2;
	_ =	sdelay $0x1  }
0x633: {  	s29 =	ssub.s32 s1, s2  }
0x634: {  	s7 =	simm.s32 $0x1;
	s1 =	smul.u32 $0x4C0, s29  }
.Ltmp3:
0x635: {  	s7 =	simm.s32 @!p0 $0x0;
	(pc) =	sbr.rel .LBB2_4-.Ltmp3, $4  }
0x636: {  	s30 =	smul.u32 $0x26000, s7  }
0x637: {  	p3 =	slt.s32 @!p2 s0, $0x130;
	s1 =	sshrl.u32 s1, $0x2  }
0x638: {  	p2 =	por !p3, p2;
	s2 =	sshrl.u32 s30, $0x2;
	s31 =	sadd.s32 $0xC988, s1  }
0x639: {  	s24 =	simm.s32 $0x0;
	s0 =	simm.s32 @p2 $0x130;
	s1 =	sadd.s32 $0xCF78, s2;
	v1 =	vmov s31  }
.LBB2_3:
0x63a: {  	p2 =	sge.s32 s24, s0  }
.Ltmp4:
0x63b: {  	_ = 	snop;
	(pc) =	sbr.rel @p2 .LBB2_7-.Ltmp4, $2  }
0x63c: {  	_ =	sdelay $0x2  }
0x63d: {  	s1 =	sadd.s32 $0x800, s1  }
.LBB2_4:
0x63e: {  	p2 =	sle.s32 s0, s24  }
.Ltmp5:
0x63f: {  	_ = 	snop;
	(pc) =	sbr.rel @p2 .LBB2_3-.Ltmp5, $2  }
0x640: {  	_ =	sdelay $0x2  }
0x641: {  	s2 =	smov.u32 s24;
	s24 =	sadd.s32 $0x10, s24  }
0x642: {  	s7 =	ssub.s32 s0, s2  }
0x643: {  	p2 =	slt.s32 s7, $0x10  }
0x644: {  	s7 =	simm.s32 @!p2 $0x10  }
0x645: {  	v2 =	vmov s7  }
0x646: {  	vm0 =	vgt.s32 v2, v0;
	_ =	sdelay $0x5  }
0x647: {  	v2 =	vld.idx.msk [tilespmem:v1+s2+$0x0 ss:$0x1], vm0;
	_ =	sdelay $0x2  }
0x648: {  	s8 =	smov.u32 s0;
	p2 =	slt.s32 s24, s0  }
0x649: {  	s25 =	simm.s32 $0x0;
	s8 =	smov.u32 @p2 s24;
	s7 =	smov.u32 s1  }
.LBB2_6:
0x64a: {  	(v2sf) =	vpush v2, s25;
	_ =	sdelay $0xc  }
0x64b: {  	s25 =	sadd.s32 $0x1, s25  }
0x64c: {  	s31 =	sadd.s32 s25, s2  }
0x64d: {  	p2 =	slt.s32 s31, s8;
	s11 =	spop (v2sf)  }
.Ltmp6:
0x64e: {  	s11 =	sshll.u32 s11, $0x4;
	(pc) =	sbr.rel @p2 .LBB2_6-.Ltmp6, $4  }
0x64f: {  	s11 =	sand.u32 $0x1FFFFFF0, s11  }
0x650: {  	s11 =	sadd.s32 s13, s11  }
0x651: {  	[tilespmem:s7], [sflag:$0x9] =	stream.linear.gather [hbm4b:s11+s18], $0x48, $0x38;
	[tilespmem:$0x1FF78] =	vst v63  }
0x652: {  	s7 =	sadd.s32 $0x80, s7  }
.Ltmp7:
0x653: {  	_ = 	snop;
	(pc) =	sbr.rel .LBB2_3-.Ltmp7, $1  }
0x654: {  	_ =	sdelay $0x3  }
.LBB2_7:
0x655: {  	p2 =	slt.u32 s22, $0x2  }
.Ltmp8:
0x656: {  	_ = 	snop;
	(pc) =	sbr.rel @p2 .LBB2_25-.Ltmp8, $1  }
0x657: {  	_ =	sdelay $0x3  }
0x658: {  	s0 =	ssub.s32 $0xC350, s23;
	p2 =	sgt.s32 s23, $0xC220  }
0x659: {  	s1 =	smov.u32 s23;
	s2 =	sshra.s32 s23, $0x1F;
	p3 =	slt.s32 s0, $0x130  }
0x65a: {  	s1 =	simm.s32 @!p2 $0xC220;
	s2 =	sand.u32 s2, s23;
	s0 =	simm.s32 @!p3 $0x130  }
0x65b: {  	s1 =	ssub.s32 s1, s2;
	s0 =	smul.u32 $0x120, s0  }
0x65c: {  	s1 =	sadd.s32 $0xFFFF3DE0, s1  }
0x65d: {  	s29 =	simm.s32 $0x9;
	s25 =	sshll.u32 s1, $0x2;
	s0 =	sshrl.u32 s0, $0x2  }
0x65e: {  	p2 =	sgt.s32 s1, $0x12F;
	s26 =	ssub.s32 $0x4C0, s25;
	_ =	swait.ge [sflag:s29], s0  }
0x65f: {  	s0 =	ssub.s32 $0x0, s0;
	s1 =	sshrl.u32 s26, $0x2;
	[sflag:s29] =	ssyncset.done $0x0  }
0x660: {  	s1 =	simm.s32 @p2 $0x0;
	[sflag:s29] =	ssyncadd.s32 s0  }
0x661: {  	_ =	swait.ge [sflag:s5], s1  }
0x662: {  	s30 =	ssub.s32 $0x0, s1;
	[sflag:s5] =	ssyncset.done $0x0  }
0x663: {  	[sflag:s5] =	ssyncadd.s32 s30  }
0x664: {  	v1 =	vld [tilespmem:$0xBF48];
	_ =	sdelay $0x4  }
0x665: {  	(v2sf) =	vpush v1, $0x0  }
0x666: {  	(v2sf) =	vpush v1, $0x1  }
0x667: {  	(v2sf) =	vpush v1, $0x2;
	_ =	sdelay $0x3  }
0x668: {  	s0 =	sadd.s32 $0x130, s23  }
0x669: {  	p2 =	slt.s32 s10, s0;
	s1 =	ssub.s32 $0x186A0, s23  }
0x66a: {  	s0 =	smov.u32 @p2 s10;
	p2 =	sgt.s32 s1, $0x0  }
0x66b: {  	s0 =	ssub.s32 s0, s23;
	s1 =	simm.s32 @!p2 $0x0  }
0x66c: {  	p2 =	slt.s32 s1, s0  }
0x66d: {  	s0 =	smov.u32 @p2 s1  }
0x66e: {  	s26 =	simm.s32 $0x1;
	p2 =	slt.s32 s0, $0x1  }
.Ltmp9:
0x66f: {  	s26 =	simm.s32 @!p1 $0x0;
	(pc) =	sbr.rel @p2 .LBB2_12-.Ltmp9, $4  }
0x670: {  	s31 =	smul.u32 $0x4C0, s26  }
0x671: {  	s28 =	spop (v2sf)  }
0x672: {  	s2 =	sshrl.u32 s31, $0x2;
	s1 =	spop (v2sf)  }
0x673: {  	s24 =	sadd.s32 $0xCD18, s2;
	s23 =	spop (v2sf)  }
0x674: {  	s2 =	smin.u32 s0, $0x10  }
0x675: {  	v1 =	vmov s2  }
0x676: {  	p3 =	sgt.s32 s0, $0x10;
	vm1 =	vgt.u32 v1, v0  }
.Ltmp10:
0x677: {  	_ = 	snop;
	(pc) =	sbr.rel @!p3 .LBB2_11-.Ltmp10, $2  }
0x678: {  	_ =	sdelay $0x2  }
0x679: {  	s25 =	simm.s32 $0x10;
	s29 =	sadd.s32 $0xFFFFFFF0, s0;
	s2 =	smov.u32 s24;
	vm0 =	vmmov vm1  }
.LBB2_10:
0x67a: {  	s7 =	smin.u32 s29, $0x10;
	s25 =	sadd.s32 $0x10, s25;
	v1 =	vld.msk [tilespmem:s2+$0x0 ss:$0x1], vm1  }
0x67b: {  	v2 =	vmov s7;
	p3 =	slt.s32 s25, s0  }
0x67c: {  	vm1 =	vgt.u32 v2, v0  }
.Ltmp11:
0x67d: {  	(pc) =	sbr.rel @p3 .LBB2_10-.Ltmp11, $3  }
0x67e: {  	_ =	sdelay $0x1  }
0x67f: {  	v1 =	vshll.u32 v1, $0x4  }
0x680: {  	s29 =	sadd.s32 $0xFFFFFFF0, s29;
	[tilespmem:s2+$0x0] =	vst.msk vm0, v1;
	s2 =	sadd.s32 $0x10, s2;
	vm0 =	vmmov vm1  }
.LBB2_11:
0x681: {  	_ =	sdelay $0x4  }
0x682: {  	v1 =	vld.msk [tilespmem:s2+$0x0 ss:$0x1], vm1;
	_ =	sdelay $0x4  }
0x683: {  	v1 =	vshll.u32 v1, $0x4  }
0x684: {  	[tilespmem:s2+$0x0] =	vst.msk vm0, v1  }
.LBB2_12:
0x685: {  	s2 =	sand.u32 $0x1, s22  }
0x686: {  	s2 =	smul.u32 $0x130, s2  }
0x687: {  	p3 =	sne.s32 s1, $0xFFFFFFFF  }
0x688: {  	v1 =	vld.msk @!p3 [tilespmem:s2+$0xCD18], $0x1;
	_ =	sdelay $0x4  }
0x689: {  	(v2sf) =	vpush @!p3 v1, $0x0;
	_ =	sdelay $0xc  }
.Ltmp12:
0x68a: {  	_ = 	snop;
	(pc) =	sbr.rel @p2 .LBB2_23-.Ltmp12, $4  }
0x68b: {  	_ = 	snop  }
0x68c: {  	s30 =	spop @!p3 (v2sf)  }
0x68d: {  	s23 =	simm.s32 @!p3 $0x0;
	s25 =	smov.u32 s30  }
0x68e: {  	[sflag:s19] =	ssyncpa.u1 $0x0;
	s30 =	smov.u32 @p3 s28;
	s25 =	smov.u32 @p3 s1  }
0x68f: {  	v1 =	vld.msk [tilespmem:s24+$0x0], $0x1;
	_ =	sdelay $0x4  }
0x690: {  	(v2sf) =	vpush v1, $0x0;
	_ =	sdelay $0xd  }
0x691: {  	s2 =	smul.u32 $0x26000, s26  }
0x692: {  	s26 =	ssub.s32 $0x0, s0;
	s28 =	simm.s32 $0x0;
	s1 =	spop (v2sf)  }
0x693: {  	s8 =	smov.u32 s30;
	s0 =	sadd.s32 $0x1, s26;
	p2 =	seq.s32 s30, s1  }
0x694: {  	p4 =	seq.s32 s0, $0x0;
	p3 =	sgt.s32 @!p2 s30, $0x0;
	s7 =	smul.u32 @!p2 $0x140, s28  }
.Ltmp13:
0x695: {  	s2 =	sshrl.u32 s2, $0x2;
	p3 =	por !p3, p2;
	(pc) =	sbr.rel @p4 .LBB2_15-.Ltmp13, $4  }
0x696: {  	s29 =	sadd.s32 $0xCF98, s2;
	s8 =	simm.s32 @p3 $0x0  }
0x697: {  	s2 =	simm.s32 @!p2 $0x1;
	s7 =	sshra.s32 @!p2 s7, $0x2;
	s11 =	smin.u32 @!p2 s8, $0x1869F7  }
0x698: {  	s2 =	smov.u32 @p2 s28;
	s8 =	sadd.s32 @!p2 $0x5FF8, s7;
	s31 =	sand.u32 @!p2 $0x1FFFF8, s11  }
0x699: {  	s7 =	sand.u32 @!p2 $0x7, s11;
	s11 =	sadd.s32 @!p2 s6, s31;
	s31 =	sadd.s32 $0x1, s24  }
.LBB2_14:
0x69a: {  	s12 =	smov.u32 s2  }
0x69b: {  	[tilespmem:s8], [sflag:$0x2] =	stream.linear.gather @!p2 [hbm4b:s11+s7], $0x48, $0x38;
	[tilespmem:$0x1FF78] =	vst v63  }
0x69c: {  	s0 =	sadd.s32 $0x1, s0;
	s7 =	smov.u32 s1;
	v1 =	vld.msk [tilespmem:s31+$0x0], $0x1  }
0x69d: {  	p3 =	seq.s32 s0, $0x0;
	_ =	sdelay $0x3  }
0x69e: {  	(v2sf) =	vpush v1, $0x0;
	_ =	sdelay $0xe  }
0x69f: {  	s1 =	spop (v2sf)  }
0x6a0: {  	p2 =	seq.s32 s7, s1  }
0x6a1: {  	p4 =	sgt.s32 @!p2 s7, $0x0;
	s8 =	smul.u32 @!p2 $0x140, s2;
	s2 =	sadd.s32 @!p2 $0x1, s2  }
.Ltmp14:
0x6a2: {  	p4 =	por !p4, p2;
	s2 =	smov.u32 @p2 s12;
	(pc) =	sbr.rel @!p3 .LBB2_14-.Ltmp14, $4  }
0x6a3: {  	s7 =	simm.s32 @p4 $0x0;
	s8 =	sshra.s32 @!p2 s8, $0x2  }
0x6a4: {  	s7 =	smin.u32 @!p2 s7, $0x1869F7;
	s8 =	sadd.s32 @!p2 $0x5FF8, s8  }
0x6a5: {  	s11 =	sand.u32 @!p2 $0x1FFFF8, s7;
	s7 =	sand.u32 @!p2 $0x7, s7  }
0x6a6: {  	s31 =	sadd.s32 $0x1, s31;
	s11 =	sadd.s32 @!p2 s6, s11  }
.LBB2_15:
0x6a7: {  	s0 =	smul.u32 $0x120, s2  }
0x6a8: {  	[tilespmem:s8], [sflag:$0x2] =	stream.linear.gather @!p2 [hbm4b:s11+s7], $0x48, $0x38;
	[tilespmem:$0x1FF78] =	vst v63  }
.Ltmp15:
0x6a9: {  	_ = 	snop;
	(pc) =	sbr.rel .LBB2_16-.Ltmp15, $4  }
0x6aa: {  	s1 =	simm.s32 $0x2;
	s0 =	sshrl.u32 s0, $0x2  }
0x6ab: {  	_ =	swait.ge [sflag:s1], s0  }
0x6ac: {  	s0 =	ssub.s32 $0x0, s0;
	[sflag:s1] =	ssyncset.done $0x0  }
0x6ad: {  	[sflag:s1] =	ssyncadd.s32 s0;
	s0 =	simm.s32 $0x0  }
.LBB2_17:
0x6ae: {  	v1 =	vld [tilespmem:s29+$0xFFFFFFE0];
	_ =	sdelay $0x4  }
0x6af: {  	[tilespmem:s1+$0xA8] =	vst.add.f32.msk $0xffff, v1  }
0x6b0: {  	v1 =	vld [tilespmem:s29+$0xFFFFFFF0];
	_ =	sdelay $0x4  }
0x6b1: {  	[tilespmem:s1+$0xB8] =	vst.add.f32.msk $0xffff, v1  }
0x6b2: {  	v1 =	vld [tilespmem:s29+$0x0];
	_ =	sdelay $0x4  }
0x6b3: {  	[tilespmem:s1+$0xC8] =	vst.add.f32.msk $0xffff, v1  }
0x6b4: {  	v1 =	vld [tilespmem:s29+$0x10];
	_ =	sdelay $0x4  }
0x6b5: {  	[tilespmem:s1+$0xD8] =	vst.add.f32.msk $0xffff, v1  }
0x6b6: {  	v1 =	vld.msk [tilespmem:s29+$0x20], $0xff;
	_ =	sdelay $0x4  }
0x6b7: {  	[tilespmem:s1+$0xE8] =	vst.add.f32.msk $0xff, v1  }
.LBB2_21:
0x6b8: {  	s26 =	sadd.s32 $0x1, s26  }
0x6b9: {  	p2 =	seq.s32 s26, $0x0  }
.Ltmp16:
0x6ba: {  	_ = 	snop;
	(pc) =	sbr.rel @p2 .LBB2_22-.Ltmp16, $2  }
0x6bb: {  	_ =	sdelay $0x2  }
0x6bc: {  	s24 =	sadd.s32 $0x1, s24;
	s29 =	sadd.s32 $0x80, s29;
	s30 =	smov.u32 s31  }
.LBB2_16:
0x6bd: {  	v1 =	vld.msk [tilespmem:s24+$0x0], $0x1;
	_ =	sdelay $0x4  }
0x6be: {  	(v2sf) =	vpush v1, $0x0;
	_ =	sdelay $0xe  }
0x6bf: {  	s31 =	spop (v2sf)  }
0x6c0: {  	p2 =	sne.s32 s30, s31  }
.Ltmp17:
0x6c1: {  	_ = 	snop;
	(pc) =	sbr.rel @!p2 .LBB2_17-.Ltmp17, $3  }
0x6c2: {  	_ = 	snop  }
0x6c3: {  	s1 =	smul.u32 $0x140, s23;
	_ =	sdelay $0x1  }
0x6c4: {  	s1 =	sshra.s32 s1, $0x2  }
0x6c5: {  	p2 =	seq.s32 s30, s25  }
.Ltmp18:
0x6c6: {  	_ = 	snop;
	(pc) =	sbr.rel @!p2 .LBB2_19-.Ltmp18, $1  }
0x6c7: {  	_ =	sdelay $0x3  }
.Ltmp19:
0x6c8: {  	s1 =	sadd.s32 $0xA8, s1;
	(pc) =	sbr.rel .LBB2_20-.Ltmp19, $4  }
0x6c9: {  	[spmem:s16] =	stream.linear.scatter [tilespmem:s1], [sflag:$0x1], $0x48, $0x38;
	[tilespmem:$0x1FF78] =	vst v63  }
0x6ca: {  	_ =	swait.ge [sflag:s3], $0x48  }
0x6cb: {  	[sflag:s3] =	ssyncset.done $0x0  }
0x6cc: {  	[sflag:s3] =	ssyncadd.s32 $0xFFFFFFB8  }
.LBB2_19:
0x6cd: {  	s2 =	smul.u32 $0x140, s28;
	_ =	sdelay $0x1  }
0x6ce: {  	s2 =	sshra.s32 s2, $0x2  }
0x6cf: {  	v1 =	vld [tilespmem:s2+$0x5FF8];
	_ =	sdelay $0x4  }
0x6d0: {  	[tilespmem:s1+$0xA8] =	vst.add.f32.msk $0xffff, v1  }
0x6d1: {  	v1 =	vld [tilespmem:s2+$0x6008];
	_ =	sdelay $0x4  }
0x6d2: {  	[tilespmem:s1+$0xB8] =	vst.add.f32.msk $0xffff, v1  }
0x6d3: {  	v1 =	vld [tilespmem:s2+$0x6018];
	_ =	sdelay $0x4  }
0x6d4: {  	[tilespmem:s1+$0xC8] =	vst.add.f32.msk $0xffff, v1  }
0x6d5: {  	v1 =	vld [tilespmem:s2+$0x6028];
	_ =	sdelay $0x4  }
0x6d6: {  	[tilespmem:s1+$0xD8] =	vst.add.f32.msk $0xffff, v1  }
0x6d7: {  	v1 =	vld.msk [tilespmem:s2+$0x6038], $0xff;
	_ =	sdelay $0x2  }
0x6d8: {  	p2 =	sgt.u32 s30, $0x1869F7  }
0x6d9: {  	s2 =	sand.u32 @!p2 $0x1FFFF8, s30  }
0x6da: {  	s7 =	sadd.s32 $0xA8, s1;
	[tilespmem:s1+$0xE8] =	vst.add.f32.msk $0xff, v1;
	s1 =	sadd.s32 @!p2 s6, s2;
	s2 =	sand.u32 @!p2 $0x7, s30  }
0x6db: {  	[hbm4b:s1+s2] =	stream.linear.scatter @!p2 [tilespmem:s7], [sflag:$0xC], $0x48, $0x38;
	[tilespmem:$0x1FF78] =	vst v63  }
0x6dc: {  	s1 =	simm.s32 $0x0  }
0x6dd: {  	s1 =	simm.s32 @!p2 $0x120  }
0x6de: {  	s0 =	sadd.s32 s1, s0  }
.LBB2_20:
0x6df: {  	s1 =	sadd.s32 $0x1, s23  }
0x6e0: {  	s2 =	sshrl.u32 s1, $0x4  }
0x6e1: {  	s2 =	smulhi.u32 $0xD79435F, s2;
	_ =	sdelay $0x1  }
0x6e2: {  	s2 =	smul.u32 $0x130, s2  }
0x6e3: {  	v1 =	vld [tilespmem:s29+$0xFFFFFFE0]  }
0x6e4: {  	s23 =	ssub.s32 s1, s2  }
0x6e5: {  	s1 =	smul.u32 $0x140, s23;
	_ =	sdelay $0x1  }
0x6e6: {  	s1 =	sshrl.u32 s1, $0x2  }
0x6e7: {  	[tilespmem:s1+$0xA8] =	vst v1  }
0x6e8: {  	v1 =	vld [tilespmem:s29+$0xFFFFFFF0];
	_ =	sdelay $0x4  }
0x6e9: {  	[tilespmem:s1+$0xB8] =	vst v1  }
0x6ea: {  	v1 =	vld [tilespmem:s29+$0x0];
	_ =	sdelay $0x4  }
0x6eb: {  	[tilespmem:s1+$0xC8] =	vst v1  }
0x6ec: {  	v1 =	vld [tilespmem:s29+$0x10];
	_ =	sdelay $0x4  }
0x6ed: {  	[tilespmem:s1+$0xD8] =	vst v1  }
0x6ee: {  	v1 =	vld.msk [tilespmem:s29+$0x20], $0xff  }
.Ltmp20:
0x6ef: {  	_ = 	snop;
	(pc) =	sbr.rel .LBB2_21-.Ltmp20, $2  }
0x6f0: {  	_ =	sdelay $0x2  }
0x6f1: {  	s28 =	sadd.s32 $0x1, s28;
	[tilespmem:s1+$0xE8] =	vst.msk $0xff, v1  }
.LBB2_23:
.Ltmp21:
0x6f2: {  	(pc) =	sbr.rel .LBB2_24-.Ltmp21, $4  }
0x6f3: {  	_ = 	snop  }
0x6f4: {  	s0 =	simm.s32 $0x2  }
0x6f5: {  	_ =	swait.ge [sflag:s0], $0x0  }
0x6f6: {  	s31 =	smov.u32 s30;
	[sflag:s0] =	ssyncset.done $0x0;
	s0 =	simm.s32 $0x0  }
.LBB2_26:
0x6f7: {  	_ =	sfence.sel $0x180000  }
0x6f8: {  	s0 =	simm.s32 $0x9;
	[bflag:$0x0] =	sbarrier.arrive $0xFFFF  }
0x6f9: {  	s24 =	simm.s32 $0xA;
	[sflag:s0] =	ssyncpa.u1 $0x1  }
0x6fa: {  	s25 =	simm.s32 $0xB;
	[sflag:s24] =	ssyncpa.u1 $0x1  }
0x6fb: {  	s26 =	simm.s32 $0x2;
	[sflag:s25] =	ssyncpa.u1 $0x1  }
0x6fc: {  	[sflag:s26] =	ssyncpa.u1 $0x1  }
0x6fd: {  	v0 =	vld [tilespmem:$0xBF48];
	_ =	sdelay $0x4  }
0x6fe: {  	(v2sf) =	vpush v0, $0x0  }
0x6ff: {  	(v2sf) =	vpush v0, $0x1  }
0x700: {  	(v2sf) =	vpush v0, $0x2;
	_ =	sdelay $0xc  }
0x701: {  	s0 =	spop (v2sf)  }
0x702: {  	s1 =	spop (v2sf)  }
0x703: {  	s2 =	smov.u32 s0;
	p0 =	sne.s32 s0, s1;
	s3 =	spop (v2sf)  }
0x704: {  	s2 =	simm.s32 @!p0 $0xFFFFFFFF;
	p0 =	seq.s32 s3, $0xFFFFFFFF  }
0x705: {  	v2 =	vimm.s32 $0x1;
	v3 =	vlaneseq.u32;
	v1 =	vmov s2;
	p1 =	sne.s32 @!p0 s0, s1  }
0x706: {  	s14 =	stileid.u32;
	v0 =	vperm.xlane v0, v2;
	s0 =	simm.s32 @!p0 $0x1;
	v1 =	vperm.xlane v1, v3;
	p1 =	por !p1, p0  }
0x707: {  	vm0 =	vcmask $0x3F04;
	s2 =	sshll.u32 s14, $0x1;
	s1 =	smul.u32 @!p0 $0x140, s3;
	s0 =	simm.s32 @p1 $0x0  }
0x708: {  	s5 =	simm.s32 $0xBF48;
	v0 =	vsel vm0, v1, v0;
	s0 =	sor.u32 @!p0 s0, s2  }
0x709: {  	s4 =	sor.u32 $0xA00, s2;
	s1 =	sshra.s32 @!p0 s1, $0x2;
	[tilespmem:$0xBF48] =	vst v0;
	s0 =	smul.u32 @!p0 $0x140, s0  }
0x70a: {  	[spmem:s4] =	stream.linear.scatter [tilespmem:s5], [sflag:$0x1], $0x2, $0x38;
	[tilespmem:$0x1FF78] =	vst v63  }
0x70b: {  	s1 =	sadd.s32 @!p0 $0xA8, s1;
	s0 =	sshrl.u32 @!p0 s0, $0x2  }
0x70c: {  	[spmem:s0] =	stream.linear.scatter @!p0 [tilespmem:s1], [sflag:$0x1], $0x50, $0x38;
	[tilespmem:$0x1FF78] =	vst v63  }
0x70d: {  	s0 =	simm.s32 @!p0 $0x52  }
0x70e: {  	s28 =	simm.s32 $0x1;
	s0 =	simm.s32 @p0 $0x2  }
0x70f: {  	_ =	swait.ge [sflag:s28], s0  }
0x710: {  	s0 =	ssub.s32 $0x0, s0;
	[sflag:s28] =	ssyncset.done $0x0  }
0x711: {  	p0 =	sne.s32 s14, $0x0;
	[sflag:s28] =	ssyncadd.s32 s0  }
.Ltmp22:
0x712: {  	_ =	sfence.stream.spmem;
	(pc) =	sbr.rel @p0 .LBB2_43-.Ltmp22, $4  }
0x713: {  	s29 =	simm.s32 $0x3;
	[bflag:$0x0] =	sbarrier.arrive $0xFFFF  }
0x714: {  	s30 =	simm.s32 $0x4;
	[sflag:s29] =	ssyncpa.u1 $0x1  }
0x715: {  	s31 =	simm.s32 $0x3C;
	[sflag:s30] =	ssyncpa.u1 $0x1  }
0x716: {  	s15 =	rddreg [dreg:$0x5];
	[sflag:s31] =	ssyncpa.u1 $0x1  }
0x717: {  	_ =	sfence.stream.spmem;
	s0 =	simm.s32 $0x5  }
0x718: {  	s1 =	simm.s32 $0xA00;
	s2 =	simm.s32 $0xBF58;
	[sflag:s0] =	ssyncpa.u1 $0x0  }
0x719: {  	[tilespmem:s2], [sflag:$0x5] =	stream.linear.gather [spmem:s1], $0x20, $0x38;
	[tilespmem:$0x1FF78] =	vst v63  }
0x71a: {  	s26 =	simm.s32 $0x0;
	s28 =	simm.s32 $0xBF78  }
0x71b: {  	[tilespmem:s28], [sflag:$0x5] =	stream.linear.gather [spmem:s26], $0xA00, $0x38;
	[tilespmem:$0x1FF78] =	vst v63  }
0x71c: {  	_ =	swait.ge [sflag:s0], $0xA20  }
0x71d: {  	[sflag:s0] =	ssyncset.done $0x0  }
0x71e: {  	s29 =	simm.s32 $0x0;
	[sflag:s0] =	ssyncadd.s32 $0xFFFFF5E0  }
0x71f: {  	v0 =	vld.msk [tilespmem:s29+$0xBF58], $0x1;
	_ =	sdelay $0x1  }
0x720: {  	s30 =	simm.s32 $0x1  }
0x721: {  	v1 =	vld.msk [tilespmem:s30+$0xBF58], $0x1;
	_ =	sdelay $0x1  }
0x722: {  	(v2sf) =	vpush v0, $0x0;
	_ =	sdelay $0x2  }
0x723: {  	(v2sf) =	vpush v1, $0x0;
	_ =	sdelay $0x2  }
0x724: {  	s31 =	simm.s32 $0x2  }
0x725: {  	v0 =	vld.msk [tilespmem:s31+$0xBF58], $0x1;
	_ =	sdelay $0x2  }
0x726: {  	s1 =	simm.s32 $0xFFFFFFFF;
	s2 =	simm.s32 $0xFFFFFFFF;
	s0 =	simm.s32 $0xC  }
.LBB2_28:
0x727: {  	s3 =	smov.u32 s2;
	s4 =	smov.u32 s1  }
0x728: {  	s1 =	sshra.s32 s0, $0x2;
	p1 =	sne.s32 s0, $0x7C;
	s0 =	sadd.s32 $0x4, s0;
	(v2sf) =	vpush v0, $0x0  }
0x729: {  	v0 =	vld.msk [tilespmem:s1+$0xBF58], $0x1  }
.Ltmp23:
0x72a: {  	(pc) =	sbr.rel @p1 .LBB2_28-.Ltmp23, $4  }
0x72b: {  	s2 =	spop (v2sf)  }
0x72c: {  	p2 =	sne.s32 s4, $0xFFFFFFFF;
	s1 =	smov.u32 s2  }
0x72d: {  	p3 =	seq.s32 s2, $0xFFFFFFFF;
	s1 =	smov.u32 @p2 s4  }
0x72e: {  	s2 =	smov.u32 @p3 s3;
	s1 =	smov.u32 @p3 s4  }
0x72f: {  	(v2sf) =	vpush v0, $0x0;
	_ =	sdelay $0x8  }
0x730: {  	s0 =	spop (v2sf)  }
0x731: {  	p1 =	sne.s32 s1, $0xFFFFFFFF;
	s3 =	smov.u32 s0  }
0x732: {  	s9 =	simm.s32 $0x6;
	p2 =	seq.s32 s0, $0xFFFFFFFF;
	s3 =	smov.u32 @p1 s1  }
0x733: {  	s10 =	simm.s32 $0xBEF8;
	s3 =	smov.u32 @p2 s1;
	s1 =	spop (v2sf)  }
0x734: {  	s0 =	smov.u32 @p2 s2;
	p1 =	sne.s32 s3, $0xFFFFFFFF;
	s7 =	smov.u32 s1  }
.Ltmp24:
0x735: {  	p2 =	seq.s32 s1, $0xFFFFFFFF;
	s7 =	smov.u32 @p1 s3;
	(pc) =	sbr.rel .LBB2_30-.Ltmp24, $4  }
0x736: {  	s11 =	simm.s32 $0x0;
	s7 =	smov.u32 @p2 s3;
	s4 =	spop (v2sf)  }
0x737: {  	[sflag:s9] =	ssyncpa.u1 $0x0;
	p1 =	sne.s32 s7, $0xFFFFFFFF;
	s5 =	smov.u32 s4  }
0x738: {  	s1 =	smov.u32 @p2 s0;
	p2 =	seq.s32 s4, $0xFFFFFFFF;
	s5 =	smov.u32 @p1 s7  }
0x739: {  	s3 =	simm.s32 $0x0;
	s4 =	smov.u32 @p2 s1;
	s5 =	smov.u32 @p2 s7  }
.LBB2_36:
0x73a: {  	p1 =	sgt.u32 s0, $0x1869F7  }
0x73b: {  	p2 =	seq.s32 @!p1 s0, s5  }
0x73c: {  	p1 =	por p1, p2  }
0x73d: {  	p2 =	sne.s32 @!p1 s0, s4  }
0x73e: {  	p1 =	por p1, !p2  }
0x73f: {  	s0 =	smul.u32 @p1 $0x140, s11;
	_ =	sdelay $0x1  }
0x740: {  	s1 =	sand.u32 @!p1 $0x1FFFF8, s0  }
0x741: {  	s0 =	sand.u32 @!p1 $0x7, s0;
	s1 =	sadd.s32 @!p1 s6, s1  }
0x742: {  	[tilespmem:s10], [sflag:$0x6] =	stream.linear.gather @!p1 [hbm4b:s1+s0], $0x48, $0x38;
	[tilespmem:$0x1FF78] =	vst v63  }
0x743: {  	_ =	swait.ge @!p1 [sflag:s9], $0x48  }
0x744: {  	[sflag:s9] =	ssyncset.done @!p1 $0x0  }
0x745: {  	[sflag:s9] =	ssyncadd.s32 @!p1 $0xFFFFFFB8  }
0x746: {  	v1 =	vld @!p1 [tilespmem:$0xBEF8];
	_ =	sdelay $0x1  }
0x747: {  	s0 =	smul.u32 @!p1 $0x140, s11;
	_ =	sdelay $0x1  }
0x748: {  	s1 =	sshra.s32 @!p1 s0, $0x2  }
0x749: {  	[tilespmem:s1+$0xBF78] =	vst.add.f32.msk @!p1 $0xffff, v1  }
0x74a: {  	v1 =	vld @!p1 [tilespmem:$0xBF08];
	_ =	sdelay $0x4  }
0x74b: {  	[tilespmem:s1+$0xBF88] =	vst.add.f32.msk @!p1 $0xffff, v1  }
0x74c: {  	v1 =	vld @!p1 [tilespmem:$0xBF18];
	_ =	sdelay $0x4  }
0x74d: {  	[tilespmem:s1+$0xBF98] =	vst.add.f32.msk @!p1 $0xffff, v1  }
0x74e: {  	v1 =	vld @!p1 [tilespmem:$0xBF28];
	_ =	sdelay $0x4  }
0x74f: {  	[tilespmem:s1+$0xBFA8] =	vst.add.f32.msk @!p1 $0xffff, v1  }
0x750: {  	v1 =	vld @!p1 [tilespmem:$0xBF38];
	_ =	sdelay $0x4  }
0x751: {  	[tilespmem:s1+$0xBFB8] =	vst.add.f32.msk @!p1 $0xffff, v1  }
0x752: {  	s0 =	sshra.s32 s0, $0x2;
	[tilespmem:s3+$0xBF58] =	vst.msk $0x1, v0  }
0x753: {  	v0 =	vld [tilespmem:s0+$0xBF78];
	_ =	sdelay $0x1  }
0x754: {  	s31 =	smul.u32 $0x140, s3;
	_ =	sdelay $0x1  }
0x755: {  	s1 =	sshra.s32 s31, $0x2  }
0x756: {  	[tilespmem:s1+$0xBF78] =	vst v0  }
0x757: {  	v0 =	vld [tilespmem:s0+$0xBF88];
	_ =	sdelay $0x4  }
0x758: {  	[tilespmem:s1+$0xBF88] =	vst v0  }
0x759: {  	v0 =	vld [tilespmem:s0+$0xBF98];
	_ =	sdelay $0x4  }
0x75a: {  	[tilespmem:s1+$0xBF98] =	vst v0  }
0x75b: {  	v0 =	vld [tilespmem:s0+$0xBFA8];
	_ =	sdelay $0x4  }
0x75c: {  	[tilespmem:s1+$0xBFA8] =	vst v0  }
0x75d: {  	v0 =	vld [tilespmem:s0+$0xBFB8];
	_ =	sdelay $0x4  }
0x75e: {  	s3 =	sadd.s32 $0x1, s3;
	[tilespmem:s1+$0xBFB8] =	vst v0  }
.LBB2_37:
0x75f: {  	s11 =	sadd.s32 $0x1, s11  }
0x760: {  	p1 =	sne.s32 s11, $0x20  }
.Ltmp25:
0x761: {  	_ = 	snop;
	(pc) =	sbr.rel @!p1 .LBB2_38-.Ltmp25, $1  }
0x762: {  	_ =	sdelay $0x3  }
.LBB2_30:
0x763: {  	v0 =	vld.msk [tilespmem:s11+$0xBF58], $0x1;
	_ =	sdelay $0x4  }
0x764: {  	(v2sf) =	vpush v0, $0x0;
	_ =	sdelay $0xe  }
0x765: {  	s0 =	spop (v2sf)  }
0x766: {  	p1 =	seq.s32 s0, $0xFFFFFFFF  }
.Ltmp26:
0x767: {  	_ = 	snop;
	(pc) =	sbr.rel @p1 .LBB2_37-.Ltmp26, $1  }
0x768: {  	_ =	sdelay $0x3  }
0x769: {  	p1 =	slt.s32 s3, $0x1  }
.Ltmp27:
0x76a: {  	_ = 	snop;
	(pc) =	sbr.rel @p1 .LBB2_36-.Ltmp27, $1  }
0x76b: {  	_ =	sdelay $0x3  }
0x76c: {  	s12 =	simm.s32 $0xBF58;
	p1 =	por $0x0, $0x0  }
0x76d: {  	v1 =	vld.msk @!p1 [tilespmem:s12+$0x0], $0x1;
	_ =	sdelay $0x4  }
0x76e: {  	(v2sf) =	vpush @!p1 v1, $0x0;
	_ =	sdelay $0xd  }
0x76f: {  	p3 =	sne.s32 s3, $0x1  }
.Ltmp28:
0x770: {  	s1 =	spop @!p1 (v2sf);
	(pc) =	sbr.rel @!p3 .LBB2_34-.Ltmp28, $4  }
0x771: {  	p2 =	seq.s32 @!p1 s0, s1  }
0x772: {  	s13 =	simm.s32 $0x0;
	p2 =	por !p2, p1  }
0x773: {  	s2 =	simm.s32 $0xFFFFFFFF;
	s13 =	simm.s32 @p2 $0xFFFFFFFF  }
0x774: {  	s1 =	simm.s32 $0x1;
	s13 =	smov.u32 @p1 s2  }
.LBB2_33:
0x775: {  	s2 =	smov.u32 s13;
	p1 =	sne.s32 s13, $0xFFFFFFFF  }
0x776: {  	s12 =	sadd.s32 $0x1, s12;
	s13 =	smov.u32 s1;
	s1 =	sadd.s32 $0x1, s1  }
0x777: {  	p2 =	sne.s32 s3, s1;
	v1 =	vld.msk @!p1 [tilespmem:s12+$0x0], $0x1;
	_ =	sdelay $0x4  }
0x778: {  	(v2sf) =	vpush @!p1 v1, $0x0;
	_ =	sdelay $0xe  }
.Ltmp29:
0x779: {  	s7 =	spop @!p1 (v2sf);
	(pc) =	sbr.rel @p2 .LBB2_33-.Ltmp29, $4  }
0x77a: {  	p3 =	seq.s32 @!p1 s0, s7  }
0x77b: {  	p3 =	por !p3, p1  }
0x77c: {  	s13 =	simm.s32 @p3 $0xFFFFFFFF  }
0x77d: {  	s13 =	smov.u32 @p1 s2  }
.LBB2_34:
0x77e: {  	p1 =	seq.s32 s13, $0xFFFFFFFF  }
.Ltmp30:
0x77f: {  	_ = 	snop;
	(pc) =	sbr.rel @p1 .LBB2_36-.Ltmp30, $1  }
0x780: {  	_ =	sdelay $0x3  }
0x781: {  	s0 =	smul.u32 $0x140, s11;
	_ =	sdelay $0x1  }
0x782: {  	s0 =	sshra.s32 s0, $0x2  }
0x783: {  	v0 =	vld [tilespmem:s0+$0xBF78];
	_ =	sdelay $0x1  }
0x784: {  	s1 =	smul.u32 $0x140, s13;
	_ =	sdelay $0x1  }
0x785: {  	s1 =	sshra.s32 s1, $0x2  }
0x786: {  	[tilespmem:s1+$0xBF78] =	vst.add.f32.msk $0xffff, v0  }
0x787: {  	v0 =	vld [tilespmem:s0+$0xBF88];
	_ =	sdelay $0x4  }
0x788: {  	[tilespmem:s1+$0xBF88] =	vst.add.f32.msk $0xffff, v0  }
0x789: {  	v0 =	vld [tilespmem:s0+$0xBF98];
	_ =	sdelay $0x4  }
0x78a: {  	[tilespmem:s1+$0xBF98] =	vst.add.f32.msk $0xffff, v0  }
0x78b: {  	v0 =	vld [tilespmem:s0+$0xBFA8];
	_ =	sdelay $0x4  }
0x78c: {  	[tilespmem:s1+$0xBFA8] =	vst.add.f32.msk $0xffff, v0  }
0x78d: {  	v0 =	vld [tilespmem:s0+$0xBFB8]  }
.Ltmp31:
0x78e: {  	_ = 	snop;
	(pc) =	sbr.rel .LBB2_37-.Ltmp31, $2  }
0x78f: {  	_ =	sdelay $0x2  }
0x790: {  	[tilespmem:s1+$0xBFB8] =	vst.add.f32.msk $0xffff, v0  }
.LBB2_38:
0x791: {  	s0 =	simm.s32 $0x6;
	p1 =	seq.s32 s3, $0x0  }
0x792: {  	[sflag:s0] =	ssyncpa.u1 $0x1;
	v0 =	vimm.s32 @p1 $0xFFFFFFFF  }
0x793: {  	s0 =	sadd.s32 $0xFFFFFFFF, s3;
	[tilespmem:$0xC978] =	vst @p1 v0  }
0x794: {  	v0 =	vld.msk @!p1 [tilespmem:s0+$0xBF58], $0x1;
	_ =	sdelay $0x1  }
0x795: {  	v1 =	vld.msk @!p1 [tilespmem:$0xBF58], $0x1;
	_ =	sdelay $0x2  }
0x796: {  	p2 =	seq.s32 @!p1 s0, $0x0;
	v0 =	vbroadcast @!p1 v0, $0x0  }
0x797: {  	vm0 =	vmmov @!p1 $0x1;
	p3 =	por !p2, p1  }
0x798: {  	p2 =	sne.s32 @!p1 s5, s4;
	v1 =	vnsel @!p1 vm0, $0xFFFFFFFF, v1;
	vm0 =	vcmask @!p1 $0x308;
	v0 =	vpsel !p3, $0xFFFFFFFF, v0  }
0x799: {  	p3 =	por !p2, p1;
	v0 =	vsel @!p1 vm0, v1, v0  }
0x79a: {  	s1 =	simm.s32 @!p1 $0xBF78;
	s2 =	simm.s32 @!p1 $0x0;
	s4 =	smul.u32 @!p3 $0x140, s0;
	[tilespmem:$0xC978] =	vst @!p1 v0  }
0x79b: {  	[spmem:s2] =	stream.linear.scatter @!p1 [tilespmem:s1], [sflag:$0x1], $0x50, $0x38;
	[tilespmem:$0x1FF78] =	vst v63  }
0x79c: {  	s1 =	sshra.s32 @!p3 s4, $0x2  }
0x79d: {  	s2 =	simm.s32 @!p3 $0x50;
	s1 =	sadd.s32 @!p3 $0xBF78, s1  }
0x79e: {  	[spmem:s2] =	stream.linear.scatter @!p3 [tilespmem:s1], [sflag:$0x1], $0x50, $0x38;
	[tilespmem:$0x1FF78] =	vst v63  }
0x79f: {  	s1 =	simm.s32 @!p3 $0x1  }
0x7a0: {  	_ =	swait.ge @!p3 [sflag:s1], $0xA0  }
0x7a1: {  	p1 =	por p2, p1;
	[sflag:s1] =	ssyncset.done @!p3 $0x0  }
0x7a2: {  	[sflag:s1] =	ssyncadd.s32 @!p3 $0xFFFFFF60;
	s1 =	simm.s32 @!p1 $0x1  }
0x7a3: {  	_ =	swait.ge @!p1 [sflag:s1], $0x50  }
0x7a4: {  	s29 =	simm.s32 $0xC978;
	[sflag:s1] =	ssyncset.done @!p1 $0x0  }
0x7a5: {  	s30 =	simm.s32 $0xA00;
	s31 =	simm.s32 $0x1;
	[sflag:s1] =	ssyncadd.s32 @!p1 $0xFFFFFFB0  }
0x7a6: {  	[spmem:s30] =	stream.linear.scatter [tilespmem:s29], [sflag:$0x1], $0x10, $0x38;
	[tilespmem:$0x1FF78] =	vst v63  }
0x7a7: {  	_ =	swait.ge [sflag:s31], $0x10  }
0x7a8: {  	[sflag:s31] =	ssyncset.done $0x0  }
0x7a9: {  	p1 =	seq.s32 s15, $0x0;
	s9 =	rddreg [dreg:$0x2];
	[sflag:s31] =	ssyncadd.s32 $0xFFFFFFF0  }
0x7aa: {  	s2 =	sshll.u32 @p1 s9, $0xE;
	s8 =	rddreg [dreg:$0x3]  }
0x7ab: {  	s1 =	sadd.s32 @p1 $0x15C3C, s2;
	s2 =	sshll.u32 @p1 s8, $0x11  }
0x7ac: {  	_ =	sfence.stream.spmem;
	s1 =	sor.u32 @p1 s2, s1  }
0x7ad: {  	[sflag:s1] =	ssyncadd.remote.s32 @p1 $0x1;
	s1 =	simm.s32 @p1 $0x4  }
0x7ae: {  	s4 =	simm.s32 @!p1 $0x3C;
	s2 =	sand.u32 $0xFFFFFFFE, s9;
	_ =	swait.ge @p1 [sflag:s1], $0x16  }
0x7af: {  	s5 =	simm.s32 @!p1 $0x0;
	s2 =	sadd.s32 @!p1 $0x4, s2;
	[sflag:s1] =	ssyncset.done @p1 $0x0  }
0x7b0: {  	s7 =	simm.s32 @!p1 $0xA0;
	[sflag:s1] =	ssyncadd.s32 @p1 $0xFFFFFFEA;
	s1 =	sshll.u32 @!p1 s2, $0x1A  }
0x7b1: {  	s2 =	sshll.u32 @!p1 s2, $0xD;
	s1 =	sor.u32 @!p1 s1, s8;
	_ =	swait.eq @!p1 [sflag:s4], $0x1  }
0x7b2: {  	s2 =	sor.u32 @!p1 $0x1C04, s2;
	s4 =	simm.s32 @!p1 $0x1C03;
	s1 =	sor.u32 @!p1 $0x80004000, s1  }
0x7b3: {  	[spmem:s7], [sflag:s2] =	dma.general @!p1 [spmem:s5], [sflag:s4], length:$0x14, [dreg:$0x0], stride_count:$0x0, ici_dest:s1, dma_misc:DstOpCode:WRITE  }
0x7b4: {  	p2 =	slt.s32 s0, $0x2;
	s5 =	simm.s32 @!p1 $0x140;
	s7 =	simm.s32 @!p1 $0x142  }
0x7b5: {  	[spmem:s7], [sflag:s2] =	dma.general @!p1 [spmem:s5], [sflag:s4], length:$0x2, [dreg:$0x0], stride_count:$0x0, ici_dest:s1, dma_misc:DstOpCode:WRITE  }
.Ltmp32:
0x7b6: {  	s1 =	simm.s32 @!p1 $0x3;
	(pc) =	sbr.rel @p2 .LBB2_42-.Ltmp32, $4  }
0x7b7: {  	s2 =	sshll.u32 @!p1 s9, $0xE;
	_ =	swait.ge @!p1 [sflag:s1], $0x16  }
0x7b8: {  	s4 =	sshll.u32 @!p1 s8, $0x11;
	s2 =	sadd.s32 @!p1 $0x11C3C, s2;
	[sflag:s1] =	ssyncset.done @!p1 $0x0  }
0x7b9: {  	[sflag:s1] =	ssyncadd.s32 @!p1 $0xFFFFFFEA;
	s1 =	sor.u32 @!p1 s4, s2  }
0x7ba: {  	s0 =	simm.s32 $0x0;
	[sflag:s1] =	ssyncadd.remote.s32 @!p1 $0xFFFFFFFF  }
0x7bb: {  	s0 =	simm.s32 $0xBF59  }
0x7bc: {  	v0 =	vld.msk [tilespmem:s0+$0x0], $0x1;
	_ =	sdelay $0x4  }
0x7bd: {  	(v2sf) =	vpush v0, $0x0;
	_ =	sdelay $0xc  }
0x7be: {  	s1 =	sadd.s32 $0xFFFFFFFE, s3  }
0x7bf: {  	s1 =	sadd.s32 $0xFFFFFFFF, s1  }
0x7c0: {  	p2 =	sne.s32 s1, $0x0;
	s2 =	spop (v2sf)  }
.Ltmp33:
0x7c1: {  	p1 =	sgt.u32 s2, $0x1869F7;
	(pc) =	sbr.rel @!p2 .LBB2_41-.Ltmp33, $4  }
0x7c2: {  	s4 =	simm.s32 $0x0;
	s3 =	sand.u32 @!p1 $0x1FFFF8, s2  }
0x7c3: {  	s0 =	simm.s32 $0xBFC8;
	s2 =	sand.u32 @!p1 $0x7, s2;
	s3 =	sadd.s32 @!p1 s6, s3  }
0x7c4: {  	[hbm4b:s3+s2] =	stream.linear.scatter @!p1 [tilespmem:s0], [sflag:$0x5], $0x48, $0x38;
	[tilespmem:$0x1FF78] =	vst v63  }
0x7c5: {  	s4 =	simm.s32 @!p1 $0x120;
	s2 =	simm.s32 $0x0;
	s3 =	simm.s32 $0xBF5A  }
.LBB2_40:
0x7c6: {  	v0 =	vld.msk [tilespmem:s3+$0x0], $0x1;
	s1 =	sadd.s32 $0xFFFFFFFF, s1;
	s2 =	sadd.s32 s2, s4  }
0x7c7: {  	p1 =	sne.s32 s1, $0x0;
	_ =	sdelay $0x3  }
0x7c8: {  	(v2sf) =	vpush v0, $0x0;
	_ =	sdelay $0xe  }
.Ltmp34:
0x7c9: {  	s5 =	spop (v2sf);
	(pc) =	sbr.rel @p1 .LBB2_40-.Ltmp34, $4  }
0x7ca: {  	s4 =	simm.s32 $0x0;
	p2 =	sgt.u32 s5, $0x1869F7  }
0x7cb: {  	s0 =	sadd.s32 $0x50, s0;
	s4 =	simm.s32 @!p2 $0x120;
	s7 =	sand.u32 @!p2 $0x1FFFF8, s5  }
0x7cc: {  	s3 =	sadd.s32 $0x1, s3;
	s5 =	sand.u32 @!p2 $0x7, s5;
	s7 =	sadd.s32 @!p2 s6, s7  }
0x7cd: {  	[hbm4b:s7+s5] =	stream.linear.scatter @!p2 [tilespmem:s0], [sflag:$0x5], $0x48, $0x38;
	[tilespmem:$0x1FF78] =	vst v63  }
.LBB2_41:
0x7ce: {  	s0 =	sadd.s32 s2, s4  }
0x7cf: {  	s0 =	sshrl.u32 s0, $0x2  }
.LBB2_42:
0x7d0: {  	s1 =	simm.s32 $0x5  }
0x7d1: {  	_ =	swait.ge [sflag:s1], s0  }
0x7d2: {  	s31 =	ssub.s32 $0x0, s0;
	[sflag:s1] =	ssyncset.done $0x0  }
0x7d3: {  	[sflag:s1] =	ssyncadd.s32 s31  }
0x7d4: {  	[sflag:s1] =	ssyncpa.u1 $0x1  }
.LBB2_43:
0x7d5: {  	s0 =	sor.u32 s15, s14  }
0x7d6: {  	p1 =	sne.s32 s0, $0x0  }
.Ltmp35:
0x7d7: {  	_ = 	snop;
	(pc) =	sbr.rel @p1 .LBB2_58-.Ltmp35, $3  }
0x7d8: {  	_ =	sdelay $0x1  }
0x7d9: {  	[bflag:$0x0] =	sbarrier.arrive $0xFFFF  }
0x7da: {  	_ =	sfence  }
0x7db: {  	s0 =	simm.s32 $0x7  }
0x7dc: {  	s1 =	simm.s32 $0xA00;
	s2 =	simm.s32 $0xBF58;
	[sflag:s0] =	ssyncpa.u1 $0x0  }
0x7dd: {  	[tilespmem:s2], [sflag:$0x7] =	stream.linear.gather [spmem:s1], $0x20, $0x38;
	[tilespmem:$0x1FF78] =	vst v63  }
0x7de: {  	s30 =	simm.s32 $0xBF78;
	s1 =	simm.s32 $0x0  }
0x7df: {  	[tilespmem:s30], [sflag:$0x7] =	stream.linear.gather [spmem:s1], $0xA00, $0x38;
	[tilespmem:$0x1FF78] =	vst v63  }
.Ltmp36:
0x7e0: {  	_ = 	snop;
	(pc) =	sbr.rel .LBB2_45-.Ltmp36, $4  }
0x7e1: {  	_ =	swait.ge [sflag:s0], $0xA20  }
0x7e2: {  	[sflag:s0] =	ssyncset.done $0x0  }
0x7e3: {  	s31 =	simm.s32 $0x8;
	[sflag:s0] =	ssyncadd.s32 $0xFFFFF5E0  }
0x7e4: {  	s2 =	simm.s32 $0x0;
	[sflag:s31] =	ssyncpa.u1 $0x0  }
.LBB2_51:
0x7e5: {  	p1 =	slt.u32 s0, $0x1869F8  }
0x7e6: {  	s3 =	sand.u32 @p1 $0x1FFFF8, s0  }
0x7e7: {  	s0 =	sand.u32 @p1 $0x7, s0;
	s4 =	simm.s32 @p1 $0xBEF8;
	s3 =	sadd.s32 @p1 s6, s3  }
0x7e8: {  	[tilespmem:s4], [sflag:$0x8] =	stream.linear.gather @p1 [hbm4b:s3+s0], $0x48, $0x38;
	[tilespmem:$0x1FF78] =	vst v63  }
0x7e9: {  	s0 =	simm.s32 @p1 $0x8  }
0x7ea: {  	_ =	swait.ge @p1 [sflag:s0], $0x48  }
0x7eb: {  	[sflag:s0] =	ssyncset.done @p1 $0x0  }
0x7ec: {  	[sflag:s0] =	ssyncadd.s32 @p1 $0xFFFFFFB8  }
0x7ed: {  	v1 =	vld @p1 [tilespmem:$0xBEF8];
	_ =	sdelay $0x1  }
0x7ee: {  	s0 =	smul.u32 @p1 $0x140, s2;
	_ =	sdelay $0x1  }
0x7ef: {  	s3 =	sshra.s32 @p1 s0, $0x2  }
0x7f0: {  	[tilespmem:s3+$0xBF78] =	vst.add.f32.msk @p1 $0xffff, v1  }
0x7f1: {  	v1 =	vld @p1 [tilespmem:$0xBF08];
	_ =	sdelay $0x4  }
0x7f2: {  	[tilespmem:s3+$0xBF88] =	vst.add.f32.msk @p1 $0xffff, v1  }
0x7f3: {  	v1 =	vld @p1 [tilespmem:$0xBF18];
	_ =	sdelay $0x4  }
0x7f4: {  	[tilespmem:s3+$0xBF98] =	vst.add.f32.msk @p1 $0xffff, v1  }
0x7f5: {  	v1 =	vld @p1 [tilespmem:$0xBF28];
	_ =	sdelay $0x4  }
0x7f6: {  	[tilespmem:s3+$0xBFA8] =	vst.add.f32.msk @p1 $0xffff, v1  }
0x7f7: {  	v1 =	vld @p1 [tilespmem:$0xBF38];
	_ =	sdelay $0x2  }
0x7f8: {  	s4 =	smul.u32 @!p1 $0x140, s2;
	_ =	sdelay $0x1  }
0x7f9: {  	s4 =	smov.u32 @p1 s0;
	[tilespmem:s3+$0xBFB8] =	vst.add.f32.msk @p1 $0xffff, v1  }
0x7fa: {  	s0 =	sshra.s32 s4, $0x2;
	[tilespmem:s1+$0xBF58] =	vst.msk $0x1, v0  }
0x7fb: {  	v0 =	vld [tilespmem:s0+$0xBF78];
	_ =	sdelay $0x1  }
0x7fc: {  	s31 =	smul.u32 $0x140, s1;
	_ =	sdelay $0x1  }
0x7fd: {  	s3 =	sshra.s32 s31, $0x2  }
0x7fe: {  	[tilespmem:s3+$0xBF78] =	vst v0  }
0x7ff: {  	v0 =	vld [tilespmem:s0+$0xBF88];
	_ =	sdelay $0x4  }
0x800: {  	[tilespmem:s3+$0xBF88] =	vst v0  }
0x801: {  	v0 =	vld [tilespmem:s0+$0xBF98];
	_ =	sdelay $0x4  }
0x802: {  	[tilespmem:s3+$0xBF98] =	vst v0  }
0x803: {  	v0 =	vld [tilespmem:s0+$0xBFA8];
	_ =	sdelay $0x4  }
0x804: {  	[tilespmem:s3+$0xBFA8] =	vst v0  }
0x805: {  	v0 =	vld [tilespmem:s0+$0xBFB8];
	_ =	sdelay $0x4  }
0x806: {  	s1 =	sadd.s32 $0x1, s1;
	[tilespmem:s3+$0xBFB8] =	vst v0  }
.LBB2_52:
0x807: {  	s2 =	sadd.s32 $0x1, s2  }
0x808: {  	p1 =	sne.s32 s2, $0x20  }
.Ltmp37:
0x809: {  	_ = 	snop;
	(pc) =	sbr.rel @!p1 .LBB2_53-.Ltmp37, $1  }
0x80a: {  	_ =	sdelay $0x3  }
.LBB2_45:
0x80b: {  	v0 =	vld.msk [tilespmem:s2+$0xBF58], $0x1;
	_ =	sdelay $0x4  }
0x80c: {  	(v2sf) =	vpush v0, $0x0;
	_ =	sdelay $0xe  }
0x80d: {  	s0 =	spop (v2sf)  }
0x80e: {  	p1 =	seq.s32 s0, $0xFFFFFFFF  }
.Ltmp38:
0x80f: {  	_ = 	snop;
	(pc) =	sbr.rel @p1 .LBB2_52-.Ltmp38, $1  }
0x810: {  	_ =	sdelay $0x3  }
0x811: {  	p1 =	slt.s32 s1, $0x1  }
.Ltmp39:
0x812: {  	_ = 	snop;
	(pc) =	sbr.rel @p1 .LBB2_51-.Ltmp39, $1  }
0x813: {  	_ =	sdelay $0x3  }
0x814: {  	s3 =	simm.s32 $0xBF58;
	p1 =	por $0x0, $0x0  }
0x815: {  	v1 =	vld.msk @!p1 [tilespmem:s3+$0x0], $0x1;
	_ =	sdelay $0x4  }
0x816: {  	(v2sf) =	vpush @!p1 v1, $0x0;
	_ =	sdelay $0xd  }
0x817: {  	p3 =	sne.s32 s1, $0x1  }
.Ltmp40:
0x818: {  	s4 =	spop @!p1 (v2sf);
	(pc) =	sbr.rel @!p3 .LBB2_49-.Ltmp40, $4  }
0x819: {  	p2 =	seq.s32 @!p1 s0, s4  }
0x81a: {  	s4 =	simm.s32 $0x0;
	p2 =	por !p2, p1  }
0x81b: {  	s7 =	simm.s32 $0xFFFFFFFF;
	s4 =	simm.s32 @p2 $0xFFFFFFFF  }
0x81c: {  	s5 =	simm.s32 $0x1;
	s4 =	smov.u32 @p1 s7  }
.LBB2_48:
0x81d: {  	s7 =	smov.u32 s4;
	p1 =	sne.s32 s4, $0xFFFFFFFF  }
0x81e: {  	s3 =	sadd.s32 $0x1, s3;
	s4 =	smov.u32 s5;
	s5 =	sadd.s32 $0x1, s5  }
0x81f: {  	p2 =	sne.s32 s1, s5;
	v1 =	vld.msk @!p1 [tilespmem:s3+$0x0], $0x1;
	_ =	sdelay $0x4  }
0x820: {  	(v2sf) =	vpush @!p1 v1, $0x0;
	_ =	sdelay $0xe  }
.Ltmp41:
0x821: {  	s8 =	spop @!p1 (v2sf);
	(pc) =	sbr.rel @p2 .LBB2_48-.Ltmp41, $4  }
0x822: {  	p3 =	seq.s32 @!p1 s0, s8  }
0x823: {  	p3 =	por !p3, p1  }
0x824: {  	s4 =	simm.s32 @p3 $0xFFFFFFFF  }
0x825: {  	s4 =	smov.u32 @p1 s7  }
.LBB2_49:
0x826: {  	p1 =	seq.s32 s4, $0xFFFFFFFF  }
.Ltmp42:
0x827: {  	_ = 	snop;
	(pc) =	sbr.rel @p1 .LBB2_51-.Ltmp42, $1  }
0x828: {  	_ =	sdelay $0x3  }
0x829: {  	s0 =	smul.u32 $0x140, s2;
	_ =	sdelay $0x1  }
0x82a: {  	s0 =	sshra.s32 s0, $0x2  }
0x82b: {  	v0 =	vld [tilespmem:s0+$0xBF78];
	_ =	sdelay $0x1  }
0x82c: {  	s3 =	smul.u32 $0x140, s4;
	_ =	sdelay $0x1  }
0x82d: {  	s3 =	sshra.s32 s3, $0x2  }
0x82e: {  	[tilespmem:s3+$0xBF78] =	vst.add.f32.msk $0xffff, v0  }
0x82f: {  	v0 =	vld [tilespmem:s0+$0xBF88];
	_ =	sdelay $0x4  }
0x830: {  	[tilespmem:s3+$0xBF88] =	vst.add.f32.msk $0xffff, v0  }
0x831: {  	v0 =	vld [tilespmem:s0+$0xBF98];
	_ =	sdelay $0x4  }
0x832: {  	[tilespmem:s3+$0xBF98] =	vst.add.f32.msk $0xffff, v0  }
0x833: {  	v0 =	vld [tilespmem:s0+$0xBFA8];
	_ =	sdelay $0x4  }
0x834: {  	[tilespmem:s3+$0xBFA8] =	vst.add.f32.msk $0xffff, v0  }
0x835: {  	v0 =	vld [tilespmem:s0+$0xBFB8]  }
.Ltmp43:
0x836: {  	_ = 	snop;
	(pc) =	sbr.rel .LBB2_52-.Ltmp43, $2  }
0x837: {  	_ =	sdelay $0x2  }
0x838: {  	[tilespmem:s3+$0xBFB8] =	vst.add.f32.msk $0xffff, v0  }
.LBB2_53:
0x839: {  	p1 =	slt.s32 s1, $0x1  }
.Ltmp44:
0x83a: {  	_ = 	snop;
	(pc) =	sbr.rel @p1 .LBB2_57-.Ltmp44, $3  }
0x83b: {  	_ =	sdelay $0x1  }
0x83c: {  	s0 =	simm.s32 $0x8  }
0x83d: {  	[sflag:s0] =	ssyncpa.u1 $0x1;
	s0 =	simm.s32 $0x0  }
0x83e: {  	s2 =	simm.s32 $0xBF58  }
0x83f: {  	v0 =	vld.msk [tilespmem:s2+$0x0], $0x1;
	_ =	sdelay $0x4  }
0x840: {  	(v2sf) =	vpush v0, $0x0;
	_ =	sdelay $0xe  }
0x841: {  	s1 =	sadd.s32 $0xFFFFFFFF, s1;
	s3 =	spop (v2sf)  }
0x842: {  	p2 =	sne.s32 s1, $0x0;
	p1 =	sgt.u32 s3, $0x1869F7  }
.Ltmp45:
0x843: {  	s4 =	sand.u32 @!p1 $0x1FFFF8, s3;
	(pc) =	sbr.rel @!p2 .LBB2_56-.Ltmp45, $4  }
0x844: {  	s2 =	simm.s32 $0xBF78;
	s3 =	sand.u32 @!p1 $0x7, s3;
	s4 =	sadd.s32 @!p1 s6, s4  }
0x845: {  	[hbm4b:s4+s3] =	stream.linear.scatter @!p1 [tilespmem:s2], [sflag:$0x7], $0x48, $0x38;
	[tilespmem:$0x1FF78] =	vst v63  }
0x846: {  	s4 =	simm.s32 $0x0  }
0x847: {  	s3 =	simm.s32 $0xBF59;
	s4 =	simm.s32 @!p1 $0x120  }
.LBB2_55:
0x848: {  	v0 =	vld.msk [tilespmem:s3+$0x0], $0x1;
	s1 =	sadd.s32 $0xFFFFFFFF, s1;
	s0 =	sadd.s32 s0, s4  }
0x849: {  	p1 =	sne.s32 s1, $0x0;
	_ =	sdelay $0x3  }
0x84a: {  	(v2sf) =	vpush v0, $0x0;
	_ =	sdelay $0xe  }
.Ltmp46:
0x84b: {  	s5 =	spop (v2sf);
	(pc) =	sbr.rel @p1 .LBB2_55-.Ltmp46, $4  }
0x84c: {  	s4 =	simm.s32 $0x0;
	p2 =	sgt.u32 s5, $0x1869F7  }
0x84d: {  	s2 =	sadd.s32 $0x50, s2;
	s4 =	simm.s32 @!p2 $0x120;
	s7 =	sand.u32 @!p2 $0x1FFFF8, s5  }
0x84e: {  	s3 =	sadd.s32 $0x1, s3;
	s5 =	sand.u32 @!p2 $0x7, s5;
	s7 =	sadd.s32 @!p2 s6, s7  }
0x84f: {  	[hbm4b:s7+s5] =	stream.linear.scatter @!p2 [tilespmem:s2], [sflag:$0x7], $0x48, $0x38;
	[tilespmem:$0x1FF78] =	vst v63  }
.LBB2_56:
0x850: {  	s0 =	sadd.s32 s0, s4  }
0x851: {  	s0 =	sshrl.u32 s0, $0x2  }
.LBB2_57:
0x852: {  	s1 =	simm.s32 $0x7  }
0x853: {  	_ =	swait.ge [sflag:s1], s0  }
0x854: {  	s31 =	ssub.s32 $0x0, s0;
	[sflag:s1] =	ssyncset.done $0x0  }
0x855: {  	[sflag:s1] =	ssyncadd.s32 s31  }
0x856: {  	[sflag:s1] =	ssyncpa.u1 $0x1  }
.LBB2_58:
0x857: {  	_ =	sfence;
	s0 =	simm.s32 $0x1  }
0x858: {  	[sflag:s0] =	ssyncpa.u1 $0x1  }
0x859: {  	_ =	strace $0x9000004A  }
0x85a: {  	[bflag:$0x2] =	sbarrier.arrive $0xFFFF  }
0x85b: {  	s0 =	rddreg [dreg:$0x4]  }
0x85c: {  	s0 =	sadd.s32 @!p0 $0x100000, s0  }
0x85d: {  	[sflag:s0] =	ssyncadd.tile.s32 @!p0 $0x1;
	_ =	shalt  }
.Lfunc_end2:
_tile_overlayer_lowered:
.L_overlay_start_2:
0x85e: {  	(tag) =	ssettag $0x2  }
0x85f: {  	s0 =	rddreg [dreg:$0x0];
	s2 =	stileid.u32  }
0x860: {  	s1 =	rddreg [dreg:$0x1];
	p0 =	sne.s32 s2, $0x0  }
0x861: {  	s3 =	rddreg [dreg:$0x2];
	[bflag:$0x3] =	sbarrier.arrive $0xFFFF;
	s2 =	simm.s32 @!p0 $0x1C01  }
0x862: {  	[timem:s3], [sflag:s2] =	dma.local @!p0 [hbm:s0], s1  }
0x863: {  	s0 =	simm.s32 @!p0 $0x1  }
0x864: {  	_ =	swait.ge @!p0 [sflag:s0], s1  }
0x865: {  	s1 =	ssub.s32 @!p0 $0x0, s1;
	[sflag:s0] =	ssyncset.done @!p0 $0x0  }
0x866: {  	[sflag:s0] =	ssyncadd.s32 @!p0 s1  }
0x867: {  	[bflag:$0x3] =	sbarrier.arrive $0xFFFF  }
0x868: {  	_ =	shalt  }

</sc_bundles>
